<compile_context>
chip_gen: v7x
topology: tpu7x:2x2x1
jax: 0.10.2.dev20260603
libtpu: 0.0.44.dev20260713+nightly
codegen_flags: <defaults>
</compile_context>

<pallas_src>
import functools

import jax
import jax.numpy as jnp
from jax import lax
from jax.experimental import pallas as pl
from jax.experimental.pallas import tpu as pltpu
from jax.experimental.pallas import tpu_sc as plsc

B = 32
T = 64
V = 32000
CLIP = 30.0
TB = 8

_NC = 2
_NS = 16

_DNUMS = lax.GatherDimensionNumbers(
    offset_dims=(), collapsed_slice_dims=(0,), start_index_map=(0,))

_LN_COEF = (0.010119082929020397, -0.12345843187661974, 0.6590148822647038,
            -2.02020209402712, 3.932633388496273, -5.126667255882086,
            4.91104280889205, -2.2424818186003237)
_LN2 = 0.6931471805599453


def _perm(v, idx):
    return lax.gather(v, idx[:, None], _DNUMS, (1,), unique_indices=True,
                      mode=lax.GatherScatterMode.PROMISE_IN_BOUNDS)


def _log(x):
    bits = lax.bitcast_convert_type(x, jnp.int32)
    e = ((bits >> 23) & 255) - 127
    m = lax.bitcast_convert_type((bits & 0x007FFFFF) | 0x3F800000, jnp.float32)
    p = jnp.full(m.shape, _LN_COEF[0], jnp.float32)
    for c in _LN_COEF[1:]:
        p = p * m + c
    return e.astype(jnp.float32) * _LN2 + p


def _sc_loss_body(x_hbm, tgt_hbm, dbuf_hbm, out_hbm, tgt_v, gbuf, row_v,
                  idx_v, dbuf_v, obuf, sem_a, sem_b):
    i = lax.axis_index("s") * _NC + lax.axis_index("c")

    pltpu.sync_copy(tgt_hbm.at[pl.ds(i * T, T)], tgt_v)
    pltpu.sync_copy(dbuf_hbm, dbuf_v)

    lanes = lax.iota(jnp.int32, 16)

    def init_body(t, _):
        idx_v[t, pl.ds(0, 16)] = lanes * T + t
        idx_v[t, pl.ds(16, 16)] = (16 + lanes) * T + t
        return 0

    lax.fori_loop(0, T, init_body, 0)
    row_v[pl.ds(0, 16)] = jnp.zeros((16,), jnp.float32)
    row_v[pl.ds(16, 16)] = jnp.zeros((16,), jnp.float32)

    def fire(tchv, lane_base, par, chunk, sem):
        for tt in range(TB):
            t = chunk * 16 + lane_base + tt
            qoff = (tchv[lane_base + tt] >> 7) * 128
            pltpu.make_async_copy(
                x_hbm.at[idx_v.at[t], pl.ds(qoff, 128)],
                gbuf.at[par, tt], sem).start()

    def drain(par, sem):
        for tt in range(TB):
            pltpu.make_async_copy(
                x_hbm.at[idx_v.at[0], pl.ds(0, 128)],
                gbuf.at[par, tt], sem).wait()

    def process(tchv, lane_base, par):
        for tt in range(TB):
            w = jnp.full((16,), tchv[lane_base + tt] & 127, jnp.int32)
            for h in range(2):
                g = plsc.load_gather(
                    gbuf, [jnp.zeros((16,), jnp.int32) + par,
                           jnp.full((16,), tt, jnp.int32),
                           h * 16 + lanes, w])
                s = pl.ds(h * 16, 16)
                row_v[s] = row_v[s] + jnp.clip(g, -CLIP, CLIP)

    fire(tgt_v[pl.ds(0, 16)], 0, 0, 0, sem_a)

    def pair_body(k, _):
        tchk = tgt_v[pl.ds(k * 16, 16)]
        fire(tchk, TB, 1, k, sem_b)
        drain(0, sem_a)
        process(tchk, 0, 0)

        @pl.when(k < (T // 16) - 1)
        def _():
            fire(tgt_v[pl.ds((k + 1) * 16, 16)], 0, 0, k + 1, sem_a)

        drain(1, sem_b)
        process(tchk, TB, 1)
        return 0

    lax.fori_loop(0, T // 16, pair_body, 0)

    lo = row_v[pl.ds(0, 16)]
    hi = row_v[pl.ds(16, 16)]
    m = jnp.maximum(lo, hi)
    for sh in (8, 4, 2, 1):
        m = jnp.maximum(m, _perm(m, lanes ^ sh))
    se = jnp.exp(lo - m) + jnp.exp(hi - m)
    for sh in (8, 4, 2, 1):
        se = se + _perm(se, lanes ^ sh)
    lse = m + _log(se)

    iv = jnp.zeros((16,), jnp.int32) + (i % 16)
    in_lo = jnp.zeros((16,), jnp.int32) + i < 16
    num = jnp.where(in_lo, _perm(lo, iv), _perm(hi, iv))
    dch = [dbuf_v[pl.ds(0, 16)], dbuf_v[pl.ds(16, 16)]]
    d = jnp.where(in_lo, _perm(dch[0], iv), _perm(dch[1], iv))
    mx = jnp.maximum(lse, d)
    la = mx + _log(1.0 + jnp.exp(-jnp.abs(lse - d)))
    loss = num - la
    for c in range(8):
        obuf[pl.ds(c * 16, 16)] = loss
    pltpu.sync_copy(obuf, out_hbm.at[i])


@functools.partial(jax.jit, static_argnames=())
def _sc_loss(x2d, tgt_flat, dbuf):
    mesh = plsc.VectorSubcoreMesh(core_axis_name="c", subcore_axis_name="s")
    k = pl.kernel(
        _sc_loss_body,
        out_type=jax.ShapeDtypeStruct((B, 128), jnp.float32),
        mesh=mesh,
        scratch_types=[
            pltpu.VMEM((T,), jnp.int32),
            pltpu.VMEM((2, TB, 32, 128), jnp.float32),
            pltpu.VMEM((B,), jnp.float32),
            pltpu.VMEM((T, 32), jnp.int32),
            pltpu.VMEM((B,), jnp.float32),
            pltpu.VMEM((128,), jnp.float32),
            pltpu.SemaphoreType.DMA,
            pltpu.SemaphoreType.DMA,
        ],
        compiler_params=pltpu.CompilerParams(needs_layout_passes=False),
    )
    return k(x2d, tgt_flat, dbuf)


def kernel(input, targets, denom, b):
    tgt_flat = targets.astype(jnp.int32).reshape(B * T)
    dbuf = lax.dynamic_slice(denom, (b * B, b), (B, 1))[:, 0]
    out = _sc_loss(input.reshape(B * T, V), tgt_flat, dbuf)
    return out[:, :1]

# --- scband reference (transcript-rebuilt; emitter-appended) ---
"""Pipeline reference for scband-info-nceloss-33122787787557 (READ-ONLY COPY).

The authoritative reference and input builder live on the scoring server;
editing this copy changes nothing except your own understanding.
"""

import jax, jax.numpy as jnp
import numpy as np

SMALL_BATCHSIZE = 32


def setup_inputs(seed: int = 0) -> dict:
    key = jax.random.key(seed)
    k1, k2 = jax.random.split(key)
    inp = jax.random.normal(k1, (32, 64, 32000), dtype=jnp.float32)
    targets = jax.random.randint(k2, (32, 64), 0, 32000, dtype=jnp.int64 if jax.config.jax_enable_x64 else jnp.int32)
    denom = jnp.zeros((224, 7), dtype=jnp.float32)
    return {"input": inp, "targets": targets, "denom": denom, "b": 0}


def reference(input, targets, denom, b):
    # Faithful JAX translation of InfoNCELoss.compute_loss(input, targets, b).
    # input: [B, T, V] logits, targets: [B, T] int, denom: [batchsize, num_small_batches]
    x = jnp.clip(input, -30.0, 30.0)
    B, T, V = x.shape

    # scores[i, j] = sum_t x[j, t, targets[i, t]]
    def score_row(tgt_i):
        idx = jnp.broadcast_to(tgt_i[None, :, None], (B, T, 1))
        g = jnp.take_along_axis(x, idx, axis=2)  # [B, T, 1] gather over vocab
        return g.sum(axis=1)[:, 0]               # [B]

    scores = jax.vmap(score_row)(targets)        # [B, B]

    # numerators[i] = sum_t x[i, t, targets[i, t]] = scores[i, i]
    numerators = jnp.diagonal(scores)            # [B]

    # denominator[i] = logsumexp_j scores[i, j]
    denominators = jax.scipy.special.logsumexp(scores, axis=1)  # [B]

    start = b * SMALL_BATCHSIZE
    denom_buf = jax.lax.dynamic_slice(denom, (start, b), (B, 1))[:, 0]  # [B]
    denominator_ = jnp.logaddexp(denominators, denom_buf)

    loss = numerators - denominator_             # [B]
    return loss[:, None]                          # [B, 1], matches list of [1]-tensors stacked

if __name__ == "__main__":
    import jax
    _d = setup_inputs()
    print(jax.jit(kernel)(*tuple(_d.values())))

</pallas_src>

<mosaic_0001>
#map = affine_map<(d0, d1) -> (0, 0)>
#map1 = affine_map<(d0, d1) -> (0)>
module attributes {stable_mosaic.version = 14 : i64} {
  func.func @_sc_loss_body(%arg0: i32, %arg1: i32, %arg2: memref<2048x32000xf32, #tpu.memory_space<hbm>>, %arg3: memref<2048xi32, #tpu.memory_space<hbm>>, %arg4: memref<32xf32, #tpu.memory_space<hbm>>, %arg5: memref<32x128xf32, #tpu.memory_space<hbm>>, %arg6: memref<64xi32, #tpu.memory_space<vmem>>, %arg7: memref<2x8x32x128xf32, #tpu.memory_space<vmem>>, %arg8: memref<32xf32, #tpu.memory_space<vmem>>, %arg9: memref<64x32xi32, #tpu.memory_space<vmem>>, %arg10: memref<32xf32, #tpu.memory_space<vmem>>, %arg11: memref<128xf32, #tpu.memory_space<vmem>>, %arg12: memref<!tpu.dma_semaphore, #tpu.memory_space<semaphore_mem>>, %arg13: memref<!tpu.dma_semaphore, #tpu.memory_space<semaphore_mem>>) attributes {dimension_semantics = [#tpu.dimension_semantics<core_parallel>, #tpu.dimension_semantics<subcore_parallel>], iteration_bounds = array<i64: 2, 16>, scalar_prefetch = 0 : i64, scratch_operands = 8 : i64, tpu.core_type = #tpu.core_type<sc_vector_subcore>, window_params = [{transform_indices = #map}, {transform_indices = #map1}, {transform_indices = #map1}, {transform_indices = #map}]} {
    %mul3A = arith.constant 2 : i32
    %mul3A_0 = arith.muli %arg1, %mul3A : i32
    %add3A = arith.addi %mul3A_0, %arg0 : i32
    %mul3A_1 = arith.constant 64 : i32
    %mul3A_2 = arith.muli %add3A, %mul3A_1 : i32
    "tpu.region"() ({
      %run_scoped3A = tpu.sem_alloc : memref<!tpu.dma_semaphore, #tpu.memory_space<semaphore_mem>>
      %dma_start3A_390 = tpu.memref_slice %arg3[%mul3A_2] : memref<2048xi32, #tpu.memory_space<hbm>> -> memref<64xi32, #tpu.memory_space<hbm>>
      %dma_start3A_391 = tpu.memref_slice %arg3[%mul3A_2] : memref<2048xi32, #tpu.memory_space<hbm>> -> memref<64xi32, #tpu.memory_space<hbm>>
      tpu.enqueue_dma source(%dma_start3A_391 : memref<64xi32, #tpu.memory_space<hbm>>) target(%arg6 : memref<64xi32, #tpu.memory_space<vmem>>) target_semaphore(%run_scoped3A : memref<!tpu.dma_semaphore, #tpu.memory_space<semaphore_mem>>)
      %dma_wait3A = tpu.memref_slice %arg3[%mul3A_2] : memref<2048xi32, #tpu.memory_space<hbm>> -> memref<64xi32, #tpu.memory_space<hbm>>
      %dma_wait3A_392 = tpu.memref_slice %arg3[%mul3A_2] : memref<2048xi32, #tpu.memory_space<hbm>> -> memref<64xi32, #tpu.memory_space<hbm>>
      tpu.wait_dma2 semaphore(%run_scoped3A : memref<!tpu.dma_semaphore, #tpu.memory_space<semaphore_mem>>) src(%dma_wait3A_392 : memref<64xi32, #tpu.memory_space<hbm>>) dst(%arg6 : memref<64xi32, #tpu.memory_space<vmem>>)
      tpu.yield
    }) : () -> ()
    "tpu.region"() ({
      %run_scoped3A = tpu.sem_alloc : memref<!tpu.dma_semaphore, #tpu.memory_space<semaphore_mem>>
      tpu.enqueue_dma source(%arg4 : memref<32xf32, #tpu.memory_space<hbm>>) target(%arg10 : memref<32xf32, #tpu.memory_space<vmem>>) target_semaphore(%run_scoped3A : memref<!tpu.dma_semaphore, #tpu.memory_space<semaphore_mem>>)
      tpu.wait_dma2 semaphore(%run_scoped3A : memref<!tpu.dma_semaphore, #tpu.memory_space<semaphore_mem>>) src(%arg4 : memref<32xf32, #tpu.memory_space<hbm>>) dst(%arg10 : memref<32xf32, #tpu.memory_space<vmem>>)
      tpu.yield
    }) : () -> ()
    %iota3A = tpu.iota {dimensions = array<i32: 0>} : vector<16xi32>
    %scan3A = arith.constant 0 : i32
    %scan3A_3 = arith.constant 0 : i32
    %scan3A_4 = arith.constant 64 : i32
    %scan3A_5 = arith.addi %scan3A_3, %scan3A_4 : i32
    %scan3A_6 = arith.constant 1 : i32
    %scan3A_7 = scf.for %scan3A_390 = %scan3A_3 to %scan3A_5 step %scan3A_6 iter_args(%scan3A_391 = %scan3A) -> (i32)  : i32 {
      %mul3A_392 = arith.constant 64 : i32
      %mul3A_393 = vector.broadcast %mul3A_392 : i32 to vector<16xi32>
      %mul3A_394 = arith.muli %iota3A, %mul3A_393 : vector<16xi32>
      %add3A_395 = vector.broadcast %scan3A_390 : i32 to vector<16xi32>
      %add3A_396 = arith.addi %mul3A_394, %add3A_395 : vector<16xi32>
      %swap3A_397 = arith.index_cast %scan3A_390 : i32 to index
      %swap3A_398 = arith.constant 0 : index
      %swap3A_399 = tpu.vector_load %arg9[%swap3A_397, %swap3A_398] {strides = array<i32>} : memref<64x32xi32, #tpu.memory_space<vmem>>, vector<16xi32>,
      tpu.vector_store %arg9[%swap3A_397, %swap3A_398], %add3A_396 {strides = array<i32>} : memref<64x32xi32, #tpu.memory_space<vmem>>, vector<16xi32>,
      %add3A_400 = arith.constant 16 : i32
      %add3A_401 = vector.broadcast %add3A_400 : i32 to vector<16xi32>
      %add3A_402 = arith.addi %add3A_401, %iota3A : vector<16xi32>
      %mul3A_403 = arith.constant 64 : i32
      %mul3A_404 = vector.broadcast %mul3A_403 : i32 to vector<16xi32>
      %mul3A_405 = arith.muli %add3A_402, %mul3A_404 : vector<16xi32>
      %add3A_406 = vector.broadcast %scan3A_390 : i32 to vector<16xi32>
      %add3A_407 = arith.addi %mul3A_405, %add3A_406 : vector<16xi32>
      %swap3A_408 = arith.index_cast %scan3A_390 : i32 to index
      %swap3A_409 = arith.constant 16 : index
      %swap3A_410 = tpu.vector_load %arg9[%swap3A_408, %swap3A_409] {strides = array<i32>} : memref<64x32xi32, #tpu.memory_space<vmem>>, vector<16xi32>,
      tpu.vector_store %arg9[%swap3A_408, %swap3A_409], %add3A_407 {strides = array<i32>} : memref<64x32xi32, #tpu.memory_space<vmem>>, vector<16xi32>,
      %scan3A_411 = arith.constant 0 : i32
      scf.yield %scan3A_411 : i32
    }
    %scan3A_8 = arith.constant 64 : i32
    %broadcast_in_dim3A = arith.constant 0.000000e+00 : f32
    %broadcast_in_dim3A_9 = vector.broadcast %broadcast_in_dim3A : f32 to vector<16xf32>
    %swap3A = arith.constant 0 : index
    %swap3A_10 = tpu.vector_load %arg8[%swap3A] {strides = array<i32>} : memref<32xf32, #tpu.memory_space<vmem>>, vector<16xf32>,
    tpu.vector_store %arg8[%swap3A], %broadcast_in_dim3A_9 {strides = array<i32>} : memref<32xf32, #tpu.memory_space<vmem>>, vector<16xf32>,
    %broadcast_in_dim3A_11 = arith.constant 0.000000e+00 : f32
    %broadcast_in_dim3A_12 = vector.broadcast %broadcast_in_dim3A_11 : f32 to vector<16xf32>
    %swap3A_13 = arith.constant 16 : index
    %swap3A_14 = tpu.vector_load %arg8[%swap3A_13] {strides = array<i32>} : memref<32xf32, #tpu.memory_space<vmem>>, vector<16xf32>,
    tpu.vector_store %arg8[%swap3A_13], %broadcast_in_dim3A_12 {strides = array<i32>} : memref<32xf32, #tpu.memory_space<vmem>>, vector<16xf32>,
    %get3A = arith.constant 0 : index
    %get3A_15 = tpu.vector_load %arg6[%get3A] {strides = array<i32>} : memref<64xi32, #tpu.memory_space<vmem>>, vector<16xi32>,
    %slice3A = vector.extract_strided_slice %get3A_15 {offsets = [0], sizes = [1], strides = [1]} : vector<16xi32> to vector<1xi32>
    %squeeze3A = vector.extract %slice3A[0] : i32 from vector<1xi32>
    %shift_right_arithmetic3A = arith.constant 7 : i32
    %shift_right_arithmetic3A_16 = arith.shrsi %squeeze3A, %shift_right_arithmetic3A : i32
    %mul3A_17 = arith.constant 128 : i32
    %mul3A_18 = arith.muli %shift_right_arithmetic3A_16, %mul3A_17 : i32
    %dma_start3A = arith.constant 0 : i32
    %dma_start3A_19 = arith.constant 0 : i32
    %dma_start3A_20 = arith.constant 0 : i32
    %dma_start3A_21 = arith.constant 0 : i32
    %dma_start3A_22 = arith.constant 0 : i32
    %dma_start3A_23 = tpu.memref_slice %arg7[%dma_start3A_19, %dma_start3A_20, %dma_start3A_21, %dma_start3A_22] : memref<2x8x32x128xf32, #tpu.memory_space<vmem>> -> memref<1x1x32x128xf32, #tpu.memory_space<vmem>>
    %dma_start3A_24 = tpu.memref_squeeze %dma_start3A_23 : memref<1x1x32x128xf32, #tpu.memory_space<vmem>> -> memref<32x128xf32, #tpu.memory_space<vmem>>
    %dma_start3A_25 = arith.constant 0 : i32
    %dma_start3A_26 = tpu.memref_slice %arg9[%dma_start3A, %dma_start3A_25] : memref<64x32xi32, #tpu.memory_space<vmem>> -> memref<1x32xi32, #tpu.memory_space<vmem>>
    %dma_start3A_27 = tpu.memref_squeeze %dma_start3A_26 : memref<1x32xi32, #tpu.memory_space<vmem>> -> memref<32xi32, #tpu.memory_space<vmem>>
    %dma_start3A_28 = arith.constant 0 : i32
    %dma_start3A_29 = tpu.memref_slice %arg2[%dma_start3A_28, %mul3A_18] : memref<2048x32000xf32, #tpu.memory_space<hbm>> -> memref<2048x128xf32, #tpu.memory_space<hbm>>
    tpu.enqueue_indirect_dma source(%dma_start3A_29 : memref<2048x128xf32, #tpu.memory_space<hbm>>) target(%dma_start3A_24 : memref<32x128xf32, #tpu.memory_space<vmem>>) offsets(%dma_start3A_27 : memref<32xi32, #tpu.memory_space<vmem>>) semaphore(%arg12 : memref<!tpu.dma_semaphore, #tpu.memory_space<semaphore_mem>>)
    %slice3A_30 = vector.extract_strided_slice %get3A_15 {offsets = [1], sizes = [1], strides = [1]} : vector<16xi32> to vector<1xi32>
    %squeeze3A_31 = vector.extract %slice3A_30[0] : i32 from vector<1xi32>
    %shift_right_arithmetic3A_32 = arith.constant 7 : i32
    %shift_right_arithmetic3A_33 = arith.shrsi %squeeze3A_31, %shift_right_arithmetic3A_32 : i32
    %mul3A_34 = arith.constant 128 : i32
    %mul3A_35 = arith.muli %shift_right_arithmetic3A_33, %mul3A_34 : i32
    %dma_start3A_36 = arith.constant 1 : i32
    %dma_start3A_37 = arith.constant 0 : i32
    %dma_start3A_38 = arith.constant 1 : i32
    %dma_start3A_39 = arith.constant 0 : i32
    %dma_start3A_40 = arith.constant 0 : i32
    %dma_start3A_41 = tpu.memref_slice %arg7[%dma_start3A_37, %dma_start3A_38, %dma_start3A_39, %dma_start3A_40] : memref<2x8x32x128xf32, #tpu.memory_space<vmem>> -> memref<1x1x32x128xf32, #tpu.memory_space<vmem>>
    %dma_start3A_42 = tpu.memref_squeeze %dma_start3A_41 : memref<1x1x32x128xf32, #tpu.memory_space<vmem>> -> memref<32x128xf32, #tpu.memory_space<vmem>>
    %dma_start3A_43 = arith.constant 0 : i32
    %dma_start3A_44 = tpu.memref_slice %arg9[%dma_start3A_36, %dma_start3A_43] : memref<64x32xi32, #tpu.memory_space<vmem>> -> memref<1x32xi32, #tpu.memory_space<vmem>>
    %dma_start3A_45 = tpu.memref_squeeze %dma_start3A_44 : memref<1x32xi32, #tpu.memory_space<vmem>> -> memref<32xi32, #tpu.memory_space<vmem>>
    %dma_start3A_46 = arith.constant 0 : i32
    %dma_start3A_47 = tpu.memref_slice %arg2[%dma_start3A_46, %mul3A_35] : memref<2048x32000xf32, #tpu.memory_space<hbm>> -> memref<2048x128xf32, #tpu.memory_space<hbm>>
    tpu.enqueue_indirect_dma source(%dma_start3A_47 : memref<2048x128xf32, #tpu.memory_space<hbm>>) target(%dma_start3A_42 : memref<32x128xf32, #tpu.memory_space<vmem>>) offsets(%dma_start3A_45 : memref<32xi32, #tpu.memory_space<vmem>>) semaphore(%arg12 : memref<!tpu.dma_semaphore, #tpu.memory_space<semaphore_mem>>)
    %slice3A_48 = vector.extract_strided_slice %get3A_15 {offsets = [2], sizes = [1], strides = [1]} : vector<16xi32> to vector<1xi32>
    %squeeze3A_49 = vector.extract %slice3A_48[0] : i32 from vector<1xi32>
    %shift_right_arithmetic3A_50 = arith.constant 7 : i32
    %shift_right_arithmetic3A_51 = arith.shrsi %squeeze3A_49, %shift_right_arithmetic3A_50 : i32
    %mul3A_52 = arith.constant 128 : i32
    %mul3A_53 = arith.muli %shift_right_arithmetic3A_51, %mul3A_52 : i32
    %dma_start3A_54 = arith.constant 2 : i32
    %dma_start3A_55 = arith.constant 0 : i32
    %dma_start3A_56 = arith.constant 2 : i32
    %dma_start3A_57 = arith.constant 0 : i32
    %dma_start3A_58 = arith.constant 0 : i32
    %dma_start3A_59 = tpu.memref_slice %arg7[%dma_start3A_55, %dma_start3A_56, %dma_start3A_57, %dma_start3A_58] : memref<2x8x32x128xf32, #tpu.memory_space<vmem>> -> memref<1x1x32x128xf32, #tpu.memory_space<vmem>>
    %dma_start3A_60 = tpu.memref_squeeze %dma_start3A_59 : memref<1x1x32x128xf32, #tpu.memory_space<vmem>> -> memref<32x128xf32, #tpu.memory_space<vmem>>
    %dma_start3A_61 = arith.constant 0 : i32
    %dma_start3A_62 = tpu.memref_slice %arg9[%dma_start3A_54, %dma_start3A_61] : memref<64x32xi32, #tpu.memory_space<vmem>> -> memref<1x32xi32, #tpu.memory_space<vmem>>
    %dma_start3A_63 = tpu.memref_squeeze %dma_start3A_62 : memref<1x32xi32, #tpu.memory_space<vmem>> -> memref<32xi32, #tpu.memory_space<vmem>>
    %dma_start3A_64 = arith.constant 0 : i32
    %dma_start3A_65 = tpu.memref_slice %arg2[%dma_start3A_64, %mul3A_53] : memref<2048x32000xf32, #tpu.memory_space<hbm>> -> memref<2048x128xf32, #tpu.memory_space<hbm>>
    tpu.enqueue_indirect_dma source(%dma_start3A_65 : memref<2048x128xf32, #tpu.memory_space<hbm>>) target(%dma_start3A_60 : memref<32x128xf32, #tpu.memory_space<vmem>>) offsets(%dma_start3A_63 : memref<32xi32, #tpu.memory_space<vmem>>) semaphore(%arg12 : memref<!tpu.dma_semaphore, #tpu.memory_space<semaphore_mem>>)
    %slice3A_66 = vector.extract_strided_slice %get3A_15 {offsets = [3], sizes = [1], strides = [1]} : vector<16xi32> to vector<1xi32>
    %squeeze3A_67 = vector.extract %slice3A_66[0] : i32 from vector<1xi32>
    %shift_right_arithmetic3A_68 = arith.constant 7 : i32
    %shift_right_arithmetic3A_69 = arith.shrsi %squeeze3A_67, %shift_right_arithmetic3A_68 : i32
    %mul3A_70 = arith.constant 128 : i32
    %mul3A_71 = arith.muli %shift_right_arithmetic3A_69, %mul3A_70 : i32
    %dma_start3A_72 = arith.constant 3 : i32
    %dma_start3A_73 = arith.constant 0 : i32
    %dma_start3A_74 = arith.constant 3 : i32
    %dma_start3A_75 = arith.constant 0 : i32
    %dma_start3A_76 = arith.constant 0 : i32
    %dma_start3A_77 = tpu.memref_slice %arg7[%dma_start3A_73, %dma_start3A_74, %dma_start3A_75, %dma_start3A_76] : memref<2x8x32x128xf32, #tpu.memory_space<vmem>> -> memref<1x1x32x128xf32, #tpu.memory_space<vmem>>
    %dma_start3A_78 = tpu.memref_squeeze %dma_start3A_77 : memref<1x1x32x128xf32, #tpu.memory_space<vmem>> -> memref<32x128xf32, #tpu.memory_space<vmem>>
    %dma_start3A_79 = arith.constant 0 : i32
    %dma_start3A_80 = tpu.memref_slice %arg9[%dma_start3A_72, %dma_start3A_79] : memref<64x32xi32, #tpu.memory_space<vmem>> -> memref<1x32xi32, #tpu.memory_space<vmem>>
    %dma_start3A_81 = tpu.memref_squeeze %dma_start3A_80 : memref<1x32xi32, #tpu.memory_space<vmem>> -> memref<32xi32, #tpu.memory_space<vmem>>
    %dma_start3A_82 = arith.constant 0 : i32
    %dma_start3A_83 = tpu.memref_slice %arg2[%dma_start3A_82, %mul3A_71] : memref<2048x32000xf32, #tpu.memory_space<hbm>> -> memref<2048x128xf32, #tpu.memory_space<hbm>>
    tpu.enqueue_indirect_dma source(%dma_start3A_83 : memref<2048x128xf32, #tpu.memory_space<hbm>>) target(%dma_start3A_78 : memref<32x128xf32, #tpu.memory_space<vmem>>) offsets(%dma_start3A_81 : memref<32xi32, #tpu.memory_space<vmem>>) semaphore(%arg12 : memref<!tpu.dma_semaphore, #tpu.memory_space<semaphore_mem>>)
    %slice3A_84 = vector.extract_strided_slice %get3A_15 {offsets = [4], sizes = [1], strides = [1]} : vector<16xi32> to vector<1xi32>
    %squeeze3A_85 = vector.extract %slice3A_84[0] : i32 from vector<1xi32>
    %shift_right_arithmetic3A_86 = arith.constant 7 : i32
    %shift_right_arithmetic3A_87 = arith.shrsi %squeeze3A_85, %shift_right_arithmetic3A_86 : i32
    %mul3A_88 = arith.constant 128 : i32
    %mul3A_89 = arith.muli %shift_right_arithmetic3A_87, %mul3A_88 : i32
    %dma_start3A_90 = arith.constant 4 : i32
    %dma_start3A_91 = arith.constant 0 : i32
    %dma_start3A_92 = arith.constant 4 : i32
    %dma_start3A_93 = arith.constant 0 : i32
    %dma_start3A_94 = arith.constant 0 : i32
    %dma_start3A_95 = tpu.memref_slice %arg7[%dma_start3A_91, %dma_start3A_92, %dma_start3A_93, %dma_start3A_94] : memref<2x8x32x128xf32, #tpu.memory_space<vmem>> -> memref<1x1x32x128xf32, #tpu.memory_space<vmem>>
    %dma_start3A_96 = tpu.memref_squeeze %dma_start3A_95 : memref<1x1x32x128xf32, #tpu.memory_space<vmem>> -> memref<32x128xf32, #tpu.memory_space<vmem>>
    %dma_start3A_97 = arith.constant 0 : i32
    %dma_start3A_98 = tpu.memref_slice %arg9[%dma_start3A_90, %dma_start3A_97] : memref<64x32xi32, #tpu.memory_space<vmem>> -> memref<1x32xi32, #tpu.memory_space<vmem>>
    %dma_start3A_99 = tpu.memref_squeeze %dma_start3A_98 : memref<1x32xi32, #tpu.memory_space<vmem>> -> memref<32xi32, #tpu.memory_space<vmem>>
    %dma_start3A_100 = arith.constant 0 : i32
    %dma_start3A_101 = tpu.memref_slice %arg2[%dma_start3A_100, %mul3A_89] : memref<2048x32000xf32, #tpu.memory_space<hbm>> -> memref<2048x128xf32, #tpu.memory_space<hbm>>
    tpu.enqueue_indirect_dma source(%dma_start3A_101 : memref<2048x128xf32, #tpu.memory_space<hbm>>) target(%dma_start3A_96 : memref<32x128xf32, #tpu.memory_space<vmem>>) offsets(%dma_start3A_99 : memref<32xi32, #tpu.memory_space<vmem>>) semaphore(%arg12 : memref<!tpu.dma_semaphore, #tpu.memory_space<semaphore_mem>>)
    %slice3A_102 = vector.extract_strided_slice %get3A_15 {offsets = [5], sizes = [1], strides = [1]} : vector<16xi32> to vector<1xi32>
    %squeeze3A_103 = vector.extract %slice3A_102[0] : i32 from vector<1xi32>
    %shift_right_arithmetic3A_104 = arith.constant 7 : i32
    %shift_right_arithmetic3A_105 = arith.shrsi %squeeze3A_103, %shift_right_arithmetic3A_104 : i32
    %mul3A_106 = arith.constant 128 : i32
    %mul3A_107 = arith.muli %shift_right_arithmetic3A_105, %mul3A_106 : i32
    %dma_start3A_108 = arith.constant 5 : i32
    %dma_start3A_109 = arith.constant 0 : i32
    %dma_start3A_110 = arith.constant 5 : i32
    %dma_start3A_111 = arith.constant 0 : i32
    %dma_start3A_112 = arith.constant 0 : i32
    %dma_start3A_113 = tpu.memref_slice %arg7[%dma_start3A_109, %dma_start3A_110, %dma_start3A_111, %dma_start3A_112] : memref<2x8x32x128xf32, #tpu.memory_space<vmem>> -> memref<1x1x32x128xf32, #tpu.memory_space<vmem>>
    %dma_start3A_114 = tpu.memref_squeeze %dma_start3A_113 : memref<1x1x32x128xf32, #tpu.memory_space<vmem>> -> memref<32x128xf32, #tpu.memory_space<vmem>>
    %dma_start3A_115 = arith.constant 0 : i32
    %dma_start3A_116 = tpu.memref_slice %arg9[%dma_start3A_108, %dma_start3A_115] : memref<64x32xi32, #tpu.memory_space<vmem>> -> memref<1x32xi32, #tpu.memory_space<vmem>>
    %dma_start3A_117 = tpu.memref_squeeze %dma_start3A_116 : memref<1x32xi32, #tpu.memory_space<vmem>> -> memref<32xi32, #tpu.memory_space<vmem>>
    %dma_start3A_118 = arith.constant 0 : i32
    %dma_start3A_119 = tpu.memref_slice %arg2[%dma_start3A_118, %mul3A_107] : memref<2048x32000xf32, #tpu.memory_space<hbm>> -> memref<2048x128xf32, #tpu.memory_space<hbm>>
    tpu.enqueue_indirect_dma source(%dma_start3A_119 : memref<2048x128xf32, #tpu.memory_space<hbm>>) target(%dma_start3A_114 : memref<32x128xf32, #tpu.memory_space<vmem>>) offsets(%dma_start3A_117 : memref<32xi32, #tpu.memory_space<vmem>>) semaphore(%arg12 : memref<!tpu.dma_semaphore, #tpu.memory_space<semaphore_mem>>)
    %slice3A_120 = vector.extract_strided_slice %get3A_15 {offsets = [6], sizes = [1], strides = [1]} : vector<16xi32> to vector<1xi32>
    %squeeze3A_121 = vector.extract %slice3A_120[0] : i32 from vector<1xi32>
    %shift_right_arithmetic3A_122 = arith.constant 7 : i32
    %shift_right_arithmetic3A_123 = arith.shrsi %squeeze3A_121, %shift_right_arithmetic3A_122 : i32
    %mul3A_124 = arith.constant 128 : i32
    %mul3A_125 = arith.muli %shift_right_arithmetic3A_123, %mul3A_124 : i32
    %dma_start3A_126 = arith.constant 6 : i32
    %dma_start3A_127 = arith.constant 0 : i32
    %dma_start3A_128 = arith.constant 6 : i32
    %dma_start3A_129 = arith.constant 0 : i32
    %dma_start3A_130 = arith.constant 0 : i32
    %dma_start3A_131 = tpu.memref_slice %arg7[%dma_start3A_127, %dma_start3A_128, %dma_start3A_129, %dma_start3A_130] : memref<2x8x32x128xf32, #tpu.memory_space<vmem>> -> memref<1x1x32x128xf32, #tpu.memory_space<vmem>>
    %dma_start3A_132 = tpu.memref_squeeze %dma_start3A_131 : memref<1x1x32x128xf32, #tpu.memory_space<vmem>> -> memref<32x128xf32, #tpu.memory_space<vmem>>
    %dma_start3A_133 = arith.constant 0 : i32
    %dma_start3A_134 = tpu.memref_slice %arg9[%dma_start3A_126, %dma_start3A_133] : memref<64x32xi32, #tpu.memory_space<vmem>> -> memref<1x32xi32, #tpu.memory_space<vmem>>
    %dma_start3A_135 = tpu.memref_squeeze %dma_start3A_134 : memref<1x32xi32, #tpu.memory_space<vmem>> -> memref<32xi32, #tpu.memory_space<vmem>>
    %dma_start3A_136 = arith.constant 0 : i32
    %dma_start3A_137 = tpu.memref_slice %arg2[%dma_start3A_136, %mul3A_125] : memref<2048x32000xf32, #tpu.memory_space<hbm>> -> memref<2048x128xf32, #tpu.memory_space<hbm>>
    tpu.enqueue_indirect_dma source(%dma_start3A_137 : memref<2048x128xf32, #tpu.memory_space<hbm>>) target(%dma_start3A_132 : memref<32x128xf32, #tpu.memory_space<vmem>>) offsets(%dma_start3A_135 : memref<32xi32, #tpu.memory_space<vmem>>) semaphore(%arg12 : memref<!tpu.dma_semaphore, #tpu.memory_space<semaphore_mem>>)
    %slice3A_138 = vector.extract_strided_slice %get3A_15 {offsets = [7], sizes = [1], strides = [1]} : vector<16xi32> to vector<1xi32>
    %squeeze3A_139 = vector.extract %slice3A_138[0] : i32 from vector<1xi32>
    %shift_right_arithmetic3A_140 = arith.constant 7 : i32
    %shift_right_arithmetic3A_141 = arith.shrsi %squeeze3A_139, %shift_right_arithmetic3A_140 : i32
    %mul3A_142 = arith.constant 128 : i32
    %mul3A_143 = arith.muli %shift_right_arithmetic3A_141, %mul3A_142 : i32
    %dma_start3A_144 = arith.constant 7 : i32
    %dma_start3A_145 = arith.constant 0 : i32
    %dma_start3A_146 = arith.constant 7 : i32
    %dma_start3A_147 = arith.constant 0 : i32
    %dma_start3A_148 = arith.constant 0 : i32
    %dma_start3A_149 = tpu.memref_slice %arg7[%dma_start3A_145, %dma_start3A_146, %dma_start3A_147, %dma_start3A_148] : memref<2x8x32x128xf32, #tpu.memory_space<vmem>> -> memref<1x1x32x128xf32, #tpu.memory_space<vmem>>
    %dma_start3A_150 = tpu.memref_squeeze %dma_start3A_149 : memref<1x1x32x128xf32, #tpu.memory_space<vmem>> -> memref<32x128xf32, #tpu.memory_space<vmem>>
    %dma_start3A_151 = arith.constant 0 : i32
    %dma_start3A_152 = tpu.memref_slice %arg9[%dma_start3A_144, %dma_start3A_151] : memref<64x32xi32, #tpu.memory_space<vmem>> -> memref<1x32xi32, #tpu.memory_space<vmem>>
    %dma_start3A_153 = tpu.memref_squeeze %dma_start3A_152 : memref<1x32xi32, #tpu.memory_space<vmem>> -> memref<32xi32, #tpu.memory_space<vmem>>
    %dma_start3A_154 = arith.constant 0 : i32
    %dma_start3A_155 = tpu.memref_slice %arg2[%dma_start3A_154, %mul3A_143] : memref<2048x32000xf32, #tpu.memory_space<hbm>> -> memref<2048x128xf32, #tpu.memory_space<hbm>>
    tpu.enqueue_indirect_dma source(%dma_start3A_155 : memref<2048x128xf32, #tpu.memory_space<hbm>>) target(%dma_start3A_150 : memref<32x128xf32, #tpu.memory_space<vmem>>) offsets(%dma_start3A_153 : memref<32xi32, #tpu.memory_space<vmem>>) semaphore(%arg12 : memref<!tpu.dma_semaphore, #tpu.memory_space<semaphore_mem>>)
    %scan3A_156 = arith.constant 0 : i32
    %scan3A_157 = arith.constant 0 : i32
    %scan3A_158 = arith.constant 4 : i32
    %scan3A_159 = arith.addi %scan3A_157, %scan3A_158 : i32
    %scan3A_160 = arith.constant 1 : i32
    %scan3A_161 = scf.for %scan3A_390 = %scan3A_157 to %scan3A_159 step %scan3A_160 iter_args(%scan3A_391 = %scan3A_156) -> (i32)  : i32 {
      %mul3A_392 = arith.constant 16 : i32
      %mul3A_393 = arith.muli %scan3A_390, %mul3A_392 : i32
      %get3A_394 = arith.index_cast %mul3A_393 : i32 to index
      %get3A_395 = tpu.vector_load %arg6[%get3A_394] {strides = array<i32>} : memref<64xi32, #tpu.memory_space<vmem>>, vector<16xi32>,
      %mul3A_396 = arith.constant 16 : i32
      %mul3A_397 = arith.muli %scan3A_390, %mul3A_396 : i32
      %add3A_398 = arith.constant 8 : i32
      %add3A_399 = arith.addi %mul3A_397, %add3A_398 : i32
      %add3A_400 = arith.constant 0 : i32
      %add3A_401 = arith.addi %add3A_399, %add3A_400 : i32
      %slice3A_402 = vector.extract_strided_slice %get3A_395 {offsets = [8], sizes = [1], strides = [1]} : vector<16xi32> to vector<1xi32>
      %squeeze3A_403 = vector.extract %slice3A_402[0] : i32 from vector<1xi32>
      %shift_right_arithmetic3A_404 = arith.constant 7 : i32
      %shift_right_arithmetic3A_405 = arith.shrsi %squeeze3A_403, %shift_right_arithmetic3A_404 : i32
      %mul3A_406 = arith.constant 128 : i32
      %mul3A_407 = arith.muli %shift_right_arithmetic3A_405, %mul3A_406 : i32
      %dma_start3A_408 = arith.constant 1 : i32
      %dma_start3A_409 = arith.constant 0 : i32
      %dma_start3A_410 = arith.constant 0 : i32
      %dma_start3A_411 = arith.constant 0 : i32
      %dma_start3A_412 = tpu.memref_slice %arg7[%dma_start3A_408, %dma_start3A_409, %dma_start3A_410, %dma_start3A_411] : memref<2x8x32x128xf32, #tpu.memory_space<vmem>> -> memref<1x1x32x128xf32, #tpu.memory_space<vmem>>
      %dma_start3A_413 = tpu.memref_squeeze %dma_start3A_412 : memref<1x1x32x128xf32, #tpu.memory_space<vmem>> -> memref<32x128xf32, #tpu.memory_space<vmem>>
      %dma_start3A_414 = arith.constant 0 : i32
      %dma_start3A_415 = tpu.memref_slice %arg9[%add3A_401, %dma_start3A_414] : memref<64x32xi32, #tpu.memory_space<vmem>> -> memref<1x32xi32, #tpu.memory_space<vmem>>
      %dma_start3A_416 = tpu.memref_squeeze %dma_start3A_415 : memref<1x32xi32, #tpu.memory_space<vmem>> -> memref<32xi32, #tpu.memory_space<vmem>>
      %dma_start3A_417 = arith.constant 0 : i32
      %dma_start3A_418 = tpu.memref_slice %arg2[%dma_start3A_417, %mul3A_407] : memref<2048x32000xf32, #tpu.memory_space<hbm>> -> memref<2048x128xf32, #tpu.memory_space<hbm>>
      tpu.enqueue_indirect_dma source(%dma_start3A_418 : memref<2048x128xf32, #tpu.memory_space<hbm>>) target(%dma_start3A_413 : memref<32x128xf32, #tpu.memory_space<vmem>>) offsets(%dma_start3A_416 : memref<32xi32, #tpu.memory_space<vmem>>) semaphore(%arg13 : memref<!tpu.dma_semaphore, #tpu.memory_space<semaphore_mem>>)
      %mul3A_419 = arith.constant 16 : i32
      %mul3A_420 = arith.muli %scan3A_390, %mul3A_419 : i32
      %add3A_421 = arith.constant 8 : i32
      %add3A_422 = arith.addi %mul3A_420, %add3A_421 : i32
      %add3A_423 = arith.constant 1 : i32
      %add3A_424 = arith.addi %add3A_422, %add3A_423 : i32
      %slice3A_425 = vector.extract_strided_slice %get3A_395 {offsets = [9], sizes = [1], strides = [1]} : vector<16xi32> to vector<1xi32>
      %squeeze3A_426 = vector.extract %slice3A_425[0] : i32 from vector<1xi32>
      %shift_right_arithmetic3A_427 = arith.constant 7 : i32
      %shift_right_arithmetic3A_428 = arith.shrsi %squeeze3A_426, %shift_right_arithmetic3A_427 : i32
      %mul3A_429 = arith.constant 128 : i32
      %mul3A_430 = arith.muli %shift_right_arithmetic3A_428, %mul3A_429 : i32
      %dma_start3A_431 = arith.constant 1 : i32
      %dma_start3A_432 = arith.constant 1 : i32
      %dma_start3A_433 = arith.constant 0 : i32
      %dma_start3A_434 = arith.constant 0 : i32
      %dma_start3A_435 = tpu.memref_slice %arg7[%dma_start3A_431, %dma_start3A_432, %dma_start3A_433, %dma_start3A_434] : memref<2x8x32x128xf32, #tpu.memory_space<vmem>> -> memref<1x1x32x128xf32, #tpu.memory_space<vmem>>
      %dma_start3A_436 = tpu.memref_squeeze %dma_start3A_435 : memref<1x1x32x128xf32, #tpu.memory_space<vmem>> -> memref<32x128xf32, #tpu.memory_space<vmem>>
      %dma_start3A_437 = arith.constant 0 : i32
      %dma_start3A_438 = tpu.memref_slice %arg9[%add3A_424, %dma_start3A_437] : memref<64x32xi32, #tpu.memory_space<vmem>> -> memref<1x32xi32, #tpu.memory_space<vmem>>
      %dma_start3A_439 = tpu.memref_squeeze %dma_start3A_438 : memref<1x32xi32, #tpu.memory_space<vmem>> -> memref<32xi32, #tpu.memory_space<vmem>>
      %dma_start3A_440 = arith.constant 0 : i32
      %dma_start3A_441 = tpu.memref_slice %arg2[%dma_start3A_440, %mul3A_430] : memref<2048x32000xf32, #tpu.memory_space<hbm>> -> memref<2048x128xf32, #tpu.memory_space<hbm>>
      tpu.enqueue_indirect_dma source(%dma_start3A_441 : memref<2048x128xf32, #tpu.memory_space<hbm>>) target(%dma_start3A_436 : memref<32x128xf32, #tpu.memory_space<vmem>>) offsets(%dma_start3A_439 : memref<32xi32, #tpu.memory_space<vmem>>) semaphore(%arg13 : memref<!tpu.dma_semaphore, #tpu.memory_space<semaphore_mem>>)
      %mul3A_442 = arith.constant 16 : i32
      %mul3A_443 = arith.muli %scan3A_390, %mul3A_442 : i32
      %add3A_444 = arith.constant 8 : i32
      %add3A_445 = arith.addi %mul3A_443, %add3A_444 : i32
      %add3A_446 = arith.constant 2 : i32
      %add3A_447 = arith.addi %add3A_445, %add3A_446 : i32
      %slice3A_448 = vector.extract_strided_slice %get3A_395 {offsets = [10], sizes = [1], strides = [1]} : vector<16xi32> to vector<1xi32>
      %squeeze3A_449 = vector.extract %slice3A_448[0] : i32 from vector<1xi32>
      %shift_right_arithmetic3A_450 = arith.constant 7 : i32
      %shift_right_arithmetic3A_451 = arith.shrsi %squeeze3A_449, %shift_right_arithmetic3A_450 : i32
      %mul3A_452 = arith.constant 128 : i32
      %mul3A_453 = arith.muli %shift_right_arithmetic3A_451, %mul3A_452 : i32
      %dma_start3A_454 = arith.constant 1 : i32
      %dma_start3A_455 = arith.constant 2 : i32
      %dma_start3A_456 = arith.constant 0 : i32
      %dma_start3A_457 = arith.constant 0 : i32
      %dma_start3A_458 = tpu.memref_slice %arg7[%dma_start3A_454, %dma_start3A_455, %dma_start3A_456, %dma_start3A_457] : memref<2x8x32x128xf32, #tpu.memory_space<vmem>> -> memref<1x1x32x128xf32, #tpu.memory_space<vmem>>
      %dma_start3A_459 = tpu.memref_squeeze %dma_start3A_458 : memref<1x1x32x128xf32, #tpu.memory_space<vmem>> -> memref<32x128xf32, #tpu.memory_space<vmem>>
      %dma_start3A_460 = arith.constant 0 : i32
      %dma_start3A_461 = tpu.memref_slice %arg9[%add3A_447, %dma_start3A_460] : memref<64x32xi32, #tpu.memory_space<vmem>> -> memref<1x32xi32, #tpu.memory_space<vmem>>
      %dma_start3A_462 = tpu.memref_squeeze %dma_start3A_461 : memref<1x32xi32, #tpu.memory_space<vmem>> -> memref<32xi32, #tpu.memory_space<vmem>>
      %dma_start3A_463 = arith.constant 0 : i32
      %dma_start3A_464 = tpu.memref_slice %arg2[%dma_start3A_463, %mul3A_453] : memref<2048x32000xf32, #tpu.memory_space<hbm>> -> memref<2048x128xf32, #tpu.memory_space<hbm>>
      tpu.enqueue_indirect_dma source(%dma_start3A_464 : memref<2048x128xf32, #tpu.memory_space<hbm>>) target(%dma_start3A_459 : memref<32x128xf32, #tpu.memory_space<vmem>>) offsets(%dma_start3A_462 : memref<32xi32, #tpu.memory_space<vmem>>) semaphore(%arg13 : memref<!tpu.dma_semaphore, #tpu.memory_space<semaphore_mem>>)
      %mul3A_465 = arith.constant 16 : i32
      %mul3A_466 = arith.muli %scan3A_390, %mul3A_465 : i32
      %add3A_467 = arith.constant 8 : i32
      %add3A_468 = arith.addi %mul3A_466, %add3A_467 : i32
      %add3A_469 = arith.constant 3 : i32
      %add3A_470 = arith.addi %add3A_468, %add3A_469 : i32
      %slice3A_471 = vector.extract_strided_slice %get3A_395 {offsets = [11], sizes = [1], strides = [1]} : vector<16xi32> to vector<1xi32>
      %squeeze3A_472 = vector.extract %slice3A_471[0] : i32 from vector<1xi32>
      %shift_right_arithmetic3A_473 = arith.constant 7 : i32
      %shift_right_arithmetic3A_474 = arith.shrsi %squeeze3A_472, %shift_right_arithmetic3A_473 : i32
      %mul3A_475 = arith.constant 128 : i32
      %mul3A_476 = arith.muli %shift_right_arithmetic3A_474, %mul3A_475 : i32
      %dma_start3A_477 = arith.constant 1 : i32
      %dma_start3A_478 = arith.constant 3 : i32
      %dma_start3A_479 = arith.constant 0 : i32
      %dma_start3A_480 = arith.constant 0 : i32
      %dma_start3A_481 = tpu.memref_slice %arg7[%dma_start3A_477, %dma_start3A_478, %dma_start3A_479, %dma_start3A_480] : memref<2x8x32x128xf32, #tpu.memory_space<vmem>> -> memref<1x1x32x128xf32, #tpu.memory_space<vmem>>
      %dma_start3A_482 = tpu.memref_squeeze %dma_start3A_481 : memref<1x1x32x128xf32, #tpu.memory_space<vmem>> -> memref<32x128xf32, #tpu.memory_space<vmem>>
      %dma_start3A_483 = arith.constant 0 : i32
      %dma_start3A_484 = tpu.memref_slice %arg9[%add3A_470, %dma_start3A_483] : memref<64x32xi32, #tpu.memory_space<vmem>> -> memref<1x32xi32, #tpu.memory_space<vmem>>
      %dma_start3A_485 = tpu.memref_squeeze %dma_start3A_484 : memref<1x32xi32, #tpu.memory_space<vmem>> -> memref<32xi32, #tpu.memory_space<vmem>>
      %dma_start3A_486 = arith.constant 0 : i32
      %dma_start3A_487 = tpu.memref_slice %arg2[%dma_start3A_486, %mul3A_476] : memref<2048x32000xf32, #tpu.memory_space<hbm>> -> memref<2048x128xf32, #tpu.memory_space<hbm>>
      tpu.enqueue_indirect_dma source(%dma_start3A_487 : memref<2048x128xf32, #tpu.memory_space<hbm>>) target(%dma_start3A_482 : memref<32x128xf32, #tpu.memory_space<vmem>>) offsets(%dma_start3A_485 : memref<32xi32, #tpu.memory_space<vmem>>) semaphore(%arg13 : memref<!tpu.dma_semaphore, #tpu.memory_space<semaphore_mem>>)
      %mul3A_488 = arith.constant 16 : i32
      %mul3A_489 = arith.muli %scan3A_390, %mul3A_488 : i32
      %add3A_490 = arith.constant 8 : i32
      %add3A_491 = arith.addi %mul3A_489, %add3A_490 : i32
      %add3A_492 = arith.constant 4 : i32
      %add3A_493 = arith.addi %add3A_491, %add3A_492 : i32
      %slice3A_494 = vector.extract_strided_slice %get3A_395 {offsets = [12], sizes = [1], strides = [1]} : vector<16xi32> to vector<1xi32>
      %squeeze3A_495 = vector.extract %slice3A_494[0] : i32 from vector<1xi32>
      %shift_right_arithmetic3A_496 = arith.constant 7 : i32
      %shift_right_arithmetic3A_497 = arith.shrsi %squeeze3A_495, %shift_right_arithmetic3A_496 : i32
      %mul3A_498 = arith.constant 128 : i32
      %mul3A_499 = arith.muli %shift_right_arithmetic3A_497, %mul3A_498 : i32
      %dma_start3A_500 = arith.constant 1 : i32
      %dma_start3A_501 = arith.constant 4 : i32
      %dma_start3A_502 = arith.constant 0 : i32
      %dma_start3A_503 = arith.constant 0 : i32
      %dma_start3A_504 = tpu.memref_slice %arg7[%dma_start3A_500, %dma_start3A_501, %dma_start3A_502, %dma_start3A_503] : memref<2x8x32x128xf32, #tpu.memory_space<vmem>> -> memref<1x1x32x128xf32, #tpu.memory_space<vmem>>
      %dma_start3A_505 = tpu.memref_squeeze %dma_start3A_504 : memref<1x1x32x128xf32, #tpu.memory_space<vmem>> -> memref<32x128xf32, #tpu.memory_space<vmem>>
      %dma_start3A_506 = arith.constant 0 : i32
      %dma_start3A_507 = tpu.memref_slice %arg9[%add3A_493, %dma_start3A_506] : memref<64x32xi32, #tpu.memory_space<vmem>> -> memref<1x32xi32, #tpu.memory_space<vmem>>
      %dma_start3A_508 = tpu.memref_squeeze %dma_start3A_507 : memref<1x32xi32, #tpu.memory_space<vmem>> -> memref<32xi32, #tpu.memory_space<vmem>>
      %dma_start3A_509 = arith.constant 0 : i32
      %dma_start3A_510 = tpu.memref_slice %arg2[%dma_start3A_509, %mul3A_499] : memref<2048x32000xf32, #tpu.memory_space<hbm>> -> memref<2048x128xf32, #tpu.memory_space<hbm>>
      tpu.enqueue_indirect_dma source(%dma_start3A_510 : memref<2048x128xf32, #tpu.memory_space<hbm>>) target(%dma_start3A_505 : memref<32x128xf32, #tpu.memory_space<vmem>>) offsets(%dma_start3A_508 : memref<32xi32, #tpu.memory_space<vmem>>) semaphore(%arg13 : memref<!tpu.dma_semaphore, #tpu.memory_space<semaphore_mem>>)
      %mul3A_511 = arith.constant 16 : i32
      %mul3A_512 = arith.muli %scan3A_390, %mul3A_511 : i32
      %add3A_513 = arith.constant 8 : i32
      %add3A_514 = arith.addi %mul3A_512, %add3A_513 : i32
      %add3A_515 = arith.constant 5 : i32
      %add3A_516 = arith.addi %add3A_514, %add3A_515 : i32
      %slice3A_517 = vector.extract_strided_slice %get3A_395 {offsets = [13], sizes = [1], strides = [1]} : vector<16xi32> to vector<1xi32>
      %squeeze3A_518 = vector.extract %slice3A_517[0] : i32 from vector<1xi32>
      %shift_right_arithmetic3A_519 = arith.constant 7 : i32
      %shift_right_arithmetic3A_520 = arith.shrsi %squeeze3A_518, %shift_right_arithmetic3A_519 : i32
      %mul3A_521 = arith.constant 128 : i32
      %mul3A_522 = arith.muli %shift_right_arithmetic3A_520, %mul3A_521 : i32
      %dma_start3A_523 = arith.constant 1 : i32
      %dma_start3A_524 = arith.constant 5 : i32
      %dma_start3A_525 = arith.constant 0 : i32
      %dma_start3A_526 = arith.constant 0 : i32
      %dma_start3A_527 = tpu.memref_slice %arg7[%dma_start3A_523, %dma_start3A_524, %dma_start3A_525, %dma_start3A_526] : memref<2x8x32x128xf32, #tpu.memory_space<vmem>> -> memref<1x1x32x128xf32, #tpu.memory_space<vmem>>
      %dma_start3A_528 = tpu.memref_squeeze %dma_start3A_527 : memref<1x1x32x128xf32, #tpu.memory_space<vmem>> -> memref<32x128xf32, #tpu.memory_space<vmem>>
      %dma_start3A_529 = arith.constant 0 : i32
      %dma_start3A_530 = tpu.memref_slice %arg9[%add3A_516, %dma_start3A_529] : memref<64x32xi32, #tpu.memory_space<vmem>> -> memref<1x32xi32, #tpu.memory_space<vmem>>
      %dma_start3A_531 = tpu.memref_squeeze %dma_start3A_530 : memref<1x32xi32, #tpu.memory_space<vmem>> -> memref<32xi32, #tpu.memory_space<vmem>>
      %dma_start3A_532 = arith.constant 0 : i32
      %dma_start3A_533 = tpu.memref_slice %arg2[%dma_start3A_532, %mul3A_522] : memref<2048x32000xf32, #tpu.memory_space<hbm>> -> memref<2048x128xf32, #tpu.memory_space<hbm>>
      tpu.enqueue_indirect_dma source(%dma_start3A_533 : memref<2048x128xf32, #tpu.memory_space<hbm>>) target(%dma_start3A_528 : memref<32x128xf32, #tpu.memory_space<vmem>>) offsets(%dma_start3A_531 : memref<32xi32, #tpu.memory_space<vmem>>) semaphore(%arg13 : memref<!tpu.dma_semaphore, #tpu.memory_space<semaphore_mem>>)
      %mul3A_534 = arith.constant 16 : i32
      %mul3A_535 = arith.muli %scan3A_390, %mul3A_534 : i32
      %add3A_536 = arith.constant 8 : i32
      %add3A_537 = arith.addi %mul3A_535, %add3A_536 : i32
      %add3A_538 = arith.constant 6 : i32
      %add3A_539 = arith.addi %add3A_537, %add3A_538 : i32
      %slice3A_540 = vector.extract_strided_slice %get3A_395 {offsets = [14], sizes = [1], strides = [1]} : vector<16xi32> to vector<1xi32>
      %squeeze3A_541 = vector.extract %slice3A_540[0] : i32 from vector<1xi32>
      %shift_right_arithmetic3A_542 = arith.constant 7 : i32
      %shift_right_arithmetic3A_543 = arith.shrsi %squeeze3A_541, %shift_right_arithmetic3A_542 : i32
      %mul3A_544 = arith.constant 128 : i32
      %mul3A_545 = arith.muli %shift_right_arithmetic3A_543, %mul3A_544 : i32
      %dma_start3A_546 = arith.constant 1 : i32
      %dma_start3A_547 = arith.constant 6 : i32
      %dma_start3A_548 = arith.constant 0 : i32
      %dma_start3A_549 = arith.constant 0 : i32
      %dma_start3A_550 = tpu.memref_slice %arg7[%dma_start3A_546, %dma_start3A_547, %dma_start3A_548, %dma_start3A_549] : memref<2x8x32x128xf32, #tpu.memory_space<vmem>> -> memref<1x1x32x128xf32, #tpu.memory_space<vmem>>
      %dma_start3A_551 = tpu.memref_squeeze %dma_start3A_550 : memref<1x1x32x128xf32, #tpu.memory_space<vmem>> -> memref<32x128xf32, #tpu.memory_space<vmem>>
      %dma_start3A_552 = arith.constant 0 : i32
      %dma_start3A_553 = tpu.memref_slice %arg9[%add3A_539, %dma_start3A_552] : memref<64x32xi32, #tpu.memory_space<vmem>> -> memref<1x32xi32, #tpu.memory_space<vmem>>
      %dma_start3A_554 = tpu.memref_squeeze %dma_start3A_553 : memref<1x32xi32, #tpu.memory_space<vmem>> -> memref<32xi32, #tpu.memory_space<vmem>>
      %dma_start3A_555 = arith.constant 0 : i32
      %dma_start3A_556 = tpu.memref_slice %arg2[%dma_start3A_555, %mul3A_545] : memref<2048x32000xf32, #tpu.memory_space<hbm>> -> memref<2048x128xf32, #tpu.memory_space<hbm>>
      tpu.enqueue_indirect_dma source(%dma_start3A_556 : memref<2048x128xf32, #tpu.memory_space<hbm>>) target(%dma_start3A_551 : memref<32x128xf32, #tpu.memory_space<vmem>>) offsets(%dma_start3A_554 : memref<32xi32, #tpu.memory_space<vmem>>) semaphore(%arg13 : memref<!tpu.dma_semaphore, #tpu.memory_space<semaphore_mem>>)
      %mul3A_557 = arith.constant 16 : i32
      %mul3A_558 = arith.muli %scan3A_390, %mul3A_557 : i32
      %add3A_559 = arith.constant 8 : i32
      %add3A_560 = arith.addi %mul3A_558, %add3A_559 : i32
      %add3A_561 = arith.constant 7 : i32
      %add3A_562 = arith.addi %add3A_560, %add3A_561 : i32
      %slice3A_563 = vector.extract_strided_slice %get3A_395 {offsets = [15], sizes = [1], strides = [1]} : vector<16xi32> to vector<1xi32>
      %squeeze3A_564 = vector.extract %slice3A_563[0] : i32 from vector<1xi32>
      %shift_right_arithmetic3A_565 = arith.constant 7 : i32
      %shift_right_arithmetic3A_566 = arith.shrsi %squeeze3A_564, %shift_right_arithmetic3A_565 : i32
      %mul3A_567 = arith.constant 128 : i32
      %mul3A_568 = arith.muli %shift_right_arithmetic3A_566, %mul3A_567 : i32
      %dma_start3A_569 = arith.constant 1 : i32
      %dma_start3A_570 = arith.constant 7 : i32
      %dma_start3A_571 = arith.constant 0 : i32
      %dma_start3A_572 = arith.constant 0 : i32
      %dma_start3A_573 = tpu.memref_slice %arg7[%dma_start3A_569, %dma_start3A_570, %dma_start3A_571, %dma_start3A_572] : memref<2x8x32x128xf32, #tpu.memory_space<vmem>> -> memref<1x1x32x128xf32, #tpu.memory_space<vmem>>
      %dma_start3A_574 = tpu.memref_squeeze %dma_start3A_573 : memref<1x1x32x128xf32, #tpu.memory_space<vmem>> -> memref<32x128xf32, #tpu.memory_space<vmem>>
      %dma_start3A_575 = arith.constant 0 : i32
      %dma_start3A_576 = tpu.memref_slice %arg9[%add3A_562, %dma_start3A_575] : memref<64x32xi32, #tpu.memory_space<vmem>> -> memref<1x32xi32, #tpu.memory_space<vmem>>
      %dma_start3A_577 = tpu.memref_squeeze %dma_start3A_576 : memref<1x32xi32, #tpu.memory_space<vmem>> -> memref<32xi32, #tpu.memory_space<vmem>>
      %dma_start3A_578 = arith.constant 0 : i32
      %dma_start3A_579 = tpu.memref_slice %arg2[%dma_start3A_578, %mul3A_568] : memref<2048x32000xf32, #tpu.memory_space<hbm>> -> memref<2048x128xf32, #tpu.memory_space<hbm>>
      tpu.enqueue_indirect_dma source(%dma_start3A_579 : memref<2048x128xf32, #tpu.memory_space<hbm>>) target(%dma_start3A_574 : memref<32x128xf32, #tpu.memory_space<vmem>>) offsets(%dma_start3A_577 : memref<32xi32, #tpu.memory_space<vmem>>) semaphore(%arg13 : memref<!tpu.dma_semaphore, #tpu.memory_space<semaphore_mem>>)
      %dma_wait3A = arith.constant 0 : i32
      %dma_wait3A_580 = arith.constant 0 : i32
      %dma_wait3A_581 = arith.constant 0 : i32
      %dma_wait3A_582 = arith.constant 0 : i32
      %dma_wait3A_583 = arith.constant 0 : i32
      %dma_wait3A_584 = tpu.memref_slice %arg7[%dma_wait3A_580, %dma_wait3A_581, %dma_wait3A_582, %dma_wait3A_583] : memref<2x8x32x128xf32, #tpu.memory_space<vmem>> -> memref<1x1x32x128xf32, #tpu.memory_space<vmem>>
      %dma_wait3A_585 = tpu.memref_squeeze %dma_wait3A_584 : memref<1x1x32x128xf32, #tpu.memory_space<vmem>> -> memref<32x128xf32, #tpu.memory_space<vmem>>
      %dma_wait3A_586 = arith.constant 0 : i32
      %dma_wait3A_587 = tpu.memref_slice %arg9[%dma_wait3A, %dma_wait3A_586] : memref<64x32xi32, #tpu.memory_space<vmem>> -> memref<1x32xi32, #tpu.memory_space<vmem>>
      %dma_wait3A_588 = tpu.memref_squeeze %dma_wait3A_587 : memref<1x32xi32, #tpu.memory_space<vmem>> -> memref<32xi32, #tpu.memory_space<vmem>>
      %dma_wait3A_589 = arith.constant 0 : i32
      %dma_wait3A_590 = arith.constant 0 : i32
      %dma_wait3A_591 = tpu.memref_slice %arg2[%dma_wait3A_589, %dma_wait3A_590] : memref<2048x32000xf32, #tpu.memory_space<hbm>> -> memref<2048x128xf32, #tpu.memory_space<hbm>>
      tpu.wait_indirect_dma semaphore(%arg12 : memref<!tpu.dma_semaphore, #tpu.memory_space<semaphore_mem>>) src(%dma_wait3A_591 : memref<2048x128xf32, #tpu.memory_space<hbm>>) dst(%dma_wait3A_585 : memref<32x128xf32, #tpu.memory_space<vmem>>)
      %dma_wait3A_592 = arith.constant 0 : i32
      %dma_wait3A_593 = arith.constant 0 : i32
      %dma_wait3A_594 = arith.constant 1 : i32
      %dma_wait3A_595 = arith.constant 0 : i32
      %dma_wait3A_596 = arith.constant 0 : i32
      %dma_wait3A_597 = tpu.memref_slice %arg7[%dma_wait3A_593, %dma_wait3A_594, %dma_wait3A_595, %dma_wait3A_596] : memref<2x8x32x128xf32, #tpu.memory_space<vmem>> -> memref<1x1x32x128xf32, #tpu.memory_space<vmem>>
      %dma_wait3A_598 = tpu.memref_squeeze %dma_wait3A_597 : memref<1x1x32x128xf32, #tpu.memory_space<vmem>> -> memref<32x128xf32, #tpu.memory_space<vmem>>
      %dma_wait3A_599 = arith.constant 0 : i32
      %dma_wait3A_600 = tpu.memref_slice %arg9[%dma_wait3A_592, %dma_wait3A_599] : memref<64x32xi32, #tpu.memory_space<vmem>> -> memref<1x32xi32, #tpu.memory_space<vmem>>
      %dma_wait3A_601 = tpu.memref_squeeze %dma_wait3A_600 : memref<1x32xi32, #tpu.memory_space<vmem>> -> memref<32xi32, #tpu.memory_space<vmem>>
      %dma_wait3A_602 = arith.constant 0 : i32
      %dma_wait3A_603 = arith.constant 0 : i32
      %dma_wait3A_604 = tpu.memref_slice %arg2[%dma_wait3A_602, %dma_wait3A_603] : memref<2048x32000xf32, #tpu.memory_space<hbm>> -> memref<2048x128xf32, #tpu.memory_space<hbm>>
      tpu.wait_indirect_dma semaphore(%arg12 : memref<!tpu.dma_semaphore, #tpu.memory_space<semaphore_mem>>) src(%dma_wait3A_604 : memref<2048x128xf32, #tpu.memory_space<hbm>>) dst(%dma_wait3A_598 : memref<32x128xf32, #tpu.memory_space<vmem>>)
      %dma_wait3A_605 = arith.constant 0 : i32
      %dma_wait3A_606 = arith.constant 0 : i32
      %dma_wait3A_607 = arith.constant 2 : i32
      %dma_wait3A_608 = arith.constant 0 : i32
      %dma_wait3A_609 = arith.constant 0 : i32
      %dma_wait3A_610 = tpu.memref_slice %arg7[%dma_wait3A_606, %dma_wait3A_607, %dma_wait3A_608, %dma_wait3A_609] : memref<2x8x32x128xf32, #tpu.memory_space<vmem>> -> memref<1x1x32x128xf32, #tpu.memory_space<vmem>>
      %dma_wait3A_611 = tpu.memref_squeeze %dma_wait3A_610 : memref<1x1x32x128xf32, #tpu.memory_space<vmem>> -> memref<32x128xf32, #tpu.memory_space<vmem>>
      %dma_wait3A_612 = arith.constant 0 : i32
      %dma_wait3A_613 = tpu.memref_slice %arg9[%dma_wait3A_605, %dma_wait3A_612] : memref<64x32xi32, #tpu.memory_space<vmem>> -> memref<1x32xi32, #tpu.memory_space<vmem>>
      %dma_wait3A_614 = tpu.memref_squeeze %dma_wait3A_613 : memref<1x32xi32, #tpu.memory_space<vmem>> -> memref<32xi32, #tpu.memory_space<vmem>>
      %dma_wait3A_615 = arith.constant 0 : i32
      %dma_wait3A_616 = arith.constant 0 : i32
      %dma_wait3A_617 = tpu.memref_slice %arg2[%dma_wait3A_615, %dma_wait3A_616] : memref<2048x32000xf32, #tpu.memory_space<hbm>> -> memref<2048x128xf32, #tpu.memory_space<hbm>>
      tpu.wait_indirect_dma semaphore(%arg12 : memref<!tpu.dma_semaphore, #tpu.memory_space<semaphore_mem>>) src(%dma_wait3A_617 : memref<2048x128xf32, #tpu.memory_space<hbm>>) dst(%dma_wait3A_611 : memref<32x128xf32, #tpu.memory_space<vmem>>)
      %dma_wait3A_618 = arith.constant 0 : i32
      %dma_wait3A_619 = arith.constant 0 : i32
      %dma_wait3A_620 = arith.constant 3 : i32
      %dma_wait3A_621 = arith.constant 0 : i32
      %dma_wait3A_622 = arith.constant 0 : i32
      %dma_wait3A_623 = tpu.memref_slice %arg7[%dma_wait3A_619, %dma_wait3A_620, %dma_wait3A_621, %dma_wait3A_622] : memref<2x8x32x128xf32, #tpu.memory_space<vmem>> -> memref<1x1x32x128xf32, #tpu.memory_space<vmem>>
      %dma_wait3A_624 = tpu.memref_squeeze %dma_wait3A_623 : memref<1x1x32x128xf32, #tpu.memory_space<vmem>> -> memref<32x128xf32, #tpu.memory_space<vmem>>
      %dma_wait3A_625 = arith.constant 0 : i32
      %dma_wait3A_626 = tpu.memref_slice %arg9[%dma_wait3A_618, %dma_wait3A_625] : memref<64x32xi32, #tpu.memory_space<vmem>> -> memref<1x32xi32, #tpu.memory_space<vmem>>
      %dma_wait3A_627 = tpu.memref_squeeze %dma_wait3A_626 : memref<1x32xi32, #tpu.memory_space<vmem>> -> memref<32xi32, #tpu.memory_space<vmem>>
      %dma_wait3A_628 = arith.constant 0 : i32
      %dma_wait3A_629 = arith.constant 0 : i32
      %dma_wait3A_630 = tpu.memref_slice %arg2[%dma_wait3A_628, %dma_wait3A_629] : memref<2048x32000xf32, #tpu.memory_space<hbm>> -> memref<2048x128xf32, #tpu.memory_space<hbm>>
      tpu.wait_indirect_dma semaphore(%arg12 : memref<!tpu.dma_semaphore, #tpu.memory_space<semaphore_mem>>) src(%dma_wait3A_630 : memref<2048x128xf32, #tpu.memory_space<hbm>>) dst(%dma_wait3A_624 : memref<32x128xf32, #tpu.memory_space<vmem>>)
      %dma_wait3A_631 = arith.constant 0 : i32
      %dma_wait3A_632 = arith.constant 0 : i32
      %dma_wait3A_633 = arith.constant 4 : i32
      %dma_wait3A_634 = arith.constant 0 : i32
      %dma_wait3A_635 = arith.constant 0 : i32
      %dma_wait3A_636 = tpu.memref_slice %arg7[%dma_wait3A_632, %dma_wait3A_633, %dma_wait3A_634, %dma_wait3A_635] : memref<2x8x32x128xf32, #tpu.memory_space<vmem>> -> memref<1x1x32x128xf32, #tpu.memory_space<vmem>>
      %dma_wait3A_637 = tpu.memref_squeeze %dma_wait3A_636 : memref<1x1x32x128xf32, #tpu.memory_space<vmem>> -> memref<32x128xf32, #tpu.memory_space<vmem>>
      %dma_wait3A_638 = arith.constant 0 : i32
      %dma_wait3A_639 = tpu.memref_slice %arg9[%dma_wait3A_631, %dma_wait3A_638] : memref<64x32xi32, #tpu.memory_space<vmem>> -> memref<1x32xi32, #tpu.memory_space<vmem>>
      %dma_wait3A_640 = tpu.memref_squeeze %dma_wait3A_639 : memref<1x32xi32, #tpu.memory_space<vmem>> -> memref<32xi32, #tpu.memory_space<vmem>>
      %dma_wait3A_641 = arith.constant 0 : i32
      %dma_wait3A_642 = arith.constant 0 : i32
      %dma_wait3A_643 = tpu.memref_slice %arg2[%dma_wait3A_641, %dma_wait3A_642] : memref<2048x32000xf32, #tpu.memory_space<hbm>> -> memref<2048x128xf32, #tpu.memory_space<hbm>>
      tpu.wait_indirect_dma semaphore(%arg12 : memref<!tpu.dma_semaphore, #tpu.memory_space<semaphore_mem>>) src(%dma_wait3A_643 : memref<2048x128xf32, #tpu.memory_space<hbm>>) dst(%dma_wait3A_637 : memref<32x128xf32, #tpu.memory_space<vmem>>)
      %dma_wait3A_644 = arith.constant 0 : i32
      %dma_wait3A_645 = arith.constant 0 : i32
      %dma_wait3A_646 = arith.constant 5 : i32
      %dma_wait3A_647 = arith.constant 0 : i32
      %dma_wait3A_648 = arith.constant 0 : i32
      %dma_wait3A_649 = tpu.memref_slice %arg7[%dma_wait3A_645, %dma_wait3A_646, %dma_wait3A_647, %dma_wait3A_648] : memref<2x8x32x128xf32, #tpu.memory_space<vmem>> -> memref<1x1x32x128xf32, #tpu.memory_space<vmem>>
      %dma_wait3A_650 = tpu.memref_squeeze %dma_wait3A_649 : memref<1x1x32x128xf32, #tpu.memory_space<vmem>> -> memref<32x128xf32, #tpu.memory_space<vmem>>
      %dma_wait3A_651 = arith.constant 0 : i32
      %dma_wait3A_652 = tpu.memref_slice %arg9[%dma_wait3A_644, %dma_wait3A_651] : memref<64x32xi32, #tpu.memory_space<vmem>> -> memref<1x32xi32, #tpu.memory_space<vmem>>
      %dma_wait3A_653 = tpu.memref_squeeze %dma_wait3A_652 : memref<1x32xi32, #tpu.memory_space<vmem>> -> memref<32xi32, #tpu.memory_space<vmem>>
      %dma_wait3A_654 = arith.constant 0 : i32
      %dma_wait3A_655 = arith.constant 0 : i32
      %dma_wait3A_656 = tpu.memref_slice %arg2[%dma_wait3A_654, %dma_wait3A_655] : memref<2048x32000xf32, #tpu.memory_space<hbm>> -> memref<2048x128xf32, #tpu.memory_space<hbm>>
      tpu.wait_indirect_dma semaphore(%arg12 : memref<!tpu.dma_semaphore, #tpu.memory_space<semaphore_mem>>) src(%dma_wait3A_656 : memref<2048x128xf32, #tpu.memory_space<hbm>>) dst(%dma_wait3A_650 : memref<32x128xf32, #tpu.memory_space<vmem>>)
      %dma_wait3A_657 = arith.constant 0 : i32
      %dma_wait3A_658 = arith.constant 0 : i32
      %dma_wait3A_659 = arith.constant 6 : i32
      %dma_wait3A_660 = arith.constant 0 : i32
      %dma_wait3A_661 = arith.constant 0 : i32
      %dma_wait3A_662 = tpu.memref_slice %arg7[%dma_wait3A_658, %dma_wait3A_659, %dma_wait3A_660, %dma_wait3A_661] : memref<2x8x32x128xf32, #tpu.memory_space<vmem>> -> memref<1x1x32x128xf32, #tpu.memory_space<vmem>>
      %dma_wait3A_663 = tpu.memref_squeeze %dma_wait3A_662 : memref<1x1x32x128xf32, #tpu.memory_space<vmem>> -> memref<32x128xf32, #tpu.memory_space<vmem>>
      %dma_wait3A_664 = arith.constant 0 : i32
      %dma_wait3A_665 = tpu.memref_slice %arg9[%dma_wait3A_657, %dma_wait3A_664] : memref<64x32xi32, #tpu.memory_space<vmem>> -> memref<1x32xi32, #tpu.memory_space<vmem>>
      %dma_wait3A_666 = tpu.memref_squeeze %dma_wait3A_665 : memref<1x32xi32, #tpu.memory_space<vmem>> -> memref<32xi32, #tpu.memory_space<vmem>>
      %dma_wait3A_667 = arith.constant 0 : i32
      %dma_wait3A_668 = arith.constant 0 : i32
      %dma_wait3A_669 = tpu.memref_slice %arg2[%dma_wait3A_667, %dma_wait3A_668] : memref<2048x32000xf32, #tpu.memory_space<hbm>> -> memref<2048x128xf32, #tpu.memory_space<hbm>>
      tpu.wait_indirect_dma semaphore(%arg12 : memref<!tpu.dma_semaphore, #tpu.memory_space<semaphore_mem>>) src(%dma_wait3A_669 : memref<2048x128xf32, #tpu.memory_space<hbm>>) dst(%dma_wait3A_663 : memref<32x128xf32, #tpu.memory_space<vmem>>)
      %dma_wait3A_670 = arith.constant 0 : i32
      %dma_wait3A_671 = arith.constant 0 : i32
      %dma_wait3A_672 = arith.constant 7 : i32
      %dma_wait3A_673 = arith.constant 0 : i32
      %dma_wait3A_674 = arith.constant 0 : i32
      %dma_wait3A_675 = tpu.memref_slice %arg7[%dma_wait3A_671, %dma_wait3A_672, %dma_wait3A_673, %dma_wait3A_674] : memref<2x8x32x128xf32, #tpu.memory_space<vmem>> -> memref<1x1x32x128xf32, #tpu.memory_space<vmem>>
      %dma_wait3A_676 = tpu.memref_squeeze %dma_wait3A_675 : memref<1x1x32x128xf32, #tpu.memory_space<vmem>> -> memref<32x128xf32, #tpu.memory_space<vmem>>
      %dma_wait3A_677 = arith.constant 0 : i32
      %dma_wait3A_678 = tpu.memref_slice %arg9[%dma_wait3A_670, %dma_wait3A_677] : memref<64x32xi32, #tpu.memory_space<vmem>> -> memref<1x32xi32, #tpu.memory_space<vmem>>
      %dma_wait3A_679 = tpu.memref_squeeze %dma_wait3A_678 : memref<1x32xi32, #tpu.memory_space<vmem>> -> memref<32xi32, #tpu.memory_space<vmem>>
      %dma_wait3A_680 = arith.constant 0 : i32
      %dma_wait3A_681 = arith.constant 0 : i32
      %dma_wait3A_682 = tpu.memref_slice %arg2[%dma_wait3A_680, %dma_wait3A_681] : memref<2048x32000xf32, #tpu.memory_space<hbm>> -> memref<2048x128xf32, #tpu.memory_space<hbm>>
      tpu.wait_indirect_dma semaphore(%arg12 : memref<!tpu.dma_semaphore, #tpu.memory_space<semaphore_mem>>) src(%dma_wait3A_682 : memref<2048x128xf32, #tpu.memory_space<hbm>>) dst(%dma_wait3A_676 : memref<32x128xf32, #tpu.memory_space<vmem>>)
      %slice3A_683 = vector.extract_strided_slice %get3A_395 {offsets = [0], sizes = [1], strides = [1]} : vector<16xi32> to vector<1xi32>
      %squeeze3A_684 = vector.extract %slice3A_683[0] : i32 from vector<1xi32>
      %and3A_685 = arith.constant 127 : i32
      %and3A_686 = arith.andi %squeeze3A_684, %and3A_685 : i32
      %broadcast_in_dim3A_687 = vector.broadcast %and3A_686 : i32 to vector<16xi32>
      %broadcast_in_dim3A_688 = arith.constant 0 : i32
      %broadcast_in_dim3A_689 = vector.broadcast %broadcast_in_dim3A_688 : i32 to vector<16xi32>
      %add3A_690 = arith.constant 0 : i32
      %add3A_691 = vector.broadcast %add3A_690 : i32 to vector<16xi32>
      %add3A_692 = arith.addi %broadcast_in_dim3A_689, %add3A_691 : vector<16xi32>
      %broadcast_in_dim3A_693 = arith.constant 0 : i32
      %broadcast_in_dim3A_694 = vector.broadcast %broadcast_in_dim3A_693 : i32 to vector<16xi32>
      %add3A_695 = arith.constant 0 : i32
      %add3A_696 = vector.broadcast %add3A_695 : i32 to vector<16xi32>
      %add3A_697 = arith.addi %add3A_696, %iota3A : vector<16xi32>
      %gather3A_698 = tpu.vector_load_idx %arg7[%add3A_692, %broadcast_in_dim3A_694, %add3A_697, %broadcast_in_dim3A_687] : memref<2x8x32x128xf32, #tpu.memory_space<vmem>>[vector<16xi32>, vector<16xi32>, vector<16xi32>, vector<16xi32>], vector<16xf32>,
      %get3A_699 = arith.constant 0 : index
      %get3A_700 = tpu.vector_load %arg8[%get3A_699] {strides = array<i32>} : memref<32xf32, #tpu.memory_space<vmem>>, vector<16xf32>,
      %jit3A_701 = arith.constant -3.000000e+01 : f32
      %jit3A_702 = arith.constant 3.000000e+01 : f32
      %max3A_703 = vector.broadcast %jit3A_701 : f32 to vector<16xf32>
      %max3A_704 = arith.maximumf %max3A_703, %gather3A_698 : vector<16xf32>
      %min3A = vector.broadcast %jit3A_702 : f32 to vector<16xf32>
      %min3A_705 = arith.minimumf %min3A, %max3A_704 : vector<16xf32>
      %add3A_706 = arith.addf %get3A_700, %min3A_705 : vector<16xf32>
      %swap3A_707 = arith.constant 0 : index
      %swap3A_708 = tpu.vector_load %arg8[%swap3A_707] {strides = array<i32>} : memref<32xf32, #tpu.memory_space<vmem>>, vector<16xf32>,
      tpu.vector_store %arg8[%swap3A_707], %add3A_706 {strides = array<i32>} : memref<32xf32, #tpu.memory_space<vmem>>, vector<16xf32>,
      %broadcast_in_dim3A_709 = arith.constant 0 : i32
      %broadcast_in_dim3A_710 = vector.broadcast %broadcast_in_dim3A_709 : i32 to vector<16xi32>
      %add3A_711 = arith.constant 0 : i32
      %add3A_712 = vector.broadcast %add3A_711 : i32 to vector<16xi32>
      %add3A_713 = arith.addi %broadcast_in_dim3A_710, %add3A_712 : vector<16xi32>
      %broadcast_in_dim3A_714 = arith.constant 0 : i32
      %broadcast_in_dim3A_715 = vector.broadcast %broadcast_in_dim3A_714 : i32 to vector<16xi32>
      %add3A_716 = arith.constant 16 : i32
      %add3A_717 = vector.broadcast %add3A_716 : i32 to vector<16xi32>
      %add3A_718 = arith.addi %add3A_717, %iota3A : vector<16xi32>
      %gather3A_719 = tpu.vector_load_idx %arg7[%add3A_713, %broadcast_in_dim3A_715, %add3A_718, %broadcast_in_dim3A_687] : memref<2x8x32x128xf32, #tpu.memory_space<vmem>>[vector<16xi32>, vector<16xi32>, vector<16xi32>, vector<16xi32>], vector<16xf32>,
      %get3A_720 = arith.constant 16 : index
      %get3A_721 = tpu.vector_load %arg8[%get3A_720] {strides = array<i32>} : memref<32xf32, #tpu.memory_space<vmem>>, vector<16xf32>,
      %jit3A_722 = arith.constant -3.000000e+01 : f32
      %jit3A_723 = arith.constant 3.000000e+01 : f32
      %max3A_724 = vector.broadcast %jit3A_722 : f32 to vector<16xf32>
      %max3A_725 = arith.maximumf %max3A_724, %gather3A_719 : vector<16xf32>
      %min3A_726 = vector.broadcast %jit3A_723 : f32 to vector<16xf32>
      %min3A_727 = arith.minimumf %min3A_726, %max3A_725 : vector<16xf32>
      %add3A_728 = arith.addf %get3A_721, %min3A_727 : vector<16xf32>
      %swap3A_729 = arith.constant 16 : index
      %swap3A_730 = tpu.vector_load %arg8[%swap3A_729] {strides = array<i32>} : memref<32xf32, #tpu.memory_space<vmem>>, vector<16xf32>,
      tpu.vector_store %arg8[%swap3A_729], %add3A_728 {strides = array<i32>} : memref<32xf32, #tpu.memory_space<vmem>>, vector<16xf32>,
      %slice3A_731 = vector.extract_strided_slice %get3A_395 {offsets = [1], sizes = [1], strides = [1]} : vector<16xi32> to vector<1xi32>
      %squeeze3A_732 = vector.extract %slice3A_731[0] : i32 from vector<1xi32>
      %and3A_733 = arith.constant 127 : i32
      %and3A_734 = arith.andi %squeeze3A_732, %and3A_733 : i32
      %broadcast_in_dim3A_735 = vector.broadcast %and3A_734 : i32 to vector<16xi32>
      %broadcast_in_dim3A_736 = arith.constant 0 : i32
      %broadcast_in_dim3A_737 = vector.broadcast %broadcast_in_dim3A_736 : i32 to vector<16xi32>
      %add3A_738 = arith.constant 0 : i32
      %add3A_739 = vector.broadcast %add3A_738 : i32 to vector<16xi32>
      %add3A_740 = arith.addi %broadcast_in_dim3A_737, %add3A_739 : vector<16xi32>
      %broadcast_in_dim3A_741 = arith.constant 1 : i32
      %broadcast_in_dim3A_742 = vector.broadcast %broadcast_in_dim3A_741 : i32 to vector<16xi32>
      %add3A_743 = arith.constant 0 : i32
      %add3A_744 = vector.broadcast %add3A_743 : i32 to vector<16xi32>
      %add3A_745 = arith.addi %add3A_744, %iota3A : vector<16xi32>
      %gather3A_746 = tpu.vector_load_idx %arg7[%add3A_740, %broadcast_in_dim3A_742, %add3A_745, %broadcast_in_dim3A_735] : memref<2x8x32x128xf32, #tpu.memory_space<vmem>>[vector<16xi32>, vector<16xi32>, vector<16xi32>, vector<16xi32>], vector<16xf32>,
      %get3A_747 = arith.constant 0 : index
      %get3A_748 = tpu.vector_load %arg8[%get3A_747] {strides = array<i32>} : memref<32xf32, #tpu.memory_space<vmem>>, vector<16xf32>,
      %jit3A_749 = arith.constant -3.000000e+01 : f32
      %jit3A_750 = arith.constant 3.000000e+01 : f32
      %max3A_751 = vector.broadcast %jit3A_749 : f32 to vector<16xf32>
      %max3A_752 = arith.maximumf %max3A_751, %gather3A_746 : vector<16xf32>
      %min3A_753 = vector.broadcast %jit3A_750 : f32 to vector<16xf32>
      %min3A_754 = arith.minimumf %min3A_753, %max3A_752 : vector<16xf32>
      %add3A_755 = arith.addf %get3A_748, %min3A_754 : vector<16xf32>
      %swap3A_756 = arith.constant 0 : index
      %swap3A_757 = tpu.vector_load %arg8[%swap3A_756] {strides = array<i32>} : memref<32xf32, #tpu.memory_space<vmem>>, vector<16xf32>,
      tpu.vector_store %arg8[%swap3A_756], %add3A_755 {strides = array<i32>} : memref<32xf32, #tpu.memory_space<vmem>>, vector<16xf32>,
      %broadcast_in_dim3A_758 = arith.constant 0 : i32
      %broadcast_in_dim3A_759 = vector.broadcast %broadcast_in_dim3A_758 : i32 to vector<16xi32>
      %add3A_760 = arith.constant 0 : i32
      %add3A_761 = vector.broadcast %add3A_760 : i32 to vector<16xi32>
      %add3A_762 = arith.addi %broadcast_in_dim3A_759, %add3A_761 : vector<16xi32>
      %broadcast_in_dim3A_763 = arith.constant 1 : i32
      %broadcast_in_dim3A_764 = vector.broadcast %broadcast_in_dim3A_763 : i32 to vector<16xi32>
      %add3A_765 = arith.constant 16 : i32
      %add3A_766 = vector.broadcast %add3A_765 : i32 to vector<16xi32>
      %add3A_767 = arith.addi %add3A_766, %iota3A : vector<16xi32>
      %gather3A_768 = tpu.vector_load_idx %arg7[%add3A_762, %broadcast_in_dim3A_764, %add3A_767, %broadcast_in_dim3A_735] : memref<2x8x32x128xf32, #tpu.memory_space<vmem>>[vector<16xi32>, vector<16xi32>, vector<16xi32>, vector<16xi32>], vector<16xf32>,
      %get3A_769 = arith.constant 16 : index
      %get3A_770 = tpu.vector_load %arg8[%get3A_769] {strides = array<i32>} : memref<32xf32, #tpu.memory_space<vmem>>, vector<16xf32>,
      %jit3A_771 = arith.constant -3.000000e+01 : f32
      %jit3A_772 = arith.constant 3.000000e+01 : f32
      %max3A_773 = vector.broadcast %jit3A_771 : f32 to vector<16xf32>
      %max3A_774 = arith.maximumf %max3A_773, %gather3A_768 : vector<16xf32>
      %min3A_775 = vector.broadcast %jit3A_772 : f32 to vector<16xf32>
      %min3A_776 = arith.minimumf %min3A_775, %max3A_774 : vector<16xf32>
      %add3A_777 = arith.addf %get3A_770, %min3A_776 : vector<16xf32>
      %swap3A_778 = arith.constant 16 : index
      %swap3A_779 = tpu.vector_load %arg8[%swap3A_778] {strides = array<i32>} : memref<32xf32, #tpu.memory_space<vmem>>, vector<16xf32>,
      tpu.vector_store %arg8[%swap3A_778], %add3A_777 {strides = array<i32>} : memref<32xf32, #tpu.memory_space<vmem>>, vector<16xf32>,
      %slice3A_780 = vector.extract_strided_slice %get3A_395 {offsets = [2], sizes = [1], strides = [1]} : vector<16xi32> to vector<1xi32>
      %squeeze3A_781 = vector.extract %slice3A_780[0] : i32 from vector<1xi32>
      %and3A_782 = arith.constant 127 : i32
      %and3A_783 = arith.andi %squeeze3A_781, %and3A_782 : i32
      %broadcast_in_dim3A_784 = vector.broadcast %and3A_783 : i32 to vector<16xi32>
      %broadcast_in_dim3A_785 = arith.constant 0 : i32
      %broadcast_in_dim3A_786 = vector.broadcast %broadcast_in_dim3A_785 : i32 to vector<16xi32>
      %add3A_787 = arith.constant 0 : i32
      %add3A_788 = vector.broadcast %add3A_787 : i32 to vector<16xi32>
      %add3A_789 = arith.addi %broadcast_in_dim3A_786, %add3A_788 : vector<16xi32>
      %broadcast_in_dim3A_790 = arith.constant 2 : i32
      %broadcast_in_dim3A_791 = vector.broadcast %broadcast_in_dim3A_790 : i32 to vector<16xi32>
      %add3A_792 = arith.constant 0 : i32
      %add3A_793 = vector.broadcast %add3A_792 : i32 to vector<16xi32>
      %add3A_794 = arith.addi %add3A_793, %iota3A : vector<16xi32>
      %gather3A_795 = tpu.vector_load_idx %arg7[%add3A_789, %broadcast_in_dim3A_791, %add3A_794, %broadcast_in_dim3A_784] : memref<2x8x32x128xf32, #tpu.memory_space<vmem>>[vector<16xi32>, vector<16xi32>, vector<16xi32>, vector<16xi32>], vector<16xf32>,
      %get3A_796 = arith.constant 0 : index
      %get3A_797 = tpu.vector_load %arg8[%get3A_796] {strides = array<i32>} : memref<32xf32, #tpu.memory_space<vmem>>, vector<16xf32>,
      %jit3A_798 = arith.constant -3.000000e+01 : f32
      %jit3A_799 = arith.constant 3.000000e+01 : f32
      %max3A_800 = vector.broadcast %jit3A_798 : f32 to vector<16xf32>
      %max3A_801 = arith.maximumf %max3A_800, %gather3A_795 : vector<16xf32>
      %min3A_802 = vector.broadcast %jit3A_799 : f32 to vector<16xf32>
      %min3A_803 = arith.minimumf %min3A_802, %max3A_801 : vector<16xf32>
      %add3A_804 = arith.addf %get3A_797, %min3A_803 : vector<16xf32>
      %swap3A_805 = arith.constant 0 : index
      %swap3A_806 = tpu.vector_load %arg8[%swap3A_805] {strides = array<i32>} : memref<32xf32, #tpu.memory_space<vmem>>, vector<16xf32>,
      tpu.vector_store %arg8[%swap3A_805], %add3A_804 {strides = array<i32>} : memref<32xf32, #tpu.memory_space<vmem>>, vector<16xf32>,
      %broadcast_in_dim3A_807 = arith.constant 0 : i32
      %broadcast_in_dim3A_808 = vector.broadcast %broadcast_in_dim3A_807 : i32 to vector<16xi32>
      %add3A_809 = arith.constant 0 : i32
      %add3A_810 = vector.broadcast %add3A_809 : i32 to vector<16xi32>
      %add3A_811 = arith.addi %broadcast_in_dim3A_808, %add3A_810 : vector<16xi32>
      %broadcast_in_dim3A_812 = arith.constant 2 : i32
      %broadcast_in_dim3A_813 = vector.broadcast %broadcast_in_dim3A_812 : i32 to vector<16xi32>
      %add3A_814 = arith.constant 16 : i32
      %add3A_815 = vector.broadcast %add3A_814 : i32 to vector<16xi32>
      %add3A_816 = arith.addi %add3A_815, %iota3A : vector<16xi32>
      %gather3A_817 = tpu.vector_load_idx %arg7[%add3A_811, %broadcast_in_dim3A_813, %add3A_816, %broadcast_in_dim3A_784] : memref<2x8x32x128xf32, #tpu.memory_space<vmem>>[vector<16xi32>, vector<16xi32>, vector<16xi32>, vector<16xi32>], vector<16xf32>,
      %get3A_818 = arith.constant 16 : index
      %get3A_819 = tpu.vector_load %arg8[%get3A_818] {strides = array<i32>} : memref<32xf32, #tpu.memory_space<vmem>>, vector<16xf32>,
      %jit3A_820 = arith.constant -3.000000e+01 : f32
      %jit3A_821 = arith.constant 3.000000e+01 : f32
      %max3A_822 = vector.broadcast %jit3A_820 : f32 to vector<16xf32>
      %max3A_823 = arith.maximumf %max3A_822, %gather3A_817 : vector<16xf32>
      %min3A_824 = vector.broadcast %jit3A_821 : f32 to vector<16xf32>
      %min3A_825 = arith.minimumf %min3A_824, %max3A_823 : vector<16xf32>
      %add3A_826 = arith.addf %get3A_819, %min3A_825 : vector<16xf32>
      %swap3A_827 = arith.constant 16 : index
      %swap3A_828 = tpu.vector_load %arg8[%swap3A_827] {strides = array<i32>} : memref<32xf32, #tpu.memory_space<vmem>>, vector<16xf32>,
      tpu.vector_store %arg8[%swap3A_827], %add3A_826 {strides = array<i32>} : memref<32xf32, #tpu.memory_space<vmem>>, vector<16xf32>,
      %slice3A_829 = vector.extract_strided_slice %get3A_395 {offsets = [3], sizes = [1], strides = [1]} : vector<16xi32> to vector<1xi32>
      %squeeze3A_830 = vector.extract %slice3A_829[0] : i32 from vector<1xi32>
      %and3A_831 = arith.constant 127 : i32
      %and3A_832 = arith.andi %squeeze3A_830, %and3A_831 : i32
      %broadcast_in_dim3A_833 = vector.broadcast %and3A_832 : i32 to vector<16xi32>
      %broadcast_in_dim3A_834 = arith.constant 0 : i32
      %broadcast_in_dim3A_835 = vector.broadcast %broadcast_in_dim3A_834 : i32 to vector<16xi32>
      %add3A_836 = arith.constant 0 : i32
      %add3A_837 = vector.broadcast %add3A_836 : i32 to vector<16xi32>
      %add3A_838 = arith.addi %broadcast_in_dim3A_835, %add3A_837 : vector<16xi32>
      %broadcast_in_dim3A_839 = arith.constant 3 : i32
      %broadcast_in_dim3A_840 = vector.broadcast %broadcast_in_dim3A_839 : i32 to vector<16xi32>
      %add3A_841 = arith.constant 0 : i32
      %add3A_842 = vector.broadcast %add3A_841 : i32 to vector<16xi32>
      %add3A_843 = arith.addi %add3A_842, %iota3A : vector<16xi32>
      %gather3A_844 = tpu.vector_load_idx %arg7[%add3A_838, %broadcast_in_dim3A_840, %add3A_843, %broadcast_in_dim3A_833] : memref<2x8x32x128xf32, #tpu.memory_space<vmem>>[vector<16xi32>, vector<16xi32>, vector<16xi32>, vector<16xi32>], vector<16xf32>,
      %get3A_845 = arith.constant 0 : index
      %get3A_846 = tpu.vector_load %arg8[%get3A_845] {strides = array<i32>} : memref<32xf32, #tpu.memory_space<vmem>>, vector<16xf32>,
      %jit3A_847 = arith.constant -3.000000e+01 : f32
      %jit3A_848 = arith.constant 3.000000e+01 : f32
      %max3A_849 = vector.broadcast %jit3A_847 : f32 to vector<16xf32>
      %max3A_850 = arith.maximumf %max3A_849, %gather3A_844 : vector<16xf32>
      %min3A_851 = vector.broadcast %jit3A_848 : f32 to vector<16xf32>
      %min3A_852 = arith.minimumf %min3A_851, %max3A_850 : vector<16xf32>
      %add3A_853 = arith.addf %get3A_846, %min3A_852 : vector<16xf32>
      %swap3A_854 = arith.constant 0 : index
      %swap3A_855 = tpu.vector_load %arg8[%swap3A_854] {strides = array<i32>} : memref<32xf32, #tpu.memory_space<vmem>>, vector<16xf32>,
      tpu.vector_store %arg8[%swap3A_854], %add3A_853 {strides = array<i32>} : memref<32xf32, #tpu.memory_space<vmem>>, vector<16xf32>,
      %broadcast_in_dim3A_856 = arith.constant 0 : i32
      %broadcast_in_dim3A_857 = vector.broadcast %broadcast_in_dim3A_856 : i32 to vector<16xi32>
      %add3A_858 = arith.constant 0 : i32
      %add3A_859 = vector.broadcast %add3A_858 : i32 to vector<16xi32>
      %add3A_860 = arith.addi %broadcast_in_dim3A_857, %add3A_859 : vector<16xi32>
      %broadcast_in_dim3A_861 = arith.constant 3 : i32
      %broadcast_in_dim3A_862 = vector.broadcast %broadcast_in_dim3A_861 : i32 to vector<16xi32>
      %add3A_863 = arith.constant 16 : i32
      %add3A_864 = vector.broadcast %add3A_863 : i32 to vector<16xi32>
      %add3A_865 = arith.addi %add3A_864, %iota3A : vector<16xi32>
      %gather3A_866 = tpu.vector_load_idx %arg7[%add3A_860, %broadcast_in_dim3A_862, %add3A_865, %broadcast_in_dim3A_833] : memref<2x8x32x128xf32, #tpu.memory_space<vmem>>[vector<16xi32>, vector<16xi32>, vector<16xi32>, vector<16xi32>], vector<16xf32>,
      %get3A_867 = arith.constant 16 : index
      %get3A_868 = tpu.vector_load %arg8[%get3A_867] {strides = array<i32>} : memref<32xf32, #tpu.memory_space<vmem>>, vector<16xf32>,
      %jit3A_869 = arith.constant -3.000000e+01 : f32
      %jit3A_870 = arith.constant 3.000000e+01 : f32
      %max3A_871 = vector.broadcast %jit3A_869 : f32 to vector<16xf32>
      %max3A_872 = arith.maximumf %max3A_871, %gather3A_866 : vector<16xf32>
      %min3A_873 = vector.broadcast %jit3A_870 : f32 to vector<16xf32>
      %min3A_874 = arith.minimumf %min3A_873, %max3A_872 : vector<16xf32>
      %add3A_875 = arith.addf %get3A_868, %min3A_874 : vector<16xf32>
      %swap3A_876 = arith.constant 16 : index
      %swap3A_877 = tpu.vector_load %arg8[%swap3A_876] {strides = array<i32>} : memref<32xf32, #tpu.memory_space<vmem>>, vector<16xf32>,
      tpu.vector_store %arg8[%swap3A_876], %add3A_875 {strides = array<i32>} : memref<32xf32, #tpu.memory_space<vmem>>, vector<16xf32>,
      %slice3A_878 = vector.extract_strided_slice %get3A_395 {offsets = [4], sizes = [1], strides = [1]} : vector<16xi32> to vector<1xi32>
      %squeeze3A_879 = vector.extract %slice3A_878[0] : i32 from vector<1xi32>
      %and3A_880 = arith.constant 127 : i32
      %and3A_881 = arith.andi %squeeze3A_879, %and3A_880 : i32
      %broadcast_in_dim3A_882 = vector.broadcast %and3A_881 : i32 to vector<16xi32>
      %broadcast_in_dim3A_883 = arith.constant 0 : i32
      %broadcast_in_dim3A_884 = vector.broadcast %broadcast_in_dim3A_883 : i32 to vector<16xi32>
      %add3A_885 = arith.constant 0 : i32
      %add3A_886 = vector.broadcast %add3A_885 : i32 to vector<16xi32>
      %add3A_887 = arith.addi %broadcast_in_dim3A_884, %add3A_886 : vector<16xi32>
      %broadcast_in_dim3A_888 = arith.constant 4 : i32
      %broadcast_in_dim3A_889 = vector.broadcast %broadcast_in_dim3A_888 : i32 to vector<16xi32>
      %add3A_890 = arith.constant 0 : i32
      %add3A_891 = vector.broadcast %add3A_890 : i32 to vector<16xi32>
      %add3A_892 = arith.addi %add3A_891, %iota3A : vector<16xi32>
      %gather3A_893 = tpu.vector_load_idx %arg7[%add3A_887, %broadcast_in_dim3A_889, %add3A_892, %broadcast_in_dim3A_882] : memref<2x8x32x128xf32, #tpu.memory_space<vmem>>[vector<16xi32>, vector<16xi32>, vector<16xi32>, vector<16xi32>], vector<16xf32>,
      %get3A_894 = arith.constant 0 : index
      %get3A_895 = tpu.vector_load %arg8[%get3A_894] {strides = array<i32>} : memref<32xf32, #tpu.memory_space<vmem>>, vector<16xf32>,
      %jit3A_896 = arith.constant -3.000000e+01 : f32
      %jit3A_897 = arith.constant 3.000000e+01 : f32
      %max3A_898 = vector.broadcast %jit3A_896 : f32 to vector<16xf32>
      %max3A_899 = arith.maximumf %max3A_898, %gather3A_893 : vector<16xf32>
      %min3A_900 = vector.broadcast %jit3A_897 : f32 to vector<16xf32>
      %min3A_901 = arith.minimumf %min3A_900, %max3A_899 : vector<16xf32>
      %add3A_902 = arith.addf %get3A_895, %min3A_901 : vector<16xf32>
      %swap3A_903 = arith.constant 0 : index
      %swap3A_904 = tpu.vector_load %arg8[%swap3A_903] {strides = array<i32>} : memref<32xf32, #tpu.memory_space<vmem>>, vector<16xf32>,
      tpu.vector_store %arg8[%swap3A_903], %add3A_902 {strides = array<i32>} : memref<32xf32, #tpu.memory_space<vmem>>, vector<16xf32>,
      %broadcast_in_dim3A_905 = arith.constant 0 : i32
      %broadcast_in_dim3A_906 = vector.broadcast %broadcast_in_dim3A_905 : i32 to vector<16xi32>
      %add3A_907 = arith.constant 0 : i32
      %add3A_908 = vector.broadcast %add3A_907 : i32 to vector<16xi32>
      %add3A_909 = arith.addi %broadcast_in_dim3A_906, %add3A_908 : vector<16xi32>
      %broadcast_in_dim3A_910 = arith.constant 4 : i32
      %broadcast_in_dim3A_911 = vector.broadcast %broadcast_in_dim3A_910 : i32 to vector<16xi32>
      %add3A_912 = arith.constant 16 : i32
      %add3A_913 = vector.broadcast %add3A_912 : i32 to vector<16xi32>
      %add3A_914 = arith.addi %add3A_913, %iota3A : vector<16xi32>
      %gather3A_915 = tpu.vector_load_idx %arg7[%add3A_909, %broadcast_in_dim3A_911, %add3A_914, %broadcast_in_dim3A_882] : memref<2x8x32x128xf32, #tpu.memory_space<vmem>>[vector<16xi32>, vector<16xi32>, vector<16xi32>, vector<16xi32>], vector<16xf32>,
      %get3A_916 = arith.constant 16 : index
      %get3A_917 = tpu.vector_load %arg8[%get3A_916] {strides = array<i32>} : memref<32xf32, #tpu.memory_space<vmem>>, vector<16xf32>,
      %jit3A_918 = arith.constant -3.000000e+01 : f32
      %jit3A_919 = arith.constant 3.000000e+01 : f32
      %max3A_920 = vector.broadcast %jit3A_918 : f32 to vector<16xf32>
      %max3A_921 = arith.maximumf %max3A_920, %gather3A_915 : vector<16xf32>
      %min3A_922 = vector.broadcast %jit3A_919 : f32 to vector<16xf32>
      %min3A_923 = arith.minimumf %min3A_922, %max3A_921 : vector<16xf32>
      %add3A_924 = arith.addf %get3A_917, %min3A_923 : vector<16xf32>
      %swap3A_925 = arith.constant 16 : index
      %swap3A_926 = tpu.vector_load %arg8[%swap3A_925] {strides = array<i32>} : memref<32xf32, #tpu.memory_space<vmem>>, vector<16xf32>,
      tpu.vector_store %arg8[%swap3A_925], %add3A_924 {strides = array<i32>} : memref<32xf32, #tpu.memory_space<vmem>>, vector<16xf32>,
      %slice3A_927 = vector.extract_strided_slice %get3A_395 {offsets = [5], sizes = [1], strides = [1]} : vector<16xi32> to vector<1xi32>
      %squeeze3A_928 = vector.extract %slice3A_927[0] : i32 from vector<1xi32>
      %and3A_929 = arith.constant 127 : i32
      %and3A_930 = arith.andi %squeeze3A_928, %and3A_929 : i32
      %broadcast_in_dim3A_931 = vector.broadcast %and3A_930 : i32 to vector<16xi32>
      %broadcast_in_dim3A_932 = arith.constant 0 : i32
      %broadcast_in_dim3A_933 = vector.broadcast %broadcast_in_dim3A_932 : i32 to vector<16xi32>
      %add3A_934 = arith.constant 0 : i32
      %add3A_935 = vector.broadcast %add3A_934 : i32 to vector<16xi32>
      %add3A_936 = arith.addi %broadcast_in_dim3A_933, %add3A_935 : vector<16xi32>
      %broadcast_in_dim3A_937 = arith.constant 5 : i32
      %broadcast_in_dim3A_938 = vector.broadcast %broadcast_in_dim3A_937 : i32 to vector<16xi32>
      %add3A_939 = arith.constant 0 : i32
      %add3A_940 = vector.broadcast %add3A_939 : i32 to vector<16xi32>
      %add3A_941 = arith.addi %add3A_940, %iota3A : vector<16xi32>
      %gather3A_942 = tpu.vector_load_idx %arg7[%add3A_936, %broadcast_in_dim3A_938, %add3A_941, %broadcast_in_dim3A_931] : memref<2x8x32x128xf32, #tpu.memory_space<vmem>>[vector<16xi32>, vector<16xi32>, vector<16xi32>, vector<16xi32>], vector<16xf32>,
      %get3A_943 = arith.constant 0 : index
      %get3A_944 = tpu.vector_load %arg8[%get3A_943] {strides = array<i32>} : memref<32xf32, #tpu.memory_space<vmem>>, vector<16xf32>,
      %jit3A_945 = arith.constant -3.000000e+01 : f32
      %jit3A_946 = arith.constant 3.000000e+01 : f32
      %max3A_947 = vector.broadcast %jit3A_945 : f32 to vector<16xf32>
      %max3A_948 = arith.maximumf %max3A_947, %gather3A_942 : vector<16xf32>
      %min3A_949 = vector.broadcast %jit3A_946 : f32 to vector<16xf32>
      %min3A_950 = arith.minimumf %min3A_949, %max3A_948 : vector<16xf32>
      %add3A_951 = arith.addf %get3A_944, %min3A_950 : vector<16xf32>
      %swap3A_952 = arith.constant 0 : index
      %swap3A_953 = tpu.vector_load %arg8[%swap3A_952] {strides = array<i32>} : memref<32xf32, #tpu.memory_space<vmem>>, vector<16xf32>,
      tpu.vector_store %arg8[%swap3A_952], %add3A_951 {strides = array<i32>} : memref<32xf32, #tpu.memory_space<vmem>>, vector<16xf32>,
      %broadcast_in_dim3A_954 = arith.constant 0 : i32
      %broadcast_in_dim3A_955 = vector.broadcast %broadcast_in_dim3A_954 : i32 to vector<16xi32>
      %add3A_956 = arith.constant 0 : i32
      %add3A_957 = vector.broadcast %add3A_956 : i32 to vector<16xi32>
      %add3A_958 = arith.addi %broadcast_in_dim3A_955, %add3A_957 : vector<16xi32>
      %broadcast_in_dim3A_959 = arith.constant 5 : i32
      %broadcast_in_dim3A_960 = vector.broadcast %broadcast_in_dim3A_959 : i32 to vector<16xi32>
      %add3A_961 = arith.constant 16 : i32
      %add3A_962 = vector.broadcast %add3A_961 : i32 to vector<16xi32>
      %add3A_963 = arith.addi %add3A_962, %iota3A : vector<16xi32>
      %gather3A_964 = tpu.vector_load_idx %arg7[%add3A_958, %broadcast_in_dim3A_960, %add3A_963, %broadcast_in_dim3A_931] : memref<2x8x32x128xf32, #tpu.memory_space<vmem>>[vector<16xi32>, vector<16xi32>, vector<16xi32>, vector<16xi32>], vector<16xf32>,
      %get3A_965 = arith.constant 16 : index
      %get3A_966 = tpu.vector_load %arg8[%get3A_965] {strides = array<i32>} : memref<32xf32, #tpu.memory_space<vmem>>, vector<16xf32>,
      %jit3A_967 = arith.constant -3.000000e+01 : f32
      %jit3A_968 = arith.constant 3.000000e+01 : f32
      %max3A_969 = vector.broadcast %jit3A_967 : f32 to vector<16xf32>
      %max3A_970 = arith.maximumf %max3A_969, %gather3A_964 : vector<16xf32>
      %min3A_971 = vector.broadcast %jit3A_968 : f32 to vector<16xf32>
      %min3A_972 = arith.minimumf %min3A_971, %max3A_970 : vector<16xf32>
      %add3A_973 = arith.addf %get3A_966, %min3A_972 : vector<16xf32>
      %swap3A_974 = arith.constant 16 : index
      %swap3A_975 = tpu.vector_load %arg8[%swap3A_974] {strides = array<i32>} : memref<32xf32, #tpu.memory_space<vmem>>, vector<16xf32>,
      tpu.vector_store %arg8[%swap3A_974], %add3A_973 {strides = array<i32>} : memref<32xf32, #tpu.memory_space<vmem>>, vector<16xf32>,
      %slice3A_976 = vector.extract_strided_slice %get3A_395 {offsets = [6], sizes = [1], strides = [1]} : vector<16xi32> to vector<1xi32>
      %squeeze3A_977 = vector.extract %slice3A_976[0] : i32 from vector<1xi32>
      %and3A_978 = arith.constant 127 : i32
      %and3A_979 = arith.andi %squeeze3A_977, %and3A_978 : i32
      %broadcast_in_dim3A_980 = vector.broadcast %and3A_979 : i32 to vector<16xi32>
      %broadcast_in_dim3A_981 = arith.constant 0 : i32
      %broadcast_in_dim3A_982 = vector.broadcast %broadcast_in_dim3A_981 : i32 to vector<16xi32>
      %add3A_983 = arith.constant 0 : i32
      %add3A_984 = vector.broadcast %add3A_983 : i32 to vector<16xi32>
      %add3A_985 = arith.addi %broadcast_in_dim3A_982, %add3A_984 : vector<16xi32>
      %broadcast_in_dim3A_986 = arith.constant 6 : i32
      %broadcast_in_dim3A_987 = vector.broadcast %broadcast_in_dim3A_986 : i32 to vector<16xi32>
      %add3A_988 = arith.constant 0 : i32
      %add3A_989 = vector.broadcast %add3A_988 : i32 to vector<16xi32>
      %add3A_990 = arith.addi %add3A_989, %iota3A : vector<16xi32>
      %gather3A_991 = tpu.vector_load_idx %arg7[%add3A_985, %broadcast_in_dim3A_987, %add3A_990, %broadcast_in_dim3A_980] : memref<2x8x32x128xf32, #tpu.memory_space<vmem>>[vector<16xi32>, vector<16xi32>, vector<16xi32>, vector<16xi32>], vector<16xf32>,
      %get3A_992 = arith.constant 0 : index
      %get3A_993 = tpu.vector_load %arg8[%get3A_992] {strides = array<i32>} : memref<32xf32, #tpu.memory_space<vmem>>, vector<16xf32>,
      %jit3A_994 = arith.constant -3.000000e+01 : f32
      %jit3A_995 = arith.constant 3.000000e+01 : f32
      %max3A_996 = vector.broadcast %jit3A_994 : f32 to vector<16xf32>
      %max3A_997 = arith.maximumf %max3A_996, %gather3A_991 : vector<16xf32>
      %min3A_998 = vector.broadcast %jit3A_995 : f32 to vector<16xf32>
      %min3A_999 = arith.minimumf %min3A_998, %max3A_997 : vector<16xf32>
      %add3A_1000 = arith.addf %get3A_993, %min3A_999 : vector<16xf32>
      %swap3A_1001 = arith.constant 0 : index
      %swap3A_1002 = tpu.vector_load %arg8[%swap3A_1001] {strides = array<i32>} : memref<32xf32, #tpu.memory_space<vmem>>, vector<16xf32>,
      tpu.vector_store %arg8[%swap3A_1001], %add3A_1000 {strides = array<i32>} : memref<32xf32, #tpu.memory_space<vmem>>, vector<16xf32>,
      %broadcast_in_dim3A_1003 = arith.constant 0 : i32
      %broadcast_in_dim3A_1004 = vector.broadcast %broadcast_in_dim3A_1003 : i32 to vector<16xi32>
      %add3A_1005 = arith.constant 0 : i32
      %add3A_1006 = vector.broadcast %add3A_1005 : i32 to vector<16xi32>
      %add3A_1007 = arith.addi %broadcast_in_dim3A_1004, %add3A_1006 : vector<16xi32>
      %broadcast_in_dim3A_1008 = arith.constant 6 : i32
      %broadcast_in_dim3A_1009 = vector.broadcast %broadcast_in_dim3A_1008 : i32 to vector<16xi32>
      %add3A_1010 = arith.constant 16 : i32
      %add3A_1011 = vector.broadcast %add3A_1010 : i32 to vector<16xi32>
      %add3A_1012 = arith.addi %add3A_1011, %iota3A : vector<16xi32>
      %gather3A_1013 = tpu.vector_load_idx %arg7[%add3A_1007, %broadcast_in_dim3A_1009, %add3A_1012, %broadcast_in_dim3A_980] : memref<2x8x32x128xf32, #tpu.memory_space<vmem>>[vector<16xi32>, vector<16xi32>, vector<16xi32>, vector<16xi32>], vector<16xf32>,
      %get3A_1014 = arith.constant 16 : index
      %get3A_1015 = tpu.vector_load %arg8[%get3A_1014] {strides = array<i32>} : memref<32xf32, #tpu.memory_space<vmem>>, vector<16xf32>,
      %jit3A_1016 = arith.constant -3.000000e+01 : f32
      %jit3A_1017 = arith.constant 3.000000e+01 : f32
      %max3A_1018 = vector.broadcast %jit3A_1016 : f32 to vector<16xf32>
      %max3A_1019 = arith.maximumf %max3A_1018, %gather3A_1013 : vector<16xf32>
      %min3A_1020 = vector.broadcast %jit3A_1017 : f32 to vector<16xf32>
      %min3A_1021 = arith.minimumf %min3A_1020, %max3A_1019 : vector<16xf32>
      %add3A_1022 = arith.addf %get3A_1015, %min3A_1021 : vector<16xf32>
      %swap3A_1023 = arith.constant 16 : index
      %swap3A_1024 = tpu.vector_load %arg8[%swap3A_1023] {strides = array<i32>} : memref<32xf32, #tpu.memory_space<vmem>>, vector<16xf32>,
      tpu.vector_store %arg8[%swap3A_1023], %add3A_1022 {strides = array<i32>} : memref<32xf32, #tpu.memory_space<vmem>>, vector<16xf32>,
      %slice3A_1025 = vector.extract_strided_slice %get3A_395 {offsets = [7], sizes = [1], strides = [1]} : vector<16xi32> to vector<1xi32>
      %squeeze3A_1026 = vector.extract %slice3A_1025[0] : i32 from vector<1xi32>
      %and3A_1027 = arith.constant 127 : i32
      %and3A_1028 = arith.andi %squeeze3A_1026, %and3A_1027 : i32
      %broadcast_in_dim3A_1029 = vector.broadcast %and3A_1028 : i32 to vector<16xi32>
      %broadcast_in_dim3A_1030 = arith.constant 0 : i32
      %broadcast_in_dim3A_1031 = vector.broadcast %broadcast_in_dim3A_1030 : i32 to vector<16xi32>
      %add3A_1032 = arith.constant 0 : i32
      %add3A_1033 = vector.broadcast %add3A_1032 : i32 to vector<16xi32>
      %add3A_1034 = arith.addi %broadcast_in_dim3A_1031, %add3A_1033 : vector<16xi32>
      %broadcast_in_dim3A_1035 = arith.constant 7 : i32
      %broadcast_in_dim3A_1036 = vector.broadcast %broadcast_in_dim3A_1035 : i32 to vector<16xi32>
      %add3A_1037 = arith.constant 0 : i32
      %add3A_1038 = vector.broadcast %add3A_1037 : i32 to vector<16xi32>
      %add3A_1039 = arith.addi %add3A_1038, %iota3A : vector<16xi32>
      %gather3A_1040 = tpu.vector_load_idx %arg7[%add3A_1034, %broadcast_in_dim3A_1036, %add3A_1039, %broadcast_in_dim3A_1029] : memref<2x8x32x128xf32, #tpu.memory_space<vmem>>[vector<16xi32>, vector<16xi32>, vector<16xi32>, vector<16xi32>], vector<16xf32>,
      %get3A_1041 = arith.constant 0 : index
      %get3A_1042 = tpu.vector_load %arg8[%get3A_1041] {strides = array<i32>} : memref<32xf32, #tpu.memory_space<vmem>>, vector<16xf32>,
      %jit3A_1043 = arith.constant -3.000000e+01 : f32
      %jit3A_1044 = arith.constant 3.000000e+01 : f32
      %max3A_1045 = vector.broadcast %jit3A_1043 : f32 to vector<16xf32>
      %max3A_1046 = arith.maximumf %max3A_1045, %gather3A_1040 : vector<16xf32>
      %min3A_1047 = vector.broadcast %jit3A_1044 : f32 to vector<16xf32>
      %min3A_1048 = arith.minimumf %min3A_1047, %max3A_1046 : vector<16xf32>
      %add3A_1049 = arith.addf %get3A_1042, %min3A_1048 : vector<16xf32>
      %swap3A_1050 = arith.constant 0 : index
      %swap3A_1051 = tpu.vector_load %arg8[%swap3A_1050] {strides = array<i32>} : memref<32xf32, #tpu.memory_space<vmem>>, vector<16xf32>,
      tpu.vector_store %arg8[%swap3A_1050], %add3A_1049 {strides = array<i32>} : memref<32xf32, #tpu.memory_space<vmem>>, vector<16xf32>,
      %broadcast_in_dim3A_1052 = arith.constant 0 : i32
      %broadcast_in_dim3A_1053 = vector.broadcast %broadcast_in_dim3A_1052 : i32 to vector<16xi32>
      %add3A_1054 = arith.constant 0 : i32
      %add3A_1055 = vector.broadcast %add3A_1054 : i32 to vector<16xi32>
      %add3A_1056 = arith.addi %broadcast_in_dim3A_1053, %add3A_1055 : vector<16xi32>
      %broadcast_in_dim3A_1057 = arith.constant 7 : i32
      %broadcast_in_dim3A_1058 = vector.broadcast %broadcast_in_dim3A_1057 : i32 to vector<16xi32>
      %add3A_1059 = arith.constant 16 : i32
      %add3A_1060 = vector.broadcast %add3A_1059 : i32 to vector<16xi32>
      %add3A_1061 = arith.addi %add3A_1060, %iota3A : vector<16xi32>
      %gather3A_1062 = tpu.vector_load_idx %arg7[%add3A_1056, %broadcast_in_dim3A_1058, %add3A_1061, %broadcast_in_dim3A_1029] : memref<2x8x32x128xf32, #tpu.memory_space<vmem>>[vector<16xi32>, vector<16xi32>, vector<16xi32>, vector<16xi32>], vector<16xf32>,
      %get3A_1063 = arith.constant 16 : index
      %get3A_1064 = tpu.vector_load %arg8[%get3A_1063] {strides = array<i32>} : memref<32xf32, #tpu.memory_space<vmem>>, vector<16xf32>,
      %jit3A_1065 = arith.constant -3.000000e+01 : f32
      %jit3A_1066 = arith.constant 3.000000e+01 : f32
      %max3A_1067 = vector.broadcast %jit3A_1065 : f32 to vector<16xf32>
      %max3A_1068 = arith.maximumf %max3A_1067, %gather3A_1062 : vector<16xf32>
      %min3A_1069 = vector.broadcast %jit3A_1066 : f32 to vector<16xf32>
      %min3A_1070 = arith.minimumf %min3A_1069, %max3A_1068 : vector<16xf32>
      %add3A_1071 = arith.addf %get3A_1064, %min3A_1070 : vector<16xf32>
      %swap3A_1072 = arith.constant 16 : index
      %swap3A_1073 = tpu.vector_load %arg8[%swap3A_1072] {strides = array<i32>} : memref<32xf32, #tpu.memory_space<vmem>>, vector<16xf32>,
      tpu.vector_store %arg8[%swap3A_1072], %add3A_1071 {strides = array<i32>} : memref<32xf32, #tpu.memory_space<vmem>>, vector<16xf32>,
      %lt3A_1074 = arith.constant 3 : i32
      %lt3A_1075 = arith.cmpi slt, %scan3A_390, %lt3A_1074 : i32
      %convert_element_type3A_1076 = arith.extui %lt3A_1075 : i1 to i32
      %cond3A = arith.constant 0 : i32
      %cond3A_1077 = arith.cmpi ne, %convert_element_type3A_1076, %cond3A : i32
      scf.if %cond3A_1077 {
        %add3A_1575 = arith.constant 1 : i32
        %add3A_1576 = arith.addi %scan3A_390, %add3A_1575 : i32
        %mul3A_1577 = arith.constant 16 : i32
        %mul3A_1578 = arith.muli %add3A_1576, %mul3A_1577 : i32
        %get3A_1579 = arith.index_cast %mul3A_1578 : i32 to index
        %get3A_1580 = tpu.vector_load %arg6[%get3A_1579] {strides = array<i32>} : memref<64xi32, #tpu.memory_space<vmem>>, vector<16xi32>,
        %add3A_1581 = arith.constant 1 : i32
        %add3A_1582 = arith.addi %scan3A_390, %add3A_1581 : i32
        %mul3A_1583 = arith.constant 16 : i32
        %mul3A_1584 = arith.muli %add3A_1582, %mul3A_1583 : i32
        %add3A_1585 = arith.constant 0 : i32
        %add3A_1586 = arith.addi %mul3A_1584, %add3A_1585 : i32
        %add3A_1587 = arith.constant 0 : i32
        %add3A_1588 = arith.addi %add3A_1586, %add3A_1587 : i32
        %slice3A_1589 = vector.extract_strided_slice %get3A_1580 {offsets = [0], sizes = [1], strides = [1]} : vector<16xi32> to vector<1xi32>
        %squeeze3A_1590 = vector.extract %slice3A_1589[0] : i32 from vector<1xi32>
        %shift_right_arithmetic3A_1591 = arith.constant 7 : i32
        %shift_right_arithmetic3A_1592 = arith.shrsi %squeeze3A_1590, %shift_right_arithmetic3A_1591 : i32
        %mul3A_1593 = arith.constant 128 : i32
        %mul3A_1594 = arith.muli %shift_right_arithmetic3A_1592, %mul3A_1593 : i32
        %dma_start3A_1595 = arith.constant 0 : i32
        %dma_start3A_1596 = arith.constant 0 : i32
        %dma_start3A_1597 = arith.constant 0 : i32
        %dma_start3A_1598 = arith.constant 0 : i32
        %dma_start3A_1599 = tpu.memref_slice %arg7[%dma_start3A_1595, %dma_start3A_1596, %dma_start3A_1597, %dma_start3A_1598] : memref<2x8x32x128xf32, #tpu.memory_space<vmem>> -> memref<1x1x32x128xf32, #tpu.memory_space<vmem>>
        %dma_start3A_1600 = tpu.memref_squeeze %dma_start3A_1599 : memref<1x1x32x128xf32, #tpu.memory_space<vmem>> -> memref<32x128xf32, #tpu.memory_space<vmem>>
        %dma_start3A_1601 = arith.constant 0 : i32
        %dma_start3A_1602 = tpu.memref_slice %arg9[%add3A_1588, %dma_start3A_1601] : memref<64x32xi32, #tpu.memory_space<vmem>> -> memref<1x32xi32, #tpu.memory_space<vmem>>
        %dma_start3A_1603 = tpu.memref_squeeze %dma_start3A_1602 : memref<1x32xi32, #tpu.memory_space<vmem>> -> memref<32xi32, #tpu.memory_space<vmem>>
        %dma_start3A_1604 = arith.constant 0 : i32
        %dma_start3A_1605 = tpu.memref_slice %arg2[%dma_start3A_1604, %mul3A_1594] : memref<2048x32000xf32, #tpu.memory_space<hbm>> -> memref<2048x128xf32, #tpu.memory_space<hbm>>
        tpu.enqueue_indirect_dma source(%dma_start3A_1605 : memref<2048x128xf32, #tpu.memory_space<hbm>>) target(%dma_start3A_1600 : memref<32x128xf32, #tpu.memory_space<vmem>>) offsets(%dma_start3A_1603 : memref<32xi32, #tpu.memory_space<vmem>>) semaphore(%arg12 : memref<!tpu.dma_semaphore, #tpu.memory_space<semaphore_mem>>)
        %mul3A_1606 = arith.constant 16 : i32
        %mul3A_1607 = arith.muli %add3A_1582, %mul3A_1606 : i32
        %add3A_1608 = arith.constant 0 : i32
        %add3A_1609 = arith.addi %mul3A_1607, %add3A_1608 : i32
        %add3A_1610 = arith.constant 1 : i32
        %add3A_1611 = arith.addi %add3A_1609, %add3A_1610 : i32
        %slice3A_1612 = vector.extract_strided_slice %get3A_1580 {offsets = [1], sizes = [1], strides = [1]} : vector<16xi32> to vector<1xi32>
        %squeeze3A_1613 = vector.extract %slice3A_1612[0] : i32 from vector<1xi32>
        %shift_right_arithmetic3A_1614 = arith.constant 7 : i32
        %shift_right_arithmetic3A_1615 = arith.shrsi %squeeze3A_1613, %shift_right_arithmetic3A_1614 : i32
        %mul3A_1616 = arith.constant 128 : i32
        %mul3A_1617 = arith.muli %shift_right_arithmetic3A_1615, %mul3A_1616 : i32
        %dma_start3A_1618 = arith.constant 0 : i32
        %dma_start3A_1619 = arith.constant 1 : i32
        %dma_start3A_1620 = arith.constant 0 : i32
        %dma_start3A_1621 = arith.constant 0 : i32
        %dma_start3A_1622 = tpu.memref_slice %arg7[%dma_start3A_1618, %dma_start3A_1619, %dma_start3A_1620, %dma_start3A_1621] : memref<2x8x32x128xf32, #tpu.memory_space<vmem>> -> memref<1x1x32x128xf32, #tpu.memory_space<vmem>>
        %dma_start3A_1623 = tpu.memref_squeeze %dma_start3A_1622 : memref<1x1x32x128xf32, #tpu.memory_space<vmem>> -> memref<32x128xf32, #tpu.memory_space<vmem>>
        %dma_start3A_1624 = arith.constant 0 : i32
        %dma_start3A_1625 = tpu.memref_slice %arg9[%add3A_1611, %dma_start3A_1624] : memref<64x32xi32, #tpu.memory_space<vmem>> -> memref<1x32xi32, #tpu.memory_space<vmem>>
        %dma_start3A_1626 = tpu.memref_squeeze %dma_start3A_1625 : memref<1x32xi32, #tpu.memory_space<vmem>> -> memref<32xi32, #tpu.memory_space<vmem>>
        %dma_start3A_1627 = arith.constant 0 : i32
        %dma_start3A_1628 = tpu.memref_slice %arg2[%dma_start3A_1627, %mul3A_1617] : memref<2048x32000xf32, #tpu.memory_space<hbm>> -> memref<2048x128xf32, #tpu.memory_space<hbm>>
        tpu.enqueue_indirect_dma source(%dma_start3A_1628 : memref<2048x128xf32, #tpu.memory_space<hbm>>) target(%dma_start3A_1623 : memref<32x128xf32, #tpu.memory_space<vmem>>) offsets(%dma_start3A_1626 : memref<32xi32, #tpu.memory_space<vmem>>) semaphore(%arg12 : memref<!tpu.dma_semaphore, #tpu.memory_space<semaphore_mem>>)
        %mul3A_1629 = arith.constant 16 : i32
        %mul3A_1630 = arith.muli %add3A_1582, %mul3A_1629 : i32
        %add3A_1631 = arith.constant 0 : i32
        %add3A_1632 = arith.addi %mul3A_1630, %add3A_1631 : i32
        %add3A_1633 = arith.constant 2 : i32
        %add3A_1634 = arith.addi %add3A_1632, %add3A_1633 : i32
        %slice3A_1635 = vector.extract_strided_slice %get3A_1580 {offsets = [2], sizes = [1], strides = [1]} : vector<16xi32> to vector<1xi32>
        %squeeze3A_1636 = vector.extract %slice3A_1635[0] : i32 from vector<1xi32>
        %shift_right_arithmetic3A_1637 = arith.constant 7 : i32
        %shift_right_arithmetic3A_1638 = arith.shrsi %squeeze3A_1636, %shift_right_arithmetic3A_1637 : i32
        %mul3A_1639 = arith.constant 128 : i32
        %mul3A_1640 = arith.muli %shift_right_arithmetic3A_1638, %mul3A_1639 : i32
        %dma_start3A_1641 = arith.constant 0 : i32
        %dma_start3A_1642 = arith.constant 2 : i32
        %dma_start3A_1643 = arith.constant 0 : i32
        %dma_start3A_1644 = arith.constant 0 : i32
        %dma_start3A_1645 = tpu.memref_slice %arg7[%dma_start3A_1641, %dma_start3A_1642, %dma_start3A_1643, %dma_start3A_1644] : memref<2x8x32x128xf32, #tpu.memory_space<vmem>> -> memref<1x1x32x128xf32, #tpu.memory_space<vmem>>
        %dma_start3A_1646 = tpu.memref_squeeze %dma_start3A_1645 : memref<1x1x32x128xf32, #tpu.memory_space<vmem>> -> memref<32x128xf32, #tpu.memory_space<vmem>>
        %dma_start3A_1647 = arith.constant 0 : i32
        %dma_start3A_1648 = tpu.memref_slice %arg9[%add3A_1634, %dma_start3A_1647] : memref<64x32xi32, #tpu.memory_space<vmem>> -> memref<1x32xi32, #tpu.memory_space<vmem>>
        %dma_start3A_1649 = tpu.memref_squeeze %dma_start3A_1648 : memref<1x32xi32, #tpu.memory_space<vmem>> -> memref<32xi32, #tpu.memory_space<vmem>>
        %dma_start3A_1650 = arith.constant 0 : i32
        %dma_start3A_1651 = tpu.memref_slice %arg2[%dma_start3A_1650, %mul3A_1640] : memref<2048x32000xf32, #tpu.memory_space<hbm>> -> memref<2048x128xf32, #tpu.memory_space<hbm>>
        tpu.enqueue_indirect_dma source(%dma_start3A_1651 : memref<2048x128xf32, #tpu.memory_space<hbm>>) target(%dma_start3A_1646 : memref<32x128xf32, #tpu.memory_space<vmem>>) offsets(%dma_start3A_1649 : memref<32xi32, #tpu.memory_space<vmem>>) semaphore(%arg12 : memref<!tpu.dma_semaphore, #tpu.memory_space<semaphore_mem>>)
        %mul3A_1652 = arith.constant 16 : i32
        %mul3A_1653 = arith.muli %add3A_1582, %mul3A_1652 : i32
        %add3A_1654 = arith.constant 0 : i32
        %add3A_1655 = arith.addi %mul3A_1653, %add3A_1654 : i32
        %add3A_1656 = arith.constant 3 : i32
        %add3A_1657 = arith.addi %add3A_1655, %add3A_1656 : i32
        %slice3A_1658 = vector.extract_strided_slice %get3A_1580 {offsets = [3], sizes = [1], strides = [1]} : vector<16xi32> to vector<1xi32>
        %squeeze3A_1659 = vector.extract %slice3A_1658[0] : i32 from vector<1xi32>
        %shift_right_arithmetic3A_1660 = arith.constant 7 : i32
        %shift_right_arithmetic3A_1661 = arith.shrsi %squeeze3A_1659, %shift_right_arithmetic3A_1660 : i32
        %mul3A_1662 = arith.constant 128 : i32
        %mul3A_1663 = arith.muli %shift_right_arithmetic3A_1661, %mul3A_1662 : i32
        %dma_start3A_1664 = arith.constant 0 : i32
        %dma_start3A_1665 = arith.constant 3 : i32
        %dma_start3A_1666 = arith.constant 0 : i32
        %dma_start3A_1667 = arith.constant 0 : i32
        %dma_start3A_1668 = tpu.memref_slice %arg7[%dma_start3A_1664, %dma_start3A_1665, %dma_start3A_1666, %dma_start3A_1667] : memref<2x8x32x128xf32, #tpu.memory_space<vmem>> -> memref<1x1x32x128xf32, #tpu.memory_space<vmem>>
        %dma_start3A_1669 = tpu.memref_squeeze %dma_start3A_1668 : memref<1x1x32x128xf32, #tpu.memory_space<vmem>> -> memref<32x128xf32, #tpu.memory_space<vmem>>
        %dma_start3A_1670 = arith.constant 0 : i32
        %dma_start3A_1671 = tpu.memref_slice %arg9[%add3A_1657, %dma_start3A_1670] : memref<64x32xi32, #tpu.memory_space<vmem>> -> memref<1x32xi32, #tpu.memory_space<vmem>>
        %dma_start3A_1672 = tpu.memref_squeeze %dma_start3A_1671 : memref<1x32xi32, #tpu.memory_space<vmem>> -> memref<32xi32, #tpu.memory_space<vmem>>
        %dma_start3A_1673 = arith.constant 0 : i32
        %dma_start3A_1674 = tpu.memref_slice %arg2[%dma_start3A_1673, %mul3A_1663] : memref<2048x32000xf32, #tpu.memory_space<hbm>> -> memref<2048x128xf32, #tpu.memory_space<hbm>>
        tpu.enqueue_indirect_dma source(%dma_start3A_1674 : memref<2048x128xf32, #tpu.memory_space<hbm>>) target(%dma_start3A_1669 : memref<32x128xf32, #tpu.memory_space<vmem>>) offsets(%dma_start3A_1672 : memref<32xi32, #tpu.memory_space<vmem>>) semaphore(%arg12 : memref<!tpu.dma_semaphore, #tpu.memory_space<semaphore_mem>>)
        %mul3A_1675 = arith.constant 16 : i32
        %mul3A_1676 = arith.muli %add3A_1582, %mul3A_1675 : i32
        %add3A_1677 = arith.constant 0 : i32
        %add3A_1678 = arith.addi %mul3A_1676, %add3A_1677 : i32
        %add3A_1679 = arith.constant 4 : i32
        %add3A_1680 = arith.addi %add3A_1678, %add3A_1679 : i32
        %slice3A_1681 = vector.extract_strided_slice %get3A_1580 {offsets = [4], sizes = [1], strides = [1]} : vector<16xi32> to vector<1xi32>
        %squeeze3A_1682 = vector.extract %slice3A_1681[0] : i32 from vector<1xi32>
        %shift_right_arithmetic3A_1683 = arith.constant 7 : i32
        %shift_right_arithmetic3A_1684 = arith.shrsi %squeeze3A_1682, %shift_right_arithmetic3A_1683 : i32
        %mul3A_1685 = arith.constant 128 : i32
        %mul3A_1686 = arith.muli %shift_right_arithmetic3A_1684, %mul3A_1685 : i32
        %dma_start3A_1687 = arith.constant 0 : i32
        %dma_start3A_1688 = arith.constant 4 : i32
        %dma_start3A_1689 = arith.constant 0 : i32
        %dma_start3A_1690 = arith.constant 0 : i32
        %dma_start3A_1691 = tpu.memref_slice %arg7[%dma_start3A_1687, %dma_start3A_1688, %dma_start3A_1689, %dma_start3A_1690] : memref<2x8x32x128xf32, #tpu.memory_space<vmem>> -> memref<1x1x32x128xf32, #tpu.memory_space<vmem>>
        %dma_start3A_1692 = tpu.memref_squeeze %dma_start3A_1691 : memref<1x1x32x128xf32, #tpu.memory_space<vmem>> -> memref<32x128xf32, #tpu.memory_space<vmem>>
        %dma_start3A_1693 = arith.constant 0 : i32
        %dma_start3A_1694 = tpu.memref_slice %arg9[%add3A_1680, %dma_start3A_1693] : memref<64x32xi32, #tpu.memory_space<vmem>> -> memref<1x32xi32, #tpu.memory_space<vmem>>
        %dma_start3A_1695 = tpu.memref_squeeze %dma_start3A_1694 : memref<1x32xi32, #tpu.memory_space<vmem>> -> memref<32xi32, #tpu.memory_space<vmem>>
        %dma_start3A_1696 = arith.constant 0 : i32
        %dma_start3A_1697 = tpu.memref_slice %arg2[%dma_start3A_1696, %mul3A_1686] : memref<2048x32000xf32, #tpu.memory_space<hbm>> -> memref<2048x128xf32, #tpu.memory_space<hbm>>
        tpu.enqueue_indirect_dma source(%dma_start3A_1697 : memref<2048x128xf32, #tpu.memory_space<hbm>>) target(%dma_start3A_1692 : memref<32x128xf32, #tpu.memory_space<vmem>>) offsets(%dma_start3A_1695 : memref<32xi32, #tpu.memory_space<vmem>>) semaphore(%arg12 : memref<!tpu.dma_semaphore, #tpu.memory_space<semaphore_mem>>)
        %mul3A_1698 = arith.constant 16 : i32
        %mul3A_1699 = arith.muli %add3A_1582, %mul3A_1698 : i32
        %add3A_1700 = arith.constant 0 : i32
        %add3A_1701 = arith.addi %mul3A_1699, %add3A_1700 : i32
        %add3A_1702 = arith.constant 5 : i32
        %add3A_1703 = arith.addi %add3A_1701, %add3A_1702 : i32
        %slice3A_1704 = vector.extract_strided_slice %get3A_1580 {offsets = [5], sizes = [1], strides = [1]} : vector<16xi32> to vector<1xi32>
        %squeeze3A_1705 = vector.extract %slice3A_1704[0] : i32 from vector<1xi32>
        %shift_right_arithmetic3A_1706 = arith.constant 7 : i32
        %shift_right_arithmetic3A_1707 = arith.shrsi %squeeze3A_1705, %shift_right_arithmetic3A_1706 : i32
        %mul3A_1708 = arith.constant 128 : i32
        %mul3A_1709 = arith.muli %shift_right_arithmetic3A_1707, %mul3A_1708 : i32
        %dma_start3A_1710 = arith.constant 0 : i32
        %dma_start3A_1711 = arith.constant 5 : i32
        %dma_start3A_1712 = arith.constant 0 : i32
        %dma_start3A_1713 = arith.constant 0 : i32
        %dma_start3A_1714 = tpu.memref_slice %arg7[%dma_start3A_1710, %dma_start3A_1711, %dma_start3A_1712, %dma_start3A_1713] : memref<2x8x32x128xf32, #tpu.memory_space<vmem>> -> memref<1x1x32x128xf32, #tpu.memory_space<vmem>>
        %dma_start3A_1715 = tpu.memref_squeeze %dma_start3A_1714 : memref<1x1x32x128xf32, #tpu.memory_space<vmem>> -> memref<32x128xf32, #tpu.memory_space<vmem>>
        %dma_start3A_1716 = arith.constant 0 : i32
        %dma_start3A_1717 = tpu.memref_slice %arg9[%add3A_1703, %dma_start3A_1716] : memref<64x32xi32, #tpu.memory_space<vmem>> -> memref<1x32xi32, #tpu.memory_space<vmem>>
        %dma_start3A_1718 = tpu.memref_squeeze %dma_start3A_1717 : memref<1x32xi32, #tpu.memory_space<vmem>> -> memref<32xi32, #tpu.memory_space<vmem>>
        %dma_start3A_1719 = arith.constant 0 : i32
        %dma_start3A_1720 = tpu.memref_slice %arg2[%dma_start3A_1719, %mul3A_1709] : memref<2048x32000xf32, #tpu.memory_space<hbm>> -> memref<2048x128xf32, #tpu.memory_space<hbm>>
        tpu.enqueue_indirect_dma source(%dma_start3A_1720 : memref<2048x128xf32, #tpu.memory_space<hbm>>) target(%dma_start3A_1715 : memref<32x128xf32, #tpu.memory_space<vmem>>) offsets(%dma_start3A_1718 : memref<32xi32, #tpu.memory_space<vmem>>) semaphore(%arg12 : memref<!tpu.dma_semaphore, #tpu.memory_space<semaphore_mem>>)
        %mul3A_1721 = arith.constant 16 : i32
        %mul3A_1722 = arith.muli %add3A_1582, %mul3A_1721 : i32
        %add3A_1723 = arith.constant 0 : i32
        %add3A_1724 = arith.addi %mul3A_1722, %add3A_1723 : i32
        %add3A_1725 = arith.constant 6 : i32
        %add3A_1726 = arith.addi %add3A_1724, %add3A_1725 : i32
        %slice3A_1727 = vector.extract_strided_slice %get3A_1580 {offsets = [6], sizes = [1], strides = [1]} : vector<16xi32> to vector<1xi32>
        %squeeze3A_1728 = vector.extract %slice3A_1727[0] : i32 from vector<1xi32>
        %shift_right_arithmetic3A_1729 = arith.constant 7 : i32
        %shift_right_arithmetic3A_1730 = arith.shrsi %squeeze3A_1728, %shift_right_arithmetic3A_1729 : i32
        %mul3A_1731 = arith.constant 128 : i32
        %mul3A_1732 = arith.muli %shift_right_arithmetic3A_1730, %mul3A_1731 : i32
        %dma_start3A_1733 = arith.constant 0 : i32
        %dma_start3A_1734 = arith.constant 6 : i32
        %dma_start3A_1735 = arith.constant 0 : i32
        %dma_start3A_1736 = arith.constant 0 : i32
        %dma_start3A_1737 = tpu.memref_slice %arg7[%dma_start3A_1733, %dma_start3A_1734, %dma_start3A_1735, %dma_start3A_1736] : memref<2x8x32x128xf32, #tpu.memory_space<vmem>> -> memref<1x1x32x128xf32, #tpu.memory_space<vmem>>
        %dma_start3A_1738 = tpu.memref_squeeze %dma_start3A_1737 : memref<1x1x32x128xf32, #tpu.memory_space<vmem>> -> memref<32x128xf32, #tpu.memory_space<vmem>>
        %dma_start3A_1739 = arith.constant 0 : i32
        %dma_start3A_1740 = tpu.memref_slice %arg9[%add3A_1726, %dma_start3A_1739] : memref<64x32xi32, #tpu.memory_space<vmem>> -> memref<1x32xi32, #tpu.memory_space<vmem>>
        %dma_start3A_1741 = tpu.memref_squeeze %dma_start3A_1740 : memref<1x32xi32, #tpu.memory_space<vmem>> -> memref<32xi32, #tpu.memory_space<vmem>>
        %dma_start3A_1742 = arith.constant 0 : i32
        %dma_start3A_1743 = tpu.memref_slice %arg2[%dma_start3A_1742, %mul3A_1732] : memref<2048x32000xf32, #tpu.memory_space<hbm>> -> memref<2048x128xf32, #tpu.memory_space<hbm>>
        tpu.enqueue_indirect_dma source(%dma_start3A_1743 : memref<2048x128xf32, #tpu.memory_space<hbm>>) target(%dma_start3A_1738 : memref<32x128xf32, #tpu.memory_space<vmem>>) offsets(%dma_start3A_1741 : memref<32xi32, #tpu.memory_space<vmem>>) semaphore(%arg12 : memref<!tpu.dma_semaphore, #tpu.memory_space<semaphore_mem>>)
        %mul3A_1744 = arith.constant 16 : i32
        %mul3A_1745 = arith.muli %add3A_1582, %mul3A_1744 : i32
        %add3A_1746 = arith.constant 0 : i32
        %add3A_1747 = arith.addi %mul3A_1745, %add3A_1746 : i32
        %add3A_1748 = arith.constant 7 : i32
        %add3A_1749 = arith.addi %add3A_1747, %add3A_1748 : i32
        %slice3A_1750 = vector.extract_strided_slice %get3A_1580 {offsets = [7], sizes = [1], strides = [1]} : vector<16xi32> to vector<1xi32>
        %squeeze3A_1751 = vector.extract %slice3A_1750[0] : i32 from vector<1xi32>
        %shift_right_arithmetic3A_1752 = arith.constant 7 : i32
        %shift_right_arithmetic3A_1753 = arith.shrsi %squeeze3A_1751, %shift_right_arithmetic3A_1752 : i32
        %mul3A_1754 = arith.constant 128 : i32
        %mul3A_1755 = arith.muli %shift_right_arithmetic3A_1753, %mul3A_1754 : i32
        %dma_start3A_1756 = arith.constant 0 : i32
        %dma_start3A_1757 = arith.constant 7 : i32
        %dma_start3A_1758 = arith.constant 0 : i32
        %dma_start3A_1759 = arith.constant 0 : i32
        %dma_start3A_1760 = tpu.memref_slice %arg7[%dma_start3A_1756, %dma_start3A_1757, %dma_start3A_1758, %dma_start3A_1759] : memref<2x8x32x128xf32, #tpu.memory_space<vmem>> -> memref<1x1x32x128xf32, #tpu.memory_space<vmem>>
        %dma_start3A_1761 = tpu.memref_squeeze %dma_start3A_1760 : memref<1x1x32x128xf32, #tpu.memory_space<vmem>> -> memref<32x128xf32, #tpu.memory_space<vmem>>
        %dma_start3A_1762 = arith.constant 0 : i32
        %dma_start3A_1763 = tpu.memref_slice %arg9[%add3A_1749, %dma_start3A_1762] : memref<64x32xi32, #tpu.memory_space<vmem>> -> memref<1x32xi32, #tpu.memory_space<vmem>>
        %dma_start3A_1764 = tpu.memref_squeeze %dma_start3A_1763 : memref<1x32xi32, #tpu.memory_space<vmem>> -> memref<32xi32, #tpu.memory_space<vmem>>
        %dma_start3A_1765 = arith.constant 0 : i32
        %dma_start3A_1766 = tpu.memref_slice %arg2[%dma_start3A_1765, %mul3A_1755] : memref<2048x32000xf32, #tpu.memory_space<hbm>> -> memref<2048x128xf32, #tpu.memory_space<hbm>>
        tpu.enqueue_indirect_dma source(%dma_start3A_1766 : memref<2048x128xf32, #tpu.memory_space<hbm>>) target(%dma_start3A_1761 : memref<32x128xf32, #tpu.memory_space<vmem>>) offsets(%dma_start3A_1764 : memref<32xi32, #tpu.memory_space<vmem>>) semaphore(%arg12 : memref<!tpu.dma_semaphore, #tpu.memory_space<semaphore_mem>>)
      } else {
      }
      %dma_wait3A_1078 = arith.constant 0 : i32
      %dma_wait3A_1079 = arith.constant 1 : i32
      %dma_wait3A_1080 = arith.constant 0 : i32
      %dma_wait3A_1081 = arith.constant 0 : i32
      %dma_wait3A_1082 = arith.constant 0 : i32
      %dma_wait3A_1083 = tpu.memref_slice %arg7[%dma_wait3A_1079, %dma_wait3A_1080, %dma_wait3A_1081, %dma_wait3A_1082] : memref<2x8x32x128xf32, #tpu.memory_space<vmem>> -> memref<1x1x32x128xf32, #tpu.memory_space<vmem>>
      %dma_wait3A_1084 = tpu.memref_squeeze %dma_wait3A_1083 : memref<1x1x32x128xf32, #tpu.memory_space<vmem>> -> memref<32x128xf32, #tpu.memory_space<vmem>>
      %dma_wait3A_1085 = arith.constant 0 : i32
      %dma_wait3A_1086 = tpu.memref_slice %arg9[%dma_wait3A_1078, %dma_wait3A_1085] : memref<64x32xi32, #tpu.memory_space<vmem>> -> memref<1x32xi32, #tpu.memory_space<vmem>>
      %dma_wait3A_1087 = tpu.memref_squeeze %dma_wait3A_1086 : memref<1x32xi32, #tpu.memory_space<vmem>> -> memref<32xi32, #tpu.memory_space<vmem>>
      %dma_wait3A_1088 = arith.constant 0 : i32
      %dma_wait3A_1089 = arith.constant 0 : i32
      %dma_wait3A_1090 = tpu.memref_slice %arg2[%dma_wait3A_1088, %dma_wait3A_1089] : memref<2048x32000xf32, #tpu.memory_space<hbm>> -> memref<2048x128xf32, #tpu.memory_space<hbm>>
      tpu.wait_indirect_dma semaphore(%arg13 : memref<!tpu.dma_semaphore, #tpu.memory_space<semaphore_mem>>) src(%dma_wait3A_1090 : memref<2048x128xf32, #tpu.memory_space<hbm>>) dst(%dma_wait3A_1084 : memref<32x128xf32, #tpu.memory_space<vmem>>)
      %dma_wait3A_1091 = arith.constant 0 : i32
      %dma_wait3A_1092 = arith.constant 1 : i32
      %dma_wait3A_1093 = arith.constant 1 : i32
      %dma_wait3A_1094 = arith.constant 0 : i32
      %dma_wait3A_1095 = arith.constant 0 : i32
      %dma_wait3A_1096 = tpu.memref_slice %arg7[%dma_wait3A_1092, %dma_wait3A_1093, %dma_wait3A_1094, %dma_wait3A_1095] : memref<2x8x32x128xf32, #tpu.memory_space<vmem>> -> memref<1x1x32x128xf32, #tpu.memory_space<vmem>>
      %dma_wait3A_1097 = tpu.memref_squeeze %dma_wait3A_1096 : memref<1x1x32x128xf32, #tpu.memory_space<vmem>> -> memref<32x128xf32, #tpu.memory_space<vmem>>
      %dma_wait3A_1098 = arith.constant 0 : i32
      %dma_wait3A_1099 = tpu.memref_slice %arg9[%dma_wait3A_1091, %dma_wait3A_1098] : memref<64x32xi32, #tpu.memory_space<vmem>> -> memref<1x32xi32, #tpu.memory_space<vmem>>
      %dma_wait3A_1100 = tpu.memref_squeeze %dma_wait3A_1099 : memref<1x32xi32, #tpu.memory_space<vmem>> -> memref<32xi32, #tpu.memory_space<vmem>>
      %dma_wait3A_1101 = arith.constant 0 : i32
      %dma_wait3A_1102 = arith.constant 0 : i32
      %dma_wait3A_1103 = tpu.memref_slice %arg2[%dma_wait3A_1101, %dma_wait3A_1102] : memref<2048x32000xf32, #tpu.memory_space<hbm>> -> memref<2048x128xf32, #tpu.memory_space<hbm>>
      tpu.wait_indirect_dma semaphore(%arg13 : memref<!tpu.dma_semaphore, #tpu.memory_space<semaphore_mem>>) src(%dma_wait3A_1103 : memref<2048x128xf32, #tpu.memory_space<hbm>>) dst(%dma_wait3A_1097 : memref<32x128xf32, #tpu.memory_space<vmem>>)
      %dma_wait3A_1104 = arith.constant 0 : i32
      %dma_wait3A_1105 = arith.constant 1 : i32
      %dma_wait3A_1106 = arith.constant 2 : i32
      %dma_wait3A_1107 = arith.constant 0 : i32
      %dma_wait3A_1108 = arith.constant 0 : i32
      %dma_wait3A_1109 = tpu.memref_slice %arg7[%dma_wait3A_1105, %dma_wait3A_1106, %dma_wait3A_1107, %dma_wait3A_1108] : memref<2x8x32x128xf32, #tpu.memory_space<vmem>> -> memref<1x1x32x128xf32, #tpu.memory_space<vmem>>
      %dma_wait3A_1110 = tpu.memref_squeeze %dma_wait3A_1109 : memref<1x1x32x128xf32, #tpu.memory_space<vmem>> -> memref<32x128xf32, #tpu.memory_space<vmem>>
      %dma_wait3A_1111 = arith.constant 0 : i32
      %dma_wait3A_1112 = tpu.memref_slice %arg9[%dma_wait3A_1104, %dma_wait3A_1111] : memref<64x32xi32, #tpu.memory_space<vmem>> -> memref<1x32xi32, #tpu.memory_space<vmem>>
      %dma_wait3A_1113 = tpu.memref_squeeze %dma_wait3A_1112 : memref<1x32xi32, #tpu.memory_space<vmem>> -> memref<32xi32, #tpu.memory_space<vmem>>
      %dma_wait3A_1114 = arith.constant 0 : i32
      %dma_wait3A_1115 = arith.constant 0 : i32
      %dma_wait3A_1116 = tpu.memref_slice %arg2[%dma_wait3A_1114, %dma_wait3A_1115] : memref<2048x32000xf32, #tpu.memory_space<hbm>> -> memref<2048x128xf32, #tpu.memory_space<hbm>>
      tpu.wait_indirect_dma semaphore(%arg13 : memref<!tpu.dma_semaphore, #tpu.memory_space<semaphore_mem>>) src(%dma_wait3A_1116 : memref<2048x128xf32, #tpu.memory_space<hbm>>) dst(%dma_wait3A_1110 : memref<32x128xf32, #tpu.memory_space<vmem>>)
      %dma_wait3A_1117 = arith.constant 0 : i32
      %dma_wait3A_1118 = arith.constant 1 : i32
      %dma_wait3A_1119 = arith.constant 3 : i32
      %dma_wait3A_1120 = arith.constant 0 : i32
      %dma_wait3A_1121 = arith.constant 0 : i32
      %dma_wait3A_1122 = tpu.memref_slice %arg7[%dma_wait3A_1118, %dma_wait3A_1119, %dma_wait3A_1120, %dma_wait3A_1121] : memref<2x8x32x128xf32, #tpu.memory_space<vmem>> -> memref<1x1x32x128xf32, #tpu.memory_space<vmem>>
      %dma_wait3A_1123 = tpu.memref_squeeze %dma_wait3A_1122 : memref<1x1x32x128xf32, #tpu.memory_space<vmem>> -> memref<32x128xf32, #tpu.memory_space<vmem>>
      %dma_wait3A_1124 = arith.constant 0 : i32
      %dma_wait3A_1125 = tpu.memref_slice %arg9[%dma_wait3A_1117, %dma_wait3A_1124] : memref<64x32xi32, #tpu.memory_space<vmem>> -> memref<1x32xi32, #tpu.memory_space<vmem>>
      %dma_wait3A_1126 = tpu.memref_squeeze %dma_wait3A_1125 : memref<1x32xi32, #tpu.memory_space<vmem>> -> memref<32xi32, #tpu.memory_space<vmem>>
      %dma_wait3A_1127 = arith.constant 0 : i32
      %dma_wait3A_1128 = arith.constant 0 : i32
      %dma_wait3A_1129 = tpu.memref_slice %arg2[%dma_wait3A_1127, %dma_wait3A_1128] : memref<2048x32000xf32, #tpu.memory_space<hbm>> -> memref<2048x128xf32, #tpu.memory_space<hbm>>
      tpu.wait_indirect_dma semaphore(%arg13 : memref<!tpu.dma_semaphore, #tpu.memory_space<semaphore_mem>>) src(%dma_wait3A_1129 : memref<2048x128xf32, #tpu.memory_space<hbm>>) dst(%dma_wait3A_1123 : memref<32x128xf32, #tpu.memory_space<vmem>>)
      %dma_wait3A_1130 = arith.constant 0 : i32
      %dma_wait3A_1131 = arith.constant 1 : i32
      %dma_wait3A_1132 = arith.constant 4 : i32
      %dma_wait3A_1133 = arith.constant 0 : i32
      %dma_wait3A_1134 = arith.constant 0 : i32
      %dma_wait3A_1135 = tpu.memref_slice %arg7[%dma_wait3A_1131, %dma_wait3A_1132, %dma_wait3A_1133, %dma_wait3A_1134] : memref<2x8x32x128xf32, #tpu.memory_space<vmem>> -> memref<1x1x32x128xf32, #tpu.memory_space<vmem>>
      %dma_wait3A_1136 = tpu.memref_squeeze %dma_wait3A_1135 : memref<1x1x32x128xf32, #tpu.memory_space<vmem>> -> memref<32x128xf32, #tpu.memory_space<vmem>>
      %dma_wait3A_1137 = arith.constant 0 : i32
      %dma_wait3A_1138 = tpu.memref_slice %arg9[%dma_wait3A_1130, %dma_wait3A_1137] : memref<64x32xi32, #tpu.memory_space<vmem>> -> memref<1x32xi32, #tpu.memory_space<vmem>>
      %dma_wait3A_1139 = tpu.memref_squeeze %dma_wait3A_1138 : memref<1x32xi32, #tpu.memory_space<vmem>> -> memref<32xi32, #tpu.memory_space<vmem>>
      %dma_wait3A_1140 = arith.constant 0 : i32
      %dma_wait3A_1141 = arith.constant 0 : i32
      %dma_wait3A_1142 = tpu.memref_slice %arg2[%dma_wait3A_1140, %dma_wait3A_1141] : memref<2048x32000xf32, #tpu.memory_space<hbm>> -> memref<2048x128xf32, #tpu.memory_space<hbm>>
      tpu.wait_indirect_dma semaphore(%arg13 : memref<!tpu.dma_semaphore, #tpu.memory_space<semaphore_mem>>) src(%dma_wait3A_1142 : memref<2048x128xf32, #tpu.memory_space<hbm>>) dst(%dma_wait3A_1136 : memref<32x128xf32, #tpu.memory_space<vmem>>)
      %dma_wait3A_1143 = arith.constant 0 : i32
      %dma_wait3A_1144 = arith.constant 1 : i32
      %dma_wait3A_1145 = arith.constant 5 : i32
      %dma_wait3A_1146 = arith.constant 0 : i32
      %dma_wait3A_1147 = arith.constant 0 : i32
      %dma_wait3A_1148 = tpu.memref_slice %arg7[%dma_wait3A_1144, %dma_wait3A_1145, %dma_wait3A_1146, %dma_wait3A_1147] : memref<2x8x32x128xf32, #tpu.memory_space<vmem>> -> memref<1x1x32x128xf32, #tpu.memory_space<vmem>>
      %dma_wait3A_1149 = tpu.memref_squeeze %dma_wait3A_1148 : memref<1x1x32x128xf32, #tpu.memory_space<vmem>> -> memref<32x128xf32, #tpu.memory_space<vmem>>
      %dma_wait3A_1150 = arith.constant 0 : i32
      %dma_wait3A_1151 = tpu.memref_slice %arg9[%dma_wait3A_1143, %dma_wait3A_1150] : memref<64x32xi32, #tpu.memory_space<vmem>> -> memref<1x32xi32, #tpu.memory_space<vmem>>
      %dma_wait3A_1152 = tpu.memref_squeeze %dma_wait3A_1151 : memref<1x32xi32, #tpu.memory_space<vmem>> -> memref<32xi32, #tpu.memory_space<vmem>>
      %dma_wait3A_1153 = arith.constant 0 : i32
      %dma_wait3A_1154 = arith.constant 0 : i32
      %dma_wait3A_1155 = tpu.memref_slice %arg2[%dma_wait3A_1153, %dma_wait3A_1154] : memref<2048x32000xf32, #tpu.memory_space<hbm>> -> memref<2048x128xf32, #tpu.memory_space<hbm>>
      tpu.wait_indirect_dma semaphore(%arg13 : memref<!tpu.dma_semaphore, #tpu.memory_space<semaphore_mem>>) src(%dma_wait3A_1155 : memref<2048x128xf32, #tpu.memory_space<hbm>>) dst(%dma_wait3A_1149 : memref<32x128xf32, #tpu.memory_space<vmem>>)
      %dma_wait3A_1156 = arith.constant 0 : i32
      %dma_wait3A_1157 = arith.constant 1 : i32
      %dma_wait3A_1158 = arith.constant 6 : i32
      %dma_wait3A_1159 = arith.constant 0 : i32
      %dma_wait3A_1160 = arith.constant 0 : i32
      %dma_wait3A_1161 = tpu.memref_slice %arg7[%dma_wait3A_1157, %dma_wait3A_1158, %dma_wait3A_1159, %dma_wait3A_1160] : memref<2x8x32x128xf32, #tpu.memory_space<vmem>> -> memref<1x1x32x128xf32, #tpu.memory_space<vmem>>
      %dma_wait3A_1162 = tpu.memref_squeeze %dma_wait3A_1161 : memref<1x1x32x128xf32, #tpu.memory_space<vmem>> -> memref<32x128xf32, #tpu.memory_space<vmem>>
      %dma_wait3A_1163 = arith.constant 0 : i32
      %dma_wait3A_1164 = tpu.memref_slice %arg9[%dma_wait3A_1156, %dma_wait3A_1163] : memref<64x32xi32, #tpu.memory_space<vmem>> -> memref<1x32xi32, #tpu.memory_space<vmem>>
      %dma_wait3A_1165 = tpu.memref_squeeze %dma_wait3A_1164 : memref<1x32xi32, #tpu.memory_space<vmem>> -> memref<32xi32, #tpu.memory_space<vmem>>
      %dma_wait3A_1166 = arith.constant 0 : i32
      %dma_wait3A_1167 = arith.constant 0 : i32
      %dma_wait3A_1168 = tpu.memref_slice %arg2[%dma_wait3A_1166, %dma_wait3A_1167] : memref<2048x32000xf32, #tpu.memory_space<hbm>> -> memref<2048x128xf32, #tpu.memory_space<hbm>>
      tpu.wait_indirect_dma semaphore(%arg13 : memref<!tpu.dma_semaphore, #tpu.memory_space<semaphore_mem>>) src(%dma_wait3A_1168 : memref<2048x128xf32, #tpu.memory_space<hbm>>) dst(%dma_wait3A_1162 : memref<32x128xf32, #tpu.memory_space<vmem>>)
      %dma_wait3A_1169 = arith.constant 0 : i32
      %dma_wait3A_1170 = arith.constant 1 : i32
      %dma_wait3A_1171 = arith.constant 7 : i32
      %dma_wait3A_1172 = arith.constant 0 : i32
      %dma_wait3A_1173 = arith.constant 0 : i32
      %dma_wait3A_1174 = tpu.memref_slice %arg7[%dma_wait3A_1170, %dma_wait3A_1171, %dma_wait3A_1172, %dma_wait3A_1173] : memref<2x8x32x128xf32, #tpu.memory_space<vmem>> -> memref<1x1x32x128xf32, #tpu.memory_space<vmem>>
      %dma_wait3A_1175 = tpu.memref_squeeze %dma_wait3A_1174 : memref<1x1x32x128xf32, #tpu.memory_space<vmem>> -> memref<32x128xf32, #tpu.memory_space<vmem>>
      %dma_wait3A_1176 = arith.constant 0 : i32
      %dma_wait3A_1177 = tpu.memref_slice %arg9[%dma_wait3A_1169, %dma_wait3A_1176] : memref<64x32xi32, #tpu.memory_space<vmem>> -> memref<1x32xi32, #tpu.memory_space<vmem>>
      %dma_wait3A_1178 = tpu.memref_squeeze %dma_wait3A_1177 : memref<1x32xi32, #tpu.memory_space<vmem>> -> memref<32xi32, #tpu.memory_space<vmem>>
      %dma_wait3A_1179 = arith.constant 0 : i32
      %dma_wait3A_1180 = arith.constant 0 : i32
      %dma_wait3A_1181 = tpu.memref_slice %arg2[%dma_wait3A_1179, %dma_wait3A_1180] : memref<2048x32000xf32, #tpu.memory_space<hbm>> -> memref<2048x128xf32, #tpu.memory_space<hbm>>
      tpu.wait_indirect_dma semaphore(%arg13 : memref<!tpu.dma_semaphore, #tpu.memory_space<semaphore_mem>>) src(%dma_wait3A_1181 : memref<2048x128xf32, #tpu.memory_space<hbm>>) dst(%dma_wait3A_1175 : memref<32x128xf32, #tpu.memory_space<vmem>>)
      %slice3A_1182 = vector.extract_strided_slice %get3A_395 {offsets = [8], sizes = [1], strides = [1]} : vector<16xi32> to vector<1xi32>
      %squeeze3A_1183 = vector.extract %slice3A_1182[0] : i32 from vector<1xi32>
      %and3A_1184 = arith.constant 127 : i32
      %and3A_1185 = arith.andi %squeeze3A_1183, %and3A_1184 : i32
      %broadcast_in_dim3A_1186 = vector.broadcast %and3A_1185 : i32 to vector<16xi32>
      %broadcast_in_dim3A_1187 = arith.constant 0 : i32
      %broadcast_in_dim3A_1188 = vector.broadcast %broadcast_in_dim3A_1187 : i32 to vector<16xi32>
      %add3A_1189 = arith.constant 1 : i32
      %add3A_1190 = vector.broadcast %add3A_1189 : i32 to vector<16xi32>
      %add3A_1191 = arith.addi %broadcast_in_dim3A_1188, %add3A_1190 : vector<16xi32>
      %broadcast_in_dim3A_1192 = arith.constant 0 : i32
      %broadcast_in_dim3A_1193 = vector.broadcast %broadcast_in_dim3A_1192 : i32 to vector<16xi32>
      %add3A_1194 = arith.constant 0 : i32
      %add3A_1195 = vector.broadcast %add3A_1194 : i32 to vector<16xi32>
      %add3A_1196 = arith.addi %add3A_1195, %iota3A : vector<16xi32>
      %gather3A_1197 = tpu.vector_load_idx %arg7[%add3A_1191, %broadcast_in_dim3A_1193, %add3A_1196, %broadcast_in_dim3A_1186] : memref<2x8x32x128xf32, #tpu.memory_space<vmem>>[vector<16xi32>, vector<16xi32>, vector<16xi32>, vector<16xi32>], vector<16xf32>,
      %get3A_1198 = arith.constant 0 : index
      %get3A_1199 = tpu.vector_load %arg8[%get3A_1198] {strides = array<i32>} : memref<32xf32, #tpu.memory_space<vmem>>, vector<16xf32>,
      %jit3A_1200 = arith.constant -3.000000e+01 : f32
      %jit3A_1201 = arith.constant 3.000000e+01 : f32
      %max3A_1202 = vector.broadcast %jit3A_1200 : f32 to vector<16xf32>
      %max3A_1203 = arith.maximumf %max3A_1202, %gather3A_1197 : vector<16xf32>
      %min3A_1204 = vector.broadcast %jit3A_1201 : f32 to vector<16xf32>
      %min3A_1205 = arith.minimumf %min3A_1204, %max3A_1203 : vector<16xf32>
      %add3A_1206 = arith.addf %get3A_1199, %min3A_1205 : vector<16xf32>
      %swap3A_1207 = arith.constant 0 : index
      %swap3A_1208 = tpu.vector_load %arg8[%swap3A_1207] {strides = array<i32>} : memref<32xf32, #tpu.memory_space<vmem>>, vector<16xf32>,
      tpu.vector_store %arg8[%swap3A_1207], %add3A_1206 {strides = array<i32>} : memref<32xf32, #tpu.memory_space<vmem>>, vector<16xf32>,
      %broadcast_in_dim3A_1209 = arith.constant 0 : i32
      %broadcast_in_dim3A_1210 = vector.broadcast %broadcast_in_dim3A_1209 : i32 to vector<16xi32>
      %add3A_1211 = arith.constant 1 : i32
      %add3A_1212 = vector.broadcast %add3A_1211 : i32 to vector<16xi32>
      %add3A_1213 = arith.addi %broadcast_in_dim3A_1210, %add3A_1212 : vector<16xi32>
      %broadcast_in_dim3A_1214 = arith.constant 0 : i32
      %broadcast_in_dim3A_1215 = vector.broadcast %broadcast_in_dim3A_1214 : i32 to vector<16xi32>
      %add3A_1216 = arith.constant 16 : i32
      %add3A_1217 = vector.broadcast %add3A_1216 : i32 to vector<16xi32>
      %add3A_1218 = arith.addi %add3A_1217, %iota3A : vector<16xi32>
      %gather3A_1219 = tpu.vector_load_idx %arg7[%add3A_1213, %broadcast_in_dim3A_1215, %add3A_1218, %broadcast_in_dim3A_1186] : memref<2x8x32x128xf32, #tpu.memory_space<vmem>>[vector<16xi32>, vector<16xi32>, vector<16xi32>, vector<16xi32>], vector<16xf32>,
      %get3A_1220 = arith.constant 16 : index
      %get3A_1221 = tpu.vector_load %arg8[%get3A_1220] {strides = array<i32>} : memref<32xf32, #tpu.memory_space<vmem>>, vector<16xf32>,
      %jit3A_1222 = arith.constant -3.000000e+01 : f32
      %jit3A_1223 = arith.constant 3.000000e+01 : f32
      %max3A_1224 = vector.broadcast %jit3A_1222 : f32 to vector<16xf32>
      %max3A_1225 = arith.maximumf %max3A_1224, %gather3A_1219 : vector<16xf32>
      %min3A_1226 = vector.broadcast %jit3A_1223 : f32 to vector<16xf32>
      %min3A_1227 = arith.minimumf %min3A_1226, %max3A_1225 : vector<16xf32>
      %add3A_1228 = arith.addf %get3A_1221, %min3A_1227 : vector<16xf32>
      %swap3A_1229 = arith.constant 16 : index
      %swap3A_1230 = tpu.vector_load %arg8[%swap3A_1229] {strides = array<i32>} : memref<32xf32, #tpu.memory_space<vmem>>, vector<16xf32>,
      tpu.vector_store %arg8[%swap3A_1229], %add3A_1228 {strides = array<i32>} : memref<32xf32, #tpu.memory_space<vmem>>, vector<16xf32>,
      %slice3A_1231 = vector.extract_strided_slice %get3A_395 {offsets = [9], sizes = [1], strides = [1]} : vector<16xi32> to vector<1xi32>
      %squeeze3A_1232 = vector.extract %slice3A_1231[0] : i32 from vector<1xi32>
      %and3A_1233 = arith.constant 127 : i32
      %and3A_1234 = arith.andi %squeeze3A_1232, %and3A_1233 : i32
      %broadcast_in_dim3A_1235 = vector.broadcast %and3A_1234 : i32 to vector<16xi32>
      %broadcast_in_dim3A_1236 = arith.constant 0 : i32
      %broadcast_in_dim3A_1237 = vector.broadcast %broadcast_in_dim3A_1236 : i32 to vector<16xi32>
      %add3A_1238 = arith.constant 1 : i32
      %add3A_1239 = vector.broadcast %add3A_1238 : i32 to vector<16xi32>
      %add3A_1240 = arith.addi %broadcast_in_dim3A_1237, %add3A_1239 : vector<16xi32>
      %broadcast_in_dim3A_1241 = arith.constant 1 : i32
      %broadcast_in_dim3A_1242 = vector.broadcast %broadcast_in_dim3A_1241 : i32 to vector<16xi32>
      %add3A_1243 = arith.constant 0 : i32
      %add3A_1244 = vector.broadcast %add3A_1243 : i32 to vector<16xi32>
      %add3A_1245 = arith.addi %add3A_1244, %iota3A : vector<16xi32>
      %gather3A_1246 = tpu.vector_load_idx %arg7[%add3A_1240, %broadcast_in_dim3A_1242, %add3A_1245, %broadcast_in_dim3A_1235] : memref<2x8x32x128xf32, #tpu.memory_space<vmem>>[vector<16xi32>, vector<16xi32>, vector<16xi32>, vector<16xi32>], vector<16xf32>,
      %get3A_1247 = arith.constant 0 : index
      %get3A_1248 = tpu.vector_load %arg8[%get3A_1247] {strides = array<i32>} : memref<32xf32, #tpu.memory_space<vmem>>, vector<16xf32>,
      %jit3A_1249 = arith.constant -3.000000e+01 : f32
      %jit3A_1250 = arith.constant 3.000000e+01 : f32
      %max3A_1251 = vector.broadcast %jit3A_1249 : f32 to vector<16xf32>
      %max3A_1252 = arith.maximumf %max3A_1251, %gather3A_1246 : vector<16xf32>
      %min3A_1253 = vector.broadcast %jit3A_1250 : f32 to vector<16xf32>
      %min3A_1254 = arith.minimumf %min3A_1253, %max3A_1252 : vector<16xf32>
      %add3A_1255 = arith.addf %get3A_1248, %min3A_1254 : vector<16xf32>
      %swap3A_1256 = arith.constant 0 : index
      %swap3A_1257 = tpu.vector_load %arg8[%swap3A_1256] {strides = array<i32>} : memref<32xf32, #tpu.memory_space<vmem>>, vector<16xf32>,
      tpu.vector_store %arg8[%swap3A_1256], %add3A_1255 {strides = array<i32>} : memref<32xf32, #tpu.memory_space<vmem>>, vector<16xf32>,
      %broadcast_in_dim3A_1258 = arith.constant 0 : i32
      %broadcast_in_dim3A_1259 = vector.broadcast %broadcast_in_dim3A_1258 : i32 to vector<16xi32>
      %add3A_1260 = arith.constant 1 : i32
      %add3A_1261 = vector.broadcast %add3A_1260 : i32 to vector<16xi32>
      %add3A_1262 = arith.addi %broadcast_in_dim3A_1259, %add3A_1261 : vector<16xi32>
      %broadcast_in_dim3A_1263 = arith.constant 1 : i32
      %broadcast_in_dim3A_1264 = vector.broadcast %broadcast_in_dim3A_1263 : i32 to vector<16xi32>
      %add3A_1265 = arith.constant 16 : i32
      %add3A_1266 = vector.broadcast %add3A_1265 : i32 to vector<16xi32>
      %add3A_1267 = arith.addi %add3A_1266, %iota3A : vector<16xi32>
      %gather3A_1268 = tpu.vector_load_idx %arg7[%add3A_1262, %broadcast_in_dim3A_1264, %add3A_1267, %broadcast_in_dim3A_1235] : memref<2x8x32x128xf32, #tpu.memory_space<vmem>>[vector<16xi32>, vector<16xi32>, vector<16xi32>, vector<16xi32>], vector<16xf32>,
      %get3A_1269 = arith.constant 16 : index
      %get3A_1270 = tpu.vector_load %arg8[%get3A_1269] {strides = array<i32>} : memref<32xf32, #tpu.memory_space<vmem>>, vector<16xf32>,
      %jit3A_1271 = arith.constant -3.000000e+01 : f32
      %jit3A_1272 = arith.constant 3.000000e+01 : f32
      %max3A_1273 = vector.broadcast %jit3A_1271 : f32 to vector<16xf32>
      %max3A_1274 = arith.maximumf %max3A_1273, %gather3A_1268 : vector<16xf32>
      %min3A_1275 = vector.broadcast %jit3A_1272 : f32 to vector<16xf32>
      %min3A_1276 = arith.minimumf %min3A_1275, %max3A_1274 : vector<16xf32>
      %add3A_1277 = arith.addf %get3A_1270, %min3A_1276 : vector<16xf32>
      %swap3A_1278 = arith.constant 16 : index
      %swap3A_1279 = tpu.vector_load %arg8[%swap3A_1278] {strides = array<i32>} : memref<32xf32, #tpu.memory_space<vmem>>, vector<16xf32>,
      tpu.vector_store %arg8[%swap3A_1278], %add3A_1277 {strides = array<i32>} : memref<32xf32, #tpu.memory_space<vmem>>, vector<16xf32>,
      %slice3A_1280 = vector.extract_strided_slice %get3A_395 {offsets = [10], sizes = [1], strides = [1]} : vector<16xi32> to vector<1xi32>
      %squeeze3A_1281 = vector.extract %slice3A_1280[0] : i32 from vector<1xi32>
      %and3A_1282 = arith.constant 127 : i32
      %and3A_1283 = arith.andi %squeeze3A_1281, %and3A_1282 : i32
      %broadcast_in_dim3A_1284 = vector.broadcast %and3A_1283 : i32 to vector<16xi32>
      %broadcast_in_dim3A_1285 = arith.constant 0 : i32
      %broadcast_in_dim3A_1286 = vector.broadcast %broadcast_in_dim3A_1285 : i32 to vector<16xi32>
      %add3A_1287 = arith.constant 1 : i32
      %add3A_1288 = vector.broadcast %add3A_1287 : i32 to vector<16xi32>
      %add3A_1289 = arith.addi %broadcast_in_dim3A_1286, %add3A_1288 : vector<16xi32>
      %broadcast_in_dim3A_1290 = arith.constant 2 : i32
      %broadcast_in_dim3A_1291 = vector.broadcast %broadcast_in_dim3A_1290 : i32 to vector<16xi32>
      %add3A_1292 = arith.constant 0 : i32
      %add3A_1293 = vector.broadcast %add3A_1292 : i32 to vector<16xi32>
      %add3A_1294 = arith.addi %add3A_1293, %iota3A : vector<16xi32>
      %gather3A_1295 = tpu.vector_load_idx %arg7[%add3A_1289, %broadcast_in_dim3A_1291, %add3A_1294, %broadcast_in_dim3A_1284] : memref<2x8x32x128xf32, #tpu.memory_space<vmem>>[vector<16xi32>, vector<16xi32>, vector<16xi32>, vector<16xi32>], vector<16xf32>,
      %get3A_1296 = arith.constant 0 : index
      %get3A_1297 = tpu.vector_load %arg8[%get3A_1296] {strides = array<i32>} : memref<32xf32, #tpu.memory_space<vmem>>, vector<16xf32>,
      %jit3A_1298 = arith.constant -3.000000e+01 : f32
      %jit3A_1299 = arith.constant 3.000000e+01 : f32
      %max3A_1300 = vector.broadcast %jit3A_1298 : f32 to vector<16xf32>
      %max3A_1301 = arith.maximumf %max3A_1300, %gather3A_1295 : vector<16xf32>
      %min3A_1302 = vector.broadcast %jit3A_1299 : f32 to vector<16xf32>
      %min3A_1303 = arith.minimumf %min3A_1302, %max3A_1301 : vector<16xf32>
      %add3A_1304 = arith.addf %get3A_1297, %min3A_1303 : vector<16xf32>
      %swap3A_1305 = arith.constant 0 : index
      %swap3A_1306 = tpu.vector_load %arg8[%swap3A_1305] {strides = array<i32>} : memref<32xf32, #tpu.memory_space<vmem>>, vector<16xf32>,
      tpu.vector_store %arg8[%swap3A_1305], %add3A_1304 {strides = array<i32>} : memref<32xf32, #tpu.memory_space<vmem>>, vector<16xf32>,
      %broadcast_in_dim3A_1307 = arith.constant 0 : i32
      %broadcast_in_dim3A_1308 = vector.broadcast %broadcast_in_dim3A_1307 : i32 to vector<16xi32>
      %add3A_1309 = arith.constant 1 : i32
      %add3A_1310 = vector.broadcast %add3A_1309 : i32 to vector<16xi32>
      %add3A_1311 = arith.addi %broadcast_in_dim3A_1308, %add3A_1310 : vector<16xi32>
      %broadcast_in_dim3A_1312 = arith.constant 2 : i32
      %broadcast_in_dim3A_1313 = vector.broadcast %broadcast_in_dim3A_1312 : i32 to vector<16xi32>
      %add3A_1314 = arith.constant 16 : i32
      %add3A_1315 = vector.broadcast %add3A_1314 : i32 to vector<16xi32>
      %add3A_1316 = arith.addi %add3A_1315, %iota3A : vector<16xi32>
      %gather3A_1317 = tpu.vector_load_idx %arg7[%add3A_1311, %broadcast_in_dim3A_1313, %add3A_1316, %broadcast_in_dim3A_1284] : memref<2x8x32x128xf32, #tpu.memory_space<vmem>>[vector<16xi32>, vector<16xi32>, vector<16xi32>, vector<16xi32>], vector<16xf32>,
      %get3A_1318 = arith.constant 16 : index
      %get3A_1319 = tpu.vector_load %arg8[%get3A_1318] {strides = array<i32>} : memref<32xf32, #tpu.memory_space<vmem>>, vector<16xf32>,
      %jit3A_1320 = arith.constant -3.000000e+01 : f32
      %jit3A_1321 = arith.constant 3.000000e+01 : f32
      %max3A_1322 = vector.broadcast %jit3A_1320 : f32 to vector<16xf32>
      %max3A_1323 = arith.maximumf %max3A_1322, %gather3A_1317 : vector<16xf32>
      %min3A_1324 = vector.broadcast %jit3A_1321 : f32 to vector<16xf32>
      %min3A_1325 = arith.minimumf %min3A_1324, %max3A_1323 : vector<16xf32>
      %add3A_1326 = arith.addf %get3A_1319, %min3A_1325 : vector<16xf32>
      %swap3A_1327 = arith.constant 16 : index
      %swap3A_1328 = tpu.vector_load %arg8[%swap3A_1327] {strides = array<i32>} : memref<32xf32, #tpu.memory_space<vmem>>, vector<16xf32>,
      tpu.vector_store %arg8[%swap3A_1327], %add3A_1326 {strides = array<i32>} : memref<32xf32, #tpu.memory_space<vmem>>, vector<16xf32>,
      %slice3A_1329 = vector.extract_strided_slice %get3A_395 {offsets = [11], sizes = [1], strides = [1]} : vector<16xi32> to vector<1xi32>
      %squeeze3A_1330 = vector.extract %slice3A_1329[0] : i32 from vector<1xi32>
      %and3A_1331 = arith.constant 127 : i32
      %and3A_1332 = arith.andi %squeeze3A_1330, %and3A_1331 : i32
      %broadcast_in_dim3A_1333 = vector.broadcast %and3A_1332 : i32 to vector<16xi32>
      %broadcast_in_dim3A_1334 = arith.constant 0 : i32
      %broadcast_in_dim3A_1335 = vector.broadcast %broadcast_in_dim3A_1334 : i32 to vector<16xi32>
      %add3A_1336 = arith.constant 1 : i32
      %add3A_1337 = vector.broadcast %add3A_1336 : i32 to vector<16xi32>
      %add3A_1338 = arith.addi %broadcast_in_dim3A_1335, %add3A_1337 : vector<16xi32>
      %broadcast_in_dim3A_1339 = arith.constant 3 : i32
      %broadcast_in_dim3A_1340 = vector.broadcast %broadcast_in_dim3A_1339 : i32 to vector<16xi32>
      %add3A_1341 = arith.constant 0 : i32
      %add3A_1342 = vector.broadcast %add3A_1341 : i32 to vector<16xi32>
      %add3A_1343 = arith.addi %add3A_1342, %iota3A : vector<16xi32>
      %gather3A_1344 = tpu.vector_load_idx %arg7[%add3A_1338, %broadcast_in_dim3A_1340, %add3A_1343, %broadcast_in_dim3A_1333] : memref<2x8x32x128xf32, #tpu.memory_space<vmem>>[vector<16xi32>, vector<16xi32>, vector<16xi32>, vector<16xi32>], vector<16xf32>,
      %get3A_1345 = arith.constant 0 : index
      %get3A_1346 = tpu.vector_load %arg8[%get3A_1345] {strides = array<i32>} : memref<32xf32, #tpu.memory_space<vmem>>, vector<16xf32>,
      %jit3A_1347 = arith.constant -3.000000e+01 : f32
      %jit3A_1348 = arith.constant 3.000000e+01 : f32
      %max3A_1349 = vector.broadcast %jit3A_1347 : f32 to vector<16xf32>
      %max3A_1350 = arith.maximumf %max3A_1349, %gather3A_1344 : vector<16xf32>
      %min3A_1351 = vector.broadcast %jit3A_1348 : f32 to vector<16xf32>
      %min3A_1352 = arith.minimumf %min3A_1351, %max3A_1350 : vector<16xf32>
      %add3A_1353 = arith.addf %get3A_1346, %min3A_1352 : vector<16xf32>
      %swap3A_1354 = arith.constant 0 : index
      %swap3A_1355 = tpu.vector_load %arg8[%swap3A_1354] {strides = array<i32>} : memref<32xf32, #tpu.memory_space<vmem>>, vector<16xf32>,
      tpu.vector_store %arg8[%swap3A_1354], %add3A_1353 {strides = array<i32>} : memref<32xf32, #tpu.memory_space<vmem>>, vector<16xf32>,
      %broadcast_in_dim3A_1356 = arith.constant 0 : i32
      %broadcast_in_dim3A_1357 = vector.broadcast %broadcast_in_dim3A_1356 : i32 to vector<16xi32>
      %add3A_1358 = arith.constant 1 : i32
      %add3A_1359 = vector.broadcast %add3A_1358 : i32 to vector<16xi32>
      %add3A_1360 = arith.addi %broadcast_in_dim3A_1357, %add3A_1359 : vector<16xi32>
      %broadcast_in_dim3A_1361 = arith.constant 3 : i32
      %broadcast_in_dim3A_1362 = vector.broadcast %broadcast_in_dim3A_1361 : i32 to vector<16xi32>
      %add3A_1363 = arith.constant 16 : i32
      %add3A_1364 = vector.broadcast %add3A_1363 : i32 to vector<16xi32>
      %add3A_1365 = arith.addi %add3A_1364, %iota3A : vector<16xi32>
      %gather3A_1366 = tpu.vector_load_idx %arg7[%add3A_1360, %broadcast_in_dim3A_1362, %add3A_1365, %broadcast_in_dim3A_1333] : memref<2x8x32x128xf32, #tpu.memory_space<vmem>>[vector<16xi32>, vector<16xi32>, vector<16xi32>, vector<16xi32>], vector<16xf32>,
      %get3A_1367 = arith.constant 16 : index
      %get3A_1368 = tpu.vector_load %arg8[%get3A_1367] {strides = array<i32>} : memref<32xf32, #tpu.memory_space<vmem>>, vector<16xf32>,
      %jit3A_1369 = arith.constant -3.000000e+01 : f32
      %jit3A_1370 = arith.constant 3.000000e+01 : f32
      %max3A_1371 = vector.broadcast %jit3A_1369 : f32 to vector<16xf32>
      %max3A_1372 = arith.maximumf %max3A_1371, %gather3A_1366 : vector<16xf32>
      %min3A_1373 = vector.broadcast %jit3A_1370 : f32 to vector<16xf32>
      %min3A_1374 = arith.minimumf %min3A_1373, %max3A_1372 : vector<16xf32>
      %add3A_1375 = arith.addf %get3A_1368, %min3A_1374 : vector<16xf32>
      %swap3A_1376 = arith.constant 16 : index
      %swap3A_1377 = tpu.vector_load %arg8[%swap3A_1376] {strides = array<i32>} : memref<32xf32, #tpu.memory_space<vmem>>, vector<16xf32>,
      tpu.vector_store %arg8[%swap3A_1376], %add3A_1375 {strides = array<i32>} : memref<32xf32, #tpu.memory_space<vmem>>, vector<16xf32>,
      %slice3A_1378 = vector.extract_strided_slice %get3A_395 {offsets = [12], sizes = [1], strides = [1]} : vector<16xi32> to vector<1xi32>
      %squeeze3A_1379 = vector.extract %slice3A_1378[0] : i32 from vector<1xi32>
      %and3A_1380 = arith.constant 127 : i32
      %and3A_1381 = arith.andi %squeeze3A_1379, %and3A_1380 : i32
      %broadcast_in_dim3A_1382 = vector.broadcast %and3A_1381 : i32 to vector<16xi32>
      %broadcast_in_dim3A_1383 = arith.constant 0 : i32
      %broadcast_in_dim3A_1384 = vector.broadcast %broadcast_in_dim3A_1383 : i32 to vector<16xi32>
      %add3A_1385 = arith.constant 1 : i32
      %add3A_1386 = vector.broadcast %add3A_1385 : i32 to vector<16xi32>
      %add3A_1387 = arith.addi %broadcast_in_dim3A_1384, %add3A_1386 : vector<16xi32>
      %broadcast_in_dim3A_1388 = arith.constant 4 : i32
      %broadcast_in_dim3A_1389 = vector.broadcast %broadcast_in_dim3A_1388 : i32 to vector<16xi32>
      %add3A_1390 = arith.constant 0 : i32
      %add3A_1391 = vector.broadcast %add3A_1390 : i32 to vector<16xi32>
      %add3A_1392 = arith.addi %add3A_1391, %iota3A : vector<16xi32>
      %gather3A_1393 = tpu.vector_load_idx %arg7[%add3A_1387, %broadcast_in_dim3A_1389, %add3A_1392, %broadcast_in_dim3A_1382] : memref<2x8x32x128xf32, #tpu.memory_space<vmem>>[vector<16xi32>, vector<16xi32>, vector<16xi32>, vector<16xi32>], vector<16xf32>,
      %get3A_1394 = arith.constant 0 : index
      %get3A_1395 = tpu.vector_load %arg8[%get3A_1394] {strides = array<i32>} : memref<32xf32, #tpu.memory_space<vmem>>, vector<16xf32>,
      %jit3A_1396 = arith.constant -3.000000e+01 : f32
      %jit3A_1397 = arith.constant 3.000000e+01 : f32
      %max3A_1398 = vector.broadcast %jit3A_1396 : f32 to vector<16xf32>
      %max3A_1399 = arith.maximumf %max3A_1398, %gather3A_1393 : vector<16xf32>
      %min3A_1400 = vector.broadcast %jit3A_1397 : f32 to vector<16xf32>
      %min3A_1401 = arith.minimumf %min3A_1400, %max3A_1399 : vector<16xf32>
      %add3A_1402 = arith.addf %get3A_1395, %min3A_1401 : vector<16xf32>
      %swap3A_1403 = arith.constant 0 : index
      %swap3A_1404 = tpu.vector_load %arg8[%swap3A_1403] {strides = array<i32>} : memref<32xf32, #tpu.memory_space<vmem>>, vector<16xf32>,
      tpu.vector_store %arg8[%swap3A_1403], %add3A_1402 {strides = array<i32>} : memref<32xf32, #tpu.memory_space<vmem>>, vector<16xf32>,
      %broadcast_in_dim3A_1405 = arith.constant 0 : i32
      %broadcast_in_dim3A_1406 = vector.broadcast %broadcast_in_dim3A_1405 : i32 to vector<16xi32>
      %add3A_1407 = arith.constant 1 : i32
      %add3A_1408 = vector.broadcast %add3A_1407 : i32 to vector<16xi32>
      %add3A_1409 = arith.addi %broadcast_in_dim3A_1406, %add3A_1408 : vector<16xi32>
      %broadcast_in_dim3A_1410 = arith.constant 4 : i32
      %broadcast_in_dim3A_1411 = vector.broadcast %broadcast_in_dim3A_1410 : i32 to vector<16xi32>
      %add3A_1412 = arith.constant 16 : i32
      %add3A_1413 = vector.broadcast %add3A_1412 : i32 to vector<16xi32>
      %add3A_1414 = arith.addi %add3A_1413, %iota3A : vector<16xi32>
      %gather3A_1415 = tpu.vector_load_idx %arg7[%add3A_1409, %broadcast_in_dim3A_1411, %add3A_1414, %broadcast_in_dim3A_1382] : memref<2x8x32x128xf32, #tpu.memory_space<vmem>>[vector<16xi32>, vector<16xi32>, vector<16xi32>, vector<16xi32>], vector<16xf32>,
      %get3A_1416 = arith.constant 16 : index
      %get3A_1417 = tpu.vector_load %arg8[%get3A_1416] {strides = array<i32>} : memref<32xf32, #tpu.memory_space<vmem>>, vector<16xf32>,
      %jit3A_1418 = arith.constant -3.000000e+01 : f32
      %jit3A_1419 = arith.constant 3.000000e+01 : f32
      %max3A_1420 = vector.broadcast %jit3A_1418 : f32 to vector<16xf32>
      %max3A_1421 = arith.maximumf %max3A_1420, %gather3A_1415 : vector<16xf32>
      %min3A_1422 = vector.broadcast %jit3A_1419 : f32 to vector<16xf32>
      %min3A_1423 = arith.minimumf %min3A_1422, %max3A_1421 : vector<16xf32>
      %add3A_1424 = arith.addf %get3A_1417, %min3A_1423 : vector<16xf32>
      %swap3A_1425 = arith.constant 16 : index
      %swap3A_1426 = tpu.vector_load %arg8[%swap3A_1425] {strides = array<i32>} : memref<32xf32, #tpu.memory_space<vmem>>, vector<16xf32>,
      tpu.vector_store %arg8[%swap3A_1425], %add3A_1424 {strides = array<i32>} : memref<32xf32, #tpu.memory_space<vmem>>, vector<16xf32>,
      %slice3A_1427 = vector.extract_strided_slice %get3A_395 {offsets = [13], sizes = [1], strides = [1]} : vector<16xi32> to vector<1xi32>
      %squeeze3A_1428 = vector.extract %slice3A_1427[0] : i32 from vector<1xi32>
      %and3A_1429 = arith.constant 127 : i32
      %and3A_1430 = arith.andi %squeeze3A_1428, %and3A_1429 : i32
      %broadcast_in_dim3A_1431 = vector.broadcast %and3A_1430 : i32 to vector<16xi32>
      %broadcast_in_dim3A_1432 = arith.constant 0 : i32
      %broadcast_in_dim3A_1433 = vector.broadcast %broadcast_in_dim3A_1432 : i32 to vector<16xi32>
      %add3A_1434 = arith.constant 1 : i32
      %add3A_1435 = vector.broadcast %add3A_1434 : i32 to vector<16xi32>
      %add3A_1436 = arith.addi %broadcast_in_dim3A_1433, %add3A_1435 : vector<16xi32>
      %broadcast_in_dim3A_1437 = arith.constant 5 : i32
      %broadcast_in_dim3A_1438 = vector.broadcast %broadcast_in_dim3A_1437 : i32 to vector<16xi32>
      %add3A_1439 = arith.constant 0 : i32
      %add3A_1440 = vector.broadcast %add3A_1439 : i32 to vector<16xi32>
      %add3A_1441 = arith.addi %add3A_1440, %iota3A : vector<16xi32>
      %gather3A_1442 = tpu.vector_load_idx %arg7[%add3A_1436, %broadcast_in_dim3A_1438, %add3A_1441, %broadcast_in_dim3A_1431] : memref<2x8x32x128xf32, #tpu.memory_space<vmem>>[vector<16xi32>, vector<16xi32>, vector<16xi32>, vector<16xi32>], vector<16xf32>,
      %get3A_1443 = arith.constant 0 : index
      %get3A_1444 = tpu.vector_load %arg8[%get3A_1443] {strides = array<i32>} : memref<32xf32, #tpu.memory_space<vmem>>, vector<16xf32>,
      %jit3A_1445 = arith.constant -3.000000e+01 : f32
      %jit3A_1446 = arith.constant 3.000000e+01 : f32
      %max3A_1447 = vector.broadcast %jit3A_1445 : f32 to vector<16xf32>
      %max3A_1448 = arith.maximumf %max3A_1447, %gather3A_1442 : vector<16xf32>
      %min3A_1449 = vector.broadcast %jit3A_1446 : f32 to vector<16xf32>
      %min3A_1450 = arith.minimumf %min3A_1449, %max3A_1448 : vector<16xf32>
      %add3A_1451 = arith.addf %get3A_1444, %min3A_1450 : vector<16xf32>
      %swap3A_1452 = arith.constant 0 : index
      %swap3A_1453 = tpu.vector_load %arg8[%swap3A_1452] {strides = array<i32>} : memref<32xf32, #tpu.memory_space<vmem>>, vector<16xf32>,
      tpu.vector_store %arg8[%swap3A_1452], %add3A_1451 {strides = array<i32>} : memref<32xf32, #tpu.memory_space<vmem>>, vector<16xf32>,
      %broadcast_in_dim3A_1454 = arith.constant 0 : i32
      %broadcast_in_dim3A_1455 = vector.broadcast %broadcast_in_dim3A_1454 : i32 to vector<16xi32>
      %add3A_1456 = arith.constant 1 : i32
      %add3A_1457 = vector.broadcast %add3A_1456 : i32 to vector<16xi32>
      %add3A_1458 = arith.addi %broadcast_in_dim3A_1455, %add3A_1457 : vector<16xi32>
      %broadcast_in_dim3A_1459 = arith.constant 5 : i32
      %broadcast_in_dim3A_1460 = vector.broadcast %broadcast_in_dim3A_1459 : i32 to vector<16xi32>
      %add3A_1461 = arith.constant 16 : i32
      %add3A_1462 = vector.broadcast %add3A_1461 : i32 to vector<16xi32>
      %add3A_1463 = arith.addi %add3A_1462, %iota3A : vector<16xi32>
      %gather3A_1464 = tpu.vector_load_idx %arg7[%add3A_1458, %broadcast_in_dim3A_1460, %add3A_1463, %broadcast_in_dim3A_1431] : memref<2x8x32x128xf32, #tpu.memory_space<vmem>>[vector<16xi32>, vector<16xi32>, vector<16xi32>, vector<16xi32>], vector<16xf32>,
      %get3A_1465 = arith.constant 16 : index
      %get3A_1466 = tpu.vector_load %arg8[%get3A_1465] {strides = array<i32>} : memref<32xf32, #tpu.memory_space<vmem>>, vector<16xf32>,
      %jit3A_1467 = arith.constant -3.000000e+01 : f32
      %jit3A_1468 = arith.constant 3.000000e+01 : f32
      %max3A_1469 = vector.broadcast %jit3A_1467 : f32 to vector<16xf32>
      %max3A_1470 = arith.maximumf %max3A_1469, %gather3A_1464 : vector<16xf32>
      %min3A_1471 = vector.broadcast %jit3A_1468 : f32 to vector<16xf32>
      %min3A_1472 = arith.minimumf %min3A_1471, %max3A_1470 : vector<16xf32>
      %add3A_1473 = arith.addf %get3A_1466, %min3A_1472 : vector<16xf32>
      %swap3A_1474 = arith.constant 16 : index
      %swap3A_1475 = tpu.vector_load %arg8[%swap3A_1474] {strides = array<i32>} : memref<32xf32, #tpu.memory_space<vmem>>, vector<16xf32>,
      tpu.vector_store %arg8[%swap3A_1474], %add3A_1473 {strides = array<i32>} : memref<32xf32, #tpu.memory_space<vmem>>, vector<16xf32>,
      %slice3A_1476 = vector.extract_strided_slice %get3A_395 {offsets = [14], sizes = [1], strides = [1]} : vector<16xi32> to vector<1xi32>
      %squeeze3A_1477 = vector.extract %slice3A_1476[0] : i32 from vector<1xi32>
      %and3A_1478 = arith.constant 127 : i32
      %and3A_1479 = arith.andi %squeeze3A_1477, %and3A_1478 : i32
      %broadcast_in_dim3A_1480 = vector.broadcast %and3A_1479 : i32 to vector<16xi32>
      %broadcast_in_dim3A_1481 = arith.constant 0 : i32
      %broadcast_in_dim3A_1482 = vector.broadcast %broadcast_in_dim3A_1481 : i32 to vector<16xi32>
      %add3A_1483 = arith.constant 1 : i32
      %add3A_1484 = vector.broadcast %add3A_1483 : i32 to vector<16xi32>
      %add3A_1485 = arith.addi %broadcast_in_dim3A_1482, %add3A_1484 : vector<16xi32>
      %broadcast_in_dim3A_1486 = arith.constant 6 : i32
      %broadcast_in_dim3A_1487 = vector.broadcast %broadcast_in_dim3A_1486 : i32 to vector<16xi32>
      %add3A_1488 = arith.constant 0 : i32
      %add3A_1489 = vector.broadcast %add3A_1488 : i32 to vector<16xi32>
      %add3A_1490 = arith.addi %add3A_1489, %iota3A : vector<16xi32>
      %gather3A_1491 = tpu.vector_load_idx %arg7[%add3A_1485, %broadcast_in_dim3A_1487, %add3A_1490, %broadcast_in_dim3A_1480] : memref<2x8x32x128xf32, #tpu.memory_space<vmem>>[vector<16xi32>, vector<16xi32>, vector<16xi32>, vector<16xi32>], vector<16xf32>,
      %get3A_1492 = arith.constant 0 : index
      %get3A_1493 = tpu.vector_load %arg8[%get3A_1492] {strides = array<i32>} : memref<32xf32, #tpu.memory_space<vmem>>, vector<16xf32>,
      %jit3A_1494 = arith.constant -3.000000e+01 : f32
      %jit3A_1495 = arith.constant 3.000000e+01 : f32
      %max3A_1496 = vector.broadcast %jit3A_1494 : f32 to vector<16xf32>
      %max3A_1497 = arith.maximumf %max3A_1496, %gather3A_1491 : vector<16xf32>
      %min3A_1498 = vector.broadcast %jit3A_1495 : f32 to vector<16xf32>
      %min3A_1499 = arith.minimumf %min3A_1498, %max3A_1497 : vector<16xf32>
      %add3A_1500 = arith.addf %get3A_1493, %min3A_1499 : vector<16xf32>
      %swap3A_1501 = arith.constant 0 : index
      %swap3A_1502 = tpu.vector_load %arg8[%swap3A_1501] {strides = array<i32>} : memref<32xf32, #tpu.memory_space<vmem>>, vector<16xf32>,
      tpu.vector_store %arg8[%swap3A_1501], %add3A_1500 {strides = array<i32>} : memref<32xf32, #tpu.memory_space<vmem>>, vector<16xf32>,
      %broadcast_in_dim3A_1503 = arith.constant 0 : i32
      %broadcast_in_dim3A_1504 = vector.broadcast %broadcast_in_dim3A_1503 : i32 to vector<16xi32>
      %add3A_1505 = arith.constant 1 : i32
      %add3A_1506 = vector.broadcast %add3A_1505 : i32 to vector<16xi32>
      %add3A_1507 = arith.addi %broadcast_in_dim3A_1504, %add3A_1506 : vector<16xi32>
      %broadcast_in_dim3A_1508 = arith.constant 6 : i32
      %broadcast_in_dim3A_1509 = vector.broadcast %broadcast_in_dim3A_1508 : i32 to vector<16xi32>
      %add3A_1510 = arith.constant 16 : i32
      %add3A_1511 = vector.broadcast %add3A_1510 : i32 to vector<16xi32>
      %add3A_1512 = arith.addi %add3A_1511, %iota3A : vector<16xi32>
      %gather3A_1513 = tpu.vector_load_idx %arg7[%add3A_1507, %broadcast_in_dim3A_1509, %add3A_1512, %broadcast_in_dim3A_1480] : memref<2x8x32x128xf32, #tpu.memory_space<vmem>>[vector<16xi32>, vector<16xi32>, vector<16xi32>, vector<16xi32>], vector<16xf32>,
      %get3A_1514 = arith.constant 16 : index
      %get3A_1515 = tpu.vector_load %arg8[%get3A_1514] {strides = array<i32>} : memref<32xf32, #tpu.memory_space<vmem>>, vector<16xf32>,
      %jit3A_1516 = arith.constant -3.000000e+01 : f32
      %jit3A_1517 = arith.constant 3.000000e+01 : f32
      %max3A_1518 = vector.broadcast %jit3A_1516 : f32 to vector<16xf32>
      %max3A_1519 = arith.maximumf %max3A_1518, %gather3A_1513 : vector<16xf32>
      %min3A_1520 = vector.broadcast %jit3A_1517 : f32 to vector<16xf32>
      %min3A_1521 = arith.minimumf %min3A_1520, %max3A_1519 : vector<16xf32>
      %add3A_1522 = arith.addf %get3A_1515, %min3A_1521 : vector<16xf32>
      %swap3A_1523 = arith.constant 16 : index
      %swap3A_1524 = tpu.vector_load %arg8[%swap3A_1523] {strides = array<i32>} : memref<32xf32, #tpu.memory_space<vmem>>, vector<16xf32>,
      tpu.vector_store %arg8[%swap3A_1523], %add3A_1522 {strides = array<i32>} : memref<32xf32, #tpu.memory_space<vmem>>, vector<16xf32>,
      %slice3A_1525 = vector.extract_strided_slice %get3A_395 {offsets = [15], sizes = [1], strides = [1]} : vector<16xi32> to vector<1xi32>
      %squeeze3A_1526 = vector.extract %slice3A_1525[0] : i32 from vector<1xi32>
      %and3A_1527 = arith.constant 127 : i32
      %and3A_1528 = arith.andi %squeeze3A_1526, %and3A_1527 : i32
      %broadcast_in_dim3A_1529 = vector.broadcast %and3A_1528 : i32 to vector<16xi32>
      %broadcast_in_dim3A_1530 = arith.constant 0 : i32
      %broadcast_in_dim3A_1531 = vector.broadcast %broadcast_in_dim3A_1530 : i32 to vector<16xi32>
      %add3A_1532 = arith.constant 1 : i32
      %add3A_1533 = vector.broadcast %add3A_1532 : i32 to vector<16xi32>
      %add3A_1534 = arith.addi %broadcast_in_dim3A_1531, %add3A_1533 : vector<16xi32>
      %broadcast_in_dim3A_1535 = arith.constant 7 : i32
      %broadcast_in_dim3A_1536 = vector.broadcast %broadcast_in_dim3A_1535 : i32 to vector<16xi32>
      %add3A_1537 = arith.constant 0 : i32
      %add3A_1538 = vector.broadcast %add3A_1537 : i32 to vector<16xi32>
      %add3A_1539 = arith.addi %add3A_1538, %iota3A : vector<16xi32>
      %gather3A_1540 = tpu.vector_load_idx %arg7[%add3A_1534, %broadcast_in_dim3A_1536, %add3A_1539, %broadcast_in_dim3A_1529] : memref<2x8x32x128xf32, #tpu.memory_space<vmem>>[vector<16xi32>, vector<16xi32>, vector<16xi32>, vector<16xi32>], vector<16xf32>,
      %get3A_1541 = arith.constant 0 : index
      %get3A_1542 = tpu.vector_load %arg8[%get3A_1541] {strides = array<i32>} : memref<32xf32, #tpu.memory_space<vmem>>, vector<16xf32>,
      %jit3A_1543 = arith.constant -3.000000e+01 : f32
      %jit3A_1544 = arith.constant 3.000000e+01 : f32
      %max3A_1545 = vector.broadcast %jit3A_1543 : f32 to vector<16xf32>
      %max3A_1546 = arith.maximumf %max3A_1545, %gather3A_1540 : vector<16xf32>
      %min3A_1547 = vector.broadcast %jit3A_1544 : f32 to vector<16xf32>
      %min3A_1548 = arith.minimumf %min3A_1547, %max3A_1546 : vector<16xf32>
      %add3A_1549 = arith.addf %get3A_1542, %min3A_1548 : vector<16xf32>
      %swap3A_1550 = arith.constant 0 : index
      %swap3A_1551 = tpu.vector_load %arg8[%swap3A_1550] {strides = array<i32>} : memref<32xf32, #tpu.memory_space<vmem>>, vector<16xf32>,
      tpu.vector_store %arg8[%swap3A_1550], %add3A_1549 {strides = array<i32>} : memref<32xf32, #tpu.memory_space<vmem>>, vector<16xf32>,
      %broadcast_in_dim3A_1552 = arith.constant 0 : i32
      %broadcast_in_dim3A_1553 = vector.broadcast %broadcast_in_dim3A_1552 : i32 to vector<16xi32>
      %add3A_1554 = arith.constant 1 : i32
      %add3A_1555 = vector.broadcast %add3A_1554 : i32 to vector<16xi32>
      %add3A_1556 = arith.addi %broadcast_in_dim3A_1553, %add3A_1555 : vector<16xi32>
      %broadcast_in_dim3A_1557 = arith.constant 7 : i32
      %broadcast_in_dim3A_1558 = vector.broadcast %broadcast_in_dim3A_1557 : i32 to vector<16xi32>
      %add3A_1559 = arith.constant 16 : i32
      %add3A_1560 = vector.broadcast %add3A_1559 : i32 to vector<16xi32>
      %add3A_1561 = arith.addi %add3A_1560, %iota3A : vector<16xi32>
      %gather3A_1562 = tpu.vector_load_idx %arg7[%add3A_1556, %broadcast_in_dim3A_1558, %add3A_1561, %broadcast_in_dim3A_1529] : memref<2x8x32x128xf32, #tpu.memory_space<vmem>>[vector<16xi32>, vector<16xi32>, vector<16xi32>, vector<16xi32>], vector<16xf32>,
      %get3A_1563 = arith.constant 16 : index
      %get3A_1564 = tpu.vector_load %arg8[%get3A_1563] {strides = array<i32>} : memref<32xf32, #tpu.memory_space<vmem>>, vector<16xf32>,
      %jit3A_1565 = arith.constant -3.000000e+01 : f32
      %jit3A_1566 = arith.constant 3.000000e+01 : f32
      %max3A_1567 = vector.broadcast %jit3A_1565 : f32 to vector<16xf32>
      %max3A_1568 = arith.maximumf %max3A_1567, %gather3A_1562 : vector<16xf32>
      %min3A_1569 = vector.broadcast %jit3A_1566 : f32 to vector<16xf32>
      %min3A_1570 = arith.minimumf %min3A_1569, %max3A_1568 : vector<16xf32>
      %add3A_1571 = arith.addf %get3A_1564, %min3A_1570 : vector<16xf32>
      %swap3A_1572 = arith.constant 16 : index
      %swap3A_1573 = tpu.vector_load %arg8[%swap3A_1572] {strides = array<i32>} : memref<32xf32, #tpu.memory_space<vmem>>, vector<16xf32>,
      tpu.vector_store %arg8[%swap3A_1572], %add3A_1571 {strides = array<i32>} : memref<32xf32, #tpu.memory_space<vmem>>, vector<16xf32>,
      %scan3A_1574 = arith.constant 0 : i32
      scf.yield %scan3A_1574 : i32
    }
    %scan3A_162 = arith.constant 4 : i32
    %get3A_163 = arith.constant 0 : index
    %get3A_164 = tpu.vector_load %arg8[%get3A_163] {strides = array<i32>} : memref<32xf32, #tpu.memory_space<vmem>>, vector<16xf32>,
    %get3A_165 = arith.constant 16 : index
    %get3A_166 = tpu.vector_load %arg8[%get3A_165] {strides = array<i32>} : memref<32xf32, #tpu.memory_space<vmem>>, vector<16xf32>,
    %max3A = arith.maximumf %get3A_164, %get3A_166 : vector<16xf32>
    %xor3A = arith.constant 8 : i32
    %xor3A_167 = vector.broadcast %xor3A : i32 to vector<16xi32>
    %xor3A_168 = arith.xori %iota3A, %xor3A_167 : vector<16xi32>
    %broadcast_in_dim3A_169 = vector.shape_cast %xor3A_168 : vector<16xi32> to vector<16x1xi32>
    %gather3A = vector.shape_cast %broadcast_in_dim3A_169 : vector<16x1xi32> to vector<16xi32>
    %gather3A_170 = tpu.dynamic_gather %max3A[%gather3A] in [0] : vector<16xf32>, vector<16xi32> -> vector<16xf32>
    %max3A_171 = arith.maximumf %max3A, %gather3A_170 : vector<16xf32>
    %xor3A_172 = arith.constant 4 : i32
    %xor3A_173 = vector.broadcast %xor3A_172 : i32 to vector<16xi32>
    %xor3A_174 = arith.xori %iota3A, %xor3A_173 : vector<16xi32>
    %broadcast_in_dim3A_175 = vector.shape_cast %xor3A_174 : vector<16xi32> to vector<16x1xi32>
    %gather3A_176 = vector.shape_cast %broadcast_in_dim3A_175 : vector<16x1xi32> to vector<16xi32>
    %gather3A_177 = tpu.dynamic_gather %max3A_171[%gather3A_176] in [0] : vector<16xf32>, vector<16xi32> -> vector<16xf32>
    %max3A_178 = arith.maximumf %max3A_171, %gather3A_177 : vector<16xf32>
    %xor3A_179 = arith.constant 2 : i32
    %xor3A_180 = vector.broadcast %xor3A_179 : i32 to vector<16xi32>
    %xor3A_181 = arith.xori %iota3A, %xor3A_180 : vector<16xi32>
    %broadcast_in_dim3A_182 = vector.shape_cast %xor3A_181 : vector<16xi32> to vector<16x1xi32>
    %gather3A_183 = vector.shape_cast %broadcast_in_dim3A_182 : vector<16x1xi32> to vector<16xi32>
    %gather3A_184 = tpu.dynamic_gather %max3A_178[%gather3A_183] in [0] : vector<16xf32>, vector<16xi32> -> vector<16xf32>
    %max3A_185 = arith.maximumf %max3A_178, %gather3A_184 : vector<16xf32>
    %xor3A_186 = arith.constant 1 : i32
    %xor3A_187 = vector.broadcast %xor3A_186 : i32 to vector<16xi32>
    %xor3A_188 = arith.xori %iota3A, %xor3A_187 : vector<16xi32>
    %broadcast_in_dim3A_189 = vector.shape_cast %xor3A_188 : vector<16xi32> to vector<16x1xi32>
    %gather3A_190 = vector.shape_cast %broadcast_in_dim3A_189 : vector<16x1xi32> to vector<16xi32>
    %gather3A_191 = tpu.dynamic_gather %max3A_185[%gather3A_190] in [0] : vector<16xf32>, vector<16xi32> -> vector<16xf32>
    %max3A_192 = arith.maximumf %max3A_185, %gather3A_191 : vector<16xf32>
    %sub3A = arith.subf %get3A_164, %max3A_192 : vector<16xf32>
    %exp3A = math.exp %sub3A : vector<16xf32>
    %sub3A_193 = arith.subf %get3A_166, %max3A_192 : vector<16xf32>
    %exp3A_194 = math.exp %sub3A_193 : vector<16xf32>
    %add3A_195 = arith.addf %exp3A, %exp3A_194 : vector<16xf32>
    %xor3A_196 = arith.constant 8 : i32
    %xor3A_197 = vector.broadcast %xor3A_196 : i32 to vector<16xi32>
    %xor3A_198 = arith.xori %iota3A, %xor3A_197 : vector<16xi32>
    %broadcast_in_dim3A_199 = vector.shape_cast %xor3A_198 : vector<16xi32> to vector<16x1xi32>
    %gather3A_200 = vector.shape_cast %broadcast_in_dim3A_199 : vector<16x1xi32> to vector<16xi32>
    %gather3A_201 = tpu.dynamic_gather %add3A_195[%gather3A_200] in [0] : vector<16xf32>, vector<16xi32> -> vector<16xf32>
    %add3A_202 = arith.addf %add3A_195, %gather3A_201 : vector<16xf32>
    %xor3A_203 = arith.constant 4 : i32
    %xor3A_204 = vector.broadcast %xor3A_203 : i32 to vector<16xi32>
    %xor3A_205 = arith.xori %iota3A, %xor3A_204 : vector<16xi32>
    %broadcast_in_dim3A_206 = vector.shape_cast %xor3A_205 : vector<16xi32> to vector<16x1xi32>
    %gather3A_207 = vector.shape_cast %broadcast_in_dim3A_206 : vector<16x1xi32> to vector<16xi32>
    %gather3A_208 = tpu.dynamic_gather %add3A_202[%gather3A_207] in [0] : vector<16xf32>, vector<16xi32> -> vector<16xf32>
    %add3A_209 = arith.addf %add3A_202, %gather3A_208 : vector<16xf32>
    %xor3A_210 = arith.constant 2 : i32
    %xor3A_211 = vector.broadcast %xor3A_210 : i32 to vector<16xi32>
    %xor3A_212 = arith.xori %iota3A, %xor3A_211 : vector<16xi32>
    %broadcast_in_dim3A_213 = vector.shape_cast %xor3A_212 : vector<16xi32> to vector<16x1xi32>
    %gather3A_214 = vector.shape_cast %broadcast_in_dim3A_213 : vector<16x1xi32> to vector<16xi32>
    %gather3A_215 = tpu.dynamic_gather %add3A_209[%gather3A_214] in [0] : vector<16xf32>, vector<16xi32> -> vector<16xf32>
    %add3A_216 = arith.addf %add3A_209, %gather3A_215 : vector<16xf32>
    %xor3A_217 = arith.constant 1 : i32
    %xor3A_218 = vector.broadcast %xor3A_217 : i32 to vector<16xi32>
    %xor3A_219 = arith.xori %iota3A, %xor3A_218 : vector<16xi32>
    %broadcast_in_dim3A_220 = vector.shape_cast %xor3A_219 : vector<16xi32> to vector<16x1xi32>
    %gather3A_221 = vector.shape_cast %broadcast_in_dim3A_220 : vector<16x1xi32> to vector<16xi32>
    %gather3A_222 = tpu.dynamic_gather %add3A_216[%gather3A_221] in [0] : vector<16xf32>, vector<16xi32> -> vector<16xf32>
    %add3A_223 = arith.addf %add3A_216, %gather3A_222 : vector<16xf32>
    %bitcast_convert_type3A = tpu.bitcast %add3A_223 : vector<16xf32> -> vector<16xi32>
    %shift_right_arithmetic3A_224 = arith.constant 23 : i32
    %shift_right_arithmetic3A_225 = vector.broadcast %shift_right_arithmetic3A_224 : i32 to vector<16xi32>
    %shift_right_arithmetic3A_226 = arith.shrsi %bitcast_convert_type3A, %shift_right_arithmetic3A_225 : vector<16xi32>
    %and3A = arith.constant 255 : i32
    %and3A_227 = vector.broadcast %and3A : i32 to vector<16xi32>
    %and3A_228 = arith.andi %shift_right_arithmetic3A_226, %and3A_227 : vector<16xi32>
    %sub3A_229 = arith.constant 127 : i32
    %sub3A_230 = vector.broadcast %sub3A_229 : i32 to vector<16xi32>
    %sub3A_231 = arith.subi %and3A_228, %sub3A_230 : vector<16xi32>
    %and3A_232 = arith.constant 8388607 : i32
    %and3A_233 = vector.broadcast %and3A_232 : i32 to vector<16xi32>
    %and3A_234 = arith.andi %bitcast_convert_type3A, %and3A_233 : vector<16xi32>
    %or3A = arith.constant 1065353216 : i32
    %or3A_235 = vector.broadcast %or3A : i32 to vector<16xi32>
    %or3A_236 = arith.ori %and3A_234, %or3A_235 : vector<16xi32>
    %bitcast_convert_type3A_237 = tpu.bitcast %or3A_236 : vector<16xi32> -> vector<16xf32>
    %broadcast_in_dim3A_238 = arith.constant 0.0101190833 : f32
    %broadcast_in_dim3A_239 = vector.broadcast %broadcast_in_dim3A_238 : f32 to vector<16xf32>
    %mul3A_240 = arith.mulf %broadcast_in_dim3A_239, %bitcast_convert_type3A_237 : vector<16xf32>
    %add3A_241 = arith.constant -0.12345843 : f32
    %add3A_242 = vector.broadcast %add3A_241 : f32 to vector<16xf32>
    %add3A_243 = arith.addf %mul3A_240, %add3A_242 : vector<16xf32>
    %mul3A_244 = arith.mulf %add3A_243, %bitcast_convert_type3A_237 : vector<16xf32>
    %add3A_245 = arith.constant 0.65901488 : f32
    %add3A_246 = vector.broadcast %add3A_245 : f32 to vector<16xf32>
    %add3A_247 = arith.addf %mul3A_244, %add3A_246 : vector<16xf32>
    %mul3A_248 = arith.mulf %add3A_247, %bitcast_convert_type3A_237 : vector<16xf32>
    %add3A_249 = arith.constant -2.02020216 : f32
    %add3A_250 = vector.broadcast %add3A_249 : f32 to vector<16xf32>
    %add3A_251 = arith.addf %mul3A_248, %add3A_250 : vector<16xf32>
    %mul3A_252 = arith.mulf %add3A_251, %bitcast_convert_type3A_237 : vector<16xf32>
    %add3A_253 = arith.constant 3.9326334 : f32
    %add3A_254 = vector.broadcast %add3A_253 : f32 to vector<16xf32>
    %add3A_255 = arith.addf %mul3A_252, %add3A_254 : vector<16xf32>
    %mul3A_256 = arith.mulf %add3A_255, %bitcast_convert_type3A_237 : vector<16xf32>
    %add3A_257 = arith.constant -5.12666702 : f32
    %add3A_258 = vector.broadcast %add3A_257 : f32 to vector<16xf32>
    %add3A_259 = arith.addf %mul3A_256, %add3A_258 : vector<16xf32>
    %mul3A_260 = arith.mulf %add3A_259, %bitcast_convert_type3A_237 : vector<16xf32>
    %add3A_261 = arith.constant 4.91104269 : f32
    %add3A_262 = vector.broadcast %add3A_261 : f32 to vector<16xf32>
    %add3A_263 = arith.addf %mul3A_260, %add3A_262 : vector<16xf32>
    %mul3A_264 = arith.mulf %add3A_263, %bitcast_convert_type3A_237 : vector<16xf32>
    %add3A_265 = arith.constant -2.24248171 : f32
    %add3A_266 = vector.broadcast %add3A_265 : f32 to vector<16xf32>
    %add3A_267 = arith.addf %mul3A_264, %add3A_266 : vector<16xf32>
    %convert_element_type3A = arith.sitofp %sub3A_231 : vector<16xi32> to vector<16xf32>
    %mul3A_268 = arith.constant 0.693147182 : f32
    %mul3A_269 = vector.broadcast %mul3A_268 : f32 to vector<16xf32>
    %mul3A_270 = arith.mulf %convert_element_type3A, %mul3A_269 : vector<16xf32>
    %add3A_271 = arith.addf %mul3A_270, %add3A_267 : vector<16xf32>
    %add3A_272 = arith.addf %max3A_192, %add3A_271 : vector<16xf32>
    %broadcast_in_dim3A_273 = arith.constant 0 : i32
    %broadcast_in_dim3A_274 = vector.broadcast %broadcast_in_dim3A_273 : i32 to vector<16xi32>
    %jit3A = arith.constant 16 : i32
    %eq3A = arith.constant 0 : i32
    %eq3A_275 = arith.cmpi eq, %jit3A, %eq3A : i32
    %jit3A_276 = arith.constant 1 : i32
    %select_n3A = arith.select %eq3A_275, %jit3A_276, %jit3A : i32
    %rem3A = arith.remsi %add3A, %select_n3A : i32
    %ne3A = arith.constant 0 : i32
    %ne3A_277 = arith.cmpi ne, %rem3A, %ne3A : i32
    %lt3A = arith.constant 0 : i32
    %lt3A_278 = arith.cmpi slt, %rem3A, %lt3A : i32
    %lt3A_279 = arith.constant 0 : i32
    %lt3A_280 = arith.cmpi slt, %select_n3A, %lt3A_279 : i32
    %ne3A_281 = arith.xori %lt3A_278, %lt3A_280 : i1
    %and3A_282 = arith.andi %ne3A_281, %ne3A_277 : i1
    %add3A_283 = arith.addi %rem3A, %select_n3A : i32
    %select_n3A_284 = arith.select %and3A_282, %add3A_283, %rem3A : i32
    %add3A_285 = vector.broadcast %select_n3A_284 : i32 to vector<16xi32>
    %add3A_286 = arith.addi %broadcast_in_dim3A_274, %add3A_285 : vector<16xi32>
    %broadcast_in_dim3A_287 = arith.constant 0 : i32
    %broadcast_in_dim3A_288 = vector.broadcast %broadcast_in_dim3A_287 : i32 to vector<16xi32>
    %add3A_289 = vector.broadcast %add3A : i32 to vector<16xi32>
    %add3A_290 = arith.addi %broadcast_in_dim3A_288, %add3A_289 : vector<16xi32>
    %lt3A_291 = arith.constant 16 : i32
    %lt3A_292 = vector.broadcast %lt3A_291 : i32 to vector<16xi32>
    %lt3A_293 = arith.cmpi slt, %add3A_290, %lt3A_292 : vector<16xi32>
    %broadcast_in_dim3A_294 = vector.shape_cast %add3A_286 : vector<16xi32> to vector<16x1xi32>
    %gather3A_295 = vector.shape_cast %broadcast_in_dim3A_294 : vector<16x1xi32> to vector<16xi32>
    %gather3A_296 = tpu.dynamic_gather %get3A_164[%gather3A_295] in [0] : vector<16xf32>, vector<16xi32> -> vector<16xf32>
    %broadcast_in_dim3A_297 = vector.shape_cast %add3A_286 : vector<16xi32> to vector<16x1xi32>
    %gather3A_298 = vector.shape_cast %broadcast_in_dim3A_297 : vector<16x1xi32> to vector<16xi32>
    %gather3A_299 = tpu.dynamic_gather %get3A_166[%gather3A_298] in [0] : vector<16xf32>, vector<16xi32> -> vector<16xf32>
    %select_n3A_300 = arith.select %lt3A_293, %gather3A_296, %gather3A_299 : vector<16xi1>, vector<16xf32>
    %get3A_301 = arith.constant 0 : index
    %get3A_302 = tpu.vector_load %arg10[%get3A_301] {strides = array<i32>} : memref<32xf32, #tpu.memory_space<vmem>>, vector<16xf32>,
    %get3A_303 = arith.constant 16 : index
    %get3A_304 = tpu.vector_load %arg10[%get3A_303] {strides = array<i32>} : memref<32xf32, #tpu.memory_space<vmem>>, vector<16xf32>,
    %broadcast_in_dim3A_305 = vector.shape_cast %add3A_286 : vector<16xi32> to vector<16x1xi32>
    %gather3A_306 = vector.shape_cast %broadcast_in_dim3A_305 : vector<16x1xi32> to vector<16xi32>
    %gather3A_307 = tpu.dynamic_gather %get3A_302[%gather3A_306] in [0] : vector<16xf32>, vector<16xi32> -> vector<16xf32>
    %broadcast_in_dim3A_308 = vector.shape_cast %add3A_286 : vector<16xi32> to vector<16x1xi32>
    %gather3A_309 = vector.shape_cast %broadcast_in_dim3A_308 : vector<16x1xi32> to vector<16xi32>
    %gather3A_310 = tpu.dynamic_gather %get3A_304[%gather3A_309] in [0] : vector<16xf32>, vector<16xi32> -> vector<16xf32>
    %select_n3A_311 = arith.select %lt3A_293, %gather3A_307, %gather3A_310 : vector<16xi1>, vector<16xf32>
    %max3A_312 = arith.maximumf %add3A_272, %select_n3A_311 : vector<16xf32>
    %sub3A_313 = arith.subf %add3A_272, %select_n3A_311 : vector<16xf32>
    %abs3A = math.absf %sub3A_313 : vector<16xf32>
    %neg3A = arith.constant 0.000000e+00 : f32
    %neg3A_314 = vector.broadcast %neg3A : f32 to vector<16xf32>
    %neg3A_315 = arith.subf %neg3A_314, %abs3A : vector<16xf32>
    %exp3A_316 = math.exp %neg3A_315 : vector<16xf32>
    %add3A_317 = arith.constant 1.000000e+00 : f32
    %add3A_318 = vector.broadcast %add3A_317 : f32 to vector<16xf32>
    %add3A_319 = arith.addf %add3A_318, %exp3A_316 : vector<16xf32>
    %bitcast_convert_type3A_320 = tpu.bitcast %add3A_319 : vector<16xf32> -> vector<16xi32>
    %shift_right_arithmetic3A_321 = arith.constant 23 : i32
    %shift_right_arithmetic3A_322 = vector.broadcast %shift_right_arithmetic3A_321 : i32 to vector<16xi32>
    %shift_right_arithmetic3A_323 = arith.shrsi %bitcast_convert_type3A_320, %shift_right_arithmetic3A_322 : vector<16xi32>
    %and3A_324 = arith.constant 255 : i32
    %and3A_325 = vector.broadcast %and3A_324 : i32 to vector<16xi32>
    %and3A_326 = arith.andi %shift_right_arithmetic3A_323, %and3A_325 : vector<16xi32>
    %sub3A_327 = arith.constant 127 : i32
    %sub3A_328 = vector.broadcast %sub3A_327 : i32 to vector<16xi32>
    %sub3A_329 = arith.subi %and3A_326, %sub3A_328 : vector<16xi32>
    %and3A_330 = arith.constant 8388607 : i32
    %and3A_331 = vector.broadcast %and3A_330 : i32 to vector<16xi32>
    %and3A_332 = arith.andi %bitcast_convert_type3A_320, %and3A_331 : vector<16xi32>
    %or3A_333 = arith.constant 1065353216 : i32
    %or3A_334 = vector.broadcast %or3A_333 : i32 to vector<16xi32>
    %or3A_335 = arith.ori %and3A_332, %or3A_334 : vector<16xi32>
    %bitcast_convert_type3A_336 = tpu.bitcast %or3A_335 : vector<16xi32> -> vector<16xf32>
    %broadcast_in_dim3A_337 = arith.constant 0.0101190833 : f32
    %broadcast_in_dim3A_338 = vector.broadcast %broadcast_in_dim3A_337 : f32 to vector<16xf32>
    %mul3A_339 = arith.mulf %broadcast_in_dim3A_338, %bitcast_convert_type3A_336 : vector<16xf32>
    %add3A_340 = arith.constant -0.12345843 : f32
    %add3A_341 = vector.broadcast %add3A_340 : f32 to vector<16xf32>
    %add3A_342 = arith.addf %mul3A_339, %add3A_341 : vector<16xf32>
    %mul3A_343 = arith.mulf %add3A_342, %bitcast_convert_type3A_336 : vector<16xf32>
    %add3A_344 = arith.constant 0.65901488 : f32
    %add3A_345 = vector.broadcast %add3A_344 : f32 to vector<16xf32>
    %add3A_346 = arith.addf %mul3A_343, %add3A_345 : vector<16xf32>
    %mul3A_347 = arith.mulf %add3A_346, %bitcast_convert_type3A_336 : vector<16xf32>
    %add3A_348 = arith.constant -2.02020216 : f32
    %add3A_349 = vector.broadcast %add3A_348 : f32 to vector<16xf32>
    %add3A_350 = arith.addf %mul3A_347, %add3A_349 : vector<16xf32>
    %mul3A_351 = arith.mulf %add3A_350, %bitcast_convert_type3A_336 : vector<16xf32>
    %add3A_352 = arith.constant 3.9326334 : f32
    %add3A_353 = vector.broadcast %add3A_352 : f32 to vector<16xf32>
    %add3A_354 = arith.addf %mul3A_351, %add3A_353 : vector<16xf32>
    %mul3A_355 = arith.mulf %add3A_354, %bitcast_convert_type3A_336 : vector<16xf32>
    %add3A_356 = arith.constant -5.12666702 : f32
    %add3A_357 = vector.broadcast %add3A_356 : f32 to vector<16xf32>
    %add3A_358 = arith.addf %mul3A_355, %add3A_357 : vector<16xf32>
    %mul3A_359 = arith.mulf %add3A_358, %bitcast_convert_type3A_336 : vector<16xf32>
    %add3A_360 = arith.constant 4.91104269 : f32
    %add3A_361 = vector.broadcast %add3A_360 : f32 to vector<16xf32>
    %add3A_362 = arith.addf %mul3A_359, %add3A_361 : vector<16xf32>
    %mul3A_363 = arith.mulf %add3A_362, %bitcast_convert_type3A_336 : vector<16xf32>
    %add3A_364 = arith.constant -2.24248171 : f32
    %add3A_365 = vector.broadcast %add3A_364 : f32 to vector<16xf32>
    %add3A_366 = arith.addf %mul3A_363, %add3A_365 : vector<16xf32>
    %convert_element_type3A_367 = arith.sitofp %sub3A_329 : vector<16xi32> to vector<16xf32>
    %mul3A_368 = arith.constant 0.693147182 : f32
    %mul3A_369 = vector.broadcast %mul3A_368 : f32 to vector<16xf32>
    %mul3A_370 = arith.mulf %convert_element_type3A_367, %mul3A_369 : vector<16xf32>
    %add3A_371 = arith.addf %mul3A_370, %add3A_366 : vector<16xf32>
    %add3A_372 = arith.addf %max3A_312, %add3A_371 : vector<16xf32>
    %sub3A_373 = arith.subf %select_n3A_300, %add3A_372 : vector<16xf32>
    %swap3A_374 = arith.constant 0 : index
    %swap3A_375 = tpu.vector_load %arg11[%swap3A_374] {strides = array<i32>} : memref<128xf32, #tpu.memory_space<vmem>>, vector<16xf32>,
    tpu.vector_store %arg11[%swap3A_374], %sub3A_373 {strides = array<i32>} : memref<128xf32, #tpu.memory_space<vmem>>, vector<16xf32>,
    %swap3A_376 = arith.constant 16 : index
    %swap3A_377 = tpu.vector_load %arg11[%swap3A_376] {strides = array<i32>} : memref<128xf32, #tpu.memory_space<vmem>>, vector<16xf32>,
    tpu.vector_store %arg11[%swap3A_376], %sub3A_373 {strides = array<i32>} : memref<128xf32, #tpu.memory_space<vmem>>, vector<16xf32>,
    %swap3A_378 = arith.constant 32 : index
    %swap3A_379 = tpu.vector_load %arg11[%swap3A_378] {strides = array<i32>} : memref<128xf32, #tpu.memory_space<vmem>>, vector<16xf32>,
    tpu.vector_store %arg11[%swap3A_378], %sub3A_373 {strides = array<i32>} : memref<128xf32, #tpu.memory_space<vmem>>, vector<16xf32>,
    %swap3A_380 = arith.constant 48 : index
    %swap3A_381 = tpu.vector_load %arg11[%swap3A_380] {strides = array<i32>} : memref<128xf32, #tpu.memory_space<vmem>>, vector<16xf32>,
    tpu.vector_store %arg11[%swap3A_380], %sub3A_373 {strides = array<i32>} : memref<128xf32, #tpu.memory_space<vmem>>, vector<16xf32>,
    %swap3A_382 = arith.constant 64 : index
    %swap3A_383 = tpu.vector_load %arg11[%swap3A_382] {strides = array<i32>} : memref<128xf32, #tpu.memory_space<vmem>>, vector<16xf32>,
    tpu.vector_store %arg11[%swap3A_382], %sub3A_373 {strides = array<i32>} : memref<128xf32, #tpu.memory_space<vmem>>, vector<16xf32>,
    %swap3A_384 = arith.constant 80 : index
    %swap3A_385 = tpu.vector_load %arg11[%swap3A_384] {strides = array<i32>} : memref<128xf32, #tpu.memory_space<vmem>>, vector<16xf32>,
    tpu.vector_store %arg11[%swap3A_384], %sub3A_373 {strides = array<i32>} : memref<128xf32, #tpu.memory_space<vmem>>, vector<16xf32>,
    %swap3A_386 = arith.constant 96 : index
    %swap3A_387 = tpu.vector_load %arg11[%swap3A_386] {strides = array<i32>} : memref<128xf32, #tpu.memory_space<vmem>>, vector<16xf32>,
    tpu.vector_store %arg11[%swap3A_386], %sub3A_373 {strides = array<i32>} : memref<128xf32, #tpu.memory_space<vmem>>, vector<16xf32>,
    %swap3A_388 = arith.constant 112 : index
    %swap3A_389 = tpu.vector_load %arg11[%swap3A_388] {strides = array<i32>} : memref<128xf32, #tpu.memory_space<vmem>>, vector<16xf32>,
    tpu.vector_store %arg11[%swap3A_388], %sub3A_373 {strides = array<i32>} : memref<128xf32, #tpu.memory_space<vmem>>, vector<16xf32>,
    "tpu.region"() ({
      %run_scoped3A = tpu.sem_alloc : memref<!tpu.dma_semaphore, #tpu.memory_space<semaphore_mem>>
      %dma_start3A_390 = arith.constant 0 : i32
      %dma_start3A_391 = tpu.memref_slice %arg5[%add3A, %dma_start3A_390] : memref<32x128xf32, #tpu.memory_space<hbm>> -> memref<1x128xf32, #tpu.memory_space<hbm>>
      %dma_start3A_392 = tpu.memref_squeeze %dma_start3A_391 : memref<1x128xf32, #tpu.memory_space<hbm>> -> memref<128xf32, #tpu.memory_space<hbm>>
      %dma_start3A_393 = arith.constant 0 : i32
      %dma_start3A_394 = tpu.memref_slice %arg5[%add3A, %dma_start3A_393] : memref<32x128xf32, #tpu.memory_space<hbm>> -> memref<1x128xf32, #tpu.memory_space<hbm>>
      %dma_start3A_395 = tpu.memref_squeeze %dma_start3A_394 : memref<1x128xf32, #tpu.memory_space<hbm>> -> memref<128xf32, #tpu.memory_space<hbm>>
      tpu.enqueue_dma source(%arg11 : memref<128xf32, #tpu.memory_space<vmem>>) target(%dma_start3A_395 : memref<128xf32, #tpu.memory_space<hbm>>) target_semaphore(%run_scoped3A : memref<!tpu.dma_semaphore, #tpu.memory_space<semaphore_mem>>)
      %dma_wait3A = arith.constant 0 : i32
      %dma_wait3A_396 = tpu.memref_slice %arg5[%add3A, %dma_wait3A] : memref<32x128xf32, #tpu.memory_space<hbm>> -> memref<1x128xf32, #tpu.memory_space<hbm>>
      %dma_wait3A_397 = tpu.memref_squeeze %dma_wait3A_396 : memref<1x128xf32, #tpu.memory_space<hbm>> -> memref<128xf32, #tpu.memory_space<hbm>>
      %dma_wait3A_398 = arith.constant 0 : i32
      %dma_wait3A_399 = tpu.memref_slice %arg5[%add3A, %dma_wait3A_398] : memref<32x128xf32, #tpu.memory_space<hbm>> -> memref<1x128xf32, #tpu.memory_space<hbm>>
      %dma_wait3A_400 = tpu.memref_squeeze %dma_wait3A_399 : memref<1x128xf32, #tpu.memory_space<hbm>> -> memref<128xf32, #tpu.memory_space<hbm>>
      tpu.wait_dma2 semaphore(%run_scoped3A : memref<!tpu.dma_semaphore, #tpu.memory_space<semaphore_mem>>) src(%arg11 : memref<128xf32, #tpu.memory_space<vmem>>) dst(%dma_wait3A_400 : memref<128xf32, #tpu.memory_space<hbm>>)
      tpu.yield
    }) : () -> ()
    return
  }
}

</mosaic_0001>

<sc_bundles>
// kernel: _sc_loss.3.cloned.1.call-start
scs
__scs_entry_jumppad:
0x0: {  	(pc) =	sbr.rel $0x88, $3  }
0x1: {  	(tag) =	ssettag $0x0;
	lr =	simm.s32 $0x1  }
0x2: {  	[smem:$0x3F9E] =	sst lr;
	_ =	strace $0xD0000000  }
0x3: {  	_ = 	snop  }
0x4: {  	_ = 	snop  }
0x5: {  	_ = 	snop  }
0x6: {  	_ = 	snop  }
0x7: {  	_ = 	snop  }
__scs_overlays_trampoline_lowered:
0x8: {  	[smem:$0x3FAD] =	sst s0  }
0x9: {  	[smem:$0x3FAE] =	sst s1  }
0xa: {  	[smem:$0x3FAF] =	sst s2  }
0xb: {  	[smem:$0x3FB0] =	sst s3  }
0xc: {  	[smem:$0x3FB1] =	sst s4  }
0xd: {  	[smem:$0x3FB2] =	sst s5  }
0xe: {  	[smem:$0x3FB3] =	sst s6  }
0xf: {  	[smem:$0x3FB4] =	sst s7  }
0x10: {  	[smem:$0x3FB5] =	sst s8  }
0x11: {  	[smem:$0x3FB6] =	sst s9;
	s0 =	simm.s32 @!p0 $0x0  }
0x12: {  	s1 =	sld [smem:$0x3F9C];
	s0 =	simm.s32 @p0 $0x1  }
0x13: {  	[smem:$0x3FB7] =	sst s0;
	s0 =	simm.s32 @!p1 $0x0  }
0x14: {  	s2 =	sld [smem:$0x3F9B];
	s0 =	simm.s32 @p1 $0x1  }
0x15: {  	[smem:$0x3FB8] =	sst s0;
	s0 =	simm.s32 @!p2 $0x0  }
0x16: {  	s3 =	sld [smem:$0x3FDB];
	s0 =	simm.s32 @p2 $0x1  }
0x17: {  	s4 =	simm.s32 $0x1BF5;
	[smem:$0x3FBA] =	sst s0  }
0x18: {  	s0 =	sld [smem:$0x3F9D];
	_ =	swait.ge [sflag:s4], $0x0  }
0x19: {  	s7 =	sld [smem:$0x3F9E]  }
0x1a: {  	s8 =	sadd.s32 $0xFFFFE003, lr  }
0x1b: {  	s9 =	sadd.s32 $0xFFFFFEF7, lr;
	s5 =	simm.s32 $0xFFFFFFFF;
	p2 =	slt.u32 s8, $0xFFFFF086  }
0x1c: {  	p1 =	slt.u32 s9, $0xF7A;
	s5 =	simm.s32 @!p2 $0x0  }
0x1d: {  	s5 =	simm.s32 @p1 $0x1;
	p0 =	seq.s32 s7, s2  }
0x1e: {  	s7 =	smul.u32 @!p0 $0xF7A, s2;
	p2 =	seq.s32 @!p0 s5, $0x0  }
0x1f: {  	s9 =	smul.u32 $0xF7A, s1;
	s8 =	simm.s32 @!p0 $0x1BF5;
	p2 =	por !p2, p0  }
0x20: {  	[sflag:s8] =	ssyncset.s32 @!p0 $0xFFFFF086;
	s6 =	sadd.s32 @!p0 s3, s7;
	s7 =	simm.s32 @!p0 $0x108  }
0x21: {  	s3 =	sadd.s32 s3, s9;
	s6 =	sadd.s32 @!p0 $0x88, s6;
	s7 =	simm.s32 @p2 $0x1082  }
0x22: {  	[simem:s7], [sflag:s8] =	dma.local @!p0 [hbm:s6], $0xF7A  }
0x23: {  	s9 =	sor.u32 $0xD0000000, s2;
	s6 =	simm.s32 $0x108;
	_ =	swait.ge @!p0 [sflag:s8], $0x0  }
0x24: {  	s3 =	sadd.s32 $0x88, s3;
	s6 =	simm.s32 @!p1 $0x1082;
	[sflag:s4] =	ssyncset.s32 $0xFFFFF086  }
0x25: {  	[simem:s6], [sflag:s4] =	dma.local [hbm:s3], $0xF7A  }
0x26: {  	[smem:$0x3F9E] =	sst s1;
	(tag) =	ssettag s2;
	_ =	strace s9  }
0x27: {  	s1 =	sld [smem:$0x3FAE]  }
0x28: {  	s2 =	sld [smem:$0x3FAF]  }
0x29: {  	s4 =	sld [smem:$0x3FB1]  }
0x2a: {  	p0 =	seq.s32 s5, $0x0;
	s5 =	sld [smem:$0x3FB2]  }
0x2b: {  	s6 =	sld [smem:$0x3FB3]  }
0x2c: {  	s7 =	sld [smem:$0x3FB4]  }
0x2d: {  	s3 =	simm.s32 $0x108;
	s8 =	sld [smem:$0x3FB5]  }
0x2e: {  	s3 =	simm.s32 @!p0 $0x1082;
	s9 =	sld [smem:$0x3FB6]  }
0x2f: {  	lr =	sadd.s32 s0, s3;
	s0 =	sld [smem:$0x3FAD]  }
0x30: {  	s3 =	sld [smem:$0x3FB0]  }
0x31: {  	[smem:$0x3FB9] =	sst s10  }
0x32: {  	s10 =	sld [smem:$0x3FB7];
	_ =	sdelay $0x3  }
0x33: {  	p0 =	seq.s32 s10, $0x1;
	s10 =	sld [smem:$0x3FB9];
	_ =	sdelay $0x3  }
0x34: {  	[smem:$0x3FB9] =	sst s10  }
0x35: {  	s10 =	sld [smem:$0x3FB8];
	_ =	sdelay $0x3  }
0x36: {  	p1 =	seq.s32 s10, $0x1;
	s10 =	sld [smem:$0x3FB9];
	_ =	sdelay $0x3  }
0x37: {  	[smem:$0x3FB9] =	sst s10  }
0x38: {  	s10 =	sld [smem:$0x3FBA]  }
0x39: {  	_ = 	snop;
	(pc) =	sbr.ind lr, $3  }
0x3a: {  	_ = 	snop  }
0x3b: {  	_ = 	snop  }
0x3c: {  	p2 =	seq.s32 s10, $0x1;
	s10 =	sld [smem:$0x3FB9]  }
0x3d: {  	_ =	shalt  }
0x3e: {  	_ =	shalt  }
0x3f: {  	_ =	shalt  }
0x40: {  	_ =	shalt  }
0x41: {  	_ =	shalt  }
0x42: {  	_ =	shalt  }
0x43: {  	_ =	shalt  }
0x44: {  	_ =	shalt  }
0x45: {  	_ =	shalt  }
0x46: {  	_ =	shalt  }
0x47: {  	_ =	shalt  }
0x48: {  	_ =	shalt  }
0x49: {  	_ =	shalt  }
0x4a: {  	_ =	shalt  }
0x4b: {  	_ =	shalt  }
0x4c: {  	_ =	shalt  }
0x4d: {  	_ =	shalt  }
0x4e: {  	_ =	shalt  }
0x4f: {  	_ =	shalt  }
0x50: {  	_ =	shalt  }
0x51: {  	_ =	shalt  }
0x52: {  	_ =	shalt  }
0x53: {  	_ =	shalt  }
0x54: {  	_ =	shalt  }
0x55: {  	_ =	shalt  }
0x56: {  	_ =	shalt  }
0x57: {  	_ =	shalt  }
0x58: {  	_ =	shalt  }
0x59: {  	_ =	shalt  }
0x5a: {  	_ =	shalt  }
0x5b: {  	_ =	shalt  }
0x5c: {  	_ =	shalt  }
0x5d: {  	_ =	shalt  }
0x5e: {  	_ =	shalt  }
0x5f: {  	_ =	shalt  }
0x60: {  	_ =	shalt  }
0x61: {  	_ =	shalt  }
0x62: {  	_ =	shalt  }
0x63: {  	_ =	shalt  }
0x64: {  	_ =	shalt  }
0x65: {  	_ =	shalt  }
0x66: {  	_ =	shalt  }
0x67: {  	_ =	shalt  }
0x68: {  	_ =	shalt  }
0x69: {  	_ =	shalt  }
0x6a: {  	_ =	shalt  }
0x6b: {  	_ =	shalt  }
0x6c: {  	_ =	shalt  }
0x6d: {  	_ =	shalt  }
0x6e: {  	_ =	shalt  }
0x6f: {  	_ =	shalt  }
0x70: {  	_ =	shalt  }
0x71: {  	_ =	shalt  }
0x72: {  	_ =	shalt  }
0x73: {  	_ =	shalt  }
0x74: {  	_ =	shalt  }
0x75: {  	_ =	shalt  }
0x76: {  	_ =	shalt  }
0x77: {  	_ =	shalt  }
0x78: {  	_ =	shalt  }
0x79: {  	_ =	shalt  }
0x7a: {  	_ =	shalt  }
0x7b: {  	_ =	shalt  }
0x7c: {  	_ =	shalt  }
0x7d: {  	_ =	shalt  }
0x7e: {  	_ =	shalt  }
0x7f: {  	_ =	shalt  }
0x80: {  	_ =	shalt  }
0x81: {  	_ =	shalt  }
0x82: {  	_ =	shalt  }
0x83: {  	_ =	shalt  }
0x84: {  	_ =	shalt  }
0x85: {  	_ =	shalt  }
0x86: {  	_ =	shalt  }
0x87: {  	_ =	shalt  }
.Lfunc_end0:
.L_simem_size_0:
called_computation_lowered:
.L_overlay_start_0:
0x88: {  	s2 =	sld [smem:$0x3FD9]  }
0x89: {  	s3 =	sld [smem:$0x3FFE];
	_ =	sdelay $0x1  }
0x8a: {  	s1 =	srdreg.scid  }
0x8b: {  	s0 =	sand.u32 $0x1, s1  }
0x8c: {  	s18 =	sshll.u32 s0, $0xA;
	s2 =	sadd.s32 s3, s2  }
0x8d: {  	s2 =	sadd.s32 s2, s18  }
0x8e: {  	[smem:$0x3FC5] =	sst s2  }
0x8f: {  	_ = 	snop  }
0x90: {  	s2 =	sld [smem:$0x3FC9]  }
0x91: {  	s19 =	sld [smem:$0x3FC8]  }
0x92: {  	s4 =	sld [smem:$0x3FC7]  }
0x93: {  	s5 =	sld [smem:$0x3FD0];
	(tm) =	ssettm $0x1  }
0x94: {  	s6 =	sld [smem:$0x3FFB];
	_ =	sdelay $0x3  }
0x95: {  	_ =	strace s6  }
0x96: {  	s6 =	sld [smem:$0x3FFC];
	_ =	sdelay $0x3  }
0x97: {  	_ =	strace s6  }
0x98: {  	s6 =	sld [smem:$0x3FFD];
	_ =	sdelay $0x3  }
0x99: {  	_ =	strace s6  }
0x9a: {  	_ =	strace $0x8FFFFFFF  }
0x9b: {  	s20 =	sld [smem:$0x3FDB];
	_ =	sdelay $0x1  }
0x9c: {  	s7 =	simm.s32 $_scs_section_size  }
0x9d: {  	s8 =	simm.s32 $_size__tile_overlayer_lowered;
	s9 =	simm.s32 $_tile_overlayer_lowered  }
0x9e: {  	s23 =	simm.s32 $0x1BFF;
	s22 =	sshll.u32 s9, $0x1;
	s6 =	sadd.s32 s7, s20  }
0x9f: {  	s10 =	simm.s32 $0x0;
	s21 =	sshll.u32 s8, $0x1;
	s8 =	sadd.s32 s22, s6  }
0xa0: {  	[timem:s10], [sflag:s23] =	dma.local [hbm:s8], s21  }
0xa1: {  	_ =	swait.ge [sflag:s23], s21  }
0xa2: {  	s7 =	ssub.s32 $0x0, s21;
	[sflag:s23] =	ssyncset.done $0x0  }
0xa3: {  	[sflag:s23] =	ssyncadd.s32 s7;
	_ =	sdelay $0x1  }
0xa4: {  	s24 =	simm.s32 $0x1B8B  }
0xa5: {  	_ =	swait.ge [sflag:s24], $0x1  }
0xa6: {  	[sflag:s24] =	ssyncset.done $0x0  }
0xa7: {  	s25 =	simm.s32 $0x1B8E;
	[sflag:s24] =	ssyncadd.s32 $0xFFFFFFFF  }
0xa8: {  	s26 =	simm.s32 $execute0_lowered;
	[smem:$0x3FD2] =	sst s25  }
0xa9: {  	s7 =	sshll.u32 s26, $0x1;
	_ =	strace $0x80000046;
	[dreg:$0x1] =	wrdreg $0xFFFFFFFF  }
0xaa: {  	s28 =	simm.s32 $_size_execute0_lowered;
	s6 =	sadd.s32 s6, s7;
	[dreg:$0x0] =	wrdreg $0x0  }
0xab: {  	s7 =	sshll.u32 s28, $0x1;
	[dreg:$0x2] =	wrdreg s6  }
0xac: {  	[dreg:$0x3] =	wrdreg s7  }
0xad: {  	[dreg:$0x4] =	wrdreg $0xC0  }
0xae: {  	_ =	task [dreg:s10], $0x5FFFF  }
0xaf: {  	[dreg:$0x1] =	wrdreg $0xFFFFFFFF  }
0xb0: {  	[dreg:$0x0] =	wrdreg $0x60  }
0xb1: {  	[dreg:$0x2] =	wrdreg s2  }
0xb2: {  	[dreg:$0x3] =	wrdreg s19  }
0xb3: {  	[dreg:$0x4] =	wrdreg s4  }
0xb4: {  	[dreg:$0x5] =	wrdreg s5  }
0xb5: {  	[dreg:$0x6] =	wrdreg $0x9  }
0xb6: {  	_ =	task.clear_ibuf [dreg:s10], $0x7FFFF;
	_ =	strace $0x90000046  }
0xb7: {  	s29 =	simm.s32 $0x9;
	_ =	strace $0x80000048  }
0xb8: {  	_ =	swait.ge [sflag:s29], $0x1  }
0xb9: {  	[sflag:s29] =	ssyncadd.s32 $0xFFFFFFFF  }
0xba: {  	_ =	strace $0x90000048  }
0xbb: {  	_ =	sfence  }
0xbc: {  	s30 =	sld [smem:$0x0];
	_ =	sdelay $0x2  }
0xbd: {  	s31 =	sshll.u32 s1, $0xD;
	s1 =	sshrl.u32 s1, $0x2  }
0xbe: {  	s3 =	sand.u32 $0x4000, s31;
	s1 =	sadd.s32 s1, s30  }
0xbf: {  	s0 =	sor.u32 s3, s0;
	s1 =	sshll.u32 s1, $0x11  }
0xc0: {  	s0 =	sor.u32 s1, s0  }
0xc1: {  	s0 =	sadd.s32 $0x8F2B, s0  }
0xc2: {  	[sflag:s0] =	ssyncadd.remote.s32 $0x1  }
0xc3: {  	_ =	sfence.sel $0xFFFF  }
0xc4: {  	[dreg:$0x0] =	wrdreg $0xFFFFFFFF;
	(pc) =	sbr.abs _section_cstart, $3  }
0xc5: {  	[dreg:$0x1] =	wrdreg $0xFFFFFFFF  }
0xc6: {  	_ =	task.clear_ibuf [dreg:s10], $0x2FFFF;
	_ =	strace $0x9FFFFFFF  }
0xc7: {  	(tm) =	ssettm $0x7FFFFFFF  }
tec
execute0_lowered:
.L_overlay_start_1:
0x0: {  	(tag) =	ssettag $0x1  }
0x1: {  	v15 =	vlaneseq.u32;
	v3 =	vimm.f32 $0.0e+00;
	v4 =	vimm.s32 $0x3  }
0x2: {  	v5 =	vimm.s32 $0x7;
	v6 =	vimm.s32 $0x0;
	vm0 =	vmmov $0x1  }
0x3: {  	v8 =	vimm.s32 $0x1;
	v9 =	vimm.s32 $0x2;
	v10 =	vimm.s32 $0x4  }
0x4: {  	v11 =	vimm.s32 $0x9;
	v12 =	vimm.s32 $0xA;
	v13 =	vimm.s32 $0xB  }
0x5: {  	v14 =	vimm.s32 $0xC;
	v16 =	vimm.s32 $0xD;
	v17 =	vimm.s32 $0xE  }
0x6: {  	v18 =	vimm.s32 $0xF;
	v22 =	vimm.s32 $0x5;
	v29 =	vimm.s32 $0x76543210  }
0x7: {  	s1 =	rddreg [dreg:$0x0];
	v24 =	vimm.s32 $0x6;
	v28 =	vimm.s32 $0xFEDCBA98;
	v26 =	vimm.s32 $0x8  }
0x8: {  	s0 =	rddreg [dreg:$0x1];
	v30 =	vimm.s32 $0xBA98FEDC;
	v31 =	vimm.s32 $0x32107654;
	v33 =	vimm.s32 $0xDCFE98BA  }
0x9: {  	s2 =	rddreg [dreg:$0x3];
	s3 =	srdreg.scid;
	v35 =	vimm.s32 $0xEFCDAB89;
	v36 =	vimm.s32 $0x67452301;
	v0 =	vmul.u32 $0x40, v15  }
0xa: {  	s5 =	stileid.u32;
	s4 =	simm.s32 $0x0;
	s10 =	simm.s32 $0x80;
	v7 =	vmul.u32 $0x8, v15;
	v15 =	vmul.u32 $0x80, v15;
	v32 =	vunpack.c.l.s4.s8 v28  }
0xb: {  	s9 =	simm.s32 $0x1;
	s22 =	simm.s32 $0xFA00;
	s23 =	simm.s32 $0xF980;
	v34 =	vunpack.c.l.s4.s8 v29;
	v29 =	vimm.s32 $0x54761032;
	v30 =	vunpack.c.l.s4.s8 v30  }
0xc: {  	s28 =	simm.s32 $0xF480;
	s29 =	simm.s32 $0xF800;
	s30 =	simm.s32 $0xF500;
	v31 =	vunpack.c.l.s4.s8 v31;
	v33 =	vunpack.c.l.s4.s8 v33;
	v35 =	vunpack.c.l.s4.s8 v35  }
0xd: {  	s8 =	simm.s32 $0xF700;
	s11 =	simm.s32 $0xF780;
	s12 =	simm.s32 $0x2;
	v36 =	vunpack.c.l.s4.s8 v36;
	v29 =	vunpack.c.l.s4.s8 v29;
	v2 =	vor.u32 $0x400, v0  }
0xe: {  	s3 =	sand.u32 $0x1, s3;
	s5 =	sshll.u32 s5, $0x1;
	[smem:$0x7FF] =	sst s4;
	v19 =	vor.u32 $0x800, v15;
	v20 =	vor.u32 $0x1000, v15;
	v21 =	vor.u32 $0x1800, v15  }
0xf: {  	s6 =	ssub.s32 $0x2, s3;
	s3 =	sor.u32 s3, s5;
	_ =	strace $0x80000047;
	v23 =	vor.u32 $0x2000, v15;
	v25 =	vor.u32 $0x2800, v15;
	v27 =	vor.u32 $0x3000, v15  }
0x10: {  	s24 =	sshrl.u32 s6, $0x1;
	s7 =	sshll.u32 s3, $0x3;
	s25 =	sshll.u32 s3, $0x4;
	v28 =	vor.u32 $0x3800, v15;
	v32 =	vunpack.c.0.s8.s32 v32;
	v30 =	vunpack.c.0.s8.s32 v30  }
0x11: {  	s26 =	sand.u32 $0xF, s3;
	p0 =	slt.s32 s3, $0x10;
	v31 =	vunpack.c.0.s8.s32 v31;
	v33 =	vunpack.c.0.s8.s32 v33;
	v35 =	vunpack.c.0.s8.s32 v35;
	s3 =	simm.s32 $0x0  }
.Ltmp0:
0x12: {  	v36 =	vunpack.c.0.s8.s32 v36;
	v34 =	vunpack.c.0.s8.s32 v34;
	s5 =	ssub.s32 s6, s24;
	s0 =	sadd.s32 s0, s7;
	v37 =	vunpack.c.0.s8.s32 v29;
	(pc) =	sbr.rel .LBB2_1-.Ltmp0, $4  }
0x13: {  	s2 =	sadd.s32 s2, s25;
	v1 =	vmov s26;
	s24 =	simm.s32 $0xF900;
	s25 =	simm.s32 $0xF380;
	v29 =	vor.u32 $0x4000, v15;
	v38 =	vcombine.low v31, v30  }
0x14: {  	s26 =	simm.s32 $0xF400;
	s6 =	simm.s32 $0xF600;
	[dreg:$0x5] =	wrdreg s0;
	v32 =	vand.u32 $0xF, v32;
	v35 =	vcombine.low v36, v35;
	v37 =	vcombine.low v37, v33  }
0x15: {  	s7 =	simm.s32 $0xF680;
	[dreg:$0x6] =	wrdreg s2;
	s31 =	smax.u32 s5, $0x1;
	v30 =	vor.u32 $0x4800, v15;
	v31 =	vor.u32 $0x5000, v15;
	v32 =	vcombine.low v32, v34  }
0x16: {  	s2 =	simm.s32 $0x3;
	s5 =	simm.s32 $0xF580;
	[dreg:$0x7] =	wrdreg s31;
	v33 =	vand.u32 $0xF, v38;
	v35 =	vand.u32 $0xF, v35;
	v34 =	vand.u32 $0xF, v37  }
.LBB2_7:
0x17: {  	v38 =	vmax.f32 v36, v37  }
0x18: {  	v39 =	vperm.xlane v38, v32;
	_ =	sdelay $0x1  }
0x19: {  	v38 =	vmax.f32 v38, v39  }
0x1a: {  	v39 =	vperm.xlane v38, v33;
	_ =	sdelay $0x1  }
0x1b: {  	v38 =	vmax.f32 v38, v39  }
0x1c: {  	v39 =	vperm.xlane v38, v34;
	_ =	sdelay $0x1  }
0x1d: {  	v38 =	vmax.f32 v38, v39  }
0x1e: {  	v39 =	vperm.xlane v38, v35;
	_ =	sdelay $0x1  }
0x1f: {  	v38 =	vmax.f32 v38, v39  }
0x20: {  	v39 =	vsub.f32 v36, v38  }
0x21: {  	v40 =	vsub.f32 v37, v38  }
0x22: {  	v39 =	vmul.f32 $1.442695020e+00, v39  }
0x23: {  	v40 =	vmul.f32 $1.442695020e+00, v40  }
0x24: {  	(erf) = vpow2.f32 v39  }
0x25: {  	(erf) = vpow2.f32 v40;
	_ =	sdelay $0x7  }
0x26: {  	v39 =	vpop (erf)  }
0x27: {  	v40 =	vpop (erf)  }
0x28: {  	v39 =	vadd.f32 v40, v39;
	_ =	sdelay $0x1  }
0x29: {  	v40 =	vperm.xlane v39, v32;
	_ =	sdelay $0x1  }
0x2a: {  	v39 =	vadd.f32 v39, v40;
	_ =	sdelay $0x1  }
0x2b: {  	v40 =	vperm.xlane v39, v33;
	_ =	sdelay $0x1  }
0x2c: {  	v39 =	vadd.f32 v39, v40;
	_ =	sdelay $0x1  }
0x2d: {  	v40 =	vperm.xlane v39, v34;
	_ =	sdelay $0x1  }
0x2e: {  	v39 =	vadd.f32 v39, v40;
	_ =	sdelay $0x1  }
0x2f: {  	v40 =	vperm.xlane v39, v35;
	_ =	sdelay $0x1  }
0x30: {  	v39 =	vadd.f32 v39, v40;
	_ =	sdelay $0x1  }
0x31: {  	v40 =	vand.u32 $0x7FFFFF, v39  }
0x32: {  	v40 =	vor.u32 $0x3F800000, v40  }
0x33: {  	v41 =	vmul.f32 $1.011908330e-02, v40;
	_ =	sdelay $0x1  }
0x34: {  	v41 =	vadd.f32 $-1.234584300e-01, v41;
	_ =	sdelay $0x1  }
0x35: {  	v41 =	vmul.f32 v40, v41;
	_ =	sdelay $0x1  }
0x36: {  	v41 =	vadd.f32 $6.590148800e-01, v41;
	_ =	sdelay $0x1  }
0x37: {  	v41 =	vmul.f32 v40, v41;
	_ =	sdelay $0x1  }
0x38: {  	v41 =	vadd.f32 $-2.020202160e+00, v41;
	_ =	sdelay $0x1  }
0x39: {  	v41 =	vmul.f32 v40, v41;
	_ =	sdelay $0x1  }
0x3a: {  	v41 =	vadd.f32 $3.932633400e+00, v41;
	_ =	sdelay $0x1  }
0x3b: {  	v41 =	vmul.f32 v40, v41;
	_ =	sdelay $0x1  }
0x3c: {  	v41 =	vadd.f32 $-5.126667020e+00, v41;
	_ =	sdelay $0x1  }
0x3d: {  	v41 =	vmul.f32 v40, v41  }
0x3e: {  	v39 =	vshrl.u32 v39, $0x17  }
0x3f: {  	v39 =	vand.u32 $0xFF, v39;
	v41 =	vadd.f32 $4.911042690e+00, v41  }
0x40: {  	v42 =	vld [tilespmem:$0x12100];
	v39 =	vadd.s32 $0xFFFFFF81, v39  }
0x41: {  	v57 =	vld [tilespmem:$0x12110];
	v39 =	vcvt.s32.f32 v39;
	v40 =	vmul.f32 v40, v41;
	_ =	sdelay $0x1  }
0x42: {  	v39 =	vmul.f32 $6.931471820e-01, v39;
	v40 =	vadd.f32 $-2.242481710e+00, v40;
	_ =	sdelay $0x1  }
0x43: {  	v39 =	vadd.f32 v40, v39  }
0x44: {  	v58 =	vperm.xlane v42, v1;
	v41 =	vperm.xlane v57, v1  }
0x45: {  	v38 =	vadd.f32 v39, v38  }
0x46: {  	v59 =	vpsel p0, v58, v41  }
0x47: {  	v40 =	vsub.f32 v38, v59;
	_ =	sdelay $0x1  }
0x48: {  	v40 =	vand.u32 $0x7FFFFFFF, v40  }
0x49: {  	v40 =	vsub.f32 $0.0e+00, v40;
	_ =	sdelay $0x1  }
0x4a: {  	v40 =	vmul.f32 $1.442695020e+00, v40;
	_ =	sdelay $0x1  }
0x4b: {  	(erf) = vpow2.f32 v40;
	_ =	sdelay $0x8  }
0x4c: {  	v40 =	vpop (erf)  }
0x4d: {  	v40 =	vadd.f32 $1.000000000e+00, v40;
	_ =	sdelay $0x1  }
0x4e: {  	v60 =	vand.u32 $0x7FFFFF, v40  }
0x4f: {  	v41 =	vor.u32 $0x3F800000, v60  }
0x50: {  	v61 =	vmul.f32 $1.011908330e-02, v41;
	_ =	sdelay $0x1  }
0x51: {  	v42 =	vadd.f32 $-1.234584300e-01, v61;
	_ =	sdelay $0x1  }
0x52: {  	v42 =	vmul.f32 v41, v42;
	_ =	sdelay $0x1  }
0x53: {  	v42 =	vadd.f32 $6.590148800e-01, v42;
	_ =	sdelay $0x1  }
0x54: {  	v42 =	vmul.f32 v41, v42;
	_ =	sdelay $0x1  }
0x55: {  	v42 =	vadd.f32 $-2.020202160e+00, v42;
	_ =	sdelay $0x1  }
0x56: {  	v42 =	vmul.f32 v41, v42;
	_ =	sdelay $0x1  }
0x57: {  	v42 =	vadd.f32 $3.932633400e+00, v42;
	_ =	sdelay $0x1  }
0x58: {  	v42 =	vmul.f32 v41, v42;
	_ =	sdelay $0x1  }
0x59: {  	v42 =	vadd.f32 $-5.126667020e+00, v42;
	_ =	sdelay $0x1  }
0x5a: {  	v42 =	vmul.f32 v41, v42  }
0x5b: {  	v40 =	vshrl.u32 v40, $0x17  }
0x5c: {  	v40 =	vand.u32 $0xFF, v40;
	v42 =	vadd.f32 $4.911042690e+00, v42  }
0x5d: {  	v40 =	vadd.s32 $0xFFFFFF81, v40  }
0x5e: {  	v40 =	vcvt.s32.f32 v40;
	v41 =	vmul.f32 v41, v42;
	_ =	sdelay $0x1  }
0x5f: {  	v40 =	vmul.f32 $6.931471820e-01, v40;
	v41 =	vadd.f32 $-2.242481710e+00, v41;
	_ =	sdelay $0x1  }
0x60: {  	v40 =	vadd.f32 v41, v40  }
0x61: {  	v62 =	vperm.xlane v36, v1;
	v63 =	vperm.xlane v37, v1;
	v38 =	vmax.f32 v38, v59  }
0x62: {  	v38 =	vadd.f32 v40, v38  }
0x63: {  	v36 =	vpsel p0, v62, v63  }
0x64: {  	v36 =	vsub.f32 v36, v38;
	_ =	sdelay $0x1  }
0x65: {  	[tilespmem:$0x12180] =	vst v36  }
0x66: {  	[tilespmem:$0x12190] =	vst v36  }
0x67: {  	[tilespmem:$0x121A0] =	vst v36  }
0x68: {  	[tilespmem:$0x121B0] =	vst v36  }
0x69: {  	[tilespmem:$0x121C0] =	vst v36  }
0x6a: {  	[tilespmem:$0x121D0] =	vst v36  }
0x6b: {  	[tilespmem:$0x121E0] =	vst v36  }
0x6c: {  	s0 =	rddreg [dreg:$0x6];
	s2 =	simm.s32 $0x12180;
	[tilespmem:$0x121F0] =	vst v36  }
0x6d: {  	[hbm4b:s0+s4] =	stream.linear.scatter [tilespmem:s2], [sflag:$0x3], $0x80, $0x38;
	[tilespmem:$0x12200] =	vst v63  }
0x6e: {  	s2 =	simm.s32 $0x3  }
0x6f: {  	_ =	swait.ge [sflag:s2], $0x80  }
0x70: {  	s3 =	rddreg [dreg:$0x8]  }
0x71: {  	s31 =	rddreg [dreg:$0x7];
	s3 =	sadd.s32 $0x1, s3  }
0x72: {  	p1 =	sne.s32 s3, s31  }
.Ltmp1:
0x73: {  	_ = 	snop;
	(pc) =	sbr.rel @!p1 .LBB2_8-.Ltmp1, $3  }
0x74: {  	_ =	sdelay $0x1  }
0x75: {  	[sflag:s2] =	ssyncset.done $0x0  }
0x76: {  	[sflag:s2] =	ssyncadd.s32 $0xFFFFFF80  }
.LBB2_1:
0x77: {  	[dreg:$0x8] =	wrdreg s3  }
0x78: {  	s0 =	rddreg [dreg:$0x5]  }
0x79: {  	[tilespmem:s4], [sflag:$0x3] =	stream.linear.gather [hbm4b:s0+s4], $0x40, $0x38;
	[tilespmem:$0x12200] =	vst v63  }
0x7a: {  	_ =	swait.ge [sflag:s2], $0x40  }
0x7b: {  	[sflag:s2] =	ssyncset.done $0x0  }
0x7c: {  	[sflag:s2] =	ssyncadd.s32 $0xFFFFFFC0  }
0x7d: {  	s13 =	simm.s32 $0x12100;
	s31 =	rddreg [dreg:$0x2]  }
0x7e: {  	[tilespmem:s13], [sflag:$0x3] =	stream.linear.gather [hbm4b:s31+s4], $0x80, $0x38;
	[tilespmem:$0x12200] =	vst v63  }
0x7f: {  	_ =	swait.ge [sflag:s2], $0x80  }
0x80: {  	[sflag:s2] =	ssyncset.done $0x0  }
0x81: {  	v36 =	vor.u32 s4, v2;
	s0 =	simm.s32 $0x10110;
	[sflag:s2] =	ssyncadd.s32 $0xFFFFFF80  }
0x82: {  	v37 =	vor.u32 s4, v0;
	[tilespmem:s0+$0x0] =	vst v36  }
0x83: {  	s2 =	simm.s32 $0x1;
	[tilespmem:s0+$0xFFFFFFF0] =	vst v37  }
.LBB2_2:
0x84: {  	p1 =	sne.s32 s2, $0x3F  }
.Ltmp2:
0x85: {  	_ = 	snop;
	(pc) =	sbr.rel @p1 .LBB2_2-.Ltmp2, $4  }
0x86: {  	_ = 	snop  }
0x87: {  	v36 =	vor.u32 s2, v2;
	s0 =	sadd.s32 $0x80, s0;
	s13 =	smov.u32 s2;
	s2 =	sadd.s32 $0x1, s2  }
0x88: {  	v37 =	vor.u32 s13, v0;
	[tilespmem:s0+$0x0] =	vst v36  }
0x89: {  	[tilespmem:s0+$0xFFFFFFF0] =	vst v37  }
0x8a: {  	v36 =	vld [tilespmem:$0x0];
	_ =	sdelay $0x4  }
0x8b: {  	(v2sf) =	vpush v36, $0x0;
	_ =	sdelay $0x1  }
0x8c: {  	v37 =	vld [tilespmem:$0x10100];
	_ =	sdelay $0x4  }
0x8d: {  	v38 =	vshrl.u32 v37, $0x3  }
0x8e: {  	v38 =	vmul.u32 $0x7D0, v38  }
0x8f: {  	v37 =	vand.u32 $0x7, v37  }
0x90: {  	v37 =	vor.u32 v37, v38  }
0x91: {  	v38 =	vperm.xlane v37, v6;
	_ =	sdelay $0x1  }
0x92: {  	v39 =	vperm.xlane v37, v8;
	v38 =	vadd.s32 v7, v38;
	_ =	sdelay $0x1  }
0x93: {  	v40 =	vperm.xlane v37, v9;
	v39 =	vadd.s32 v7, v39;
	s0 =	spop (v2sf)  }
0x94: {  	[tilespmem:$0x10080] =	vst v3;
	s0 =	sand.u32 $0xFFFFF80, s0  }
0x95: {  	[tilespmem:$0x10090] =	vst v3;
	s13 =	simm.s32 $0x0;
	v41 =	vperm.xlane v37, v4;
	v40 =	vadd.s32 v7, v40;
	s0 =	sadd.s32 s1, s0  }
0x96: {  	[tilespmem:s10], [sflag:$0x1] =	stream.indirect_vreg.gather [hbm4b:s0+s13], $0x80, v38, vm0, $0xb8;
	[tilespmem:$0x12200] =	vst v63  }
0x97: {  	s2 =	simm.s32 $0x100;
	v62 =	vperm.xlane v37, v10;
	v61 =	vadd.s32 v7, v41  }
0x98: {  	[tilespmem:s2], [sflag:$0x1] =	stream.indirect_vreg.gather [hbm4b:s0+s13], $0x80, v39, vm0, $0xb8;
	[tilespmem:$0x12200] =	vst v63  }
0x99: {  	s3 =	simm.s32 $0x180;
	v44 =	vperm.xlane v37, v22;
	v63 =	vadd.s32 v7, v62  }
0x9a: {  	[tilespmem:s3], [sflag:$0x1] =	stream.indirect_vreg.gather [hbm4b:s0+s13], $0x80, v40, vm0, $0xb8;
	[tilespmem:$0x12200] =	vst v63  }
0x9b: {  	s14 =	simm.s32 $0x200;
	v46 =	vperm.xlane v37, v24;
	v45 =	vadd.s32 v7, v44  }
0x9c: {  	[tilespmem:s14], [sflag:$0x1] =	stream.indirect_vreg.gather [hbm4b:s0+s13], $0x80, v61, vm0, $0xb8;
	[tilespmem:$0x12200] =	vst v63  }
0x9d: {  	s15 =	simm.s32 $0x280;
	v48 =	vperm.xlane v37, v5;
	v47 =	vadd.s32 v7, v46  }
0x9e: {  	[tilespmem:s15], [sflag:$0x1] =	stream.indirect_vreg.gather [hbm4b:s0+s13], $0x80, v63, vm0, $0xb8;
	[tilespmem:$0x12200] =	vst v63  }
0x9f: {  	s16 =	simm.s32 $0x300;
	v50 =	vperm.xlane v37, v26;
	v49 =	vadd.s32 v7, v48  }
0xa0: {  	[tilespmem:s16], [sflag:$0x1] =	stream.indirect_vreg.gather [hbm4b:s0+s13], $0x80, v45, vm0, $0xb8;
	[tilespmem:$0x12200] =	vst v63  }
0xa1: {  	s17 =	simm.s32 $0x380;
	v52 =	vperm.xlane v37, v11;
	v51 =	vadd.s32 v7, v50  }
0xa2: {  	[tilespmem:s17], [sflag:$0x1] =	stream.indirect_vreg.gather [hbm4b:s0+s13], $0x80, v47, vm0, $0xb8;
	[tilespmem:$0x12200] =	vst v63  }
0xa3: {  	s18 =	simm.s32 $0x400;
	v54 =	vperm.xlane v37, v12;
	v53 =	vadd.s32 v7, v52  }
0xa4: {  	[tilespmem:s18], [sflag:$0x1] =	stream.indirect_vreg.gather [hbm4b:s0+s13], $0x80, v49, vm0, $0xb8;
	[tilespmem:$0x12200] =	vst v63  }
0xa5: {  	s19 =	simm.s32 $0x480;
	v56 =	vperm.xlane v37, v13;
	v55 =	vadd.s32 v7, v54  }
0xa6: {  	[tilespmem:s19], [sflag:$0x1] =	stream.indirect_vreg.gather [hbm4b:s0+s13], $0x80, v51, vm0, $0xb8;
	[tilespmem:$0x12200] =	vst v63  }
0xa7: {  	s20 =	simm.s32 $0x500;
	v58 =	vperm.xlane v37, v14;
	v57 =	vadd.s32 v7, v56  }
0xa8: {  	[tilespmem:s20], [sflag:$0x1] =	stream.indirect_vreg.gather [hbm4b:s0+s13], $0x80, v53, vm0, $0xb8;
	[tilespmem:$0x12200] =	vst v63  }
0xa9: {  	s21 =	simm.s32 $0x580;
	v60 =	vperm.xlane v37, v16;
	v59 =	vadd.s32 v7, v58  }
0xaa: {  	[tilespmem:s21], [sflag:$0x1] =	stream.indirect_vreg.gather [hbm4b:s0+s13], $0x80, v55, vm0, $0xb8;
	[tilespmem:$0x12200] =	vst v63  }
0xab: {  	s31 =	simm.s32 $0x600;
	v62 =	vperm.xlane v37, v17;
	v61 =	vadd.s32 v7, v60  }
0xac: {  	[tilespmem:s31], [sflag:$0x1] =	stream.indirect_vreg.gather [hbm4b:s0+s13], $0x80, v57, vm0, $0xb8;
	[tilespmem:$0x12200] =	vst v63  }
0xad: {  	v37 =	vperm.xlane v37, v18;
	s3 =	simm.s32 $0x680;
	v63 =	vadd.s32 v7, v62  }
0xae: {  	[tilespmem:s3], [sflag:$0x1] =	stream.indirect_vreg.gather [hbm4b:s0+s13], $0x80, v59, vm0, $0xb8;
	[tilespmem:$0x12200] =	vst v63  }
0xaf: {  	v37 =	vadd.s32 v7, v37;
	s14 =	simm.s32 $0x700  }
0xb0: {  	[tilespmem:s14], [sflag:$0x1] =	stream.indirect_vreg.gather [hbm4b:s0+s13], $0x80, v61, vm0, $0xb8;
	[tilespmem:$0x12200] =	vst v63  }
0xb1: {  	s15 =	simm.s32 $0x780  }
0xb2: {  	[tilespmem:s15], [sflag:$0x1] =	stream.indirect_vreg.gather [hbm4b:s0+s13], $0x80, v63, vm0, $0xb8;
	[tilespmem:$0x12200] =	vst v63  }
0xb3: {  	s16 =	simm.s32 $0x800  }
0xb4: {  	[tilespmem:s16], [sflag:$0x1] =	stream.indirect_vreg.gather [hbm4b:s0+s13], $0x80, v37, vm0, $0xb8;
	[tilespmem:$0x12200] =	vst v63  }
0xb5: {  	v37 =	vld [tilespmem:$0x10110];
	_ =	sdelay $0x4  }
0xb6: {  	v43 =	vshrl.u32 v37, $0x3  }
0xb7: {  	v38 =	vmul.u32 $0x7D0, v43  }
0xb8: {  	v37 =	vand.u32 $0x7, v37  }
0xb9: {  	v37 =	vor.u32 v37, v38  }
0xba: {  	v38 =	vperm.xlane v37, v6;
	_ =	sdelay $0x1  }
0xbb: {  	v44 =	vperm.xlane v37, v8;
	v38 =	vadd.s32 v7, v38;
	_ =	sdelay $0x1  }
0xbc: {  	v45 =	vperm.xlane v37, v9;
	v39 =	vadd.s32 v7, v44;
	_ =	sdelay $0x1  }
0xbd: {  	s17 =	simm.s32 $0x880;
	v46 =	vperm.xlane v37, v4;
	v40 =	vadd.s32 v7, v45  }
0xbe: {  	[tilespmem:s17], [sflag:$0x1] =	stream.indirect_vreg.gather [hbm4b:s0+s13], $0x80, v38, vm0, $0xb8;
	[tilespmem:$0x12200] =	vst v63  }
0xbf: {  	s18 =	simm.s32 $0x900;
	v48 =	vperm.xlane v37, v10;
	v47 =	vadd.s32 v7, v46  }
0xc0: {  	[tilespmem:s18], [sflag:$0x1] =	stream.indirect_vreg.gather [hbm4b:s0+s13], $0x80, v39, vm0, $0xb8;
	[tilespmem:$0x12200] =	vst v63  }
0xc1: {  	s19 =	simm.s32 $0x980;
	v50 =	vperm.xlane v37, v22;
	v49 =	vadd.s32 v7, v48  }
0xc2: {  	[tilespmem:s19], [sflag:$0x1] =	stream.indirect_vreg.gather [hbm4b:s0+s13], $0x80, v40, vm0, $0xb8;
	[tilespmem:$0x12200] =	vst v63  }
0xc3: {  	s20 =	simm.s32 $0xA00;
	v52 =	vperm.xlane v37, v24;
	v51 =	vadd.s32 v7, v50  }
0xc4: {  	[tilespmem:s20], [sflag:$0x1] =	stream.indirect_vreg.gather [hbm4b:s0+s13], $0x80, v47, vm0, $0xb8;
	[tilespmem:$0x12200] =	vst v63  }
0xc5: {  	s21 =	simm.s32 $0xA80;
	v54 =	vperm.xlane v37, v5;
	v53 =	vadd.s32 v7, v52  }
0xc6: {  	[tilespmem:s21], [sflag:$0x1] =	stream.indirect_vreg.gather [hbm4b:s0+s13], $0x80, v49, vm0, $0xb8;
	[tilespmem:$0x12200] =	vst v63  }
0xc7: {  	s31 =	simm.s32 $0xB00;
	v56 =	vperm.xlane v37, v26;
	v55 =	vadd.s32 v7, v54  }
0xc8: {  	[tilespmem:s31], [sflag:$0x1] =	stream.indirect_vreg.gather [hbm4b:s0+s13], $0x80, v51, vm0, $0xb8;
	[tilespmem:$0x12200] =	vst v63  }
0xc9: {  	s3 =	simm.s32 $0xB80;
	v58 =	vperm.xlane v37, v11;
	v57 =	vadd.s32 v7, v56  }
0xca: {  	[tilespmem:s3], [sflag:$0x1] =	stream.indirect_vreg.gather [hbm4b:s0+s13], $0x80, v53, vm0, $0xb8;
	[tilespmem:$0x12200] =	vst v63  }
0xcb: {  	s14 =	simm.s32 $0xC00;
	v60 =	vperm.xlane v37, v12;
	v59 =	vadd.s32 v7, v58  }
0xcc: {  	[tilespmem:s14], [sflag:$0x1] =	stream.indirect_vreg.gather [hbm4b:s0+s13], $0x80, v55, vm0, $0xb8;
	[tilespmem:$0x12200] =	vst v63  }
0xcd: {  	s15 =	simm.s32 $0xC80;
	v62 =	vperm.xlane v37, v13;
	v61 =	vadd.s32 v7, v60  }
0xce: {  	[tilespmem:s15], [sflag:$0x1] =	stream.indirect_vreg.gather [hbm4b:s0+s13], $0x80, v57, vm0, $0xb8;
	[tilespmem:$0x12200] =	vst v63  }
0xcf: {  	s16 =	simm.s32 $0xD00;
	v63 =	vadd.s32 v7, v62;
	v44 =	vperm.xlane v37, v14  }
0xd0: {  	[tilespmem:s16], [sflag:$0x1] =	stream.indirect_vreg.gather [hbm4b:s0+s13], $0x80, v59, vm0, $0xb8;
	[tilespmem:$0x12200] =	vst v63  }
0xd1: {  	v46 =	vperm.xlane v37, v16;
	v45 =	vadd.s32 v7, v44;
	s17 =	simm.s32 $0xD80  }
0xd2: {  	[tilespmem:s17], [sflag:$0x1] =	stream.indirect_vreg.gather [hbm4b:s0+s13], $0x80, v61, vm0, $0xb8;
	[tilespmem:$0x12200] =	vst v63  }
0xd3: {  	v48 =	vperm.xlane v37, v17;
	s18 =	simm.s32 $0xE00;
	v47 =	vadd.s32 v7, v46  }
0xd4: {  	[tilespmem:s18], [sflag:$0x1] =	stream.indirect_vreg.gather [hbm4b:s0+s13], $0x80, v63, vm0, $0xb8;
	[tilespmem:$0x12200] =	vst v63  }
0xd5: {  	v37 =	vperm.xlane v37, v18;
	s19 =	simm.s32 $0xE80;
	v49 =	vadd.s32 v7, v48  }
0xd6: {  	[tilespmem:s19], [sflag:$0x1] =	stream.indirect_vreg.gather [hbm4b:s0+s13], $0x80, v45, vm0, $0xb8;
	[tilespmem:$0x12200] =	vst v63  }
0xd7: {  	v37 =	vadd.s32 v7, v37;
	s20 =	simm.s32 $0xF00  }
0xd8: {  	[tilespmem:s20], [sflag:$0x1] =	stream.indirect_vreg.gather [hbm4b:s0+s13], $0x80, v47, vm0, $0xb8;
	[tilespmem:$0x12200] =	vst v63  }
0xd9: {  	s21 =	simm.s32 $0xF80  }
0xda: {  	[tilespmem:s21], [sflag:$0x1] =	stream.indirect_vreg.gather [hbm4b:s0+s13], $0x80, v49, vm0, $0xb8;
	[tilespmem:$0x12200] =	vst v63  }
0xdb: {  	(v2sf) =	vpush v36, $0x1;
	s31 =	simm.s32 $0x1000  }
0xdc: {  	[tilespmem:s31], [sflag:$0x1] =	stream.indirect_vreg.gather [hbm4b:s0+s13], $0x80, v37, vm0, $0xb8;
	[tilespmem:$0x12200] =	vst v63  }
0xdd: {  	v37 =	vld [tilespmem:$0x10180];
	_ =	sdelay $0x4  }
0xde: {  	v50 =	vshrl.u32 v37, $0x3  }
0xdf: {  	v38 =	vmul.u32 $0x7D0, v50  }
0xe0: {  	v37 =	vand.u32 $0x7, v37  }
0xe1: {  	v37 =	vor.u32 v37, v38  }
0xe2: {  	v38 =	vperm.xlane v37, v6;
	_ =	sdelay $0x1  }
0xe3: {  	v51 =	vperm.xlane v37, v8;
	v38 =	vadd.s32 v7, v38;
	_ =	sdelay $0x1  }
0xe4: {  	s2 =	spop (v2sf);
	v52 =	vperm.xlane v37, v9;
	v39 =	vadd.s32 v7, v51  }
0xe5: {  	s0 =	sand.u32 $0xFFFFF80, s2  }
0xe6: {  	s3 =	simm.s32 $0x1080;
	s0 =	sadd.s32 s1, s0;
	v53 =	vperm.xlane v37, v4;
	v40 =	vadd.s32 v7, v52  }
0xe7: {  	[tilespmem:s3], [sflag:$0x1] =	stream.indirect_vreg.gather [hbm4b:s0+s13], $0x80, v38, vm0, $0xb8;
	[tilespmem:$0x12200] =	vst v63  }
0xe8: {  	s14 =	simm.s32 $0x1100;
	v55 =	vperm.xlane v37, v10;
	v54 =	vadd.s32 v7, v53  }
0xe9: {  	[tilespmem:s14], [sflag:$0x1] =	stream.indirect_vreg.gather [hbm4b:s0+s13], $0x80, v39, vm0, $0xb8;
	[tilespmem:$0x12200] =	vst v63  }
0xea: {  	s15 =	simm.s32 $0x1180;
	v57 =	vperm.xlane v37, v22;
	v56 =	vadd.s32 v7, v55  }
0xeb: {  	[tilespmem:s15], [sflag:$0x1] =	stream.indirect_vreg.gather [hbm4b:s0+s13], $0x80, v40, vm0, $0xb8;
	[tilespmem:$0x12200] =	vst v63  }
0xec: {  	s16 =	simm.s32 $0x1200;
	v59 =	vperm.xlane v37, v24;
	v58 =	vadd.s32 v7, v57  }
0xed: {  	[tilespmem:s16], [sflag:$0x1] =	stream.indirect_vreg.gather [hbm4b:s0+s13], $0x80, v54, vm0, $0xb8;
	[tilespmem:$0x12200] =	vst v63  }
0xee: {  	s17 =	simm.s32 $0x1280;
	v61 =	vperm.xlane v37, v5;
	v60 =	vadd.s32 v7, v59  }
0xef: {  	[tilespmem:s17], [sflag:$0x1] =	stream.indirect_vreg.gather [hbm4b:s0+s13], $0x80, v56, vm0, $0xb8;
	[tilespmem:$0x12200] =	vst v63  }
0xf0: {  	s18 =	simm.s32 $0x1300;
	v63 =	vperm.xlane v37, v26;
	v62 =	vadd.s32 v7, v61  }
0xf1: {  	[tilespmem:s18], [sflag:$0x1] =	stream.indirect_vreg.gather [hbm4b:s0+s13], $0x80, v58, vm0, $0xb8;
	[tilespmem:$0x12200] =	vst v63  }
0xf2: {  	s19 =	simm.s32 $0x1380;
	v45 =	vperm.xlane v37, v11;
	v44 =	vadd.s32 v7, v63  }
0xf3: {  	[tilespmem:s19], [sflag:$0x1] =	stream.indirect_vreg.gather [hbm4b:s0+s13], $0x80, v60, vm0, $0xb8;
	[tilespmem:$0x12200] =	vst v63  }
0xf4: {  	s20 =	simm.s32 $0x1400;
	v47 =	vperm.xlane v37, v12;
	v46 =	vadd.s32 v7, v45  }
0xf5: {  	[tilespmem:s20], [sflag:$0x1] =	stream.indirect_vreg.gather [hbm4b:s0+s13], $0x80, v62, vm0, $0xb8;
	[tilespmem:$0x12200] =	vst v63  }
0xf6: {  	s21 =	simm.s32 $0x1480;
	v49 =	vperm.xlane v37, v13;
	v48 =	vadd.s32 v7, v47  }
0xf7: {  	[tilespmem:s21], [sflag:$0x1] =	stream.indirect_vreg.gather [hbm4b:s0+s13], $0x80, v44, vm0, $0xb8;
	[tilespmem:$0x12200] =	vst v63  }
0xf8: {  	s31 =	simm.s32 $0x1500;
	v50 =	vadd.s32 v7, v49;
	v51 =	vperm.xlane v37, v14  }
0xf9: {  	[tilespmem:s31], [sflag:$0x1] =	stream.indirect_vreg.gather [hbm4b:s0+s13], $0x80, v46, vm0, $0xb8;
	[tilespmem:$0x12200] =	vst v63  }
0xfa: {  	v53 =	vperm.xlane v37, v16;
	v52 =	vadd.s32 v7, v51;
	s3 =	simm.s32 $0x1580  }
0xfb: {  	[tilespmem:s3], [sflag:$0x1] =	stream.indirect_vreg.gather [hbm4b:s0+s13], $0x80, v48, vm0, $0xb8;
	[tilespmem:$0x12200] =	vst v63  }
0xfc: {  	v55 =	vperm.xlane v37, v17;
	s14 =	simm.s32 $0x1600;
	v54 =	vadd.s32 v7, v53  }
0xfd: {  	[tilespmem:s14], [sflag:$0x1] =	stream.indirect_vreg.gather [hbm4b:s0+s13], $0x80, v50, vm0, $0xb8;
	[tilespmem:$0x12200] =	vst v63  }
0xfe: {  	v37 =	vperm.xlane v37, v18;
	s15 =	simm.s32 $0x1680;
	v56 =	vadd.s32 v7, v55  }
0xff: {  	[tilespmem:s15], [sflag:$0x1] =	stream.indirect_vreg.gather [hbm4b:s0+s13], $0x80, v52, vm0, $0xb8;
	[tilespmem:$0x12200] =	vst v63  }
0x100: {  	v37 =	vadd.s32 v7, v37;
	s16 =	simm.s32 $0x1700  }
0x101: {  	[tilespmem:s16], [sflag:$0x1] =	stream.indirect_vreg.gather [hbm4b:s0+s13], $0x80, v54, vm0, $0xb8;
	[tilespmem:$0x12200] =	vst v63  }
0x102: {  	s17 =	simm.s32 $0x1780  }
0x103: {  	[tilespmem:s17], [sflag:$0x1] =	stream.indirect_vreg.gather [hbm4b:s0+s13], $0x80, v56, vm0, $0xb8;
	[tilespmem:$0x12200] =	vst v63  }
0x104: {  	s18 =	simm.s32 $0x1800  }
0x105: {  	[tilespmem:s18], [sflag:$0x1] =	stream.indirect_vreg.gather [hbm4b:s0+s13], $0x80, v37, vm0, $0xb8;
	[tilespmem:$0x12200] =	vst v63  }
0x106: {  	v37 =	vld [tilespmem:$0x10190];
	_ =	sdelay $0x4  }
0x107: {  	v57 =	vshrl.u32 v37, $0x3  }
0x108: {  	v38 =	vmul.u32 $0x7D0, v57  }
0x109: {  	v37 =	vand.u32 $0x7, v37  }
0x10a: {  	v37 =	vor.u32 v37, v38  }
0x10b: {  	v38 =	vperm.xlane v37, v6;
	_ =	sdelay $0x1  }
0x10c: {  	v58 =	vperm.xlane v37, v8;
	v38 =	vadd.s32 v7, v38;
	_ =	sdelay $0x1  }
0x10d: {  	v59 =	vperm.xlane v37, v9;
	v39 =	vadd.s32 v7, v58;
	_ =	sdelay $0x1  }
0x10e: {  	s19 =	simm.s32 $0x1880;
	v60 =	vperm.xlane v37, v4;
	v40 =	vadd.s32 v7, v59  }
0x10f: {  	[tilespmem:s19], [sflag:$0x1] =	stream.indirect_vreg.gather [hbm4b:s0+s13], $0x80, v38, vm0, $0xb8;
	[tilespmem:$0x12200] =	vst v63  }
0x110: {  	s20 =	simm.s32 $0x1900;
	v62 =	vperm.xlane v37, v10;
	v61 =	vadd.s32 v7, v60  }
0x111: {  	[tilespmem:s20], [sflag:$0x1] =	stream.indirect_vreg.gather [hbm4b:s0+s13], $0x80, v39, vm0, $0xb8;
	[tilespmem:$0x12200] =	vst v63  }
0x112: {  	s21 =	simm.s32 $0x1980;
	v44 =	vperm.xlane v37, v22;
	v63 =	vadd.s32 v7, v62  }
0x113: {  	[tilespmem:s21], [sflag:$0x1] =	stream.indirect_vreg.gather [hbm4b:s0+s13], $0x80, v40, vm0, $0xb8;
	[tilespmem:$0x12200] =	vst v63  }
0x114: {  	s31 =	simm.s32 $0x1A00;
	v46 =	vperm.xlane v37, v24;
	v45 =	vadd.s32 v7, v44  }
0x115: {  	[tilespmem:s31], [sflag:$0x1] =	stream.indirect_vreg.gather [hbm4b:s0+s13], $0x80, v61, vm0, $0xb8;
	[tilespmem:$0x12200] =	vst v63  }
0x116: {  	s3 =	simm.s32 $0x1A80;
	v48 =	vperm.xlane v37, v5;
	v47 =	vadd.s32 v7, v46  }
0x117: {  	[tilespmem:s3], [sflag:$0x1] =	stream.indirect_vreg.gather [hbm4b:s0+s13], $0x80, v63, vm0, $0xb8;
	[tilespmem:$0x12200] =	vst v63  }
0x118: {  	s14 =	simm.s32 $0x1B00;
	v50 =	vperm.xlane v37, v26;
	v49 =	vadd.s32 v7, v48  }
0x119: {  	[tilespmem:s14], [sflag:$0x1] =	stream.indirect_vreg.gather [hbm4b:s0+s13], $0x80, v45, vm0, $0xb8;
	[tilespmem:$0x12200] =	vst v63  }
0x11a: {  	s15 =	simm.s32 $0x1B80;
	v52 =	vperm.xlane v37, v11;
	v51 =	vadd.s32 v7, v50  }
0x11b: {  	[tilespmem:s15], [sflag:$0x1] =	stream.indirect_vreg.gather [hbm4b:s0+s13], $0x80, v47, vm0, $0xb8;
	[tilespmem:$0x12200] =	vst v63  }
0x11c: {  	s16 =	simm.s32 $0x1C00;
	v54 =	vperm.xlane v37, v12;
	v53 =	vadd.s32 v7, v52  }
0x11d: {  	[tilespmem:s16], [sflag:$0x1] =	stream.indirect_vreg.gather [hbm4b:s0+s13], $0x80, v49, vm0, $0xb8;
	[tilespmem:$0x12200] =	vst v63  }
0x11e: {  	s17 =	simm.s32 $0x1C80;
	v56 =	vperm.xlane v37, v13;
	v55 =	vadd.s32 v7, v54  }
0x11f: {  	[tilespmem:s17], [sflag:$0x1] =	stream.indirect_vreg.gather [hbm4b:s0+s13], $0x80, v51, vm0, $0xb8;
	[tilespmem:$0x12200] =	vst v63  }
0x120: {  	s18 =	simm.s32 $0x1D00;
	v57 =	vadd.s32 v7, v56;
	v58 =	vperm.xlane v37, v14  }
0x121: {  	[tilespmem:s18], [sflag:$0x1] =	stream.indirect_vreg.gather [hbm4b:s0+s13], $0x80, v53, vm0, $0xb8;
	[tilespmem:$0x12200] =	vst v63  }
0x122: {  	v60 =	vperm.xlane v37, v16;
	v59 =	vadd.s32 v7, v58;
	s19 =	simm.s32 $0x1D80  }
0x123: {  	[tilespmem:s19], [sflag:$0x1] =	stream.indirect_vreg.gather [hbm4b:s0+s13], $0x80, v55, vm0, $0xb8;
	[tilespmem:$0x12200] =	vst v63  }
0x124: {  	v62 =	vperm.xlane v37, v17;
	s20 =	simm.s32 $0x1E00;
	v61 =	vadd.s32 v7, v60  }
0x125: {  	[tilespmem:s20], [sflag:$0x1] =	stream.indirect_vreg.gather [hbm4b:s0+s13], $0x80, v57, vm0, $0xb8;
	[tilespmem:$0x12200] =	vst v63  }
0x126: {  	v37 =	vperm.xlane v37, v18;
	s21 =	simm.s32 $0x1E80;
	v63 =	vadd.s32 v7, v62  }
0x127: {  	[tilespmem:s21], [sflag:$0x1] =	stream.indirect_vreg.gather [hbm4b:s0+s13], $0x80, v59, vm0, $0xb8;
	[tilespmem:$0x12200] =	vst v63  }
0x128: {  	v37 =	vadd.s32 v7, v37;
	s31 =	simm.s32 $0x1F00  }
0x129: {  	[tilespmem:s31], [sflag:$0x1] =	stream.indirect_vreg.gather [hbm4b:s0+s13], $0x80, v61, vm0, $0xb8;
	[tilespmem:$0x12200] =	vst v63  }
0x12a: {  	s3 =	simm.s32 $0x1F80  }
0x12b: {  	[tilespmem:s3], [sflag:$0x1] =	stream.indirect_vreg.gather [hbm4b:s0+s13], $0x80, v63, vm0, $0xb8;
	[tilespmem:$0x12200] =	vst v63  }
0x12c: {  	(v2sf) =	vpush v36, $0x2;
	s14 =	simm.s32 $0x2000  }
0x12d: {  	[tilespmem:s14], [sflag:$0x1] =	stream.indirect_vreg.gather [hbm4b:s0+s13], $0x80, v37, vm0, $0xb8;
	[tilespmem:$0x12200] =	vst v63  }
0x12e: {  	v37 =	vld [tilespmem:$0x10200];
	_ =	sdelay $0x4  }
0x12f: {  	v43 =	vshrl.u32 v37, $0x3  }
0x130: {  	v38 =	vmul.u32 $0x7D0, v43  }
0x131: {  	v37 =	vand.u32 $0x7, v37  }
0x132: {  	v37 =	vor.u32 v37, v38  }
0x133: {  	v38 =	vperm.xlane v37, v6;
	_ =	sdelay $0x1  }
0x134: {  	v44 =	vperm.xlane v37, v8;
	v38 =	vadd.s32 v7, v38;
	_ =	sdelay $0x1  }
0x135: {  	s15 =	spop (v2sf);
	v45 =	vperm.xlane v37, v9;
	v39 =	vadd.s32 v7, v44  }
0x136: {  	s0 =	sand.u32 $0xFFFFF80, s15  }
0x137: {  	s16 =	simm.s32 $0x2080;
	s0 =	sadd.s32 s1, s0;
	v46 =	vperm.xlane v37, v4;
	v40 =	vadd.s32 v7, v45  }
0x138: {  	[tilespmem:s16], [sflag:$0x1] =	stream.indirect_vreg.gather [hbm4b:s0+s13], $0x80, v38, vm0, $0xb8;
	[tilespmem:$0x12200] =	vst v63  }
0x139: {  	s17 =	simm.s32 $0x2100;
	v48 =	vperm.xlane v37, v10;
	v47 =	vadd.s32 v7, v46  }
0x13a: {  	[tilespmem:s17], [sflag:$0x1] =	stream.indirect_vreg.gather [hbm4b:s0+s13], $0x80, v39, vm0, $0xb8;
	[tilespmem:$0x12200] =	vst v63  }
0x13b: {  	s18 =	simm.s32 $0x2180;
	v50 =	vperm.xlane v37, v22;
	v49 =	vadd.s32 v7, v48  }
0x13c: {  	[tilespmem:s18], [sflag:$0x1] =	stream.indirect_vreg.gather [hbm4b:s0+s13], $0x80, v40, vm0, $0xb8;
	[tilespmem:$0x12200] =	vst v63  }
0x13d: {  	s19 =	simm.s32 $0x2200;
	v52 =	vperm.xlane v37, v24;
	v51 =	vadd.s32 v7, v50  }
0x13e: {  	[tilespmem:s19], [sflag:$0x1] =	stream.indirect_vreg.gather [hbm4b:s0+s13], $0x80, v47, vm0, $0xb8;
	[tilespmem:$0x12200] =	vst v63  }
0x13f: {  	s20 =	simm.s32 $0x2280;
	v54 =	vperm.xlane v37, v5;
	v53 =	vadd.s32 v7, v52  }
0x140: {  	[tilespmem:s20], [sflag:$0x1] =	stream.indirect_vreg.gather [hbm4b:s0+s13], $0x80, v49, vm0, $0xb8;
	[tilespmem:$0x12200] =	vst v63  }
0x141: {  	s21 =	simm.s32 $0x2300;
	v56 =	vperm.xlane v37, v26;
	v55 =	vadd.s32 v7, v54  }
0x142: {  	[tilespmem:s21], [sflag:$0x1] =	stream.indirect_vreg.gather [hbm4b:s0+s13], $0x80, v51, vm0, $0xb8;
	[tilespmem:$0x12200] =	vst v63  }
0x143: {  	s31 =	simm.s32 $0x2380;
	v58 =	vperm.xlane v37, v11;
	v57 =	vadd.s32 v7, v56  }
0x144: {  	[tilespmem:s31], [sflag:$0x1] =	stream.indirect_vreg.gather [hbm4b:s0+s13], $0x80, v53, vm0, $0xb8;
	[tilespmem:$0x12200] =	vst v63  }
0x145: {  	s3 =	simm.s32 $0x2400;
	v60 =	vperm.xlane v37, v12;
	v59 =	vadd.s32 v7, v58  }
0x146: {  	[tilespmem:s3], [sflag:$0x1] =	stream.indirect_vreg.gather [hbm4b:s0+s13], $0x80, v55, vm0, $0xb8;
	[tilespmem:$0x12200] =	vst v63  }
0x147: {  	s14 =	simm.s32 $0x2480;
	v62 =	vperm.xlane v37, v13;
	v61 =	vadd.s32 v7, v60  }
0x148: {  	[tilespmem:s14], [sflag:$0x1] =	stream.indirect_vreg.gather [hbm4b:s0+s13], $0x80, v57, vm0, $0xb8;
	[tilespmem:$0x12200] =	vst v63  }
0x149: {  	s15 =	simm.s32 $0x2500;
	v63 =	vadd.s32 v7, v62;
	v44 =	vperm.xlane v37, v14  }
0x14a: {  	[tilespmem:s15], [sflag:$0x1] =	stream.indirect_vreg.gather [hbm4b:s0+s13], $0x80, v59, vm0, $0xb8;
	[tilespmem:$0x12200] =	vst v63  }
0x14b: {  	v46 =	vperm.xlane v37, v16;
	v45 =	vadd.s32 v7, v44;
	s16 =	simm.s32 $0x2580  }
0x14c: {  	[tilespmem:s16], [sflag:$0x1] =	stream.indirect_vreg.gather [hbm4b:s0+s13], $0x80, v61, vm0, $0xb8;
	[tilespmem:$0x12200] =	vst v63  }
0x14d: {  	v48 =	vperm.xlane v37, v17;
	s17 =	simm.s32 $0x2600;
	v47 =	vadd.s32 v7, v46  }
0x14e: {  	[tilespmem:s17], [sflag:$0x1] =	stream.indirect_vreg.gather [hbm4b:s0+s13], $0x80, v63, vm0, $0xb8;
	[tilespmem:$0x12200] =	vst v63  }
0x14f: {  	v37 =	vperm.xlane v37, v18;
	s18 =	simm.s32 $0x2680;
	v49 =	vadd.s32 v7, v48  }
0x150: {  	[tilespmem:s18], [sflag:$0x1] =	stream.indirect_vreg.gather [hbm4b:s0+s13], $0x80, v45, vm0, $0xb8;
	[tilespmem:$0x12200] =	vst v63  }
0x151: {  	v37 =	vadd.s32 v7, v37;
	s19 =	simm.s32 $0x2700  }
0x152: {  	[tilespmem:s19], [sflag:$0x1] =	stream.indirect_vreg.gather [hbm4b:s0+s13], $0x80, v47, vm0, $0xb8;
	[tilespmem:$0x12200] =	vst v63  }
0x153: {  	s20 =	simm.s32 $0x2780  }
0x154: {  	[tilespmem:s20], [sflag:$0x1] =	stream.indirect_vreg.gather [hbm4b:s0+s13], $0x80, v49, vm0, $0xb8;
	[tilespmem:$0x12200] =	vst v63  }
0x155: {  	s21 =	simm.s32 $0x2800  }
0x156: {  	[tilespmem:s21], [sflag:$0x1] =	stream.indirect_vreg.gather [hbm4b:s0+s13], $0x80, v37, vm0, $0xb8;
	[tilespmem:$0x12200] =	vst v63  }
0x157: {  	v37 =	vld [tilespmem:$0x10210];
	_ =	sdelay $0x4  }
0x158: {  	v50 =	vshrl.u32 v37, $0x3  }
0x159: {  	v38 =	vmul.u32 $0x7D0, v50  }
0x15a: {  	v37 =	vand.u32 $0x7, v37  }
0x15b: {  	v37 =	vor.u32 v37, v38  }
0x15c: {  	v38 =	vperm.xlane v37, v6;
	_ =	sdelay $0x1  }
0x15d: {  	v51 =	vperm.xlane v37, v8;
	v38 =	vadd.s32 v7, v38;
	_ =	sdelay $0x1  }
0x15e: {  	v52 =	vperm.xlane v37, v9;
	v39 =	vadd.s32 v7, v51;
	_ =	sdelay $0x1  }
0x15f: {  	s31 =	simm.s32 $0x2880;
	v53 =	vperm.xlane v37, v4;
	v40 =	vadd.s32 v7, v52  }
0x160: {  	[tilespmem:s31], [sflag:$0x1] =	stream.indirect_vreg.gather [hbm4b:s0+s13], $0x80, v38, vm0, $0xb8;
	[tilespmem:$0x12200] =	vst v63  }
0x161: {  	s3 =	simm.s32 $0x2900;
	v55 =	vperm.xlane v37, v10;
	v54 =	vadd.s32 v7, v53  }
0x162: {  	[tilespmem:s3], [sflag:$0x1] =	stream.indirect_vreg.gather [hbm4b:s0+s13], $0x80, v39, vm0, $0xb8;
	[tilespmem:$0x12200] =	vst v63  }
0x163: {  	s14 =	simm.s32 $0x2980;
	v57 =	vperm.xlane v37, v22;
	v56 =	vadd.s32 v7, v55  }
0x164: {  	[tilespmem:s14], [sflag:$0x1] =	stream.indirect_vreg.gather [hbm4b:s0+s13], $0x80, v40, vm0, $0xb8;
	[tilespmem:$0x12200] =	vst v63  }
0x165: {  	s15 =	simm.s32 $0x2A00;
	v59 =	vperm.xlane v37, v24;
	v58 =	vadd.s32 v7, v57  }
0x166: {  	[tilespmem:s15], [sflag:$0x1] =	stream.indirect_vreg.gather [hbm4b:s0+s13], $0x80, v54, vm0, $0xb8;
	[tilespmem:$0x12200] =	vst v63  }
0x167: {  	s16 =	simm.s32 $0x2A80;
	v61 =	vperm.xlane v37, v5;
	v60 =	vadd.s32 v7, v59  }
0x168: {  	[tilespmem:s16], [sflag:$0x1] =	stream.indirect_vreg.gather [hbm4b:s0+s13], $0x80, v56, vm0, $0xb8;
	[tilespmem:$0x12200] =	vst v63  }
0x169: {  	s17 =	simm.s32 $0x2B00;
	v63 =	vperm.xlane v37, v26;
	v62 =	vadd.s32 v7, v61  }
0x16a: {  	[tilespmem:s17], [sflag:$0x1] =	stream.indirect_vreg.gather [hbm4b:s0+s13], $0x80, v58, vm0, $0xb8;
	[tilespmem:$0x12200] =	vst v63  }
0x16b: {  	s18 =	simm.s32 $0x2B80;
	v45 =	vperm.xlane v37, v11;
	v44 =	vadd.s32 v7, v63  }
0x16c: {  	[tilespmem:s18], [sflag:$0x1] =	stream.indirect_vreg.gather [hbm4b:s0+s13], $0x80, v60, vm0, $0xb8;
	[tilespmem:$0x12200] =	vst v63  }
0x16d: {  	s19 =	simm.s32 $0x2C00;
	v47 =	vperm.xlane v37, v12;
	v46 =	vadd.s32 v7, v45  }
0x16e: {  	[tilespmem:s19], [sflag:$0x1] =	stream.indirect_vreg.gather [hbm4b:s0+s13], $0x80, v62, vm0, $0xb8;
	[tilespmem:$0x12200] =	vst v63  }
0x16f: {  	s20 =	simm.s32 $0x2C80;
	v49 =	vperm.xlane v37, v13;
	v48 =	vadd.s32 v7, v47  }
0x170: {  	[tilespmem:s20], [sflag:$0x1] =	stream.indirect_vreg.gather [hbm4b:s0+s13], $0x80, v44, vm0, $0xb8;
	[tilespmem:$0x12200] =	vst v63  }
0x171: {  	s21 =	simm.s32 $0x2D00;
	v50 =	vadd.s32 v7, v49;
	v51 =	vperm.xlane v37, v14  }
0x172: {  	[tilespmem:s21], [sflag:$0x1] =	stream.indirect_vreg.gather [hbm4b:s0+s13], $0x80, v46, vm0, $0xb8;
	[tilespmem:$0x12200] =	vst v63  }
0x173: {  	v53 =	vperm.xlane v37, v16;
	v52 =	vadd.s32 v7, v51;
	s31 =	simm.s32 $0x2D80  }
0x174: {  	[tilespmem:s31], [sflag:$0x1] =	stream.indirect_vreg.gather [hbm4b:s0+s13], $0x80, v48, vm0, $0xb8;
	[tilespmem:$0x12200] =	vst v63  }
0x175: {  	v55 =	vperm.xlane v37, v17;
	s3 =	simm.s32 $0x2E00;
	v54 =	vadd.s32 v7, v53  }
0x176: {  	[tilespmem:s3], [sflag:$0x1] =	stream.indirect_vreg.gather [hbm4b:s0+s13], $0x80, v50, vm0, $0xb8;
	[tilespmem:$0x12200] =	vst v63  }
0x177: {  	v37 =	vperm.xlane v37, v18;
	s14 =	simm.s32 $0x2E80;
	v56 =	vadd.s32 v7, v55  }
0x178: {  	[tilespmem:s14], [sflag:$0x1] =	stream.indirect_vreg.gather [hbm4b:s0+s13], $0x80, v52, vm0, $0xb8;
	[tilespmem:$0x12200] =	vst v63  }
0x179: {  	v37 =	vadd.s32 v7, v37;
	s15 =	simm.s32 $0x2F00  }
0x17a: {  	[tilespmem:s15], [sflag:$0x1] =	stream.indirect_vreg.gather [hbm4b:s0+s13], $0x80, v54, vm0, $0xb8;
	[tilespmem:$0x12200] =	vst v63  }
0x17b: {  	s16 =	simm.s32 $0x2F80  }
0x17c: {  	[tilespmem:s16], [sflag:$0x1] =	stream.indirect_vreg.gather [hbm4b:s0+s13], $0x80, v56, vm0, $0xb8;
	[tilespmem:$0x12200] =	vst v63  }
0x17d: {  	(v2sf) =	vpush v36, $0x3;
	s17 =	simm.s32 $0x3000  }
0x17e: {  	[tilespmem:s17], [sflag:$0x1] =	stream.indirect_vreg.gather [hbm4b:s0+s13], $0x80, v37, vm0, $0xb8;
	[tilespmem:$0x12200] =	vst v63  }
0x17f: {  	v37 =	vld [tilespmem:$0x10280];
	_ =	sdelay $0x4  }
0x180: {  	v57 =	vshrl.u32 v37, $0x3  }
0x181: {  	v38 =	vmul.u32 $0x7D0, v57  }
0x182: {  	v37 =	vand.u32 $0x7, v37  }
0x183: {  	v37 =	vor.u32 v37, v38  }
0x184: {  	v38 =	vperm.xlane v37, v6;
	_ =	sdelay $0x1  }
0x185: {  	v58 =	vperm.xlane v37, v8;
	v38 =	vadd.s32 v7, v38;
	_ =	sdelay $0x1  }
0x186: {  	s18 =	spop (v2sf);
	v59 =	vperm.xlane v37, v9;
	v39 =	vadd.s32 v7, v58  }
0x187: {  	s0 =	sand.u32 $0xFFFFF80, s18  }
0x188: {  	s19 =	simm.s32 $0x3080;
	s0 =	sadd.s32 s1, s0;
	v60 =	vperm.xlane v37, v4;
	v40 =	vadd.s32 v7, v59  }
0x189: {  	[tilespmem:s19], [sflag:$0x1] =	stream.indirect_vreg.gather [hbm4b:s0+s13], $0x80, v38, vm0, $0xb8;
	[tilespmem:$0x12200] =	vst v63  }
0x18a: {  	s20 =	simm.s32 $0x3100;
	v62 =	vperm.xlane v37, v10;
	v61 =	vadd.s32 v7, v60  }
0x18b: {  	[tilespmem:s20], [sflag:$0x1] =	stream.indirect_vreg.gather [hbm4b:s0+s13], $0x80, v39, vm0, $0xb8;
	[tilespmem:$0x12200] =	vst v63  }
0x18c: {  	s21 =	simm.s32 $0x3180;
	v44 =	vperm.xlane v37, v22;
	v63 =	vadd.s32 v7, v62  }
0x18d: {  	[tilespmem:s21], [sflag:$0x1] =	stream.indirect_vreg.gather [hbm4b:s0+s13], $0x80, v40, vm0, $0xb8;
	[tilespmem:$0x12200] =	vst v63  }
0x18e: {  	s31 =	simm.s32 $0x3200;
	v46 =	vperm.xlane v37, v24;
	v45 =	vadd.s32 v7, v44  }
0x18f: {  	[tilespmem:s31], [sflag:$0x1] =	stream.indirect_vreg.gather [hbm4b:s0+s13], $0x80, v61, vm0, $0xb8;
	[tilespmem:$0x12200] =	vst v63  }
0x190: {  	s3 =	simm.s32 $0x3280;
	v48 =	vperm.xlane v37, v5;
	v47 =	vadd.s32 v7, v46  }
0x191: {  	[tilespmem:s3], [sflag:$0x1] =	stream.indirect_vreg.gather [hbm4b:s0+s13], $0x80, v63, vm0, $0xb8;
	[tilespmem:$0x12200] =	vst v63  }
0x192: {  	s14 =	simm.s32 $0x3300;
	v50 =	vperm.xlane v37, v26;
	v49 =	vadd.s32 v7, v48  }
0x193: {  	[tilespmem:s14], [sflag:$0x1] =	stream.indirect_vreg.gather [hbm4b:s0+s13], $0x80, v45, vm0, $0xb8;
	[tilespmem:$0x12200] =	vst v63  }
0x194: {  	s15 =	simm.s32 $0x3380;
	v52 =	vperm.xlane v37, v11;
	v51 =	vadd.s32 v7, v50  }
0x195: {  	[tilespmem:s15], [sflag:$0x1] =	stream.indirect_vreg.gather [hbm4b:s0+s13], $0x80, v47, vm0, $0xb8;
	[tilespmem:$0x12200] =	vst v63  }
0x196: {  	s16 =	simm.s32 $0x3400;
	v54 =	vperm.xlane v37, v12;
	v53 =	vadd.s32 v7, v52  }
0x197: {  	[tilespmem:s16], [sflag:$0x1] =	stream.indirect_vreg.gather [hbm4b:s0+s13], $0x80, v49, vm0, $0xb8;
	[tilespmem:$0x12200] =	vst v63  }
0x198: {  	s17 =	simm.s32 $0x3480;
	v56 =	vperm.xlane v37, v13;
	v55 =	vadd.s32 v7, v54  }
0x199: {  	[tilespmem:s17], [sflag:$0x1] =	stream.indirect_vreg.gather [hbm4b:s0+s13], $0x80, v51, vm0, $0xb8;
	[tilespmem:$0x12200] =	vst v63  }
0x19a: {  	s18 =	simm.s32 $0x3500;
	v57 =	vadd.s32 v7, v56;
	v58 =	vperm.xlane v37, v14  }
0x19b: {  	[tilespmem:s18], [sflag:$0x1] =	stream.indirect_vreg.gather [hbm4b:s0+s13], $0x80, v53, vm0, $0xb8;
	[tilespmem:$0x12200] =	vst v63  }
0x19c: {  	v60 =	vperm.xlane v37, v16;
	v59 =	vadd.s32 v7, v58;
	s19 =	simm.s32 $0x3580  }
0x19d: {  	[tilespmem:s19], [sflag:$0x1] =	stream.indirect_vreg.gather [hbm4b:s0+s13], $0x80, v55, vm0, $0xb8;
	[tilespmem:$0x12200] =	vst v63  }
0x19e: {  	v62 =	vperm.xlane v37, v17;
	s20 =	simm.s32 $0x3600;
	v61 =	vadd.s32 v7, v60  }
0x19f: {  	[tilespmem:s20], [sflag:$0x1] =	stream.indirect_vreg.gather [hbm4b:s0+s13], $0x80, v57, vm0, $0xb8;
	[tilespmem:$0x12200] =	vst v63  }
0x1a0: {  	v37 =	vperm.xlane v37, v18;
	s21 =	simm.s32 $0x3680;
	v63 =	vadd.s32 v7, v62  }
0x1a1: {  	[tilespmem:s21], [sflag:$0x1] =	stream.indirect_vreg.gather [hbm4b:s0+s13], $0x80, v59, vm0, $0xb8;
	[tilespmem:$0x12200] =	vst v63  }
0x1a2: {  	v37 =	vadd.s32 v7, v37;
	s31 =	simm.s32 $0x3700  }
0x1a3: {  	[tilespmem:s31], [sflag:$0x1] =	stream.indirect_vreg.gather [hbm4b:s0+s13], $0x80, v61, vm0, $0xb8;
	[tilespmem:$0x12200] =	vst v63  }
0x1a4: {  	s3 =	simm.s32 $0x3780  }
0x1a5: {  	[tilespmem:s3], [sflag:$0x1] =	stream.indirect_vreg.gather [hbm4b:s0+s13], $0x80, v63, vm0, $0xb8;
	[tilespmem:$0x12200] =	vst v63  }
0x1a6: {  	s14 =	simm.s32 $0x3800  }
0x1a7: {  	[tilespmem:s14], [sflag:$0x1] =	stream.indirect_vreg.gather [hbm4b:s0+s13], $0x80, v37, vm0, $0xb8;
	[tilespmem:$0x12200] =	vst v63  }
0x1a8: {  	v37 =	vld [tilespmem:$0x10290];
	_ =	sdelay $0x4  }
0x1a9: {  	v43 =	vshrl.u32 v37, $0x3  }
0x1aa: {  	v38 =	vmul.u32 $0x7D0, v43  }
0x1ab: {  	v37 =	vand.u32 $0x7, v37  }
0x1ac: {  	v37 =	vor.u32 v37, v38  }
0x1ad: {  	v38 =	vperm.xlane v37, v6;
	_ =	sdelay $0x1  }
0x1ae: {  	v44 =	vperm.xlane v37, v8;
	v38 =	vadd.s32 v7, v38;
	_ =	sdelay $0x1  }
0x1af: {  	v45 =	vperm.xlane v37, v9;
	v39 =	vadd.s32 v7, v44;
	_ =	sdelay $0x1  }
0x1b0: {  	s15 =	simm.s32 $0x3880;
	v46 =	vperm.xlane v37, v4;
	v40 =	vadd.s32 v7, v45  }
0x1b1: {  	[tilespmem:s15], [sflag:$0x1] =	stream.indirect_vreg.gather [hbm4b:s0+s13], $0x80, v38, vm0, $0xb8;
	[tilespmem:$0x12200] =	vst v63  }
0x1b2: {  	s16 =	simm.s32 $0x3900;
	v48 =	vperm.xlane v37, v10;
	v47 =	vadd.s32 v7, v46  }
0x1b3: {  	[tilespmem:s16], [sflag:$0x1] =	stream.indirect_vreg.gather [hbm4b:s0+s13], $0x80, v39, vm0, $0xb8;
	[tilespmem:$0x12200] =	vst v63  }
0x1b4: {  	s17 =	simm.s32 $0x3980;
	v50 =	vperm.xlane v37, v22;
	v49 =	vadd.s32 v7, v48  }
0x1b5: {  	[tilespmem:s17], [sflag:$0x1] =	stream.indirect_vreg.gather [hbm4b:s0+s13], $0x80, v40, vm0, $0xb8;
	[tilespmem:$0x12200] =	vst v63  }
0x1b6: {  	s18 =	simm.s32 $0x3A00;
	v52 =	vperm.xlane v37, v24;
	v51 =	vadd.s32 v7, v50  }
0x1b7: {  	[tilespmem:s18], [sflag:$0x1] =	stream.indirect_vreg.gather [hbm4b:s0+s13], $0x80, v47, vm0, $0xb8;
	[tilespmem:$0x12200] =	vst v63  }
0x1b8: {  	s19 =	simm.s32 $0x3A80;
	v54 =	vperm.xlane v37, v5;
	v53 =	vadd.s32 v7, v52  }
0x1b9: {  	[tilespmem:s19], [sflag:$0x1] =	stream.indirect_vreg.gather [hbm4b:s0+s13], $0x80, v49, vm0, $0xb8;
	[tilespmem:$0x12200] =	vst v63  }
0x1ba: {  	s20 =	simm.s32 $0x3B00;
	v56 =	vperm.xlane v37, v26;
	v55 =	vadd.s32 v7, v54  }
0x1bb: {  	[tilespmem:s20], [sflag:$0x1] =	stream.indirect_vreg.gather [hbm4b:s0+s13], $0x80, v51, vm0, $0xb8;
	[tilespmem:$0x12200] =	vst v63  }
0x1bc: {  	s21 =	simm.s32 $0x3B80;
	v58 =	vperm.xlane v37, v11;
	v57 =	vadd.s32 v7, v56  }
0x1bd: {  	[tilespmem:s21], [sflag:$0x1] =	stream.indirect_vreg.gather [hbm4b:s0+s13], $0x80, v53, vm0, $0xb8;
	[tilespmem:$0x12200] =	vst v63  }
0x1be: {  	s31 =	simm.s32 $0x3C00;
	v60 =	vperm.xlane v37, v12;
	v59 =	vadd.s32 v7, v58  }
0x1bf: {  	[tilespmem:s31], [sflag:$0x1] =	stream.indirect_vreg.gather [hbm4b:s0+s13], $0x80, v55, vm0, $0xb8;
	[tilespmem:$0x12200] =	vst v63  }
0x1c0: {  	s3 =	simm.s32 $0x3C80;
	v62 =	vperm.xlane v37, v13;
	v61 =	vadd.s32 v7, v60  }
0x1c1: {  	[tilespmem:s3], [sflag:$0x1] =	stream.indirect_vreg.gather [hbm4b:s0+s13], $0x80, v57, vm0, $0xb8;
	[tilespmem:$0x12200] =	vst v63  }
0x1c2: {  	s14 =	simm.s32 $0x3D00;
	v63 =	vadd.s32 v7, v62;
	v44 =	vperm.xlane v37, v14  }
0x1c3: {  	[tilespmem:s14], [sflag:$0x1] =	stream.indirect_vreg.gather [hbm4b:s0+s13], $0x80, v59, vm0, $0xb8;
	[tilespmem:$0x12200] =	vst v63  }
0x1c4: {  	v46 =	vperm.xlane v37, v16;
	v45 =	vadd.s32 v7, v44;
	s15 =	simm.s32 $0x3D80  }
0x1c5: {  	[tilespmem:s15], [sflag:$0x1] =	stream.indirect_vreg.gather [hbm4b:s0+s13], $0x80, v61, vm0, $0xb8;
	[tilespmem:$0x12200] =	vst v63  }
0x1c6: {  	v48 =	vperm.xlane v37, v17;
	s16 =	simm.s32 $0x3E00;
	v47 =	vadd.s32 v7, v46  }
0x1c7: {  	[tilespmem:s16], [sflag:$0x1] =	stream.indirect_vreg.gather [hbm4b:s0+s13], $0x80, v63, vm0, $0xb8;
	[tilespmem:$0x12200] =	vst v63  }
0x1c8: {  	v37 =	vperm.xlane v37, v18;
	s17 =	simm.s32 $0x3E80;
	v49 =	vadd.s32 v7, v48  }
0x1c9: {  	[tilespmem:s17], [sflag:$0x1] =	stream.indirect_vreg.gather [hbm4b:s0+s13], $0x80, v45, vm0, $0xb8;
	[tilespmem:$0x12200] =	vst v63  }
0x1ca: {  	v37 =	vadd.s32 v7, v37;
	s18 =	simm.s32 $0x3F00  }
0x1cb: {  	[tilespmem:s18], [sflag:$0x1] =	stream.indirect_vreg.gather [hbm4b:s0+s13], $0x80, v47, vm0, $0xb8;
	[tilespmem:$0x12200] =	vst v63  }
0x1cc: {  	s19 =	simm.s32 $0x3F80  }
0x1cd: {  	[tilespmem:s19], [sflag:$0x1] =	stream.indirect_vreg.gather [hbm4b:s0+s13], $0x80, v49, vm0, $0xb8;
	[tilespmem:$0x12200] =	vst v63  }
0x1ce: {  	(v2sf) =	vpush v36, $0x4;
	s20 =	simm.s32 $0x4000  }
0x1cf: {  	[tilespmem:s20], [sflag:$0x1] =	stream.indirect_vreg.gather [hbm4b:s0+s13], $0x80, v37, vm0, $0xb8;
	[tilespmem:$0x12200] =	vst v63  }
0x1d0: {  	v37 =	vld [tilespmem:$0x10300];
	_ =	sdelay $0x4  }
0x1d1: {  	v50 =	vshrl.u32 v37, $0x3  }
0x1d2: {  	v38 =	vmul.u32 $0x7D0, v50  }
0x1d3: {  	v37 =	vand.u32 $0x7, v37  }
0x1d4: {  	v37 =	vor.u32 v37, v38  }
0x1d5: {  	v38 =	vperm.xlane v37, v6;
	_ =	sdelay $0x1  }
0x1d6: {  	v51 =	vperm.xlane v37, v8;
	v38 =	vadd.s32 v7, v38;
	_ =	sdelay $0x1  }
0x1d7: {  	s21 =	spop (v2sf);
	v52 =	vperm.xlane v37, v9;
	v39 =	vadd.s32 v7, v51  }
0x1d8: {  	s0 =	sand.u32 $0xFFFFF80, s21  }
0x1d9: {  	s31 =	simm.s32 $0x4080;
	s0 =	sadd.s32 s1, s0;
	v53 =	vperm.xlane v37, v4;
	v40 =	vadd.s32 v7, v52  }
0x1da: {  	[tilespmem:s31], [sflag:$0x1] =	stream.indirect_vreg.gather [hbm4b:s0+s13], $0x80, v38, vm0, $0xb8;
	[tilespmem:$0x12200] =	vst v63  }
0x1db: {  	s3 =	simm.s32 $0x4100;
	v55 =	vperm.xlane v37, v10;
	v54 =	vadd.s32 v7, v53  }
0x1dc: {  	[tilespmem:s3], [sflag:$0x1] =	stream.indirect_vreg.gather [hbm4b:s0+s13], $0x80, v39, vm0, $0xb8;
	[tilespmem:$0x12200] =	vst v63  }
0x1dd: {  	s14 =	simm.s32 $0x4180;
	v57 =	vperm.xlane v37, v22;
	v56 =	vadd.s32 v7, v55  }
0x1de: {  	[tilespmem:s14], [sflag:$0x1] =	stream.indirect_vreg.gather [hbm4b:s0+s13], $0x80, v40, vm0, $0xb8;
	[tilespmem:$0x12200] =	vst v63  }
0x1df: {  	s15 =	simm.s32 $0x4200;
	v59 =	vperm.xlane v37, v24;
	v58 =	vadd.s32 v7, v57  }
0x1e0: {  	[tilespmem:s15], [sflag:$0x1] =	stream.indirect_vreg.gather [hbm4b:s0+s13], $0x80, v54, vm0, $0xb8;
	[tilespmem:$0x12200] =	vst v63  }
0x1e1: {  	s16 =	simm.s32 $0x4280;
	v61 =	vperm.xlane v37, v5;
	v60 =	vadd.s32 v7, v59  }
0x1e2: {  	[tilespmem:s16], [sflag:$0x1] =	stream.indirect_vreg.gather [hbm4b:s0+s13], $0x80, v56, vm0, $0xb8;
	[tilespmem:$0x12200] =	vst v63  }
0x1e3: {  	s17 =	simm.s32 $0x4300;
	v63 =	vperm.xlane v37, v26;
	v62 =	vadd.s32 v7, v61  }
0x1e4: {  	[tilespmem:s17], [sflag:$0x1] =	stream.indirect_vreg.gather [hbm4b:s0+s13], $0x80, v58, vm0, $0xb8;
	[tilespmem:$0x12200] =	vst v63  }
0x1e5: {  	s18 =	simm.s32 $0x4380;
	v45 =	vperm.xlane v37, v11;
	v44 =	vadd.s32 v7, v63  }
0x1e6: {  	[tilespmem:s18], [sflag:$0x1] =	stream.indirect_vreg.gather [hbm4b:s0+s13], $0x80, v60, vm0, $0xb8;
	[tilespmem:$0x12200] =	vst v63  }
0x1e7: {  	s19 =	simm.s32 $0x4400;
	v47 =	vperm.xlane v37, v12;
	v46 =	vadd.s32 v7, v45  }
0x1e8: {  	[tilespmem:s19], [sflag:$0x1] =	stream.indirect_vreg.gather [hbm4b:s0+s13], $0x80, v62, vm0, $0xb8;
	[tilespmem:$0x12200] =	vst v63  }
0x1e9: {  	s20 =	simm.s32 $0x4480;
	v49 =	vperm.xlane v37, v13;
	v48 =	vadd.s32 v7, v47  }
0x1ea: {  	[tilespmem:s20], [sflag:$0x1] =	stream.indirect_vreg.gather [hbm4b:s0+s13], $0x80, v44, vm0, $0xb8;
	[tilespmem:$0x12200] =	vst v63  }
0x1eb: {  	s21 =	simm.s32 $0x4500;
	v50 =	vadd.s32 v7, v49;
	v51 =	vperm.xlane v37, v14  }
0x1ec: {  	[tilespmem:s21], [sflag:$0x1] =	stream.indirect_vreg.gather [hbm4b:s0+s13], $0x80, v46, vm0, $0xb8;
	[tilespmem:$0x12200] =	vst v63  }
0x1ed: {  	v53 =	vperm.xlane v37, v16;
	v52 =	vadd.s32 v7, v51;
	s31 =	simm.s32 $0x4580  }
0x1ee: {  	[tilespmem:s31], [sflag:$0x1] =	stream.indirect_vreg.gather [hbm4b:s0+s13], $0x80, v48, vm0, $0xb8;
	[tilespmem:$0x12200] =	vst v63  }
0x1ef: {  	v55 =	vperm.xlane v37, v17;
	s3 =	simm.s32 $0x4600;
	v54 =	vadd.s32 v7, v53  }
0x1f0: {  	[tilespmem:s3], [sflag:$0x1] =	stream.indirect_vreg.gather [hbm4b:s0+s13], $0x80, v50, vm0, $0xb8;
	[tilespmem:$0x12200] =	vst v63  }
0x1f1: {  	v37 =	vperm.xlane v37, v18;
	s14 =	simm.s32 $0x4680;
	v56 =	vadd.s32 v7, v55  }
0x1f2: {  	[tilespmem:s14], [sflag:$0x1] =	stream.indirect_vreg.gather [hbm4b:s0+s13], $0x80, v52, vm0, $0xb8;
	[tilespmem:$0x12200] =	vst v63  }
0x1f3: {  	v37 =	vadd.s32 v7, v37;
	s15 =	simm.s32 $0x4700  }
0x1f4: {  	[tilespmem:s15], [sflag:$0x1] =	stream.indirect_vreg.gather [hbm4b:s0+s13], $0x80, v54, vm0, $0xb8;
	[tilespmem:$0x12200] =	vst v63  }
0x1f5: {  	s16 =	simm.s32 $0x4780  }
0x1f6: {  	[tilespmem:s16], [sflag:$0x1] =	stream.indirect_vreg.gather [hbm4b:s0+s13], $0x80, v56, vm0, $0xb8;
	[tilespmem:$0x12200] =	vst v63  }
0x1f7: {  	s17 =	simm.s32 $0x4800  }
0x1f8: {  	[tilespmem:s17], [sflag:$0x1] =	stream.indirect_vreg.gather [hbm4b:s0+s13], $0x80, v37, vm0, $0xb8;
	[tilespmem:$0x12200] =	vst v63  }
0x1f9: {  	v37 =	vld [tilespmem:$0x10310];
	_ =	sdelay $0x4  }
0x1fa: {  	v57 =	vshrl.u32 v37, $0x3  }
0x1fb: {  	v38 =	vmul.u32 $0x7D0, v57  }
0x1fc: {  	v37 =	vand.u32 $0x7, v37  }
0x1fd: {  	v37 =	vor.u32 v37, v38  }
0x1fe: {  	v38 =	vperm.xlane v37, v6;
	_ =	sdelay $0x1  }
0x1ff: {  	v58 =	vperm.xlane v37, v8;
	v38 =	vadd.s32 v7, v38;
	_ =	sdelay $0x1  }
0x200: {  	v59 =	vperm.xlane v37, v9;
	v39 =	vadd.s32 v7, v58;
	_ =	sdelay $0x1  }
0x201: {  	s18 =	simm.s32 $0x4880;
	v60 =	vperm.xlane v37, v4;
	v40 =	vadd.s32 v7, v59  }
0x202: {  	[tilespmem:s18], [sflag:$0x1] =	stream.indirect_vreg.gather [hbm4b:s0+s13], $0x80, v38, vm0, $0xb8;
	[tilespmem:$0x12200] =	vst v63  }
0x203: {  	s19 =	simm.s32 $0x4900;
	v62 =	vperm.xlane v37, v10;
	v61 =	vadd.s32 v7, v60  }
0x204: {  	[tilespmem:s19], [sflag:$0x1] =	stream.indirect_vreg.gather [hbm4b:s0+s13], $0x80, v39, vm0, $0xb8;
	[tilespmem:$0x12200] =	vst v63  }
0x205: {  	s20 =	simm.s32 $0x4980;
	v44 =	vperm.xlane v37, v22;
	v63 =	vadd.s32 v7, v62  }
0x206: {  	[tilespmem:s20], [sflag:$0x1] =	stream.indirect_vreg.gather [hbm4b:s0+s13], $0x80, v40, vm0, $0xb8;
	[tilespmem:$0x12200] =	vst v63  }
0x207: {  	s21 =	simm.s32 $0x4A00;
	v46 =	vperm.xlane v37, v24;
	v45 =	vadd.s32 v7, v44  }
0x208: {  	[tilespmem:s21], [sflag:$0x1] =	stream.indirect_vreg.gather [hbm4b:s0+s13], $0x80, v61, vm0, $0xb8;
	[tilespmem:$0x12200] =	vst v63  }
0x209: {  	s31 =	simm.s32 $0x4A80;
	v48 =	vperm.xlane v37, v5;
	v47 =	vadd.s32 v7, v46  }
0x20a: {  	[tilespmem:s31], [sflag:$0x1] =	stream.indirect_vreg.gather [hbm4b:s0+s13], $0x80, v63, vm0, $0xb8;
	[tilespmem:$0x12200] =	vst v63  }
0x20b: {  	s3 =	simm.s32 $0x4B00;
	v50 =	vperm.xlane v37, v26;
	v49 =	vadd.s32 v7, v48  }
0x20c: {  	[tilespmem:s3], [sflag:$0x1] =	stream.indirect_vreg.gather [hbm4b:s0+s13], $0x80, v45, vm0, $0xb8;
	[tilespmem:$0x12200] =	vst v63  }
0x20d: {  	s14 =	simm.s32 $0x4B80;
	v52 =	vperm.xlane v37, v11;
	v51 =	vadd.s32 v7, v50  }
0x20e: {  	[tilespmem:s14], [sflag:$0x1] =	stream.indirect_vreg.gather [hbm4b:s0+s13], $0x80, v47, vm0, $0xb8;
	[tilespmem:$0x12200] =	vst v63  }
0x20f: {  	s15 =	simm.s32 $0x4C00;
	v54 =	vperm.xlane v37, v12;
	v53 =	vadd.s32 v7, v52  }
0x210: {  	[tilespmem:s15], [sflag:$0x1] =	stream.indirect_vreg.gather [hbm4b:s0+s13], $0x80, v49, vm0, $0xb8;
	[tilespmem:$0x12200] =	vst v63  }
0x211: {  	s16 =	simm.s32 $0x4C80;
	v56 =	vperm.xlane v37, v13;
	v55 =	vadd.s32 v7, v54  }
0x212: {  	[tilespmem:s16], [sflag:$0x1] =	stream.indirect_vreg.gather [hbm4b:s0+s13], $0x80, v51, vm0, $0xb8;
	[tilespmem:$0x12200] =	vst v63  }
0x213: {  	s17 =	simm.s32 $0x4D00;
	v57 =	vadd.s32 v7, v56;
	v58 =	vperm.xlane v37, v14  }
0x214: {  	[tilespmem:s17], [sflag:$0x1] =	stream.indirect_vreg.gather [hbm4b:s0+s13], $0x80, v53, vm0, $0xb8;
	[tilespmem:$0x12200] =	vst v63  }
0x215: {  	v60 =	vperm.xlane v37, v16;
	v59 =	vadd.s32 v7, v58;
	s18 =	simm.s32 $0x4D80  }
0x216: {  	[tilespmem:s18], [sflag:$0x1] =	stream.indirect_vreg.gather [hbm4b:s0+s13], $0x80, v55, vm0, $0xb8;
	[tilespmem:$0x12200] =	vst v63  }
0x217: {  	v62 =	vperm.xlane v37, v17;
	s19 =	simm.s32 $0x4E00;
	v61 =	vadd.s32 v7, v60  }
0x218: {  	[tilespmem:s19], [sflag:$0x1] =	stream.indirect_vreg.gather [hbm4b:s0+s13], $0x80, v57, vm0, $0xb8;
	[tilespmem:$0x12200] =	vst v63  }
0x219: {  	v37 =	vperm.xlane v37, v18;
	s20 =	simm.s32 $0x4E80;
	v63 =	vadd.s32 v7, v62  }
0x21a: {  	[tilespmem:s20], [sflag:$0x1] =	stream.indirect_vreg.gather [hbm4b:s0+s13], $0x80, v59, vm0, $0xb8;
	[tilespmem:$0x12200] =	vst v63  }
0x21b: {  	v37 =	vadd.s32 v7, v37;
	s21 =	simm.s32 $0x4F00  }
0x21c: {  	[tilespmem:s21], [sflag:$0x1] =	stream.indirect_vreg.gather [hbm4b:s0+s13], $0x80, v61, vm0, $0xb8;
	[tilespmem:$0x12200] =	vst v63  }
0x21d: {  	s31 =	simm.s32 $0x4F80  }
0x21e: {  	[tilespmem:s31], [sflag:$0x1] =	stream.indirect_vreg.gather [hbm4b:s0+s13], $0x80, v63, vm0, $0xb8;
	[tilespmem:$0x12200] =	vst v63  }
0x21f: {  	(v2sf) =	vpush v36, $0x5;
	s3 =	simm.s32 $0x5000  }
0x220: {  	[tilespmem:s3], [sflag:$0x1] =	stream.indirect_vreg.gather [hbm4b:s0+s13], $0x80, v37, vm0, $0xb8;
	[tilespmem:$0x12200] =	vst v63  }
0x221: {  	v37 =	vld [tilespmem:$0x10380];
	_ =	sdelay $0x4  }
0x222: {  	v43 =	vshrl.u32 v37, $0x3  }
0x223: {  	v38 =	vmul.u32 $0x7D0, v43  }
0x224: {  	v37 =	vand.u32 $0x7, v37  }
0x225: {  	v37 =	vor.u32 v37, v38  }
0x226: {  	v38 =	vperm.xlane v37, v6;
	_ =	sdelay $0x1  }
0x227: {  	v44 =	vperm.xlane v37, v8;
	v38 =	vadd.s32 v7, v38;
	_ =	sdelay $0x1  }
0x228: {  	s14 =	spop (v2sf);
	v45 =	vperm.xlane v37, v9;
	v39 =	vadd.s32 v7, v44  }
0x229: {  	s0 =	sand.u32 $0xFFFFF80, s14  }
0x22a: {  	s15 =	simm.s32 $0x5080;
	s0 =	sadd.s32 s1, s0;
	v46 =	vperm.xlane v37, v4;
	v40 =	vadd.s32 v7, v45  }
0x22b: {  	[tilespmem:s15], [sflag:$0x1] =	stream.indirect_vreg.gather [hbm4b:s0+s13], $0x80, v38, vm0, $0xb8;
	[tilespmem:$0x12200] =	vst v63  }
0x22c: {  	s16 =	simm.s32 $0x5100;
	v48 =	vperm.xlane v37, v10;
	v47 =	vadd.s32 v7, v46  }
0x22d: {  	[tilespmem:s16], [sflag:$0x1] =	stream.indirect_vreg.gather [hbm4b:s0+s13], $0x80, v39, vm0, $0xb8;
	[tilespmem:$0x12200] =	vst v63  }
0x22e: {  	s17 =	simm.s32 $0x5180;
	v50 =	vperm.xlane v37, v22;
	v49 =	vadd.s32 v7, v48  }
0x22f: {  	[tilespmem:s17], [sflag:$0x1] =	stream.indirect_vreg.gather [hbm4b:s0+s13], $0x80, v40, vm0, $0xb8;
	[tilespmem:$0x12200] =	vst v63  }
0x230: {  	s18 =	simm.s32 $0x5200;
	v52 =	vperm.xlane v37, v24;
	v51 =	vadd.s32 v7, v50  }
0x231: {  	[tilespmem:s18], [sflag:$0x1] =	stream.indirect_vreg.gather [hbm4b:s0+s13], $0x80, v47, vm0, $0xb8;
	[tilespmem:$0x12200] =	vst v63  }
0x232: {  	s19 =	simm.s32 $0x5280;
	v54 =	vperm.xlane v37, v5;
	v53 =	vadd.s32 v7, v52  }
0x233: {  	[tilespmem:s19], [sflag:$0x1] =	stream.indirect_vreg.gather [hbm4b:s0+s13], $0x80, v49, vm0, $0xb8;
	[tilespmem:$0x12200] =	vst v63  }
0x234: {  	s20 =	simm.s32 $0x5300;
	v56 =	vperm.xlane v37, v26;
	v55 =	vadd.s32 v7, v54  }
0x235: {  	[tilespmem:s20], [sflag:$0x1] =	stream.indirect_vreg.gather [hbm4b:s0+s13], $0x80, v51, vm0, $0xb8;
	[tilespmem:$0x12200] =	vst v63  }
0x236: {  	s21 =	simm.s32 $0x5380;
	v58 =	vperm.xlane v37, v11;
	v57 =	vadd.s32 v7, v56  }
0x237: {  	[tilespmem:s21], [sflag:$0x1] =	stream.indirect_vreg.gather [hbm4b:s0+s13], $0x80, v53, vm0, $0xb8;
	[tilespmem:$0x12200] =	vst v63  }
0x238: {  	s31 =	simm.s32 $0x5400;
	v60 =	vperm.xlane v37, v12;
	v59 =	vadd.s32 v7, v58  }
0x239: {  	[tilespmem:s31], [sflag:$0x1] =	stream.indirect_vreg.gather [hbm4b:s0+s13], $0x80, v55, vm0, $0xb8;
	[tilespmem:$0x12200] =	vst v63  }
0x23a: {  	s3 =	simm.s32 $0x5480;
	v62 =	vperm.xlane v37, v13;
	v61 =	vadd.s32 v7, v60  }
0x23b: {  	[tilespmem:s3], [sflag:$0x1] =	stream.indirect_vreg.gather [hbm4b:s0+s13], $0x80, v57, vm0, $0xb8;
	[tilespmem:$0x12200] =	vst v63  }
0x23c: {  	s14 =	simm.s32 $0x5500;
	v63 =	vadd.s32 v7, v62;
	v44 =	vperm.xlane v37, v14  }
0x23d: {  	[tilespmem:s14], [sflag:$0x1] =	stream.indirect_vreg.gather [hbm4b:s0+s13], $0x80, v59, vm0, $0xb8;
	[tilespmem:$0x12200] =	vst v63  }
0x23e: {  	v46 =	vperm.xlane v37, v16;
	v45 =	vadd.s32 v7, v44;
	s15 =	simm.s32 $0x5580  }
0x23f: {  	[tilespmem:s15], [sflag:$0x1] =	stream.indirect_vreg.gather [hbm4b:s0+s13], $0x80, v61, vm0, $0xb8;
	[tilespmem:$0x12200] =	vst v63  }
0x240: {  	v48 =	vperm.xlane v37, v17;
	s16 =	simm.s32 $0x5600;
	v47 =	vadd.s32 v7, v46  }
0x241: {  	[tilespmem:s16], [sflag:$0x1] =	stream.indirect_vreg.gather [hbm4b:s0+s13], $0x80, v63, vm0, $0xb8;
	[tilespmem:$0x12200] =	vst v63  }
0x242: {  	v37 =	vperm.xlane v37, v18;
	s17 =	simm.s32 $0x5680;
	v49 =	vadd.s32 v7, v48  }
0x243: {  	[tilespmem:s17], [sflag:$0x1] =	stream.indirect_vreg.gather [hbm4b:s0+s13], $0x80, v45, vm0, $0xb8;
	[tilespmem:$0x12200] =	vst v63  }
0x244: {  	v37 =	vadd.s32 v7, v37;
	s18 =	simm.s32 $0x5700  }
0x245: {  	[tilespmem:s18], [sflag:$0x1] =	stream.indirect_vreg.gather [hbm4b:s0+s13], $0x80, v47, vm0, $0xb8;
	[tilespmem:$0x12200] =	vst v63  }
0x246: {  	s19 =	simm.s32 $0x5780  }
0x247: {  	[tilespmem:s19], [sflag:$0x1] =	stream.indirect_vreg.gather [hbm4b:s0+s13], $0x80, v49, vm0, $0xb8;
	[tilespmem:$0x12200] =	vst v63  }
0x248: {  	s20 =	simm.s32 $0x5800  }
0x249: {  	[tilespmem:s20], [sflag:$0x1] =	stream.indirect_vreg.gather [hbm4b:s0+s13], $0x80, v37, vm0, $0xb8;
	[tilespmem:$0x12200] =	vst v63  }
0x24a: {  	v37 =	vld [tilespmem:$0x10390];
	_ =	sdelay $0x4  }
0x24b: {  	v50 =	vshrl.u32 v37, $0x3  }
0x24c: {  	v38 =	vmul.u32 $0x7D0, v50  }
0x24d: {  	v37 =	vand.u32 $0x7, v37  }
0x24e: {  	v37 =	vor.u32 v37, v38  }
0x24f: {  	v38 =	vperm.xlane v37, v6;
	_ =	sdelay $0x1  }
0x250: {  	v51 =	vperm.xlane v37, v8;
	v38 =	vadd.s32 v7, v38;
	_ =	sdelay $0x1  }
0x251: {  	v52 =	vperm.xlane v37, v9;
	v39 =	vadd.s32 v7, v51;
	_ =	sdelay $0x1  }
0x252: {  	s21 =	simm.s32 $0x5880;
	v53 =	vperm.xlane v37, v4;
	v40 =	vadd.s32 v7, v52  }
0x253: {  	[tilespmem:s21], [sflag:$0x1] =	stream.indirect_vreg.gather [hbm4b:s0+s13], $0x80, v38, vm0, $0xb8;
	[tilespmem:$0x12200] =	vst v63  }
0x254: {  	s31 =	simm.s32 $0x5900;
	v55 =	vperm.xlane v37, v10;
	v54 =	vadd.s32 v7, v53  }
0x255: {  	[tilespmem:s31], [sflag:$0x1] =	stream.indirect_vreg.gather [hbm4b:s0+s13], $0x80, v39, vm0, $0xb8;
	[tilespmem:$0x12200] =	vst v63  }
0x256: {  	s3 =	simm.s32 $0x5980;
	v57 =	vperm.xlane v37, v22;
	v56 =	vadd.s32 v7, v55  }
0x257: {  	[tilespmem:s3], [sflag:$0x1] =	stream.indirect_vreg.gather [hbm4b:s0+s13], $0x80, v40, vm0, $0xb8;
	[tilespmem:$0x12200] =	vst v63  }
0x258: {  	s14 =	simm.s32 $0x5A00;
	v59 =	vperm.xlane v37, v24;
	v58 =	vadd.s32 v7, v57  }
0x259: {  	[tilespmem:s14], [sflag:$0x1] =	stream.indirect_vreg.gather [hbm4b:s0+s13], $0x80, v54, vm0, $0xb8;
	[tilespmem:$0x12200] =	vst v63  }
0x25a: {  	s15 =	simm.s32 $0x5A80;
	v61 =	vperm.xlane v37, v5;
	v60 =	vadd.s32 v7, v59  }
0x25b: {  	[tilespmem:s15], [sflag:$0x1] =	stream.indirect_vreg.gather [hbm4b:s0+s13], $0x80, v56, vm0, $0xb8;
	[tilespmem:$0x12200] =	vst v63  }
0x25c: {  	s16 =	simm.s32 $0x5B00;
	v63 =	vperm.xlane v37, v26;
	v62 =	vadd.s32 v7, v61  }
0x25d: {  	[tilespmem:s16], [sflag:$0x1] =	stream.indirect_vreg.gather [hbm4b:s0+s13], $0x80, v58, vm0, $0xb8;
	[tilespmem:$0x12200] =	vst v63  }
0x25e: {  	s17 =	simm.s32 $0x5B80;
	v45 =	vperm.xlane v37, v11;
	v44 =	vadd.s32 v7, v63  }
0x25f: {  	[tilespmem:s17], [sflag:$0x1] =	stream.indirect_vreg.gather [hbm4b:s0+s13], $0x80, v60, vm0, $0xb8;
	[tilespmem:$0x12200] =	vst v63  }
0x260: {  	s18 =	simm.s32 $0x5C00;
	v47 =	vperm.xlane v37, v12;
	v46 =	vadd.s32 v7, v45  }
0x261: {  	[tilespmem:s18], [sflag:$0x1] =	stream.indirect_vreg.gather [hbm4b:s0+s13], $0x80, v62, vm0, $0xb8;
	[tilespmem:$0x12200] =	vst v63  }
0x262: {  	s19 =	simm.s32 $0x5C80;
	v49 =	vperm.xlane v37, v13;
	v48 =	vadd.s32 v7, v47  }
0x263: {  	[tilespmem:s19], [sflag:$0x1] =	stream.indirect_vreg.gather [hbm4b:s0+s13], $0x80, v44, vm0, $0xb8;
	[tilespmem:$0x12200] =	vst v63  }
0x264: {  	s20 =	simm.s32 $0x5D00;
	v50 =	vadd.s32 v7, v49;
	v51 =	vperm.xlane v37, v14  }
0x265: {  	[tilespmem:s20], [sflag:$0x1] =	stream.indirect_vreg.gather [hbm4b:s0+s13], $0x80, v46, vm0, $0xb8;
	[tilespmem:$0x12200] =	vst v63  }
0x266: {  	v53 =	vperm.xlane v37, v16;
	v52 =	vadd.s32 v7, v51;
	s21 =	simm.s32 $0x5D80  }
0x267: {  	[tilespmem:s21], [sflag:$0x1] =	stream.indirect_vreg.gather [hbm4b:s0+s13], $0x80, v48, vm0, $0xb8;
	[tilespmem:$0x12200] =	vst v63  }
0x268: {  	v55 =	vperm.xlane v37, v17;
	s31 =	simm.s32 $0x5E00;
	v54 =	vadd.s32 v7, v53  }
0x269: {  	[tilespmem:s31], [sflag:$0x1] =	stream.indirect_vreg.gather [hbm4b:s0+s13], $0x80, v50, vm0, $0xb8;
	[tilespmem:$0x12200] =	vst v63  }
0x26a: {  	v37 =	vperm.xlane v37, v18;
	s3 =	simm.s32 $0x5E80;
	v56 =	vadd.s32 v7, v55  }
0x26b: {  	[tilespmem:s3], [sflag:$0x1] =	stream.indirect_vreg.gather [hbm4b:s0+s13], $0x80, v52, vm0, $0xb8;
	[tilespmem:$0x12200] =	vst v63  }
0x26c: {  	v37 =	vadd.s32 v7, v37;
	s14 =	simm.s32 $0x5F00  }
0x26d: {  	[tilespmem:s14], [sflag:$0x1] =	stream.indirect_vreg.gather [hbm4b:s0+s13], $0x80, v54, vm0, $0xb8;
	[tilespmem:$0x12200] =	vst v63  }
0x26e: {  	s15 =	simm.s32 $0x5F80  }
0x26f: {  	[tilespmem:s15], [sflag:$0x1] =	stream.indirect_vreg.gather [hbm4b:s0+s13], $0x80, v56, vm0, $0xb8;
	[tilespmem:$0x12200] =	vst v63  }
0x270: {  	(v2sf) =	vpush v36, $0x6;
	s16 =	simm.s32 $0x6000  }
0x271: {  	[tilespmem:s16], [sflag:$0x1] =	stream.indirect_vreg.gather [hbm4b:s0+s13], $0x80, v37, vm0, $0xb8;
	[tilespmem:$0x12200] =	vst v63  }
0x272: {  	v37 =	vld [tilespmem:$0x10400];
	_ =	sdelay $0x4  }
0x273: {  	v57 =	vshrl.u32 v37, $0x3  }
0x274: {  	v38 =	vmul.u32 $0x7D0, v57  }
0x275: {  	v37 =	vand.u32 $0x7, v37  }
0x276: {  	v37 =	vor.u32 v37, v38  }
0x277: {  	v38 =	vperm.xlane v37, v6;
	_ =	sdelay $0x1  }
0x278: {  	v58 =	vperm.xlane v37, v8;
	v38 =	vadd.s32 v7, v38;
	_ =	sdelay $0x1  }
0x279: {  	s17 =	spop (v2sf);
	v59 =	vperm.xlane v37, v9;
	v39 =	vadd.s32 v7, v58  }
0x27a: {  	s0 =	sand.u32 $0xFFFFF80, s17  }
0x27b: {  	s18 =	simm.s32 $0x6080;
	s0 =	sadd.s32 s1, s0;
	v60 =	vperm.xlane v37, v4;
	v40 =	vadd.s32 v7, v59  }
0x27c: {  	[tilespmem:s18], [sflag:$0x1] =	stream.indirect_vreg.gather [hbm4b:s0+s13], $0x80, v38, vm0, $0xb8;
	[tilespmem:$0x12200] =	vst v63  }
0x27d: {  	s19 =	simm.s32 $0x6100;
	v62 =	vperm.xlane v37, v10;
	v61 =	vadd.s32 v7, v60  }
0x27e: {  	[tilespmem:s19], [sflag:$0x1] =	stream.indirect_vreg.gather [hbm4b:s0+s13], $0x80, v39, vm0, $0xb8;
	[tilespmem:$0x12200] =	vst v63  }
0x27f: {  	s20 =	simm.s32 $0x6180;
	v44 =	vperm.xlane v37, v22;
	v63 =	vadd.s32 v7, v62  }
0x280: {  	[tilespmem:s20], [sflag:$0x1] =	stream.indirect_vreg.gather [hbm4b:s0+s13], $0x80, v40, vm0, $0xb8;
	[tilespmem:$0x12200] =	vst v63  }
0x281: {  	s21 =	simm.s32 $0x6200;
	v46 =	vperm.xlane v37, v24;
	v45 =	vadd.s32 v7, v44  }
0x282: {  	[tilespmem:s21], [sflag:$0x1] =	stream.indirect_vreg.gather [hbm4b:s0+s13], $0x80, v61, vm0, $0xb8;
	[tilespmem:$0x12200] =	vst v63  }
0x283: {  	s31 =	simm.s32 $0x6280;
	v48 =	vperm.xlane v37, v5;
	v47 =	vadd.s32 v7, v46  }
0x284: {  	[tilespmem:s31], [sflag:$0x1] =	stream.indirect_vreg.gather [hbm4b:s0+s13], $0x80, v63, vm0, $0xb8;
	[tilespmem:$0x12200] =	vst v63  }
0x285: {  	s3 =	simm.s32 $0x6300;
	v50 =	vperm.xlane v37, v26;
	v49 =	vadd.s32 v7, v48  }
0x286: {  	[tilespmem:s3], [sflag:$0x1] =	stream.indirect_vreg.gather [hbm4b:s0+s13], $0x80, v45, vm0, $0xb8;
	[tilespmem:$0x12200] =	vst v63  }
0x287: {  	s14 =	simm.s32 $0x6380;
	v52 =	vperm.xlane v37, v11;
	v51 =	vadd.s32 v7, v50  }
0x288: {  	[tilespmem:s14], [sflag:$0x1] =	stream.indirect_vreg.gather [hbm4b:s0+s13], $0x80, v47, vm0, $0xb8;
	[tilespmem:$0x12200] =	vst v63  }
0x289: {  	s15 =	simm.s32 $0x6400;
	v54 =	vperm.xlane v37, v12;
	v53 =	vadd.s32 v7, v52  }
0x28a: {  	[tilespmem:s15], [sflag:$0x1] =	stream.indirect_vreg.gather [hbm4b:s0+s13], $0x80, v49, vm0, $0xb8;
	[tilespmem:$0x12200] =	vst v63  }
0x28b: {  	s16 =	simm.s32 $0x6480;
	v56 =	vperm.xlane v37, v13;
	v55 =	vadd.s32 v7, v54  }
0x28c: {  	[tilespmem:s16], [sflag:$0x1] =	stream.indirect_vreg.gather [hbm4b:s0+s13], $0x80, v51, vm0, $0xb8;
	[tilespmem:$0x12200] =	vst v63  }
0x28d: {  	s17 =	simm.s32 $0x6500;
	v57 =	vadd.s32 v7, v56;
	v58 =	vperm.xlane v37, v14  }
0x28e: {  	[tilespmem:s17], [sflag:$0x1] =	stream.indirect_vreg.gather [hbm4b:s0+s13], $0x80, v53, vm0, $0xb8;
	[tilespmem:$0x12200] =	vst v63  }
0x28f: {  	v60 =	vperm.xlane v37, v16;
	v59 =	vadd.s32 v7, v58;
	s18 =	simm.s32 $0x6580  }
0x290: {  	[tilespmem:s18], [sflag:$0x1] =	stream.indirect_vreg.gather [hbm4b:s0+s13], $0x80, v55, vm0, $0xb8;
	[tilespmem:$0x12200] =	vst v63  }
0x291: {  	v62 =	vperm.xlane v37, v17;
	s19 =	simm.s32 $0x6600;
	v61 =	vadd.s32 v7, v60  }
0x292: {  	[tilespmem:s19], [sflag:$0x1] =	stream.indirect_vreg.gather [hbm4b:s0+s13], $0x80, v57, vm0, $0xb8;
	[tilespmem:$0x12200] =	vst v63  }
0x293: {  	v37 =	vperm.xlane v37, v18;
	s20 =	simm.s32 $0x6680;
	v63 =	vadd.s32 v7, v62  }
0x294: {  	[tilespmem:s20], [sflag:$0x1] =	stream.indirect_vreg.gather [hbm4b:s0+s13], $0x80, v59, vm0, $0xb8;
	[tilespmem:$0x12200] =	vst v63  }
0x295: {  	v37 =	vadd.s32 v7, v37;
	s21 =	simm.s32 $0x6700  }
0x296: {  	[tilespmem:s21], [sflag:$0x1] =	stream.indirect_vreg.gather [hbm4b:s0+s13], $0x80, v61, vm0, $0xb8;
	[tilespmem:$0x12200] =	vst v63  }
0x297: {  	s31 =	simm.s32 $0x6780  }
0x298: {  	[tilespmem:s31], [sflag:$0x1] =	stream.indirect_vreg.gather [hbm4b:s0+s13], $0x80, v63, vm0, $0xb8;
	[tilespmem:$0x12200] =	vst v63  }
0x299: {  	s3 =	simm.s32 $0x6800  }
0x29a: {  	[tilespmem:s3], [sflag:$0x1] =	stream.indirect_vreg.gather [hbm4b:s0+s13], $0x80, v37, vm0, $0xb8;
	[tilespmem:$0x12200] =	vst v63  }
0x29b: {  	v37 =	vld [tilespmem:$0x10410];
	_ =	sdelay $0x4  }
0x29c: {  	v42 =	vshrl.u32 v37, $0x3  }
0x29d: {  	v38 =	vmul.u32 $0x7D0, v42  }
0x29e: {  	v37 =	vand.u32 $0x7, v37  }
0x29f: {  	v37 =	vor.u32 v37, v38  }
0x2a0: {  	v38 =	vperm.xlane v37, v6;
	_ =	sdelay $0x1  }
0x2a1: {  	v43 =	vperm.xlane v37, v8;
	v38 =	vadd.s32 v7, v38;
	_ =	sdelay $0x1  }
0x2a2: {  	v44 =	vperm.xlane v37, v9;
	v39 =	vadd.s32 v7, v43;
	_ =	sdelay $0x1  }
0x2a3: {  	s14 =	simm.s32 $0x6880;
	v45 =	vperm.xlane v37, v4;
	v40 =	vadd.s32 v7, v44  }
0x2a4: {  	[tilespmem:s14], [sflag:$0x1] =	stream.indirect_vreg.gather [hbm4b:s0+s13], $0x80, v38, vm0, $0xb8;
	[tilespmem:$0x12200] =	vst v63  }
0x2a5: {  	s15 =	simm.s32 $0x6900;
	v47 =	vperm.xlane v37, v10;
	v46 =	vadd.s32 v7, v45  }
0x2a6: {  	[tilespmem:s15], [sflag:$0x1] =	stream.indirect_vreg.gather [hbm4b:s0+s13], $0x80, v39, vm0, $0xb8;
	[tilespmem:$0x12200] =	vst v63  }
0x2a7: {  	s16 =	simm.s32 $0x6980;
	v49 =	vperm.xlane v37, v22;
	v48 =	vadd.s32 v7, v47  }
0x2a8: {  	[tilespmem:s16], [sflag:$0x1] =	stream.indirect_vreg.gather [hbm4b:s0+s13], $0x80, v40, vm0, $0xb8;
	[tilespmem:$0x12200] =	vst v63  }
0x2a9: {  	s17 =	simm.s32 $0x6A00;
	v51 =	vperm.xlane v37, v24;
	v50 =	vadd.s32 v7, v49  }
0x2aa: {  	[tilespmem:s17], [sflag:$0x1] =	stream.indirect_vreg.gather [hbm4b:s0+s13], $0x80, v46, vm0, $0xb8;
	[tilespmem:$0x12200] =	vst v63  }
0x2ab: {  	s18 =	simm.s32 $0x6A80;
	v53 =	vperm.xlane v37, v5;
	v52 =	vadd.s32 v7, v51  }
0x2ac: {  	[tilespmem:s18], [sflag:$0x1] =	stream.indirect_vreg.gather [hbm4b:s0+s13], $0x80, v48, vm0, $0xb8;
	[tilespmem:$0x12200] =	vst v63  }
0x2ad: {  	s19 =	simm.s32 $0x6B00;
	v55 =	vperm.xlane v37, v26;
	v54 =	vadd.s32 v7, v53  }
0x2ae: {  	[tilespmem:s19], [sflag:$0x1] =	stream.indirect_vreg.gather [hbm4b:s0+s13], $0x80, v50, vm0, $0xb8;
	[tilespmem:$0x12200] =	vst v63  }
0x2af: {  	s20 =	simm.s32 $0x6B80;
	v57 =	vperm.xlane v37, v11;
	v56 =	vadd.s32 v7, v55  }
0x2b0: {  	[tilespmem:s20], [sflag:$0x1] =	stream.indirect_vreg.gather [hbm4b:s0+s13], $0x80, v52, vm0, $0xb8;
	[tilespmem:$0x12200] =	vst v63  }
0x2b1: {  	s21 =	simm.s32 $0x6C00;
	v59 =	vperm.xlane v37, v12;
	v58 =	vadd.s32 v7, v57  }
0x2b2: {  	[tilespmem:s21], [sflag:$0x1] =	stream.indirect_vreg.gather [hbm4b:s0+s13], $0x80, v54, vm0, $0xb8;
	[tilespmem:$0x12200] =	vst v63  }
0x2b3: {  	s31 =	simm.s32 $0x6C80;
	v61 =	vperm.xlane v37, v13;
	v60 =	vadd.s32 v7, v59  }
0x2b4: {  	[tilespmem:s31], [sflag:$0x1] =	stream.indirect_vreg.gather [hbm4b:s0+s13], $0x80, v56, vm0, $0xb8;
	[tilespmem:$0x12200] =	vst v63  }
0x2b5: {  	s3 =	simm.s32 $0x6D00;
	v63 =	vperm.xlane v37, v14;
	v62 =	vadd.s32 v7, v61  }
0x2b6: {  	[tilespmem:s3], [sflag:$0x1] =	stream.indirect_vreg.gather [hbm4b:s0+s13], $0x80, v58, vm0, $0xb8;
	[tilespmem:$0x12200] =	vst v63  }
0x2b7: {  	v44 =	vadd.s32 v7, v63;
	v45 =	vperm.xlane v37, v16;
	s14 =	simm.s32 $0x6D80  }
0x2b8: {  	[tilespmem:s14], [sflag:$0x1] =	stream.indirect_vreg.gather [hbm4b:s0+s13], $0x80, v60, vm0, $0xb8;
	[tilespmem:$0x12200] =	vst v63  }
0x2b9: {  	v47 =	vperm.xlane v37, v17;
	s15 =	simm.s32 $0x6E00;
	v46 =	vadd.s32 v7, v45  }
0x2ba: {  	[tilespmem:s15], [sflag:$0x1] =	stream.indirect_vreg.gather [hbm4b:s0+s13], $0x80, v62, vm0, $0xb8;
	[tilespmem:$0x12200] =	vst v63  }
0x2bb: {  	v37 =	vperm.xlane v37, v18;
	s16 =	simm.s32 $0x6E80;
	v48 =	vadd.s32 v7, v47  }
0x2bc: {  	[tilespmem:s16], [sflag:$0x1] =	stream.indirect_vreg.gather [hbm4b:s0+s13], $0x80, v44, vm0, $0xb8;
	[tilespmem:$0x12200] =	vst v63  }
0x2bd: {  	v37 =	vadd.s32 v7, v37;
	s17 =	simm.s32 $0x6F00  }
0x2be: {  	[tilespmem:s17], [sflag:$0x1] =	stream.indirect_vreg.gather [hbm4b:s0+s13], $0x80, v46, vm0, $0xb8;
	[tilespmem:$0x12200] =	vst v63  }
0x2bf: {  	s18 =	simm.s32 $0x6F80  }
0x2c0: {  	[tilespmem:s18], [sflag:$0x1] =	stream.indirect_vreg.gather [hbm4b:s0+s13], $0x80, v48, vm0, $0xb8;
	[tilespmem:$0x12200] =	vst v63  }
0x2c1: {  	(v2sf) =	vpush v36, $0x7;
	s19 =	simm.s32 $0x7000  }
0x2c2: {  	[tilespmem:s19], [sflag:$0x1] =	stream.indirect_vreg.gather [hbm4b:s0+s13], $0x80, v37, vm0, $0xb8;
	[tilespmem:$0x12200] =	vst v63  }
0x2c3: {  	v49 =	vld [tilespmem:$0x10480];
	_ =	sdelay $0x4  }
0x2c4: {  	v50 =	vshrl.u32 v49, $0x3  }
0x2c5: {  	v37 =	vmul.u32 $0x7D0, v50  }
0x2c6: {  	v36 =	vand.u32 $0x7, v49  }
0x2c7: {  	v36 =	vor.u32 v36, v37  }
0x2c8: {  	v37 =	vperm.xlane v36, v6;
	_ =	sdelay $0x1  }
0x2c9: {  	v51 =	vperm.xlane v36, v8;
	v37 =	vadd.s32 v7, v37;
	_ =	sdelay $0x1  }
0x2ca: {  	s20 =	spop (v2sf);
	v52 =	vperm.xlane v36, v9;
	v38 =	vadd.s32 v7, v51  }
0x2cb: {  	s0 =	sand.u32 $0xFFFFF80, s20  }
0x2cc: {  	s21 =	simm.s32 $0x7080;
	s0 =	sadd.s32 s1, s0;
	v53 =	vperm.xlane v36, v4;
	v39 =	vadd.s32 v7, v52  }
0x2cd: {  	[tilespmem:s21], [sflag:$0x1] =	stream.indirect_vreg.gather [hbm4b:s0+s13], $0x80, v37, vm0, $0xb8;
	[tilespmem:$0x12200] =	vst v63  }
0x2ce: {  	s31 =	simm.s32 $0x7100;
	v55 =	vperm.xlane v36, v10;
	v54 =	vadd.s32 v7, v53  }
0x2cf: {  	[tilespmem:s31], [sflag:$0x1] =	stream.indirect_vreg.gather [hbm4b:s0+s13], $0x80, v38, vm0, $0xb8;
	[tilespmem:$0x12200] =	vst v63  }
0x2d0: {  	s3 =	simm.s32 $0x7180;
	v57 =	vperm.xlane v36, v22;
	v56 =	vadd.s32 v7, v55  }
0x2d1: {  	[tilespmem:s3], [sflag:$0x1] =	stream.indirect_vreg.gather [hbm4b:s0+s13], $0x80, v39, vm0, $0xb8;
	[tilespmem:$0x12200] =	vst v63  }
0x2d2: {  	s14 =	simm.s32 $0x7200;
	v59 =	vperm.xlane v36, v24;
	v58 =	vadd.s32 v7, v57  }
0x2d3: {  	[tilespmem:s14], [sflag:$0x1] =	stream.indirect_vreg.gather [hbm4b:s0+s13], $0x80, v54, vm0, $0xb8;
	[tilespmem:$0x12200] =	vst v63  }
0x2d4: {  	s15 =	simm.s32 $0x7280;
	v61 =	vperm.xlane v36, v5;
	v60 =	vadd.s32 v7, v59  }
0x2d5: {  	[tilespmem:s15], [sflag:$0x1] =	stream.indirect_vreg.gather [hbm4b:s0+s13], $0x80, v56, vm0, $0xb8;
	[tilespmem:$0x12200] =	vst v63  }
0x2d6: {  	s16 =	simm.s32 $0x7300;
	v63 =	vperm.xlane v36, v26;
	v62 =	vadd.s32 v7, v61  }
0x2d7: {  	[tilespmem:s16], [sflag:$0x1] =	stream.indirect_vreg.gather [hbm4b:s0+s13], $0x80, v58, vm0, $0xb8;
	[tilespmem:$0x12200] =	vst v63  }
0x2d8: {  	s17 =	simm.s32 $0x7380;
	v45 =	vperm.xlane v36, v11;
	v44 =	vadd.s32 v7, v63  }
0x2d9: {  	[tilespmem:s17], [sflag:$0x1] =	stream.indirect_vreg.gather [hbm4b:s0+s13], $0x80, v60, vm0, $0xb8;
	[tilespmem:$0x12200] =	vst v63  }
0x2da: {  	s18 =	simm.s32 $0x7400;
	v47 =	vperm.xlane v36, v12;
	v46 =	vadd.s32 v7, v45  }
0x2db: {  	[tilespmem:s18], [sflag:$0x1] =	stream.indirect_vreg.gather [hbm4b:s0+s13], $0x80, v62, vm0, $0xb8;
	[tilespmem:$0x12200] =	vst v63  }
0x2dc: {  	s19 =	simm.s32 $0x7480;
	v49 =	vperm.xlane v36, v13;
	v48 =	vadd.s32 v7, v47  }
0x2dd: {  	[tilespmem:s19], [sflag:$0x1] =	stream.indirect_vreg.gather [hbm4b:s0+s13], $0x80, v44, vm0, $0xb8;
	[tilespmem:$0x12200] =	vst v63  }
0x2de: {  	s20 =	simm.s32 $0x7500;
	v50 =	vadd.s32 v7, v49;
	v51 =	vperm.xlane v36, v14  }
0x2df: {  	[tilespmem:s20], [sflag:$0x1] =	stream.indirect_vreg.gather [hbm4b:s0+s13], $0x80, v46, vm0, $0xb8;
	[tilespmem:$0x12200] =	vst v63  }
0x2e0: {  	v53 =	vperm.xlane v36, v16;
	v52 =	vadd.s32 v7, v51;
	s21 =	simm.s32 $0x7580  }
0x2e1: {  	[tilespmem:s21], [sflag:$0x1] =	stream.indirect_vreg.gather [hbm4b:s0+s13], $0x80, v48, vm0, $0xb8;
	[tilespmem:$0x12200] =	vst v63  }
0x2e2: {  	v55 =	vperm.xlane v36, v17;
	s31 =	simm.s32 $0x7600;
	v54 =	vadd.s32 v7, v53  }
0x2e3: {  	[tilespmem:s31], [sflag:$0x1] =	stream.indirect_vreg.gather [hbm4b:s0+s13], $0x80, v50, vm0, $0xb8;
	[tilespmem:$0x12200] =	vst v63  }
0x2e4: {  	v36 =	vperm.xlane v36, v18;
	s3 =	simm.s32 $0x7680;
	v56 =	vadd.s32 v7, v55  }
0x2e5: {  	[tilespmem:s3], [sflag:$0x1] =	stream.indirect_vreg.gather [hbm4b:s0+s13], $0x80, v52, vm0, $0xb8;
	[tilespmem:$0x12200] =	vst v63  }
0x2e6: {  	v36 =	vadd.s32 v7, v36;
	s14 =	simm.s32 $0x7700  }
0x2e7: {  	[tilespmem:s14], [sflag:$0x1] =	stream.indirect_vreg.gather [hbm4b:s0+s13], $0x80, v54, vm0, $0xb8;
	[tilespmem:$0x12200] =	vst v63  }
0x2e8: {  	s15 =	simm.s32 $0x7780  }
0x2e9: {  	[tilespmem:s15], [sflag:$0x1] =	stream.indirect_vreg.gather [hbm4b:s0+s13], $0x80, v56, vm0, $0xb8;
	[tilespmem:$0x12200] =	vst v63  }
0x2ea: {  	s16 =	simm.s32 $0x7800  }
0x2eb: {  	[tilespmem:s16], [sflag:$0x1] =	stream.indirect_vreg.gather [hbm4b:s0+s13], $0x80, v36, vm0, $0xb8;
	[tilespmem:$0x12200] =	vst v63  }
0x2ec: {  	v36 =	vld [tilespmem:$0x10490];
	_ =	sdelay $0x4  }
0x2ed: {  	v57 =	vshrl.u32 v36, $0x3  }
0x2ee: {  	v37 =	vmul.u32 $0x7D0, v57  }
0x2ef: {  	v36 =	vand.u32 $0x7, v36  }
0x2f0: {  	v36 =	vor.u32 v36, v37  }
0x2f1: {  	v37 =	vperm.xlane v36, v6;
	_ =	sdelay $0x1  }
0x2f2: {  	v58 =	vperm.xlane v36, v8;
	v37 =	vadd.s32 v7, v37;
	_ =	sdelay $0x1  }
0x2f3: {  	v59 =	vperm.xlane v36, v9;
	v38 =	vadd.s32 v7, v58;
	_ =	sdelay $0x1  }
0x2f4: {  	s17 =	simm.s32 $0x7880;
	v60 =	vperm.xlane v36, v4;
	v39 =	vadd.s32 v7, v59  }
0x2f5: {  	[tilespmem:s17], [sflag:$0x1] =	stream.indirect_vreg.gather [hbm4b:s0+s13], $0x80, v37, vm0, $0xb8;
	[tilespmem:$0x12200] =	vst v63  }
0x2f6: {  	s18 =	simm.s32 $0x7900;
	v62 =	vperm.xlane v36, v10;
	v61 =	vadd.s32 v7, v60  }
0x2f7: {  	[tilespmem:s18], [sflag:$0x1] =	stream.indirect_vreg.gather [hbm4b:s0+s13], $0x80, v38, vm0, $0xb8;
	[tilespmem:$0x12200] =	vst v63  }
0x2f8: {  	s19 =	simm.s32 $0x7980;
	v44 =	vperm.xlane v36, v22;
	v63 =	vadd.s32 v7, v62  }
0x2f9: {  	[tilespmem:s19], [sflag:$0x1] =	stream.indirect_vreg.gather [hbm4b:s0+s13], $0x80, v39, vm0, $0xb8;
	[tilespmem:$0x12200] =	vst v63  }
0x2fa: {  	s20 =	simm.s32 $0x7A00;
	v46 =	vperm.xlane v36, v24;
	v45 =	vadd.s32 v7, v44  }
0x2fb: {  	[tilespmem:s20], [sflag:$0x1] =	stream.indirect_vreg.gather [hbm4b:s0+s13], $0x80, v61, vm0, $0xb8;
	[tilespmem:$0x12200] =	vst v63  }
0x2fc: {  	s21 =	simm.s32 $0x7A80;
	v48 =	vperm.xlane v36, v5;
	v47 =	vadd.s32 v7, v46  }
0x2fd: {  	[tilespmem:s21], [sflag:$0x1] =	stream.indirect_vreg.gather [hbm4b:s0+s13], $0x80, v63, vm0, $0xb8;
	[tilespmem:$0x12200] =	vst v63  }
0x2fe: {  	s31 =	simm.s32 $0x7B00;
	v50 =	vperm.xlane v36, v26;
	v49 =	vadd.s32 v7, v48  }
0x2ff: {  	[tilespmem:s31], [sflag:$0x1] =	stream.indirect_vreg.gather [hbm4b:s0+s13], $0x80, v45, vm0, $0xb8;
	[tilespmem:$0x12200] =	vst v63  }
0x300: {  	s3 =	simm.s32 $0x7B80;
	v52 =	vperm.xlane v36, v11;
	v51 =	vadd.s32 v7, v50  }
0x301: {  	[tilespmem:s3], [sflag:$0x1] =	stream.indirect_vreg.gather [hbm4b:s0+s13], $0x80, v47, vm0, $0xb8;
	[tilespmem:$0x12200] =	vst v63  }
0x302: {  	s14 =	simm.s32 $0x7C00;
	v54 =	vperm.xlane v36, v12;
	v53 =	vadd.s32 v7, v52  }
0x303: {  	[tilespmem:s14], [sflag:$0x1] =	stream.indirect_vreg.gather [hbm4b:s0+s13], $0x80, v49, vm0, $0xb8;
	[tilespmem:$0x12200] =	vst v63  }
0x304: {  	s15 =	simm.s32 $0x7C80;
	v56 =	vperm.xlane v36, v13;
	v55 =	vadd.s32 v7, v54  }
0x305: {  	[tilespmem:s15], [sflag:$0x1] =	stream.indirect_vreg.gather [hbm4b:s0+s13], $0x80, v51, vm0, $0xb8;
	[tilespmem:$0x12200] =	vst v63  }
0x306: {  	s16 =	simm.s32 $0x7D00;
	v57 =	vadd.s32 v7, v56;
	v58 =	vperm.xlane v36, v14  }
0x307: {  	[tilespmem:s16], [sflag:$0x1] =	stream.indirect_vreg.gather [hbm4b:s0+s13], $0x80, v53, vm0, $0xb8;
	[tilespmem:$0x12200] =	vst v63  }
0x308: {  	v60 =	vperm.xlane v36, v16;
	v59 =	vadd.s32 v7, v58;
	s17 =	simm.s32 $0x7D80  }
0x309: {  	[tilespmem:s17], [sflag:$0x1] =	stream.indirect_vreg.gather [hbm4b:s0+s13], $0x80, v55, vm0, $0xb8;
	[tilespmem:$0x12200] =	vst v63  }
0x30a: {  	s18 =	simm.s32 $0x7E00;
	v61 =	vadd.s32 v7, v60  }
0x30b: {  	v62 =	vperm.xlane v36, v17;
	[tilespmem:s18], [sflag:$0x1] =	stream.indirect_vreg.gather [hbm4b:s0+s13], $0x80, v57, vm0, $0xb8;
	[tilespmem:$0x12200] =	vst v63  }
0x30c: {  	s19 =	simm.s32 $0x7E80  }
0x30d: {  	v36 =	vperm.xlane v36, v18;
	v63 =	vadd.s32 v7, v62;
	[tilespmem:s19], [sflag:$0x1] =	stream.indirect_vreg.gather [hbm4b:s0+s13], $0x80, v59, vm0, $0xb8;
	[tilespmem:$0x12200] =	vst v63  }
0x30e: {  	s20 =	simm.s32 $0x7F00  }
0x30f: {  	v36 =	vadd.s32 v7, v36;
	[tilespmem:s20], [sflag:$0x1] =	stream.indirect_vreg.gather [hbm4b:s0+s13], $0x80, v61, vm0, $0xb8;
	[tilespmem:$0x12200] =	vst v63  }
.Ltmp3:
0x310: {  	_ = 	snop;
	(pc) =	sbr.rel .LBB2_4-.Ltmp3, $4  }
0x311: {  	s21 =	simm.s32 $0x7F80  }
0x312: {  	[tilespmem:s21], [sflag:$0x1] =	stream.indirect_vreg.gather [hbm4b:s0+s13], $0x80, v63, vm0, $0xb8;
	[tilespmem:$0x12200] =	vst v63  }
0x313: {  	s31 =	simm.s32 $0x8000;
	s14 =	simm.s32 $0x10700  }
0x314: {  	[tilespmem:s31], [sflag:$0x1] =	stream.indirect_vreg.gather [hbm4b:s0+s13], $0x80, v36, vm0, $0xb8;
	[tilespmem:$0x12200] =	vst v63  }
.LBB2_6:
0x315: {  	_ =	swait.ge [sflag:s12], $0x1000  }
0x316: {  	[sflag:s12] =	ssyncset.done $0x0  }
0x317: {  	[sflag:s12] =	ssyncadd.s32 $0xFFFFF000  }
0x318: {  	_ =	swait.ge [sflag:s12], $0x1000  }
0x319: {  	[sflag:s12] =	ssyncset.done $0x0  }
0x31a: {  	[sflag:s12] =	ssyncadd.s32 $0xFFFFF000  }
0x31b: {  	_ =	swait.ge [sflag:s12], $0x1000  }
0x31c: {  	[sflag:s12] =	ssyncset.done $0x0  }
0x31d: {  	[sflag:s12] =	ssyncadd.s32 $0xFFFFF000  }
0x31e: {  	_ =	swait.ge [sflag:s12], $0x1000  }
0x31f: {  	[sflag:s12] =	ssyncset.done $0x0  }
0x320: {  	[sflag:s12] =	ssyncadd.s32 $0xFFFFF000  }
0x321: {  	_ =	swait.ge [sflag:s12], $0x1000  }
0x322: {  	[sflag:s12] =	ssyncset.done $0x0  }
0x323: {  	[sflag:s12] =	ssyncadd.s32 $0xFFFFF000  }
0x324: {  	_ =	swait.ge [sflag:s12], $0x1000  }
0x325: {  	[sflag:s12] =	ssyncset.done $0x0  }
0x326: {  	[sflag:s12] =	ssyncadd.s32 $0xFFFFF000  }
0x327: {  	s0 =	sand.u32 $0x7F, s15;
	v36 =	vor.u32 $0x8000, v15;
	_ =	swait.ge [sflag:s12], $0x1000  }
0x328: {  	v36 =	vor.u32 s0, v36;
	[sflag:s12] =	ssyncset.done $0x0  }
0x329: {  	[sflag:s12] =	ssyncadd.s32 $0xFFFFF000  }
0x32a: {  	_ =	swait.ge [sflag:s12], $0x1000  }
0x32b: {  	[sflag:s12] =	ssyncset.done $0x0  }
0x32c: {  	[sflag:s12] =	ssyncadd.s32 $0xFFFFF000  }
0x32d: {  	v36 =	vld.idx.msk [tilespmem:v36+s10+$0x0], $0xffff;
	_ =	sdelay $0x1  }
0x32e: {  	v37 =	vld [tilespmem:$0x10080];
	_ =	sdelay $0x1  }
0x32f: {  	v38 =	vor.u32 $0x8800, v15  }
0x330: {  	v38 =	vor.u32 s0, v38;
	v36 =	vmax.f32 v36, $-3.000000000e+01  }
0x331: {  	v36 =	vmin.f32 v36, $3.000000000e+01  }
0x332: {  	v36 =	vadd.f32 v36, v37;
	_ =	sdelay $0x1  }
0x333: {  	[tilespmem:$0x10080] =	vst v36  }
0x334: {  	v57 =	vld.idx.msk [tilespmem:v38+s10+$0x0], $0xffff;
	_ =	sdelay $0x1  }
0x335: {  	v58 =	vld [tilespmem:$0x10090];
	_ =	sdelay $0x1  }
0x336: {  	s16 =	sand.u32 $0x7F, s16;
	v39 =	vor.u32 $0x9000, v15  }
0x337: {  	v39 =	vor.u32 s16, v39;
	v37 =	vmax.f32 v57, $-3.000000000e+01  }
0x338: {  	v37 =	vmin.f32 v37, $3.000000000e+01  }
0x339: {  	v37 =	vadd.f32 v37, v58;
	_ =	sdelay $0x1  }
0x33a: {  	[tilespmem:$0x10090] =	vst v37  }
0x33b: {  	v59 =	vld.idx.msk [tilespmem:v39+s10+$0x0], $0xffff;
	_ =	sdelay $0x3  }
0x33c: {  	v60 =	vor.u32 $0x9800, v15  }
0x33d: {  	v39 =	vor.u32 s16, v60;
	v38 =	vmax.f32 v59, $-3.000000000e+01  }
0x33e: {  	v38 =	vmin.f32 v38, $3.000000000e+01  }
0x33f: {  	v36 =	vadd.f32 v38, v36;
	_ =	sdelay $0x1  }
0x340: {  	[tilespmem:$0x10080] =	vst v36  }
0x341: {  	v61 =	vld.idx.msk [tilespmem:v39+s10+$0x0], $0xffff;
	_ =	sdelay $0x3  }
0x342: {  	s17 =	sand.u32 $0x7F, s17;
	v62 =	vor.u32 $0xA000, v15  }
0x343: {  	v39 =	vor.u32 s17, v62;
	v38 =	vmax.f32 v61, $-3.000000000e+01  }
0x344: {  	v38 =	vmin.f32 v38, $3.000000000e+01  }
0x345: {  	v37 =	vadd.f32 v38, v37;
	_ =	sdelay $0x1  }
0x346: {  	[tilespmem:$0x10090] =	vst v37  }
0x347: {  	v63 =	vld.idx.msk [tilespmem:v39+s10+$0x0], $0xffff;
	_ =	sdelay $0x3  }
0x348: {  	v42 =	vor.u32 $0xA800, v15  }
0x349: {  	v39 =	vor.u32 s17, v42;
	v38 =	vmax.f32 v63, $-3.000000000e+01  }
0x34a: {  	v38 =	vmin.f32 v38, $3.000000000e+01  }
0x34b: {  	v36 =	vadd.f32 v38, v36;
	_ =	sdelay $0x1  }
0x34c: {  	[tilespmem:$0x10080] =	vst v36  }
0x34d: {  	v43 =	vld.idx.msk [tilespmem:v39+s10+$0x0], $0xffff;
	_ =	sdelay $0x3  }
0x34e: {  	s18 =	sand.u32 $0x7F, s18;
	v44 =	vor.u32 $0xB000, v15  }
0x34f: {  	v39 =	vor.u32 s18, v44;
	v38 =	vmax.f32 v43, $-3.000000000e+01  }
0x350: {  	v38 =	vmin.f32 v38, $3.000000000e+01  }
0x351: {  	v37 =	vadd.f32 v38, v37;
	_ =	sdelay $0x1  }
0x352: {  	[tilespmem:$0x10090] =	vst v37  }
0x353: {  	v45 =	vld.idx.msk [tilespmem:v39+s10+$0x0], $0xffff;
	_ =	sdelay $0x3  }
0x354: {  	v46 =	vor.u32 $0xB800, v15  }
0x355: {  	v39 =	vor.u32 s18, v46;
	v38 =	vmax.f32 v45, $-3.000000000e+01  }
0x356: {  	v38 =	vmin.f32 v38, $3.000000000e+01  }
0x357: {  	v36 =	vadd.f32 v38, v36;
	_ =	sdelay $0x1  }
0x358: {  	[tilespmem:$0x10080] =	vst v36  }
0x359: {  	v47 =	vld.idx.msk [tilespmem:v39+s10+$0x0], $0xffff;
	_ =	sdelay $0x3  }
0x35a: {  	s19 =	sand.u32 $0x7F, s19;
	v48 =	vor.u32 $0xC000, v15  }
0x35b: {  	v39 =	vor.u32 s19, v48;
	v38 =	vmax.f32 v47, $-3.000000000e+01  }
0x35c: {  	v38 =	vmin.f32 v38, $3.000000000e+01  }
0x35d: {  	v37 =	vadd.f32 v38, v37;
	_ =	sdelay $0x1  }
0x35e: {  	[tilespmem:$0x10090] =	vst v37  }
0x35f: {  	v49 =	vld.idx.msk [tilespmem:v39+s10+$0x0], $0xffff;
	_ =	sdelay $0x3  }
0x360: {  	v50 =	vor.u32 $0xC800, v15  }
0x361: {  	v39 =	vor.u32 s19, v50;
	v38 =	vmax.f32 v49, $-3.000000000e+01  }
0x362: {  	v38 =	vmin.f32 v38, $3.000000000e+01  }
0x363: {  	v36 =	vadd.f32 v38, v36;
	_ =	sdelay $0x1  }
0x364: {  	[tilespmem:$0x10080] =	vst v36  }
0x365: {  	v51 =	vld.idx.msk [tilespmem:v39+s10+$0x0], $0xffff;
	_ =	sdelay $0x3  }
0x366: {  	s20 =	sand.u32 $0x7F, s20;
	v52 =	vor.u32 $0xD000, v15  }
0x367: {  	v39 =	vor.u32 s20, v52;
	v38 =	vmax.f32 v51, $-3.000000000e+01  }
0x368: {  	v38 =	vmin.f32 v38, $3.000000000e+01  }
0x369: {  	v37 =	vadd.f32 v38, v37;
	_ =	sdelay $0x1  }
0x36a: {  	[tilespmem:$0x10090] =	vst v37  }
0x36b: {  	v53 =	vld.idx.msk [tilespmem:v39+s10+$0x0], $0xffff;
	_ =	sdelay $0x3  }
0x36c: {  	v54 =	vor.u32 $0xD800, v15  }
0x36d: {  	v39 =	vor.u32 s20, v54;
	v38 =	vmax.f32 v53, $-3.000000000e+01  }
0x36e: {  	v38 =	vmin.f32 v38, $3.000000000e+01  }
0x36f: {  	v36 =	vadd.f32 v38, v36;
	_ =	sdelay $0x1  }
0x370: {  	[tilespmem:$0x10080] =	vst v36  }
0x371: {  	v55 =	vld.idx.msk [tilespmem:v39+s10+$0x0], $0xffff;
	_ =	sdelay $0x3  }
0x372: {  	s21 =	sand.u32 $0x7F, s21;
	v56 =	vor.u32 $0xE000, v15  }
0x373: {  	v39 =	vor.u32 s21, v56;
	v38 =	vmax.f32 v55, $-3.000000000e+01  }
0x374: {  	v38 =	vmin.f32 v38, $3.000000000e+01  }
0x375: {  	v37 =	vadd.f32 v38, v37;
	_ =	sdelay $0x1  }
0x376: {  	[tilespmem:$0x10090] =	vst v37  }
0x377: {  	v57 =	vld.idx.msk [tilespmem:v39+s10+$0x0], $0xffff;
	_ =	sdelay $0x3  }
0x378: {  	v58 =	vor.u32 $0xE800, v15  }
0x379: {  	v39 =	vor.u32 s21, v58;
	v38 =	vmax.f32 v57, $-3.000000000e+01  }
0x37a: {  	v38 =	vmin.f32 v38, $3.000000000e+01  }
0x37b: {  	v36 =	vadd.f32 v38, v36;
	_ =	sdelay $0x1  }
0x37c: {  	[tilespmem:$0x10080] =	vst v36  }
0x37d: {  	v59 =	vld.idx.msk [tilespmem:v39+s10+$0x0], $0xffff;
	_ =	sdelay $0x3  }
0x37e: {  	s31 =	sand.u32 $0x7F, s31;
	v60 =	vor.u32 $0xF000, v15  }
0x37f: {  	v39 =	vor.u32 s31, v60;
	v38 =	vmax.f32 v59, $-3.000000000e+01  }
0x380: {  	v38 =	vmin.f32 v38, $3.000000000e+01  }
0x381: {  	v37 =	vadd.f32 v38, v37;
	_ =	sdelay $0x1  }
0x382: {  	[tilespmem:$0x10090] =	vst v37  }
0x383: {  	v61 =	vld.idx.msk [tilespmem:v39+s10+$0x0], $0xffff;
	_ =	sdelay $0x3  }
0x384: {  	v62 =	vor.u32 $0xF800, v15  }
0x385: {  	v39 =	vor.u32 s31, v62;
	v38 =	vmax.f32 v61, $-3.000000000e+01  }
0x386: {  	v38 =	vmin.f32 v38, $3.000000000e+01  }
0x387: {  	v36 =	vadd.f32 v38, v36;
	_ =	sdelay $0x1  }
0x388: {  	[tilespmem:$0x10080] =	vst v36  }
0x389: {  	v63 =	vld.idx.msk [tilespmem:v39+s10+$0x0], $0xffff;
	_ =	sdelay $0x2  }
0x38a: {  	s13 =	sadd.s32 $0x40, s13  }
0x38b: {  	p1 =	sne.s32 s13, $0x100  }
.Ltmp4:
0x38c: {  	v38 =	vmax.f32 v63, $-3.000000000e+01;
	(pc) =	sbr.rel @!p1 .LBB2_7-.Ltmp4, $3  }
0x38d: {  	v38 =	vmin.f32 v38, $3.000000000e+01  }
0x38e: {  	v37 =	vadd.f32 v38, v37;
	_ =	sdelay $0x1  }
0x38f: {  	s14 =	sadd.s32 $0x800, s14;
	[tilespmem:$0x10090] =	vst v37  }
.LBB2_4:
0x390: {  	s0 =	sshra.s32 s13, $0x2  }
0x391: {  	v36 =	vld [tilespmem:s0+$0x0];
	_ =	sdelay $0x4  }
0x392: {  	(v2sf) =	vpush v36, $0x8;
	_ =	sdelay $0x1  }
0x393: {  	v37 =	vld [tilespmem:s14+$0xFFFFFE00];
	_ =	sdelay $0x4  }
0x394: {  	v38 =	vshrl.u32 v37, $0x3  }
0x395: {  	v38 =	vmul.u32 $0x7D0, v38  }
0x396: {  	v37 =	vand.u32 $0x7, v37  }
0x397: {  	v37 =	vor.u32 v37, v38  }
0x398: {  	v38 =	vperm.xlane v37, v6;
	_ =	sdelay $0x1  }
0x399: {  	v39 =	vperm.xlane v37, v8;
	v38 =	vadd.s32 v7, v38;
	_ =	sdelay $0x1  }
0x39a: {  	v40 =	vperm.xlane v37, v9;
	v39 =	vadd.s32 v7, v39;
	s15 =	spop (v2sf)  }
0x39b: {  	s2 =	sand.u32 $0xFFFFF80, s15  }
0x39c: {  	s19 =	simm.s32 $0x8080;
	v41 =	vperm.xlane v37, v4;
	v40 =	vadd.s32 v7, v40;
	s16 =	sadd.s32 s1, s2  }
0x39d: {  	[tilespmem:s19], [sflag:$0x2] =	stream.indirect_vreg.gather [hbm4b:s16+s4], $0x80, v38, vm0, $0xb8;
	[tilespmem:$0x12200] =	vst v63  }
0x39e: {  	s20 =	simm.s32 $0x8100;
	v48 =	vperm.xlane v37, v10;
	v47 =	vadd.s32 v7, v41  }
0x39f: {  	[tilespmem:s20], [sflag:$0x2] =	stream.indirect_vreg.gather [hbm4b:s16+s4], $0x80, v39, vm0, $0xb8;
	[tilespmem:$0x12200] =	vst v63  }
0x3a0: {  	s21 =	simm.s32 $0x8180;
	v50 =	vperm.xlane v37, v22;
	v49 =	vadd.s32 v7, v48  }
0x3a1: {  	[tilespmem:s21], [sflag:$0x2] =	stream.indirect_vreg.gather [hbm4b:s16+s4], $0x80, v40, vm0, $0xb8;
	[tilespmem:$0x12200] =	vst v63  }
0x3a2: {  	s3 =	simm.s32 $0x8200;
	v52 =	vperm.xlane v37, v24;
	v51 =	vadd.s32 v7, v50  }
0x3a3: {  	[tilespmem:s3], [sflag:$0x2] =	stream.indirect_vreg.gather [hbm4b:s16+s4], $0x80, v47, vm0, $0xb8;
	[tilespmem:$0x12200] =	vst v63  }
0x3a4: {  	s17 =	simm.s32 $0x8280;
	v54 =	vperm.xlane v37, v5;
	v53 =	vadd.s32 v7, v52  }
0x3a5: {  	[tilespmem:s17], [sflag:$0x2] =	stream.indirect_vreg.gather [hbm4b:s16+s4], $0x80, v49, vm0, $0xb8;
	[tilespmem:$0x12200] =	vst v63  }
0x3a6: {  	s18 =	simm.s32 $0x8300;
	v56 =	vperm.xlane v37, v26;
	v55 =	vadd.s32 v7, v54  }
0x3a7: {  	[tilespmem:s18], [sflag:$0x2] =	stream.indirect_vreg.gather [hbm4b:s16+s4], $0x80, v51, vm0, $0xb8;
	[tilespmem:$0x12200] =	vst v63  }
0x3a8: {  	v58 =	vperm.xlane v37, v11;
	v57 =	vadd.s32 v7, v56;
	s19 =	simm.s32 $0x8380  }
0x3a9: {  	[tilespmem:s19], [sflag:$0x2] =	stream.indirect_vreg.gather [hbm4b:s16+s4], $0x80, v53, vm0, $0xb8;
	[tilespmem:$0x12200] =	vst v63  }
0x3aa: {  	v60 =	vperm.xlane v37, v12;
	v59 =	vadd.s32 v7, v58;
	s20 =	simm.s32 $0x8400  }
0x3ab: {  	[tilespmem:s20], [sflag:$0x2] =	stream.indirect_vreg.gather [hbm4b:s16+s4], $0x80, v55, vm0, $0xb8;
	[tilespmem:$0x12200] =	vst v63  }
0x3ac: {  	v62 =	vperm.xlane v37, v13;
	v61 =	vadd.s32 v7, v60;
	s21 =	simm.s32 $0x8480  }
0x3ad: {  	[tilespmem:s21], [sflag:$0x2] =	stream.indirect_vreg.gather [hbm4b:s16+s4], $0x80, v57, vm0, $0xb8;
	[tilespmem:$0x12200] =	vst v63  }
0x3ae: {  	v44 =	vperm.xlane v37, v14;
	v63 =	vadd.s32 v7, v62;
	s3 =	simm.s32 $0x8500  }
0x3af: {  	[tilespmem:s3], [sflag:$0x2] =	stream.indirect_vreg.gather [hbm4b:s16+s4], $0x80, v59, vm0, $0xb8;
	[tilespmem:$0x12200] =	vst v63  }
0x3b0: {  	v46 =	vperm.xlane v37, v16;
	v45 =	vadd.s32 v7, v44;
	s17 =	simm.s32 $0x8580  }
0x3b1: {  	[tilespmem:s17], [sflag:$0x2] =	stream.indirect_vreg.gather [hbm4b:s16+s4], $0x80, v61, vm0, $0xb8;
	[tilespmem:$0x12200] =	vst v63  }
0x3b2: {  	v48 =	vperm.xlane v37, v17;
	v47 =	vadd.s32 v7, v46;
	s18 =	simm.s32 $0x8600  }
0x3b3: {  	[tilespmem:s18], [sflag:$0x2] =	stream.indirect_vreg.gather [hbm4b:s16+s4], $0x80, v63, vm0, $0xb8;
	[tilespmem:$0x12200] =	vst v63  }
0x3b4: {  	v37 =	vperm.xlane v37, v18;
	v49 =	vadd.s32 v7, v48;
	s19 =	simm.s32 $0x8680  }
0x3b5: {  	[tilespmem:s19], [sflag:$0x2] =	stream.indirect_vreg.gather [hbm4b:s16+s4], $0x80, v45, vm0, $0xb8;
	[tilespmem:$0x12200] =	vst v63  }
0x3b6: {  	v37 =	vadd.s32 v7, v37;
	s20 =	simm.s32 $0x8700  }
0x3b7: {  	[tilespmem:s20], [sflag:$0x2] =	stream.indirect_vreg.gather [hbm4b:s16+s4], $0x80, v47, vm0, $0xb8;
	[tilespmem:$0x12200] =	vst v63  }
0x3b8: {  	s21 =	simm.s32 $0x8780  }
0x3b9: {  	[tilespmem:s21], [sflag:$0x2] =	stream.indirect_vreg.gather [hbm4b:s16+s4], $0x80, v49, vm0, $0xb8;
	[tilespmem:$0x12200] =	vst v63  }
0x3ba: {  	s3 =	simm.s32 $0x8800  }
0x3bb: {  	[tilespmem:s3], [sflag:$0x2] =	stream.indirect_vreg.gather [hbm4b:s16+s4], $0x80, v37, vm0, $0xb8;
	[tilespmem:$0x12200] =	vst v63  }
0x3bc: {  	v37 =	vld [tilespmem:s14+$0xFFFFFE10];
	_ =	sdelay $0x4  }
0x3bd: {  	v50 =	vshrl.u32 v37, $0x3  }
0x3be: {  	v38 =	vmul.u32 $0x7D0, v50  }
0x3bf: {  	v37 =	vand.u32 $0x7, v37  }
0x3c0: {  	v37 =	vor.u32 v37, v38  }
0x3c1: {  	v38 =	vperm.xlane v37, v6;
	_ =	sdelay $0x1  }
0x3c2: {  	v51 =	vperm.xlane v37, v8;
	v38 =	vadd.s32 v7, v38;
	_ =	sdelay $0x1  }
0x3c3: {  	v52 =	vperm.xlane v37, v9;
	v39 =	vadd.s32 v7, v51;
	_ =	sdelay $0x1  }
0x3c4: {  	s17 =	simm.s32 $0x8880;
	v53 =	vperm.xlane v37, v4;
	v40 =	vadd.s32 v7, v52  }
0x3c5: {  	[tilespmem:s17], [sflag:$0x2] =	stream.indirect_vreg.gather [hbm4b:s16+s4], $0x80, v38, vm0, $0xb8;
	[tilespmem:$0x12200] =	vst v63  }
0x3c6: {  	s18 =	simm.s32 $0x8900;
	v55 =	vperm.xlane v37, v10;
	v54 =	vadd.s32 v7, v53  }
0x3c7: {  	[tilespmem:s18], [sflag:$0x2] =	stream.indirect_vreg.gather [hbm4b:s16+s4], $0x80, v39, vm0, $0xb8;
	[tilespmem:$0x12200] =	vst v63  }
0x3c8: {  	s19 =	simm.s32 $0x8980;
	v57 =	vperm.xlane v37, v22;
	v56 =	vadd.s32 v7, v55  }
0x3c9: {  	[tilespmem:s19], [sflag:$0x2] =	stream.indirect_vreg.gather [hbm4b:s16+s4], $0x80, v40, vm0, $0xb8;
	[tilespmem:$0x12200] =	vst v63  }
0x3ca: {  	s20 =	simm.s32 $0x8A00;
	v59 =	vperm.xlane v37, v24;
	v58 =	vadd.s32 v7, v57  }
0x3cb: {  	[tilespmem:s20], [sflag:$0x2] =	stream.indirect_vreg.gather [hbm4b:s16+s4], $0x80, v54, vm0, $0xb8;
	[tilespmem:$0x12200] =	vst v63  }
0x3cc: {  	s21 =	simm.s32 $0x8A80;
	v61 =	vperm.xlane v37, v5;
	v60 =	vadd.s32 v7, v59  }
0x3cd: {  	[tilespmem:s21], [sflag:$0x2] =	stream.indirect_vreg.gather [hbm4b:s16+s4], $0x80, v56, vm0, $0xb8;
	[tilespmem:$0x12200] =	vst v63  }
0x3ce: {  	s3 =	simm.s32 $0x8B00;
	v63 =	vperm.xlane v37, v26;
	v62 =	vadd.s32 v7, v61  }
0x3cf: {  	[tilespmem:s3], [sflag:$0x2] =	stream.indirect_vreg.gather [hbm4b:s16+s4], $0x80, v58, vm0, $0xb8;
	[tilespmem:$0x12200] =	vst v63  }
0x3d0: {  	v45 =	vperm.xlane v37, v11;
	v44 =	vadd.s32 v7, v63;
	s17 =	simm.s32 $0x8B80  }
0x3d1: {  	[tilespmem:s17], [sflag:$0x2] =	stream.indirect_vreg.gather [hbm4b:s16+s4], $0x80, v60, vm0, $0xb8;
	[tilespmem:$0x12200] =	vst v63  }
0x3d2: {  	v47 =	vperm.xlane v37, v12;
	v46 =	vadd.s32 v7, v45;
	s18 =	simm.s32 $0x8C00  }
0x3d3: {  	[tilespmem:s18], [sflag:$0x2] =	stream.indirect_vreg.gather [hbm4b:s16+s4], $0x80, v62, vm0, $0xb8;
	[tilespmem:$0x12200] =	vst v63  }
0x3d4: {  	v49 =	vperm.xlane v37, v13;
	v48 =	vadd.s32 v7, v47;
	s19 =	simm.s32 $0x8C80  }
0x3d5: {  	[tilespmem:s19], [sflag:$0x2] =	stream.indirect_vreg.gather [hbm4b:s16+s4], $0x80, v44, vm0, $0xb8;
	[tilespmem:$0x12200] =	vst v63  }
0x3d6: {  	v50 =	vadd.s32 v7, v49;
	v51 =	vperm.xlane v37, v14;
	s20 =	simm.s32 $0x8D00  }
0x3d7: {  	[tilespmem:s20], [sflag:$0x2] =	stream.indirect_vreg.gather [hbm4b:s16+s4], $0x80, v46, vm0, $0xb8;
	[tilespmem:$0x12200] =	vst v63  }
0x3d8: {  	v53 =	vperm.xlane v37, v16;
	v52 =	vadd.s32 v7, v51;
	s21 =	simm.s32 $0x8D80  }
0x3d9: {  	[tilespmem:s21], [sflag:$0x2] =	stream.indirect_vreg.gather [hbm4b:s16+s4], $0x80, v48, vm0, $0xb8;
	[tilespmem:$0x12200] =	vst v63  }
0x3da: {  	v55 =	vperm.xlane v37, v17;
	v54 =	vadd.s32 v7, v53;
	s3 =	simm.s32 $0x8E00  }
0x3db: {  	[tilespmem:s3], [sflag:$0x2] =	stream.indirect_vreg.gather [hbm4b:s16+s4], $0x80, v50, vm0, $0xb8;
	[tilespmem:$0x12200] =	vst v63  }
0x3dc: {  	v37 =	vperm.xlane v37, v18;
	v56 =	vadd.s32 v7, v55;
	s17 =	simm.s32 $0x8E80  }
0x3dd: {  	[tilespmem:s17], [sflag:$0x2] =	stream.indirect_vreg.gather [hbm4b:s16+s4], $0x80, v52, vm0, $0xb8;
	[tilespmem:$0x12200] =	vst v63  }
0x3de: {  	v37 =	vadd.s32 v7, v37;
	s18 =	simm.s32 $0x8F00  }
0x3df: {  	[tilespmem:s18], [sflag:$0x2] =	stream.indirect_vreg.gather [hbm4b:s16+s4], $0x80, v54, vm0, $0xb8;
	[tilespmem:$0x12200] =	vst v63  }
0x3e0: {  	s19 =	simm.s32 $0x8F80  }
0x3e1: {  	[tilespmem:s19], [sflag:$0x2] =	stream.indirect_vreg.gather [hbm4b:s16+s4], $0x80, v56, vm0, $0xb8;
	[tilespmem:$0x12200] =	vst v63  }
0x3e2: {  	(v2sf) =	vpush v36, $0x9;
	s20 =	simm.s32 $0x9000  }
0x3e3: {  	[tilespmem:s20], [sflag:$0x2] =	stream.indirect_vreg.gather [hbm4b:s16+s4], $0x80, v37, vm0, $0xb8;
	[tilespmem:$0x12200] =	vst v63  }
0x3e4: {  	v37 =	vld [tilespmem:s14+$0xFFFFFE80];
	_ =	sdelay $0x4  }
0x3e5: {  	v57 =	vshrl.u32 v37, $0x3  }
0x3e6: {  	v38 =	vmul.u32 $0x7D0, v57  }
0x3e7: {  	v37 =	vand.u32 $0x7, v37  }
0x3e8: {  	v37 =	vor.u32 v37, v38  }
0x3e9: {  	v38 =	vperm.xlane v37, v6;
	_ =	sdelay $0x1  }
0x3ea: {  	v58 =	vperm.xlane v37, v8;
	v38 =	vadd.s32 v7, v38;
	_ =	sdelay $0x1  }
0x3eb: {  	s16 =	spop (v2sf);
	v59 =	vperm.xlane v37, v9;
	v39 =	vadd.s32 v7, v58  }
0x3ec: {  	s21 =	sand.u32 $0xFFFFF80, s16  }
0x3ed: {  	s3 =	simm.s32 $0x9080;
	s17 =	sadd.s32 s1, s21;
	v60 =	vperm.xlane v37, v4;
	v40 =	vadd.s32 v7, v59  }
0x3ee: {  	[tilespmem:s3], [sflag:$0x2] =	stream.indirect_vreg.gather [hbm4b:s17+s4], $0x80, v38, vm0, $0xb8;
	[tilespmem:$0x12200] =	vst v63  }
0x3ef: {  	s18 =	simm.s32 $0x9100;
	v62 =	vperm.xlane v37, v10;
	v61 =	vadd.s32 v7, v60  }
0x3f0: {  	[tilespmem:s18], [sflag:$0x2] =	stream.indirect_vreg.gather [hbm4b:s17+s4], $0x80, v39, vm0, $0xb8;
	[tilespmem:$0x12200] =	vst v63  }
0x3f1: {  	s19 =	simm.s32 $0x9180;
	v44 =	vperm.xlane v37, v22;
	v63 =	vadd.s32 v7, v62  }
0x3f2: {  	[tilespmem:s19], [sflag:$0x2] =	stream.indirect_vreg.gather [hbm4b:s17+s4], $0x80, v40, vm0, $0xb8;
	[tilespmem:$0x12200] =	vst v63  }
0x3f3: {  	s20 =	simm.s32 $0x9200;
	v46 =	vperm.xlane v37, v24;
	v45 =	vadd.s32 v7, v44  }
0x3f4: {  	[tilespmem:s20], [sflag:$0x2] =	stream.indirect_vreg.gather [hbm4b:s17+s4], $0x80, v61, vm0, $0xb8;
	[tilespmem:$0x12200] =	vst v63  }
0x3f5: {  	s21 =	simm.s32 $0x9280;
	v48 =	vperm.xlane v37, v5;
	v47 =	vadd.s32 v7, v46  }
0x3f6: {  	[tilespmem:s21], [sflag:$0x2] =	stream.indirect_vreg.gather [hbm4b:s17+s4], $0x80, v63, vm0, $0xb8;
	[tilespmem:$0x12200] =	vst v63  }
0x3f7: {  	v50 =	vperm.xlane v37, v26;
	v49 =	vadd.s32 v7, v48;
	s3 =	simm.s32 $0x9300  }
0x3f8: {  	[tilespmem:s3], [sflag:$0x2] =	stream.indirect_vreg.gather [hbm4b:s17+s4], $0x80, v45, vm0, $0xb8;
	[tilespmem:$0x12200] =	vst v63  }
0x3f9: {  	v52 =	vperm.xlane v37, v11;
	v51 =	vadd.s32 v7, v50;
	s18 =	simm.s32 $0x9380  }
0x3fa: {  	[tilespmem:s18], [sflag:$0x2] =	stream.indirect_vreg.gather [hbm4b:s17+s4], $0x80, v47, vm0, $0xb8;
	[tilespmem:$0x12200] =	vst v63  }
0x3fb: {  	v54 =	vperm.xlane v37, v12;
	v53 =	vadd.s32 v7, v52;
	s19 =	simm.s32 $0x9400  }
0x3fc: {  	[tilespmem:s19], [sflag:$0x2] =	stream.indirect_vreg.gather [hbm4b:s17+s4], $0x80, v49, vm0, $0xb8;
	[tilespmem:$0x12200] =	vst v63  }
0x3fd: {  	v56 =	vperm.xlane v37, v13;
	v55 =	vadd.s32 v7, v54;
	s20 =	simm.s32 $0x9480  }
0x3fe: {  	[tilespmem:s20], [sflag:$0x2] =	stream.indirect_vreg.gather [hbm4b:s17+s4], $0x80, v51, vm0, $0xb8;
	[tilespmem:$0x12200] =	vst v63  }
0x3ff: {  	v57 =	vadd.s32 v7, v56;
	v58 =	vperm.xlane v37, v14;
	s21 =	simm.s32 $0x9500  }
0x400: {  	[tilespmem:s21], [sflag:$0x2] =	stream.indirect_vreg.gather [hbm4b:s17+s4], $0x80, v53, vm0, $0xb8;
	[tilespmem:$0x12200] =	vst v63  }
0x401: {  	v60 =	vperm.xlane v37, v16;
	v59 =	vadd.s32 v7, v58;
	s3 =	simm.s32 $0x9580  }
0x402: {  	[tilespmem:s3], [sflag:$0x2] =	stream.indirect_vreg.gather [hbm4b:s17+s4], $0x80, v55, vm0, $0xb8;
	[tilespmem:$0x12200] =	vst v63  }
0x403: {  	v62 =	vperm.xlane v37, v17;
	v61 =	vadd.s32 v7, v60;
	s18 =	simm.s32 $0x9600  }
0x404: {  	[tilespmem:s18], [sflag:$0x2] =	stream.indirect_vreg.gather [hbm4b:s17+s4], $0x80, v57, vm0, $0xb8;
	[tilespmem:$0x12200] =	vst v63  }
0x405: {  	v37 =	vperm.xlane v37, v18;
	v63 =	vadd.s32 v7, v62;
	s19 =	simm.s32 $0x9680  }
0x406: {  	[tilespmem:s19], [sflag:$0x2] =	stream.indirect_vreg.gather [hbm4b:s17+s4], $0x80, v59, vm0, $0xb8;
	[tilespmem:$0x12200] =	vst v63  }
0x407: {  	v37 =	vadd.s32 v7, v37;
	s20 =	simm.s32 $0x9700  }
0x408: {  	[tilespmem:s20], [sflag:$0x2] =	stream.indirect_vreg.gather [hbm4b:s17+s4], $0x80, v61, vm0, $0xb8;
	[tilespmem:$0x12200] =	vst v63  }
0x409: {  	s21 =	simm.s32 $0x9780  }
0x40a: {  	[tilespmem:s21], [sflag:$0x2] =	stream.indirect_vreg.gather [hbm4b:s17+s4], $0x80, v63, vm0, $0xb8;
	[tilespmem:$0x12200] =	vst v63  }
0x40b: {  	s3 =	simm.s32 $0x9800  }
0x40c: {  	[tilespmem:s3], [sflag:$0x2] =	stream.indirect_vreg.gather [hbm4b:s17+s4], $0x80, v37, vm0, $0xb8;
	[tilespmem:$0x12200] =	vst v63  }
0x40d: {  	v37 =	vld [tilespmem:s14+$0xFFFFFE90];
	_ =	sdelay $0x4  }
0x40e: {  	v43 =	vshrl.u32 v37, $0x3  }
0x40f: {  	v38 =	vmul.u32 $0x7D0, v43  }
0x410: {  	v37 =	vand.u32 $0x7, v37  }
0x411: {  	v37 =	vor.u32 v37, v38  }
0x412: {  	v38 =	vperm.xlane v37, v6;
	_ =	sdelay $0x1  }
0x413: {  	v44 =	vperm.xlane v37, v8;
	v38 =	vadd.s32 v7, v38;
	_ =	sdelay $0x1  }
0x414: {  	v45 =	vperm.xlane v37, v9;
	v39 =	vadd.s32 v7, v44;
	_ =	sdelay $0x1  }
0x415: {  	s18 =	simm.s32 $0x9880;
	v46 =	vperm.xlane v37, v4;
	v40 =	vadd.s32 v7, v45  }
0x416: {  	[tilespmem:s18], [sflag:$0x2] =	stream.indirect_vreg.gather [hbm4b:s17+s4], $0x80, v38, vm0, $0xb8;
	[tilespmem:$0x12200] =	vst v63  }
0x417: {  	s19 =	simm.s32 $0x9900;
	v48 =	vperm.xlane v37, v10;
	v47 =	vadd.s32 v7, v46  }
0x418: {  	[tilespmem:s19], [sflag:$0x2] =	stream.indirect_vreg.gather [hbm4b:s17+s4], $0x80, v39, vm0, $0xb8;
	[tilespmem:$0x12200] =	vst v63  }
0x419: {  	s20 =	simm.s32 $0x9980;
	v50 =	vperm.xlane v37, v22;
	v49 =	vadd.s32 v7, v48  }
0x41a: {  	[tilespmem:s20], [sflag:$0x2] =	stream.indirect_vreg.gather [hbm4b:s17+s4], $0x80, v40, vm0, $0xb8;
	[tilespmem:$0x12200] =	vst v63  }
0x41b: {  	s21 =	simm.s32 $0x9A00;
	v52 =	vperm.xlane v37, v24;
	v51 =	vadd.s32 v7, v50  }
0x41c: {  	[tilespmem:s21], [sflag:$0x2] =	stream.indirect_vreg.gather [hbm4b:s17+s4], $0x80, v47, vm0, $0xb8;
	[tilespmem:$0x12200] =	vst v63  }
0x41d: {  	s3 =	simm.s32 $0x9A80;
	v54 =	vperm.xlane v37, v5;
	v53 =	vadd.s32 v7, v52  }
0x41e: {  	[tilespmem:s3], [sflag:$0x2] =	stream.indirect_vreg.gather [hbm4b:s17+s4], $0x80, v49, vm0, $0xb8;
	[tilespmem:$0x12200] =	vst v63  }
0x41f: {  	v56 =	vperm.xlane v37, v26;
	v55 =	vadd.s32 v7, v54;
	s18 =	simm.s32 $0x9B00  }
0x420: {  	[tilespmem:s18], [sflag:$0x2] =	stream.indirect_vreg.gather [hbm4b:s17+s4], $0x80, v51, vm0, $0xb8;
	[tilespmem:$0x12200] =	vst v63  }
0x421: {  	v58 =	vperm.xlane v37, v11;
	v57 =	vadd.s32 v7, v56;
	s19 =	simm.s32 $0x9B80  }
0x422: {  	[tilespmem:s19], [sflag:$0x2] =	stream.indirect_vreg.gather [hbm4b:s17+s4], $0x80, v53, vm0, $0xb8;
	[tilespmem:$0x12200] =	vst v63  }
0x423: {  	v60 =	vperm.xlane v37, v12;
	v59 =	vadd.s32 v7, v58;
	s20 =	simm.s32 $0x9C00  }
0x424: {  	[tilespmem:s20], [sflag:$0x2] =	stream.indirect_vreg.gather [hbm4b:s17+s4], $0x80, v55, vm0, $0xb8;
	[tilespmem:$0x12200] =	vst v63  }
0x425: {  	v62 =	vperm.xlane v37, v13;
	v61 =	vadd.s32 v7, v60;
	s21 =	simm.s32 $0x9C80  }
0x426: {  	[tilespmem:s21], [sflag:$0x2] =	stream.indirect_vreg.gather [hbm4b:s17+s4], $0x80, v57, vm0, $0xb8;
	[tilespmem:$0x12200] =	vst v63  }
0x427: {  	v63 =	vadd.s32 v7, v62;
	v44 =	vperm.xlane v37, v14;
	s3 =	simm.s32 $0x9D00  }
0x428: {  	[tilespmem:s3], [sflag:$0x2] =	stream.indirect_vreg.gather [hbm4b:s17+s4], $0x80, v59, vm0, $0xb8;
	[tilespmem:$0x12200] =	vst v63  }
0x429: {  	v46 =	vperm.xlane v37, v16;
	v45 =	vadd.s32 v7, v44;
	s18 =	simm.s32 $0x9D80  }
0x42a: {  	[tilespmem:s18], [sflag:$0x2] =	stream.indirect_vreg.gather [hbm4b:s17+s4], $0x80, v61, vm0, $0xb8;
	[tilespmem:$0x12200] =	vst v63  }
0x42b: {  	v48 =	vperm.xlane v37, v17;
	v47 =	vadd.s32 v7, v46;
	s19 =	simm.s32 $0x9E00  }
0x42c: {  	[tilespmem:s19], [sflag:$0x2] =	stream.indirect_vreg.gather [hbm4b:s17+s4], $0x80, v63, vm0, $0xb8;
	[tilespmem:$0x12200] =	vst v63  }
0x42d: {  	v37 =	vperm.xlane v37, v18;
	v49 =	vadd.s32 v7, v48;
	s20 =	simm.s32 $0x9E80  }
0x42e: {  	[tilespmem:s20], [sflag:$0x2] =	stream.indirect_vreg.gather [hbm4b:s17+s4], $0x80, v45, vm0, $0xb8;
	[tilespmem:$0x12200] =	vst v63  }
0x42f: {  	v37 =	vadd.s32 v7, v37;
	s21 =	simm.s32 $0x9F00  }
0x430: {  	[tilespmem:s21], [sflag:$0x2] =	stream.indirect_vreg.gather [hbm4b:s17+s4], $0x80, v47, vm0, $0xb8;
	[tilespmem:$0x12200] =	vst v63  }
0x431: {  	s3 =	simm.s32 $0x9F80  }
0x432: {  	[tilespmem:s3], [sflag:$0x2] =	stream.indirect_vreg.gather [hbm4b:s17+s4], $0x80, v49, vm0, $0xb8;
	[tilespmem:$0x12200] =	vst v63  }
0x433: {  	(v2sf) =	vpush v36, $0xA;
	s18 =	simm.s32 $0xA000  }
0x434: {  	[tilespmem:s18], [sflag:$0x2] =	stream.indirect_vreg.gather [hbm4b:s17+s4], $0x80, v37, vm0, $0xb8;
	[tilespmem:$0x12200] =	vst v63  }
0x435: {  	v37 =	vld [tilespmem:s14+$0xFFFFFF00];
	_ =	sdelay $0x4  }
0x436: {  	v50 =	vshrl.u32 v37, $0x3  }
0x437: {  	v38 =	vmul.u32 $0x7D0, v50  }
0x438: {  	v37 =	vand.u32 $0x7, v37  }
0x439: {  	v37 =	vor.u32 v37, v38  }
0x43a: {  	v38 =	vperm.xlane v37, v6;
	_ =	sdelay $0x1  }
0x43b: {  	v51 =	vperm.xlane v37, v8;
	v38 =	vadd.s32 v7, v38;
	_ =	sdelay $0x1  }
0x43c: {  	s17 =	spop (v2sf);
	v52 =	vperm.xlane v37, v9;
	v39 =	vadd.s32 v7, v51  }
0x43d: {  	s19 =	sand.u32 $0xFFFFF80, s17  }
0x43e: {  	s20 =	simm.s32 $0xA080;
	s18 =	sadd.s32 s1, s19;
	v53 =	vperm.xlane v37, v4;
	v40 =	vadd.s32 v7, v52  }
0x43f: {  	[tilespmem:s20], [sflag:$0x2] =	stream.indirect_vreg.gather [hbm4b:s18+s4], $0x80, v38, vm0, $0xb8;
	[tilespmem:$0x12200] =	vst v63  }
0x440: {  	s21 =	simm.s32 $0xA100;
	v55 =	vperm.xlane v37, v10;
	v54 =	vadd.s32 v7, v53  }
0x441: {  	[tilespmem:s21], [sflag:$0x2] =	stream.indirect_vreg.gather [hbm4b:s18+s4], $0x80, v39, vm0, $0xb8;
	[tilespmem:$0x12200] =	vst v63  }
0x442: {  	s3 =	simm.s32 $0xA180;
	v57 =	vperm.xlane v37, v22;
	v56 =	vadd.s32 v7, v55  }
0x443: {  	[tilespmem:s3], [sflag:$0x2] =	stream.indirect_vreg.gather [hbm4b:s18+s4], $0x80, v40, vm0, $0xb8;
	[tilespmem:$0x12200] =	vst v63  }
0x444: {  	s19 =	simm.s32 $0xA200;
	v59 =	vperm.xlane v37, v24;
	v58 =	vadd.s32 v7, v57  }
0x445: {  	[tilespmem:s19], [sflag:$0x2] =	stream.indirect_vreg.gather [hbm4b:s18+s4], $0x80, v54, vm0, $0xb8;
	[tilespmem:$0x12200] =	vst v63  }
0x446: {  	v61 =	vperm.xlane v37, v5;
	v60 =	vadd.s32 v7, v59;
	s20 =	simm.s32 $0xA280  }
0x447: {  	[tilespmem:s20], [sflag:$0x2] =	stream.indirect_vreg.gather [hbm4b:s18+s4], $0x80, v56, vm0, $0xb8;
	[tilespmem:$0x12200] =	vst v63  }
0x448: {  	v63 =	vperm.xlane v37, v26;
	v62 =	vadd.s32 v7, v61;
	s21 =	simm.s32 $0xA300  }
0x449: {  	[tilespmem:s21], [sflag:$0x2] =	stream.indirect_vreg.gather [hbm4b:s18+s4], $0x80, v58, vm0, $0xb8;
	[tilespmem:$0x12200] =	vst v63  }
0x44a: {  	v45 =	vperm.xlane v37, v11;
	v44 =	vadd.s32 v7, v63;
	s3 =	simm.s32 $0xA380  }
0x44b: {  	[tilespmem:s3], [sflag:$0x2] =	stream.indirect_vreg.gather [hbm4b:s18+s4], $0x80, v60, vm0, $0xb8;
	[tilespmem:$0x12200] =	vst v63  }
0x44c: {  	v47 =	vperm.xlane v37, v12;
	v46 =	vadd.s32 v7, v45;
	s19 =	simm.s32 $0xA400  }
0x44d: {  	[tilespmem:s19], [sflag:$0x2] =	stream.indirect_vreg.gather [hbm4b:s18+s4], $0x80, v62, vm0, $0xb8;
	[tilespmem:$0x12200] =	vst v63  }
0x44e: {  	v49 =	vperm.xlane v37, v13;
	v48 =	vadd.s32 v7, v47;
	s20 =	simm.s32 $0xA480  }
0x44f: {  	[tilespmem:s20], [sflag:$0x2] =	stream.indirect_vreg.gather [hbm4b:s18+s4], $0x80, v44, vm0, $0xb8;
	[tilespmem:$0x12200] =	vst v63  }
0x450: {  	v50 =	vadd.s32 v7, v49;
	v51 =	vperm.xlane v37, v14;
	s21 =	simm.s32 $0xA500  }
0x451: {  	[tilespmem:s21], [sflag:$0x2] =	stream.indirect_vreg.gather [hbm4b:s18+s4], $0x80, v46, vm0, $0xb8;
	[tilespmem:$0x12200] =	vst v63  }
0x452: {  	v53 =	vperm.xlane v37, v16;
	v52 =	vadd.s32 v7, v51;
	s3 =	simm.s32 $0xA580  }
0x453: {  	[tilespmem:s3], [sflag:$0x2] =	stream.indirect_vreg.gather [hbm4b:s18+s4], $0x80, v48, vm0, $0xb8;
	[tilespmem:$0x12200] =	vst v63  }
0x454: {  	v55 =	vperm.xlane v37, v17;
	v54 =	vadd.s32 v7, v53;
	s19 =	simm.s32 $0xA600  }
0x455: {  	[tilespmem:s19], [sflag:$0x2] =	stream.indirect_vreg.gather [hbm4b:s18+s4], $0x80, v50, vm0, $0xb8;
	[tilespmem:$0x12200] =	vst v63  }
0x456: {  	v37 =	vperm.xlane v37, v18;
	v56 =	vadd.s32 v7, v55;
	s20 =	simm.s32 $0xA680  }
0x457: {  	[tilespmem:s20], [sflag:$0x2] =	stream.indirect_vreg.gather [hbm4b:s18+s4], $0x80, v52, vm0, $0xb8;
	[tilespmem:$0x12200] =	vst v63  }
0x458: {  	v37 =	vadd.s32 v7, v37;
	s21 =	simm.s32 $0xA700  }
0x459: {  	[tilespmem:s21], [sflag:$0x2] =	stream.indirect_vreg.gather [hbm4b:s18+s4], $0x80, v54, vm0, $0xb8;
	[tilespmem:$0x12200] =	vst v63  }
0x45a: {  	s3 =	simm.s32 $0xA780  }
0x45b: {  	[tilespmem:s3], [sflag:$0x2] =	stream.indirect_vreg.gather [hbm4b:s18+s4], $0x80, v56, vm0, $0xb8;
	[tilespmem:$0x12200] =	vst v63  }
0x45c: {  	s19 =	simm.s32 $0xA800  }
0x45d: {  	[tilespmem:s19], [sflag:$0x2] =	stream.indirect_vreg.gather [hbm4b:s18+s4], $0x80, v37, vm0, $0xb8;
	[tilespmem:$0x12200] =	vst v63  }
0x45e: {  	v37 =	vld [tilespmem:s14+$0xFFFFFF10];
	_ =	sdelay $0x4  }
0x45f: {  	v57 =	vshrl.u32 v37, $0x3  }
0x460: {  	v38 =	vmul.u32 $0x7D0, v57  }
0x461: {  	v37 =	vand.u32 $0x7, v37  }
0x462: {  	v37 =	vor.u32 v37, v38  }
0x463: {  	v38 =	vperm.xlane v37, v6;
	_ =	sdelay $0x1  }
0x464: {  	v58 =	vperm.xlane v37, v8;
	v38 =	vadd.s32 v7, v38;
	_ =	sdelay $0x1  }
0x465: {  	v59 =	vperm.xlane v37, v9;
	v39 =	vadd.s32 v7, v58;
	_ =	sdelay $0x1  }
0x466: {  	s20 =	simm.s32 $0xA880;
	v60 =	vperm.xlane v37, v4;
	v40 =	vadd.s32 v7, v59  }
0x467: {  	[tilespmem:s20], [sflag:$0x2] =	stream.indirect_vreg.gather [hbm4b:s18+s4], $0x80, v38, vm0, $0xb8;
	[tilespmem:$0x12200] =	vst v63  }
0x468: {  	s21 =	simm.s32 $0xA900;
	v62 =	vperm.xlane v37, v10;
	v61 =	vadd.s32 v7, v60  }
0x469: {  	[tilespmem:s21], [sflag:$0x2] =	stream.indirect_vreg.gather [hbm4b:s18+s4], $0x80, v39, vm0, $0xb8;
	[tilespmem:$0x12200] =	vst v63  }
0x46a: {  	s3 =	simm.s32 $0xA980;
	v44 =	vperm.xlane v37, v22;
	v63 =	vadd.s32 v7, v62  }
0x46b: {  	[tilespmem:s3], [sflag:$0x2] =	stream.indirect_vreg.gather [hbm4b:s18+s4], $0x80, v40, vm0, $0xb8;
	[tilespmem:$0x12200] =	vst v63  }
0x46c: {  	s19 =	simm.s32 $0xAA00;
	v46 =	vperm.xlane v37, v24;
	v45 =	vadd.s32 v7, v44  }
0x46d: {  	[tilespmem:s19], [sflag:$0x2] =	stream.indirect_vreg.gather [hbm4b:s18+s4], $0x80, v61, vm0, $0xb8;
	[tilespmem:$0x12200] =	vst v63  }
0x46e: {  	v48 =	vperm.xlane v37, v5;
	v47 =	vadd.s32 v7, v46;
	s20 =	simm.s32 $0xAA80  }
0x46f: {  	[tilespmem:s20], [sflag:$0x2] =	stream.indirect_vreg.gather [hbm4b:s18+s4], $0x80, v63, vm0, $0xb8;
	[tilespmem:$0x12200] =	vst v63  }
0x470: {  	v50 =	vperm.xlane v37, v26;
	v49 =	vadd.s32 v7, v48;
	s21 =	simm.s32 $0xAB00  }
0x471: {  	[tilespmem:s21], [sflag:$0x2] =	stream.indirect_vreg.gather [hbm4b:s18+s4], $0x80, v45, vm0, $0xb8;
	[tilespmem:$0x12200] =	vst v63  }
0x472: {  	v52 =	vperm.xlane v37, v11;
	v51 =	vadd.s32 v7, v50;
	s3 =	simm.s32 $0xAB80  }
0x473: {  	[tilespmem:s3], [sflag:$0x2] =	stream.indirect_vreg.gather [hbm4b:s18+s4], $0x80, v47, vm0, $0xb8;
	[tilespmem:$0x12200] =	vst v63  }
0x474: {  	v54 =	vperm.xlane v37, v12;
	v53 =	vadd.s32 v7, v52;
	s19 =	simm.s32 $0xAC00  }
0x475: {  	[tilespmem:s19], [sflag:$0x2] =	stream.indirect_vreg.gather [hbm4b:s18+s4], $0x80, v49, vm0, $0xb8;
	[tilespmem:$0x12200] =	vst v63  }
0x476: {  	v56 =	vperm.xlane v37, v13;
	v55 =	vadd.s32 v7, v54;
	s20 =	simm.s32 $0xAC80  }
0x477: {  	[tilespmem:s20], [sflag:$0x2] =	stream.indirect_vreg.gather [hbm4b:s18+s4], $0x80, v51, vm0, $0xb8;
	[tilespmem:$0x12200] =	vst v63  }
0x478: {  	v57 =	vadd.s32 v7, v56;
	v58 =	vperm.xlane v37, v14;
	s21 =	simm.s32 $0xAD00  }
0x479: {  	[tilespmem:s21], [sflag:$0x2] =	stream.indirect_vreg.gather [hbm4b:s18+s4], $0x80, v53, vm0, $0xb8;
	[tilespmem:$0x12200] =	vst v63  }
0x47a: {  	v60 =	vperm.xlane v37, v16;
	v59 =	vadd.s32 v7, v58;
	s3 =	simm.s32 $0xAD80  }
0x47b: {  	[tilespmem:s3], [sflag:$0x2] =	stream.indirect_vreg.gather [hbm4b:s18+s4], $0x80, v55, vm0, $0xb8;
	[tilespmem:$0x12200] =	vst v63  }
0x47c: {  	v62 =	vperm.xlane v37, v17;
	v61 =	vadd.s32 v7, v60;
	s19 =	simm.s32 $0xAE00  }
0x47d: {  	[tilespmem:s19], [sflag:$0x2] =	stream.indirect_vreg.gather [hbm4b:s18+s4], $0x80, v57, vm0, $0xb8;
	[tilespmem:$0x12200] =	vst v63  }
0x47e: {  	v37 =	vperm.xlane v37, v18;
	v63 =	vadd.s32 v7, v62;
	s20 =	simm.s32 $0xAE80  }
0x47f: {  	[tilespmem:s20], [sflag:$0x2] =	stream.indirect_vreg.gather [hbm4b:s18+s4], $0x80, v59, vm0, $0xb8;
	[tilespmem:$0x12200] =	vst v63  }
0x480: {  	v37 =	vadd.s32 v7, v37;
	s21 =	simm.s32 $0xAF00  }
0x481: {  	[tilespmem:s21], [sflag:$0x2] =	stream.indirect_vreg.gather [hbm4b:s18+s4], $0x80, v61, vm0, $0xb8;
	[tilespmem:$0x12200] =	vst v63  }
0x482: {  	s3 =	simm.s32 $0xAF80  }
0x483: {  	[tilespmem:s3], [sflag:$0x2] =	stream.indirect_vreg.gather [hbm4b:s18+s4], $0x80, v63, vm0, $0xb8;
	[tilespmem:$0x12200] =	vst v63  }
0x484: {  	(v2sf) =	vpush v36, $0xB;
	s19 =	simm.s32 $0xB000  }
0x485: {  	[tilespmem:s19], [sflag:$0x2] =	stream.indirect_vreg.gather [hbm4b:s18+s4], $0x80, v37, vm0, $0xb8;
	[tilespmem:$0x12200] =	vst v63  }
0x486: {  	v37 =	vld [tilespmem:s14+$0xFFFFFF80];
	_ =	sdelay $0x4  }
0x487: {  	v43 =	vshrl.u32 v37, $0x3  }
0x488: {  	v38 =	vmul.u32 $0x7D0, v43  }
0x489: {  	v37 =	vand.u32 $0x7, v37  }
0x48a: {  	v37 =	vor.u32 v37, v38  }
0x48b: {  	v38 =	vperm.xlane v37, v6;
	_ =	sdelay $0x1  }
0x48c: {  	v44 =	vperm.xlane v37, v8;
	v38 =	vadd.s32 v7, v38;
	_ =	sdelay $0x1  }
0x48d: {  	s18 =	spop (v2sf);
	v45 =	vperm.xlane v37, v9;
	v39 =	vadd.s32 v7, v44  }
0x48e: {  	s20 =	sand.u32 $0xFFFFF80, s18  }
0x48f: {  	s21 =	simm.s32 $0xB080;
	s19 =	sadd.s32 s1, s20;
	v46 =	vperm.xlane v37, v4;
	v40 =	vadd.s32 v7, v45  }
0x490: {  	[tilespmem:s21], [sflag:$0x2] =	stream.indirect_vreg.gather [hbm4b:s19+s4], $0x80, v38, vm0, $0xb8;
	[tilespmem:$0x12200] =	vst v63  }
0x491: {  	s3 =	simm.s32 $0xB100;
	v48 =	vperm.xlane v37, v10;
	v47 =	vadd.s32 v7, v46  }
0x492: {  	[tilespmem:s3], [sflag:$0x2] =	stream.indirect_vreg.gather [hbm4b:s19+s4], $0x80, v39, vm0, $0xb8;
	[tilespmem:$0x12200] =	vst v63  }
0x493: {  	s20 =	simm.s32 $0xB180;
	v50 =	vperm.xlane v37, v22;
	v49 =	vadd.s32 v7, v48  }
0x494: {  	[tilespmem:s20], [sflag:$0x2] =	stream.indirect_vreg.gather [hbm4b:s19+s4], $0x80, v40, vm0, $0xb8;
	[tilespmem:$0x12200] =	vst v63  }
0x495: {  	v52 =	vperm.xlane v37, v24;
	v51 =	vadd.s32 v7, v50;
	s21 =	simm.s32 $0xB200  }
0x496: {  	[tilespmem:s21], [sflag:$0x2] =	stream.indirect_vreg.gather [hbm4b:s19+s4], $0x80, v47, vm0, $0xb8;
	[tilespmem:$0x12200] =	vst v63  }
0x497: {  	v54 =	vperm.xlane v37, v5;
	v53 =	vadd.s32 v7, v52;
	s3 =	simm.s32 $0xB280  }
0x498: {  	[tilespmem:s3], [sflag:$0x2] =	stream.indirect_vreg.gather [hbm4b:s19+s4], $0x80, v49, vm0, $0xb8;
	[tilespmem:$0x12200] =	vst v63  }
0x499: {  	v56 =	vperm.xlane v37, v26;
	v55 =	vadd.s32 v7, v54;
	s20 =	simm.s32 $0xB300  }
0x49a: {  	[tilespmem:s20], [sflag:$0x2] =	stream.indirect_vreg.gather [hbm4b:s19+s4], $0x80, v51, vm0, $0xb8;
	[tilespmem:$0x12200] =	vst v63  }
0x49b: {  	v58 =	vperm.xlane v37, v11;
	v57 =	vadd.s32 v7, v56;
	s21 =	simm.s32 $0xB380  }
0x49c: {  	[tilespmem:s21], [sflag:$0x2] =	stream.indirect_vreg.gather [hbm4b:s19+s4], $0x80, v53, vm0, $0xb8;
	[tilespmem:$0x12200] =	vst v63  }
0x49d: {  	v60 =	vperm.xlane v37, v12;
	v59 =	vadd.s32 v7, v58;
	s3 =	simm.s32 $0xB400  }
0x49e: {  	[tilespmem:s3], [sflag:$0x2] =	stream.indirect_vreg.gather [hbm4b:s19+s4], $0x80, v55, vm0, $0xb8;
	[tilespmem:$0x12200] =	vst v63  }
0x49f: {  	v62 =	vperm.xlane v37, v13;
	v61 =	vadd.s32 v7, v60;
	s20 =	simm.s32 $0xB480  }
0x4a0: {  	[tilespmem:s20], [sflag:$0x2] =	stream.indirect_vreg.gather [hbm4b:s19+s4], $0x80, v57, vm0, $0xb8;
	[tilespmem:$0x12200] =	vst v63  }
0x4a1: {  	v63 =	vadd.s32 v7, v62;
	v44 =	vperm.xlane v37, v14;
	s21 =	simm.s32 $0xB500  }
0x4a2: {  	[tilespmem:s21], [sflag:$0x2] =	stream.indirect_vreg.gather [hbm4b:s19+s4], $0x80, v59, vm0, $0xb8;
	[tilespmem:$0x12200] =	vst v63  }
0x4a3: {  	v46 =	vperm.xlane v37, v16;
	v45 =	vadd.s32 v7, v44;
	s3 =	simm.s32 $0xB580  }
0x4a4: {  	[tilespmem:s3], [sflag:$0x2] =	stream.indirect_vreg.gather [hbm4b:s19+s4], $0x80, v61, vm0, $0xb8;
	[tilespmem:$0x12200] =	vst v63  }
0x4a5: {  	v48 =	vperm.xlane v37, v17;
	v47 =	vadd.s32 v7, v46;
	s20 =	simm.s32 $0xB600  }
0x4a6: {  	[tilespmem:s20], [sflag:$0x2] =	stream.indirect_vreg.gather [hbm4b:s19+s4], $0x80, v63, vm0, $0xb8;
	[tilespmem:$0x12200] =	vst v63  }
0x4a7: {  	v37 =	vperm.xlane v37, v18;
	v49 =	vadd.s32 v7, v48;
	s21 =	simm.s32 $0xB680  }
0x4a8: {  	[tilespmem:s21], [sflag:$0x2] =	stream.indirect_vreg.gather [hbm4b:s19+s4], $0x80, v45, vm0, $0xb8;
	[tilespmem:$0x12200] =	vst v63  }
0x4a9: {  	v37 =	vadd.s32 v7, v37;
	s3 =	simm.s32 $0xB700  }
0x4aa: {  	[tilespmem:s3], [sflag:$0x2] =	stream.indirect_vreg.gather [hbm4b:s19+s4], $0x80, v47, vm0, $0xb8;
	[tilespmem:$0x12200] =	vst v63  }
0x4ab: {  	s20 =	simm.s32 $0xB780  }
0x4ac: {  	[tilespmem:s20], [sflag:$0x2] =	stream.indirect_vreg.gather [hbm4b:s19+s4], $0x80, v49, vm0, $0xb8;
	[tilespmem:$0x12200] =	vst v63  }
0x4ad: {  	s21 =	simm.s32 $0xB800  }
0x4ae: {  	[tilespmem:s21], [sflag:$0x2] =	stream.indirect_vreg.gather [hbm4b:s19+s4], $0x80, v37, vm0, $0xb8;
	[tilespmem:$0x12200] =	vst v63  }
0x4af: {  	v37 =	vld [tilespmem:s14+$0xFFFFFF90];
	_ =	sdelay $0x4  }
0x4b0: {  	v50 =	vshrl.u32 v37, $0x3  }
0x4b1: {  	v38 =	vmul.u32 $0x7D0, v50  }
0x4b2: {  	v37 =	vand.u32 $0x7, v37  }
0x4b3: {  	v37 =	vor.u32 v37, v38  }
0x4b4: {  	v38 =	vperm.xlane v37, v6;
	_ =	sdelay $0x1  }
0x4b5: {  	v51 =	vperm.xlane v37, v8;
	v38 =	vadd.s32 v7, v38;
	_ =	sdelay $0x1  }
0x4b6: {  	v52 =	vperm.xlane v37, v9;
	v39 =	vadd.s32 v7, v51;
	_ =	sdelay $0x1  }
0x4b7: {  	s3 =	simm.s32 $0xB880;
	v53 =	vperm.xlane v37, v4;
	v40 =	vadd.s32 v7, v52  }
0x4b8: {  	[tilespmem:s3], [sflag:$0x2] =	stream.indirect_vreg.gather [hbm4b:s19+s4], $0x80, v38, vm0, $0xb8;
	[tilespmem:$0x12200] =	vst v63  }
0x4b9: {  	s20 =	simm.s32 $0xB900;
	v55 =	vperm.xlane v37, v10;
	v54 =	vadd.s32 v7, v53  }
0x4ba: {  	[tilespmem:s20], [sflag:$0x2] =	stream.indirect_vreg.gather [hbm4b:s19+s4], $0x80, v39, vm0, $0xb8;
	[tilespmem:$0x12200] =	vst v63  }
0x4bb: {  	s21 =	simm.s32 $0xB980;
	v57 =	vperm.xlane v37, v22;
	v56 =	vadd.s32 v7, v55  }
0x4bc: {  	[tilespmem:s21], [sflag:$0x2] =	stream.indirect_vreg.gather [hbm4b:s19+s4], $0x80, v40, vm0, $0xb8;
	[tilespmem:$0x12200] =	vst v63  }
0x4bd: {  	v59 =	vperm.xlane v37, v24;
	v58 =	vadd.s32 v7, v57;
	s3 =	simm.s32 $0xBA00  }
0x4be: {  	[tilespmem:s3], [sflag:$0x2] =	stream.indirect_vreg.gather [hbm4b:s19+s4], $0x80, v54, vm0, $0xb8;
	[tilespmem:$0x12200] =	vst v63  }
0x4bf: {  	v61 =	vperm.xlane v37, v5;
	v60 =	vadd.s32 v7, v59;
	s20 =	simm.s32 $0xBA80  }
0x4c0: {  	[tilespmem:s20], [sflag:$0x2] =	stream.indirect_vreg.gather [hbm4b:s19+s4], $0x80, v56, vm0, $0xb8;
	[tilespmem:$0x12200] =	vst v63  }
0x4c1: {  	v63 =	vperm.xlane v37, v26;
	v62 =	vadd.s32 v7, v61;
	s21 =	simm.s32 $0xBB00  }
0x4c2: {  	[tilespmem:s21], [sflag:$0x2] =	stream.indirect_vreg.gather [hbm4b:s19+s4], $0x80, v58, vm0, $0xb8;
	[tilespmem:$0x12200] =	vst v63  }
0x4c3: {  	v45 =	vperm.xlane v37, v11;
	v44 =	vadd.s32 v7, v63;
	s3 =	simm.s32 $0xBB80  }
0x4c4: {  	[tilespmem:s3], [sflag:$0x2] =	stream.indirect_vreg.gather [hbm4b:s19+s4], $0x80, v60, vm0, $0xb8;
	[tilespmem:$0x12200] =	vst v63  }
0x4c5: {  	v47 =	vperm.xlane v37, v12;
	v46 =	vadd.s32 v7, v45;
	s20 =	simm.s32 $0xBC00  }
0x4c6: {  	[tilespmem:s20], [sflag:$0x2] =	stream.indirect_vreg.gather [hbm4b:s19+s4], $0x80, v62, vm0, $0xb8;
	[tilespmem:$0x12200] =	vst v63  }
0x4c7: {  	v49 =	vperm.xlane v37, v13;
	v48 =	vadd.s32 v7, v47;
	s21 =	simm.s32 $0xBC80  }
0x4c8: {  	[tilespmem:s21], [sflag:$0x2] =	stream.indirect_vreg.gather [hbm4b:s19+s4], $0x80, v44, vm0, $0xb8;
	[tilespmem:$0x12200] =	vst v63  }
0x4c9: {  	v50 =	vadd.s32 v7, v49;
	v51 =	vperm.xlane v37, v14;
	s3 =	simm.s32 $0xBD00  }
0x4ca: {  	[tilespmem:s3], [sflag:$0x2] =	stream.indirect_vreg.gather [hbm4b:s19+s4], $0x80, v46, vm0, $0xb8;
	[tilespmem:$0x12200] =	vst v63  }
0x4cb: {  	v53 =	vperm.xlane v37, v16;
	v52 =	vadd.s32 v7, v51;
	s20 =	simm.s32 $0xBD80  }
0x4cc: {  	[tilespmem:s20], [sflag:$0x2] =	stream.indirect_vreg.gather [hbm4b:s19+s4], $0x80, v48, vm0, $0xb8;
	[tilespmem:$0x12200] =	vst v63  }
0x4cd: {  	v55 =	vperm.xlane v37, v17;
	v54 =	vadd.s32 v7, v53;
	s21 =	simm.s32 $0xBE00  }
0x4ce: {  	[tilespmem:s21], [sflag:$0x2] =	stream.indirect_vreg.gather [hbm4b:s19+s4], $0x80, v50, vm0, $0xb8;
	[tilespmem:$0x12200] =	vst v63  }
0x4cf: {  	v37 =	vperm.xlane v37, v18;
	v56 =	vadd.s32 v7, v55;
	s3 =	simm.s32 $0xBE80  }
0x4d0: {  	[tilespmem:s3], [sflag:$0x2] =	stream.indirect_vreg.gather [hbm4b:s19+s4], $0x80, v52, vm0, $0xb8;
	[tilespmem:$0x12200] =	vst v63  }
0x4d1: {  	v37 =	vadd.s32 v7, v37;
	s20 =	simm.s32 $0xBF00  }
0x4d2: {  	[tilespmem:s20], [sflag:$0x2] =	stream.indirect_vreg.gather [hbm4b:s19+s4], $0x80, v54, vm0, $0xb8;
	[tilespmem:$0x12200] =	vst v63  }
0x4d3: {  	s21 =	simm.s32 $0xBF80  }
0x4d4: {  	[tilespmem:s21], [sflag:$0x2] =	stream.indirect_vreg.gather [hbm4b:s19+s4], $0x80, v56, vm0, $0xb8;
	[tilespmem:$0x12200] =	vst v63  }
0x4d5: {  	(v2sf) =	vpush v36, $0xC;
	s3 =	simm.s32 $0xC000  }
0x4d6: {  	[tilespmem:s3], [sflag:$0x2] =	stream.indirect_vreg.gather [hbm4b:s19+s4], $0x80, v37, vm0, $0xb8;
	[tilespmem:$0x12200] =	vst v63  }
0x4d7: {  	v37 =	vld [tilespmem:s14+$0x0];
	_ =	sdelay $0x4  }
0x4d8: {  	v57 =	vshrl.u32 v37, $0x3  }
0x4d9: {  	v38 =	vmul.u32 $0x7D0, v57  }
0x4da: {  	v37 =	vand.u32 $0x7, v37  }
0x4db: {  	v37 =	vor.u32 v37, v38  }
0x4dc: {  	v38 =	vperm.xlane v37, v6;
	_ =	sdelay $0x1  }
0x4dd: {  	v58 =	vperm.xlane v37, v8;
	v38 =	vadd.s32 v7, v38;
	_ =	sdelay $0x1  }
0x4de: {  	s19 =	spop (v2sf);
	v59 =	vperm.xlane v37, v9;
	v39 =	vadd.s32 v7, v58  }
0x4df: {  	s20 =	sand.u32 $0xFFFFF80, s19  }
0x4e0: {  	s21 =	simm.s32 $0xC080;
	s20 =	sadd.s32 s1, s20;
	v60 =	vperm.xlane v37, v4;
	v40 =	vadd.s32 v7, v59  }
0x4e1: {  	[tilespmem:s21], [sflag:$0x2] =	stream.indirect_vreg.gather [hbm4b:s20+s4], $0x80, v38, vm0, $0xb8;
	[tilespmem:$0x12200] =	vst v63  }
0x4e2: {  	s3 =	simm.s32 $0xC100;
	v62 =	vperm.xlane v37, v10;
	v61 =	vadd.s32 v7, v60  }
0x4e3: {  	[tilespmem:s3], [sflag:$0x2] =	stream.indirect_vreg.gather [hbm4b:s20+s4], $0x80, v39, vm0, $0xb8;
	[tilespmem:$0x12200] =	vst v63  }
0x4e4: {  	v44 =	vperm.xlane v37, v22;
	v63 =	vadd.s32 v7, v62;
	s21 =	simm.s32 $0xC180  }
0x4e5: {  	[tilespmem:s21], [sflag:$0x2] =	stream.indirect_vreg.gather [hbm4b:s20+s4], $0x80, v40, vm0, $0xb8;
	[tilespmem:$0x12200] =	vst v63  }
0x4e6: {  	v46 =	vperm.xlane v37, v24;
	v45 =	vadd.s32 v7, v44;
	s3 =	simm.s32 $0xC200  }
0x4e7: {  	[tilespmem:s3], [sflag:$0x2] =	stream.indirect_vreg.gather [hbm4b:s20+s4], $0x80, v61, vm0, $0xb8;
	[tilespmem:$0x12200] =	vst v63  }
0x4e8: {  	v48 =	vperm.xlane v37, v5;
	v47 =	vadd.s32 v7, v46;
	s21 =	simm.s32 $0xC280  }
0x4e9: {  	[tilespmem:s21], [sflag:$0x2] =	stream.indirect_vreg.gather [hbm4b:s20+s4], $0x80, v63, vm0, $0xb8;
	[tilespmem:$0x12200] =	vst v63  }
0x4ea: {  	v50 =	vperm.xlane v37, v26;
	v49 =	vadd.s32 v7, v48;
	s3 =	simm.s32 $0xC300  }
0x4eb: {  	[tilespmem:s3], [sflag:$0x2] =	stream.indirect_vreg.gather [hbm4b:s20+s4], $0x80, v45, vm0, $0xb8;
	[tilespmem:$0x12200] =	vst v63  }
0x4ec: {  	v52 =	vperm.xlane v37, v11;
	v51 =	vadd.s32 v7, v50;
	s21 =	simm.s32 $0xC380  }
0x4ed: {  	[tilespmem:s21], [sflag:$0x2] =	stream.indirect_vreg.gather [hbm4b:s20+s4], $0x80, v47, vm0, $0xb8;
	[tilespmem:$0x12200] =	vst v63  }
0x4ee: {  	v54 =	vperm.xlane v37, v12;
	v53 =	vadd.s32 v7, v52;
	s3 =	simm.s32 $0xC400  }
0x4ef: {  	[tilespmem:s3], [sflag:$0x2] =	stream.indirect_vreg.gather [hbm4b:s20+s4], $0x80, v49, vm0, $0xb8;
	[tilespmem:$0x12200] =	vst v63  }
0x4f0: {  	v56 =	vperm.xlane v37, v13;
	v55 =	vadd.s32 v7, v54;
	s21 =	simm.s32 $0xC480  }
0x4f1: {  	[tilespmem:s21], [sflag:$0x2] =	stream.indirect_vreg.gather [hbm4b:s20+s4], $0x80, v51, vm0, $0xb8;
	[tilespmem:$0x12200] =	vst v63  }
0x4f2: {  	v57 =	vadd.s32 v7, v56;
	v58 =	vperm.xlane v37, v14;
	s3 =	simm.s32 $0xC500  }
0x4f3: {  	[tilespmem:s3], [sflag:$0x2] =	stream.indirect_vreg.gather [hbm4b:s20+s4], $0x80, v53, vm0, $0xb8;
	[tilespmem:$0x12200] =	vst v63  }
0x4f4: {  	v60 =	vperm.xlane v37, v16;
	v59 =	vadd.s32 v7, v58;
	s21 =	simm.s32 $0xC580  }
0x4f5: {  	[tilespmem:s21], [sflag:$0x2] =	stream.indirect_vreg.gather [hbm4b:s20+s4], $0x80, v55, vm0, $0xb8;
	[tilespmem:$0x12200] =	vst v63  }
0x4f6: {  	v62 =	vperm.xlane v37, v17;
	v61 =	vadd.s32 v7, v60;
	s3 =	simm.s32 $0xC600  }
0x4f7: {  	[tilespmem:s3], [sflag:$0x2] =	stream.indirect_vreg.gather [hbm4b:s20+s4], $0x80, v57, vm0, $0xb8;
	[tilespmem:$0x12200] =	vst v63  }
0x4f8: {  	v37 =	vperm.xlane v37, v18;
	v63 =	vadd.s32 v7, v62;
	s21 =	simm.s32 $0xC680  }
0x4f9: {  	[tilespmem:s21], [sflag:$0x2] =	stream.indirect_vreg.gather [hbm4b:s20+s4], $0x80, v59, vm0, $0xb8;
	[tilespmem:$0x12200] =	vst v63  }
0x4fa: {  	v37 =	vadd.s32 v7, v37;
	s3 =	simm.s32 $0xC700  }
0x4fb: {  	[tilespmem:s3], [sflag:$0x2] =	stream.indirect_vreg.gather [hbm4b:s20+s4], $0x80, v61, vm0, $0xb8;
	[tilespmem:$0x12200] =	vst v63  }
0x4fc: {  	s21 =	simm.s32 $0xC780  }
0x4fd: {  	[tilespmem:s21], [sflag:$0x2] =	stream.indirect_vreg.gather [hbm4b:s20+s4], $0x80, v63, vm0, $0xb8;
	[tilespmem:$0x12200] =	vst v63  }
0x4fe: {  	s3 =	simm.s32 $0xC800  }
0x4ff: {  	[tilespmem:s3], [sflag:$0x2] =	stream.indirect_vreg.gather [hbm4b:s20+s4], $0x80, v37, vm0, $0xb8;
	[tilespmem:$0x12200] =	vst v63  }
0x500: {  	v37 =	vld [tilespmem:s14+$0x10];
	_ =	sdelay $0x4  }
0x501: {  	v43 =	vshrl.u32 v37, $0x3  }
0x502: {  	v38 =	vmul.u32 $0x7D0, v43  }
0x503: {  	v37 =	vand.u32 $0x7, v37  }
0x504: {  	v37 =	vor.u32 v37, v38  }
0x505: {  	v38 =	vperm.xlane v37, v6;
	_ =	sdelay $0x1  }
0x506: {  	v44 =	vperm.xlane v37, v8;
	v38 =	vadd.s32 v7, v38;
	_ =	sdelay $0x1  }
0x507: {  	v45 =	vperm.xlane v37, v9;
	v39 =	vadd.s32 v7, v44;
	_ =	sdelay $0x1  }
0x508: {  	s21 =	simm.s32 $0xC880;
	v46 =	vperm.xlane v37, v4;
	v40 =	vadd.s32 v7, v45  }
0x509: {  	[tilespmem:s21], [sflag:$0x2] =	stream.indirect_vreg.gather [hbm4b:s20+s4], $0x80, v38, vm0, $0xb8;
	[tilespmem:$0x12200] =	vst v63  }
0x50a: {  	s3 =	simm.s32 $0xC900;
	v48 =	vperm.xlane v37, v10;
	v47 =	vadd.s32 v7, v46  }
0x50b: {  	[tilespmem:s3], [sflag:$0x2] =	stream.indirect_vreg.gather [hbm4b:s20+s4], $0x80, v39, vm0, $0xb8;
	[tilespmem:$0x12200] =	vst v63  }
0x50c: {  	v50 =	vperm.xlane v37, v22;
	v49 =	vadd.s32 v7, v48;
	s21 =	simm.s32 $0xC980  }
0x50d: {  	[tilespmem:s21], [sflag:$0x2] =	stream.indirect_vreg.gather [hbm4b:s20+s4], $0x80, v40, vm0, $0xb8;
	[tilespmem:$0x12200] =	vst v63  }
0x50e: {  	v52 =	vperm.xlane v37, v24;
	v51 =	vadd.s32 v7, v50;
	s3 =	simm.s32 $0xCA00  }
0x50f: {  	[tilespmem:s3], [sflag:$0x2] =	stream.indirect_vreg.gather [hbm4b:s20+s4], $0x80, v47, vm0, $0xb8;
	[tilespmem:$0x12200] =	vst v63  }
0x510: {  	v54 =	vperm.xlane v37, v5;
	v53 =	vadd.s32 v7, v52;
	s21 =	simm.s32 $0xCA80  }
0x511: {  	[tilespmem:s21], [sflag:$0x2] =	stream.indirect_vreg.gather [hbm4b:s20+s4], $0x80, v49, vm0, $0xb8;
	[tilespmem:$0x12200] =	vst v63  }
0x512: {  	v56 =	vperm.xlane v37, v26;
	v55 =	vadd.s32 v7, v54;
	s3 =	simm.s32 $0xCB00  }
0x513: {  	[tilespmem:s3], [sflag:$0x2] =	stream.indirect_vreg.gather [hbm4b:s20+s4], $0x80, v51, vm0, $0xb8;
	[tilespmem:$0x12200] =	vst v63  }
0x514: {  	v58 =	vperm.xlane v37, v11;
	v57 =	vadd.s32 v7, v56;
	s21 =	simm.s32 $0xCB80  }
0x515: {  	[tilespmem:s21], [sflag:$0x2] =	stream.indirect_vreg.gather [hbm4b:s20+s4], $0x80, v53, vm0, $0xb8;
	[tilespmem:$0x12200] =	vst v63  }
0x516: {  	v60 =	vperm.xlane v37, v12;
	v59 =	vadd.s32 v7, v58;
	s3 =	simm.s32 $0xCC00  }
0x517: {  	[tilespmem:s3], [sflag:$0x2] =	stream.indirect_vreg.gather [hbm4b:s20+s4], $0x80, v55, vm0, $0xb8;
	[tilespmem:$0x12200] =	vst v63  }
0x518: {  	v62 =	vperm.xlane v37, v13;
	v61 =	vadd.s32 v7, v60;
	s21 =	simm.s32 $0xCC80  }
0x519: {  	[tilespmem:s21], [sflag:$0x2] =	stream.indirect_vreg.gather [hbm4b:s20+s4], $0x80, v57, vm0, $0xb8;
	[tilespmem:$0x12200] =	vst v63  }
0x51a: {  	v63 =	vadd.s32 v7, v62;
	v44 =	vperm.xlane v37, v14;
	s3 =	simm.s32 $0xCD00  }
0x51b: {  	[tilespmem:s3], [sflag:$0x2] =	stream.indirect_vreg.gather [hbm4b:s20+s4], $0x80, v59, vm0, $0xb8;
	[tilespmem:$0x12200] =	vst v63  }
0x51c: {  	v46 =	vperm.xlane v37, v16;
	v45 =	vadd.s32 v7, v44;
	s21 =	simm.s32 $0xCD80  }
0x51d: {  	[tilespmem:s21], [sflag:$0x2] =	stream.indirect_vreg.gather [hbm4b:s20+s4], $0x80, v61, vm0, $0xb8;
	[tilespmem:$0x12200] =	vst v63  }
0x51e: {  	v48 =	vperm.xlane v37, v17;
	v47 =	vadd.s32 v7, v46;
	s3 =	simm.s32 $0xCE00  }
0x51f: {  	[tilespmem:s3], [sflag:$0x2] =	stream.indirect_vreg.gather [hbm4b:s20+s4], $0x80, v63, vm0, $0xb8;
	[tilespmem:$0x12200] =	vst v63  }
0x520: {  	v37 =	vperm.xlane v37, v18;
	v49 =	vadd.s32 v7, v48;
	s21 =	simm.s32 $0xCE80  }
0x521: {  	[tilespmem:s21], [sflag:$0x2] =	stream.indirect_vreg.gather [hbm4b:s20+s4], $0x80, v45, vm0, $0xb8;
	[tilespmem:$0x12200] =	vst v63  }
0x522: {  	v37 =	vadd.s32 v7, v37;
	s3 =	simm.s32 $0xCF00  }
0x523: {  	[tilespmem:s3], [sflag:$0x2] =	stream.indirect_vreg.gather [hbm4b:s20+s4], $0x80, v47, vm0, $0xb8;
	[tilespmem:$0x12200] =	vst v63  }
0x524: {  	s21 =	simm.s32 $0xCF80  }
0x525: {  	[tilespmem:s21], [sflag:$0x2] =	stream.indirect_vreg.gather [hbm4b:s20+s4], $0x80, v49, vm0, $0xb8;
	[tilespmem:$0x12200] =	vst v63  }
0x526: {  	(v2sf) =	vpush v36, $0xD;
	s3 =	simm.s32 $0xD000  }
0x527: {  	[tilespmem:s3], [sflag:$0x2] =	stream.indirect_vreg.gather [hbm4b:s20+s4], $0x80, v37, vm0, $0xb8;
	[tilespmem:$0x12200] =	vst v63  }
0x528: {  	v37 =	vld [tilespmem:s14+$0x80];
	_ =	sdelay $0x4  }
0x529: {  	v50 =	vshrl.u32 v37, $0x3  }
0x52a: {  	v38 =	vmul.u32 $0x7D0, v50  }
0x52b: {  	v37 =	vand.u32 $0x7, v37  }
0x52c: {  	v37 =	vor.u32 v37, v38  }
0x52d: {  	v38 =	vperm.xlane v37, v6;
	_ =	sdelay $0x1  }
0x52e: {  	v51 =	vperm.xlane v37, v8;
	v38 =	vadd.s32 v7, v38;
	_ =	sdelay $0x1  }
0x52f: {  	s20 =	spop (v2sf);
	v52 =	vperm.xlane v37, v9;
	v39 =	vadd.s32 v7, v51  }
0x530: {  	s21 =	sand.u32 $0xFFFFF80, s20  }
0x531: {  	s3 =	simm.s32 $0xD080;
	s21 =	sadd.s32 s1, s21;
	v53 =	vperm.xlane v37, v4;
	v40 =	vadd.s32 v7, v52  }
0x532: {  	[tilespmem:s3], [sflag:$0x2] =	stream.indirect_vreg.gather [hbm4b:s21+s4], $0x80, v38, vm0, $0xb8;
	[tilespmem:$0x12200] =	vst v63  }
0x533: {  	v55 =	vperm.xlane v37, v10;
	v54 =	vadd.s32 v7, v53;
	s3 =	simm.s32 $0xD100  }
0x534: {  	[tilespmem:s3], [sflag:$0x2] =	stream.indirect_vreg.gather [hbm4b:s21+s4], $0x80, v39, vm0, $0xb8;
	[tilespmem:$0x12200] =	vst v63  }
0x535: {  	v57 =	vperm.xlane v37, v22;
	v56 =	vadd.s32 v7, v55;
	s3 =	simm.s32 $0xD180  }
0x536: {  	[tilespmem:s3], [sflag:$0x2] =	stream.indirect_vreg.gather [hbm4b:s21+s4], $0x80, v40, vm0, $0xb8;
	[tilespmem:$0x12200] =	vst v63  }
0x537: {  	v59 =	vperm.xlane v37, v24;
	v58 =	vadd.s32 v7, v57;
	s3 =	simm.s32 $0xD200  }
0x538: {  	[tilespmem:s3], [sflag:$0x2] =	stream.indirect_vreg.gather [hbm4b:s21+s4], $0x80, v54, vm0, $0xb8;
	[tilespmem:$0x12200] =	vst v63  }
0x539: {  	v61 =	vperm.xlane v37, v5;
	v60 =	vadd.s32 v7, v59;
	s3 =	simm.s32 $0xD280  }
0x53a: {  	[tilespmem:s3], [sflag:$0x2] =	stream.indirect_vreg.gather [hbm4b:s21+s4], $0x80, v56, vm0, $0xb8;
	[tilespmem:$0x12200] =	vst v63  }
0x53b: {  	v63 =	vperm.xlane v37, v26;
	v62 =	vadd.s32 v7, v61;
	s3 =	simm.s32 $0xD300  }
0x53c: {  	[tilespmem:s3], [sflag:$0x2] =	stream.indirect_vreg.gather [hbm4b:s21+s4], $0x80, v58, vm0, $0xb8;
	[tilespmem:$0x12200] =	vst v63  }
0x53d: {  	v45 =	vperm.xlane v37, v11;
	v44 =	vadd.s32 v7, v63;
	s3 =	simm.s32 $0xD380  }
0x53e: {  	[tilespmem:s3], [sflag:$0x2] =	stream.indirect_vreg.gather [hbm4b:s21+s4], $0x80, v60, vm0, $0xb8;
	[tilespmem:$0x12200] =	vst v63  }
0x53f: {  	v47 =	vperm.xlane v37, v12;
	v46 =	vadd.s32 v7, v45;
	s3 =	simm.s32 $0xD400  }
0x540: {  	[tilespmem:s3], [sflag:$0x2] =	stream.indirect_vreg.gather [hbm4b:s21+s4], $0x80, v62, vm0, $0xb8;
	[tilespmem:$0x12200] =	vst v63  }
0x541: {  	v49 =	vperm.xlane v37, v13;
	v48 =	vadd.s32 v7, v47;
	s3 =	simm.s32 $0xD480  }
0x542: {  	[tilespmem:s3], [sflag:$0x2] =	stream.indirect_vreg.gather [hbm4b:s21+s4], $0x80, v44, vm0, $0xb8;
	[tilespmem:$0x12200] =	vst v63  }
0x543: {  	v50 =	vadd.s32 v7, v49;
	v51 =	vperm.xlane v37, v14;
	s3 =	simm.s32 $0xD500  }
0x544: {  	[tilespmem:s3], [sflag:$0x2] =	stream.indirect_vreg.gather [hbm4b:s21+s4], $0x80, v46, vm0, $0xb8;
	[tilespmem:$0x12200] =	vst v63  }
0x545: {  	v53 =	vperm.xlane v37, v16;
	v52 =	vadd.s32 v7, v51;
	s3 =	simm.s32 $0xD580  }
0x546: {  	[tilespmem:s3], [sflag:$0x2] =	stream.indirect_vreg.gather [hbm4b:s21+s4], $0x80, v48, vm0, $0xb8;
	[tilespmem:$0x12200] =	vst v63  }
0x547: {  	v55 =	vperm.xlane v37, v17;
	v54 =	vadd.s32 v7, v53;
	s3 =	simm.s32 $0xD600  }
0x548: {  	[tilespmem:s3], [sflag:$0x2] =	stream.indirect_vreg.gather [hbm4b:s21+s4], $0x80, v50, vm0, $0xb8;
	[tilespmem:$0x12200] =	vst v63  }
0x549: {  	v37 =	vperm.xlane v37, v18;
	v56 =	vadd.s32 v7, v55;
	s3 =	simm.s32 $0xD680  }
0x54a: {  	[tilespmem:s3], [sflag:$0x2] =	stream.indirect_vreg.gather [hbm4b:s21+s4], $0x80, v52, vm0, $0xb8;
	[tilespmem:$0x12200] =	vst v63  }
0x54b: {  	v37 =	vadd.s32 v7, v37;
	s3 =	simm.s32 $0xD700  }
0x54c: {  	[tilespmem:s3], [sflag:$0x2] =	stream.indirect_vreg.gather [hbm4b:s21+s4], $0x80, v54, vm0, $0xb8;
	[tilespmem:$0x12200] =	vst v63  }
0x54d: {  	s3 =	simm.s32 $0xD780  }
0x54e: {  	[tilespmem:s3], [sflag:$0x2] =	stream.indirect_vreg.gather [hbm4b:s21+s4], $0x80, v56, vm0, $0xb8;
	[tilespmem:$0x12200] =	vst v63  }
0x54f: {  	s3 =	simm.s32 $0xD800  }
0x550: {  	[tilespmem:s3], [sflag:$0x2] =	stream.indirect_vreg.gather [hbm4b:s21+s4], $0x80, v37, vm0, $0xb8;
	[tilespmem:$0x12200] =	vst v63  }
0x551: {  	v37 =	vld [tilespmem:s14+$0x90];
	_ =	sdelay $0x4  }
0x552: {  	v57 =	vshrl.u32 v37, $0x3  }
0x553: {  	v38 =	vmul.u32 $0x7D0, v57  }
0x554: {  	v37 =	vand.u32 $0x7, v37  }
0x555: {  	v37 =	vor.u32 v37, v38  }
0x556: {  	v38 =	vperm.xlane v37, v6;
	_ =	sdelay $0x1  }
0x557: {  	v58 =	vperm.xlane v37, v8;
	v38 =	vadd.s32 v7, v38;
	_ =	sdelay $0x1  }
0x558: {  	v59 =	vperm.xlane v37, v9;
	v39 =	vadd.s32 v7, v58;
	_ =	sdelay $0x1  }
0x559: {  	s3 =	simm.s32 $0xD880;
	v60 =	vperm.xlane v37, v4;
	v40 =	vadd.s32 v7, v59  }
0x55a: {  	[tilespmem:s3], [sflag:$0x2] =	stream.indirect_vreg.gather [hbm4b:s21+s4], $0x80, v38, vm0, $0xb8;
	[tilespmem:$0x12200] =	vst v63  }
0x55b: {  	v62 =	vperm.xlane v37, v10;
	v61 =	vadd.s32 v7, v60;
	s3 =	simm.s32 $0xD900  }
0x55c: {  	[tilespmem:s3], [sflag:$0x2] =	stream.indirect_vreg.gather [hbm4b:s21+s4], $0x80, v39, vm0, $0xb8;
	[tilespmem:$0x12200] =	vst v63  }
0x55d: {  	v44 =	vperm.xlane v37, v22;
	v63 =	vadd.s32 v7, v62;
	s3 =	simm.s32 $0xD980  }
0x55e: {  	[tilespmem:s3], [sflag:$0x2] =	stream.indirect_vreg.gather [hbm4b:s21+s4], $0x80, v40, vm0, $0xb8;
	[tilespmem:$0x12200] =	vst v63  }
0x55f: {  	v46 =	vperm.xlane v37, v24;
	v45 =	vadd.s32 v7, v44;
	s3 =	simm.s32 $0xDA00  }
0x560: {  	[tilespmem:s3], [sflag:$0x2] =	stream.indirect_vreg.gather [hbm4b:s21+s4], $0x80, v61, vm0, $0xb8;
	[tilespmem:$0x12200] =	vst v63  }
0x561: {  	v48 =	vperm.xlane v37, v5;
	v47 =	vadd.s32 v7, v46;
	s3 =	simm.s32 $0xDA80  }
0x562: {  	[tilespmem:s3], [sflag:$0x2] =	stream.indirect_vreg.gather [hbm4b:s21+s4], $0x80, v63, vm0, $0xb8;
	[tilespmem:$0x12200] =	vst v63  }
0x563: {  	v50 =	vperm.xlane v37, v26;
	v49 =	vadd.s32 v7, v48;
	s3 =	simm.s32 $0xDB00  }
0x564: {  	[tilespmem:s3], [sflag:$0x2] =	stream.indirect_vreg.gather [hbm4b:s21+s4], $0x80, v45, vm0, $0xb8;
	[tilespmem:$0x12200] =	vst v63  }
0x565: {  	v52 =	vperm.xlane v37, v11;
	v51 =	vadd.s32 v7, v50;
	s3 =	simm.s32 $0xDB80  }
0x566: {  	[tilespmem:s3], [sflag:$0x2] =	stream.indirect_vreg.gather [hbm4b:s21+s4], $0x80, v47, vm0, $0xb8;
	[tilespmem:$0x12200] =	vst v63  }
0x567: {  	v54 =	vperm.xlane v37, v12;
	v53 =	vadd.s32 v7, v52;
	s3 =	simm.s32 $0xDC00  }
0x568: {  	[tilespmem:s3], [sflag:$0x2] =	stream.indirect_vreg.gather [hbm4b:s21+s4], $0x80, v49, vm0, $0xb8;
	[tilespmem:$0x12200] =	vst v63  }
0x569: {  	v56 =	vperm.xlane v37, v13;
	v55 =	vadd.s32 v7, v54;
	s3 =	simm.s32 $0xDC80  }
0x56a: {  	[tilespmem:s3], [sflag:$0x2] =	stream.indirect_vreg.gather [hbm4b:s21+s4], $0x80, v51, vm0, $0xb8;
	[tilespmem:$0x12200] =	vst v63  }
0x56b: {  	v57 =	vadd.s32 v7, v56;
	v58 =	vperm.xlane v37, v14;
	s3 =	simm.s32 $0xDD00  }
0x56c: {  	[tilespmem:s3], [sflag:$0x2] =	stream.indirect_vreg.gather [hbm4b:s21+s4], $0x80, v53, vm0, $0xb8;
	[tilespmem:$0x12200] =	vst v63  }
0x56d: {  	v60 =	vperm.xlane v37, v16;
	v59 =	vadd.s32 v7, v58;
	s3 =	simm.s32 $0xDD80  }
0x56e: {  	[tilespmem:s3], [sflag:$0x2] =	stream.indirect_vreg.gather [hbm4b:s21+s4], $0x80, v55, vm0, $0xb8;
	[tilespmem:$0x12200] =	vst v63  }
0x56f: {  	v62 =	vperm.xlane v37, v17;
	v61 =	vadd.s32 v7, v60;
	s3 =	simm.s32 $0xDE00  }
0x570: {  	[tilespmem:s3], [sflag:$0x2] =	stream.indirect_vreg.gather [hbm4b:s21+s4], $0x80, v57, vm0, $0xb8;
	[tilespmem:$0x12200] =	vst v63  }
0x571: {  	v37 =	vperm.xlane v37, v18;
	v63 =	vadd.s32 v7, v62;
	s3 =	simm.s32 $0xDE80  }
0x572: {  	[tilespmem:s3], [sflag:$0x2] =	stream.indirect_vreg.gather [hbm4b:s21+s4], $0x80, v59, vm0, $0xb8;
	[tilespmem:$0x12200] =	vst v63  }
0x573: {  	v37 =	vadd.s32 v7, v37;
	s3 =	simm.s32 $0xDF00  }
0x574: {  	[tilespmem:s3], [sflag:$0x2] =	stream.indirect_vreg.gather [hbm4b:s21+s4], $0x80, v61, vm0, $0xb8;
	[tilespmem:$0x12200] =	vst v63  }
0x575: {  	s3 =	simm.s32 $0xDF80  }
0x576: {  	[tilespmem:s3], [sflag:$0x2] =	stream.indirect_vreg.gather [hbm4b:s21+s4], $0x80, v63, vm0, $0xb8;
	[tilespmem:$0x12200] =	vst v63  }
0x577: {  	(v2sf) =	vpush v36, $0xE;
	s3 =	simm.s32 $0xE000  }
0x578: {  	[tilespmem:s3], [sflag:$0x2] =	stream.indirect_vreg.gather [hbm4b:s21+s4], $0x80, v37, vm0, $0xb8;
	[tilespmem:$0x12200] =	vst v63  }
0x579: {  	v37 =	vld [tilespmem:s14+$0x100];
	_ =	sdelay $0x4  }
0x57a: {  	v44 =	vshrl.u32 v37, $0x3  }
0x57b: {  	v38 =	vmul.u32 $0x7D0, v44  }
0x57c: {  	v37 =	vand.u32 $0x7, v37  }
0x57d: {  	v37 =	vor.u32 v37, v38  }
0x57e: {  	v38 =	vperm.xlane v37, v6;
	_ =	sdelay $0x1  }
0x57f: {  	v45 =	vperm.xlane v37, v8;
	v38 =	vadd.s32 v7, v38;
	_ =	sdelay $0x1  }
0x580: {  	s21 =	spop (v2sf);
	v46 =	vperm.xlane v37, v9;
	v39 =	vadd.s32 v7, v45  }
0x581: {  	s3 =	sand.u32 $0xFFFFF80, s21  }
0x582: {  	s31 =	sadd.s32 s1, s3;
	s3 =	simm.s32 $0xE080;
	v47 =	vperm.xlane v37, v4;
	v40 =	vadd.s32 v7, v46  }
0x583: {  	[tilespmem:s3], [sflag:$0x2] =	stream.indirect_vreg.gather [hbm4b:s31+s4], $0x80, v38, vm0, $0xb8;
	[tilespmem:$0x12200] =	vst v63  }
0x584: {  	v49 =	vperm.xlane v37, v10;
	v48 =	vadd.s32 v7, v47;
	s3 =	simm.s32 $0xE100  }
0x585: {  	[tilespmem:s3], [sflag:$0x2] =	stream.indirect_vreg.gather [hbm4b:s31+s4], $0x80, v39, vm0, $0xb8;
	[tilespmem:$0x12200] =	vst v63  }
0x586: {  	v51 =	vperm.xlane v37, v22;
	v50 =	vadd.s32 v7, v49;
	s3 =	simm.s32 $0xE180  }
0x587: {  	[tilespmem:s3], [sflag:$0x2] =	stream.indirect_vreg.gather [hbm4b:s31+s4], $0x80, v40, vm0, $0xb8;
	[tilespmem:$0x12200] =	vst v63  }
0x588: {  	v53 =	vperm.xlane v37, v24;
	v52 =	vadd.s32 v7, v51;
	s3 =	simm.s32 $0xE200  }
0x589: {  	[tilespmem:s3], [sflag:$0x2] =	stream.indirect_vreg.gather [hbm4b:s31+s4], $0x80, v48, vm0, $0xb8;
	[tilespmem:$0x12200] =	vst v63  }
0x58a: {  	v55 =	vperm.xlane v37, v5;
	v54 =	vadd.s32 v7, v53;
	s3 =	simm.s32 $0xE280  }
0x58b: {  	[tilespmem:s3], [sflag:$0x2] =	stream.indirect_vreg.gather [hbm4b:s31+s4], $0x80, v50, vm0, $0xb8;
	[tilespmem:$0x12200] =	vst v63  }
0x58c: {  	v57 =	vperm.xlane v37, v26;
	v56 =	vadd.s32 v7, v55;
	s3 =	simm.s32 $0xE300  }
0x58d: {  	[tilespmem:s3], [sflag:$0x2] =	stream.indirect_vreg.gather [hbm4b:s31+s4], $0x80, v52, vm0, $0xb8;
	[tilespmem:$0x12200] =	vst v63  }
0x58e: {  	v59 =	vperm.xlane v37, v11;
	v58 =	vadd.s32 v7, v57;
	s3 =	simm.s32 $0xE380  }
0x58f: {  	[tilespmem:s3], [sflag:$0x2] =	stream.indirect_vreg.gather [hbm4b:s31+s4], $0x80, v54, vm0, $0xb8;
	[tilespmem:$0x12200] =	vst v63  }
0x590: {  	v61 =	vperm.xlane v37, v12;
	v60 =	vadd.s32 v7, v59;
	s3 =	simm.s32 $0xE400  }
0x591: {  	[tilespmem:s3], [sflag:$0x2] =	stream.indirect_vreg.gather [hbm4b:s31+s4], $0x80, v56, vm0, $0xb8;
	[tilespmem:$0x12200] =	vst v63  }
0x592: {  	v63 =	vperm.xlane v37, v13;
	v62 =	vadd.s32 v7, v61;
	s3 =	simm.s32 $0xE480  }
0x593: {  	[tilespmem:s3], [sflag:$0x2] =	stream.indirect_vreg.gather [hbm4b:s31+s4], $0x80, v58, vm0, $0xb8;
	[tilespmem:$0x12200] =	vst v63  }
0x594: {  	v44 =	vadd.s32 v7, v63;
	v45 =	vperm.xlane v37, v14;
	s3 =	simm.s32 $0xE500  }
0x595: {  	[tilespmem:s3], [sflag:$0x2] =	stream.indirect_vreg.gather [hbm4b:s31+s4], $0x80, v60, vm0, $0xb8;
	[tilespmem:$0x12200] =	vst v63  }
0x596: {  	v47 =	vperm.xlane v37, v16;
	v46 =	vadd.s32 v7, v45;
	s3 =	simm.s32 $0xE580  }
0x597: {  	[tilespmem:s3], [sflag:$0x2] =	stream.indirect_vreg.gather [hbm4b:s31+s4], $0x80, v62, vm0, $0xb8;
	[tilespmem:$0x12200] =	vst v63  }
0x598: {  	v49 =	vperm.xlane v37, v17;
	v48 =	vadd.s32 v7, v47;
	s3 =	simm.s32 $0xE600  }
0x599: {  	[tilespmem:s3], [sflag:$0x2] =	stream.indirect_vreg.gather [hbm4b:s31+s4], $0x80, v44, vm0, $0xb8;
	[tilespmem:$0x12200] =	vst v63  }
0x59a: {  	v37 =	vperm.xlane v37, v18;
	v50 =	vadd.s32 v7, v49;
	s3 =	simm.s32 $0xE680  }
0x59b: {  	[tilespmem:s3], [sflag:$0x2] =	stream.indirect_vreg.gather [hbm4b:s31+s4], $0x80, v46, vm0, $0xb8;
	[tilespmem:$0x12200] =	vst v63  }
0x59c: {  	v37 =	vadd.s32 v7, v37;
	s3 =	simm.s32 $0xE700  }
0x59d: {  	[tilespmem:s3], [sflag:$0x2] =	stream.indirect_vreg.gather [hbm4b:s31+s4], $0x80, v48, vm0, $0xb8;
	[tilespmem:$0x12200] =	vst v63  }
0x59e: {  	s3 =	simm.s32 $0xE780  }
0x59f: {  	[tilespmem:s3], [sflag:$0x2] =	stream.indirect_vreg.gather [hbm4b:s31+s4], $0x80, v50, vm0, $0xb8;
	[tilespmem:$0x12200] =	vst v63  }
0x5a0: {  	s3 =	simm.s32 $0xE800  }
0x5a1: {  	[tilespmem:s3], [sflag:$0x2] =	stream.indirect_vreg.gather [hbm4b:s31+s4], $0x80, v37, vm0, $0xb8;
	[tilespmem:$0x12200] =	vst v63  }
0x5a2: {  	v37 =	vld [tilespmem:s14+$0x110];
	_ =	sdelay $0x4  }
0x5a3: {  	v51 =	vshrl.u32 v37, $0x3  }
0x5a4: {  	v38 =	vmul.u32 $0x7D0, v51  }
0x5a5: {  	v37 =	vand.u32 $0x7, v37  }
0x5a6: {  	v37 =	vor.u32 v37, v38  }
0x5a7: {  	v38 =	vperm.xlane v37, v6;
	_ =	sdelay $0x1  }
0x5a8: {  	v52 =	vperm.xlane v37, v8;
	v38 =	vadd.s32 v7, v38;
	_ =	sdelay $0x1  }
0x5a9: {  	v53 =	vperm.xlane v37, v9;
	v39 =	vadd.s32 v7, v52;
	_ =	sdelay $0x1  }
0x5aa: {  	s3 =	simm.s32 $0xE880;
	v54 =	vperm.xlane v37, v4;
	v40 =	vadd.s32 v7, v53  }
0x5ab: {  	[tilespmem:s3], [sflag:$0x2] =	stream.indirect_vreg.gather [hbm4b:s31+s4], $0x80, v38, vm0, $0xb8;
	[tilespmem:$0x12200] =	vst v63  }
0x5ac: {  	v56 =	vperm.xlane v37, v10;
	v55 =	vadd.s32 v7, v54;
	s3 =	simm.s32 $0xE900  }
0x5ad: {  	[tilespmem:s3], [sflag:$0x2] =	stream.indirect_vreg.gather [hbm4b:s31+s4], $0x80, v39, vm0, $0xb8;
	[tilespmem:$0x12200] =	vst v63  }
0x5ae: {  	v58 =	vperm.xlane v37, v22;
	v57 =	vadd.s32 v7, v56;
	s3 =	simm.s32 $0xE980  }
0x5af: {  	[tilespmem:s3], [sflag:$0x2] =	stream.indirect_vreg.gather [hbm4b:s31+s4], $0x80, v40, vm0, $0xb8;
	[tilespmem:$0x12200] =	vst v63  }
0x5b0: {  	v60 =	vperm.xlane v37, v24;
	v59 =	vadd.s32 v7, v58;
	s3 =	simm.s32 $0xEA00  }
0x5b1: {  	[tilespmem:s3], [sflag:$0x2] =	stream.indirect_vreg.gather [hbm4b:s31+s4], $0x80, v55, vm0, $0xb8;
	[tilespmem:$0x12200] =	vst v63  }
0x5b2: {  	v62 =	vperm.xlane v37, v5;
	v61 =	vadd.s32 v7, v60;
	s3 =	simm.s32 $0xEA80  }
0x5b3: {  	[tilespmem:s3], [sflag:$0x2] =	stream.indirect_vreg.gather [hbm4b:s31+s4], $0x80, v57, vm0, $0xb8;
	[tilespmem:$0x12200] =	vst v63  }
0x5b4: {  	v44 =	vperm.xlane v37, v26;
	v63 =	vadd.s32 v7, v62;
	s3 =	simm.s32 $0xEB00  }
0x5b5: {  	[tilespmem:s3], [sflag:$0x2] =	stream.indirect_vreg.gather [hbm4b:s31+s4], $0x80, v59, vm0, $0xb8;
	[tilespmem:$0x12200] =	vst v63  }
0x5b6: {  	v46 =	vperm.xlane v37, v11;
	v45 =	vadd.s32 v7, v44;
	s3 =	simm.s32 $0xEB80  }
0x5b7: {  	[tilespmem:s3], [sflag:$0x2] =	stream.indirect_vreg.gather [hbm4b:s31+s4], $0x80, v61, vm0, $0xb8;
	[tilespmem:$0x12200] =	vst v63  }
0x5b8: {  	v48 =	vperm.xlane v37, v12;
	v47 =	vadd.s32 v7, v46;
	s3 =	simm.s32 $0xEC00  }
0x5b9: {  	[tilespmem:s3], [sflag:$0x2] =	stream.indirect_vreg.gather [hbm4b:s31+s4], $0x80, v63, vm0, $0xb8;
	[tilespmem:$0x12200] =	vst v63  }
0x5ba: {  	v50 =	vperm.xlane v37, v13;
	v49 =	vadd.s32 v7, v48;
	s3 =	simm.s32 $0xEC80  }
0x5bb: {  	[tilespmem:s3], [sflag:$0x2] =	stream.indirect_vreg.gather [hbm4b:s31+s4], $0x80, v45, vm0, $0xb8;
	[tilespmem:$0x12200] =	vst v63  }
0x5bc: {  	v51 =	vadd.s32 v7, v50;
	v52 =	vperm.xlane v37, v14;
	s3 =	simm.s32 $0xED00  }
0x5bd: {  	[tilespmem:s3], [sflag:$0x2] =	stream.indirect_vreg.gather [hbm4b:s31+s4], $0x80, v47, vm0, $0xb8;
	[tilespmem:$0x12200] =	vst v63  }
0x5be: {  	v54 =	vperm.xlane v37, v16;
	v53 =	vadd.s32 v7, v52;
	s3 =	simm.s32 $0xED80  }
0x5bf: {  	[tilespmem:s3], [sflag:$0x2] =	stream.indirect_vreg.gather [hbm4b:s31+s4], $0x80, v49, vm0, $0xb8;
	[tilespmem:$0x12200] =	vst v63  }
0x5c0: {  	v56 =	vperm.xlane v37, v17;
	v55 =	vadd.s32 v7, v54;
	s3 =	simm.s32 $0xEE00  }
0x5c1: {  	[tilespmem:s3], [sflag:$0x2] =	stream.indirect_vreg.gather [hbm4b:s31+s4], $0x80, v51, vm0, $0xb8;
	[tilespmem:$0x12200] =	vst v63  }
0x5c2: {  	v37 =	vperm.xlane v37, v18;
	v57 =	vadd.s32 v7, v56;
	s3 =	simm.s32 $0xEE80  }
0x5c3: {  	[tilespmem:s3], [sflag:$0x2] =	stream.indirect_vreg.gather [hbm4b:s31+s4], $0x80, v53, vm0, $0xb8;
	[tilespmem:$0x12200] =	vst v63  }
0x5c4: {  	v37 =	vadd.s32 v7, v37;
	s3 =	simm.s32 $0xEF00  }
0x5c5: {  	[tilespmem:s3], [sflag:$0x2] =	stream.indirect_vreg.gather [hbm4b:s31+s4], $0x80, v55, vm0, $0xb8;
	[tilespmem:$0x12200] =	vst v63  }
0x5c6: {  	s3 =	simm.s32 $0xEF80  }
0x5c7: {  	[tilespmem:s3], [sflag:$0x2] =	stream.indirect_vreg.gather [hbm4b:s31+s4], $0x80, v57, vm0, $0xb8;
	[tilespmem:$0x12200] =	vst v63  }
0x5c8: {  	(v2sf) =	vpush v36, $0xF;
	s3 =	simm.s32 $0xF000  }
0x5c9: {  	[tilespmem:s3], [sflag:$0x2] =	stream.indirect_vreg.gather [hbm4b:s31+s4], $0x80, v37, vm0, $0xb8;
	[tilespmem:$0x12200] =	vst v63  }
0x5ca: {  	v37 =	vld [tilespmem:s14+$0x180];
	_ =	sdelay $0x4  }
0x5cb: {  	v58 =	vshrl.u32 v37, $0x3  }
0x5cc: {  	v38 =	vmul.u32 $0x7D0, v58  }
0x5cd: {  	v37 =	vand.u32 $0x7, v37  }
0x5ce: {  	v37 =	vor.u32 v37, v38  }
0x5cf: {  	v38 =	vperm.xlane v37, v6;
	_ =	sdelay $0x1  }
0x5d0: {  	v59 =	vperm.xlane v37, v8;
	v38 =	vadd.s32 v7, v38;
	_ =	sdelay $0x1  }
0x5d1: {  	s31 =	spop (v2sf);
	v60 =	vperm.xlane v37, v9;
	v39 =	vadd.s32 v7, v59  }
0x5d2: {  	s3 =	sand.u32 $0xFFFFF80, s31  }
0x5d3: {  	s2 =	sadd.s32 s1, s3;
	s3 =	simm.s32 $0xF080;
	v61 =	vperm.xlane v37, v4;
	v40 =	vadd.s32 v7, v60  }
0x5d4: {  	[tilespmem:s3], [sflag:$0x2] =	stream.indirect_vreg.gather [hbm4b:s2+s4], $0x80, v38, vm0, $0xb8;
	[tilespmem:$0x12200] =	vst v63  }
0x5d5: {  	v63 =	vperm.xlane v37, v10;
	v62 =	vadd.s32 v7, v61;
	s3 =	simm.s32 $0xF100  }
0x5d6: {  	[tilespmem:s3], [sflag:$0x2] =	stream.indirect_vreg.gather [hbm4b:s2+s4], $0x80, v39, vm0, $0xb8;
	[tilespmem:$0x12200] =	vst v63  }
0x5d7: {  	v45 =	vperm.xlane v37, v22;
	v44 =	vadd.s32 v7, v63;
	s3 =	simm.s32 $0xF180  }
0x5d8: {  	[tilespmem:s3], [sflag:$0x2] =	stream.indirect_vreg.gather [hbm4b:s2+s4], $0x80, v40, vm0, $0xb8;
	[tilespmem:$0x12200] =	vst v63  }
0x5d9: {  	v47 =	vperm.xlane v37, v24;
	v46 =	vadd.s32 v7, v45;
	s3 =	simm.s32 $0xF200  }
0x5da: {  	[tilespmem:s3], [sflag:$0x2] =	stream.indirect_vreg.gather [hbm4b:s2+s4], $0x80, v62, vm0, $0xb8;
	[tilespmem:$0x12200] =	vst v63  }
0x5db: {  	v49 =	vperm.xlane v37, v5;
	v48 =	vadd.s32 v7, v47;
	s3 =	simm.s32 $0xF280  }
0x5dc: {  	[tilespmem:s3], [sflag:$0x2] =	stream.indirect_vreg.gather [hbm4b:s2+s4], $0x80, v44, vm0, $0xb8;
	[tilespmem:$0x12200] =	vst v63  }
0x5dd: {  	v51 =	vperm.xlane v37, v26;
	v50 =	vadd.s32 v7, v49;
	s3 =	simm.s32 $0xF300  }
0x5de: {  	[tilespmem:s3], [sflag:$0x2] =	stream.indirect_vreg.gather [hbm4b:s2+s4], $0x80, v46, vm0, $0xb8;
	[tilespmem:$0x12200] =	vst v63  }
0x5df: {  	v53 =	vperm.xlane v37, v11;
	v52 =	vadd.s32 v7, v51  }
0x5e0: {  	[tilespmem:s25], [sflag:$0x2] =	stream.indirect_vreg.gather [hbm4b:s2+s4], $0x80, v48, vm0, $0xb8;
	[tilespmem:$0x12200] =	vst v63  }
0x5e1: {  	v55 =	vperm.xlane v37, v12;
	v54 =	vadd.s32 v7, v53  }
0x5e2: {  	[tilespmem:s26], [sflag:$0x2] =	stream.indirect_vreg.gather [hbm4b:s2+s4], $0x80, v50, vm0, $0xb8;
	[tilespmem:$0x12200] =	vst v63  }
0x5e3: {  	v57 =	vperm.xlane v37, v13;
	v56 =	vadd.s32 v7, v55  }
0x5e4: {  	[tilespmem:s28], [sflag:$0x2] =	stream.indirect_vreg.gather [hbm4b:s2+s4], $0x80, v52, vm0, $0xb8;
	[tilespmem:$0x12200] =	vst v63  }
0x5e5: {  	v58 =	vadd.s32 v7, v57;
	v59 =	vperm.xlane v37, v14  }
0x5e6: {  	[tilespmem:s30], [sflag:$0x2] =	stream.indirect_vreg.gather [hbm4b:s2+s4], $0x80, v54, vm0, $0xb8;
	[tilespmem:$0x12200] =	vst v63  }
0x5e7: {  	v61 =	vperm.xlane v37, v16;
	v60 =	vadd.s32 v7, v59  }
0x5e8: {  	[tilespmem:s5], [sflag:$0x2] =	stream.indirect_vreg.gather [hbm4b:s2+s4], $0x80, v56, vm0, $0xb8;
	[tilespmem:$0x12200] =	vst v63  }
0x5e9: {  	v63 =	vperm.xlane v37, v17;
	v62 =	vadd.s32 v7, v61  }
0x5ea: {  	[tilespmem:s6], [sflag:$0x2] =	stream.indirect_vreg.gather [hbm4b:s2+s4], $0x80, v58, vm0, $0xb8;
	[tilespmem:$0x12200] =	vst v63  }
0x5eb: {  	v37 =	vperm.xlane v37, v18;
	v44 =	vadd.s32 v7, v63  }
0x5ec: {  	[tilespmem:s7], [sflag:$0x2] =	stream.indirect_vreg.gather [hbm4b:s2+s4], $0x80, v60, vm0, $0xb8;
	[tilespmem:$0x12200] =	vst v63  }
0x5ed: {  	v37 =	vadd.s32 v7, v37  }
0x5ee: {  	[tilespmem:s8], [sflag:$0x2] =	stream.indirect_vreg.gather [hbm4b:s2+s4], $0x80, v62, vm0, $0xb8;
	[tilespmem:$0x12200] =	vst v63  }
0x5ef: {  	_ = 	snop  }
0x5f0: {  	[tilespmem:s11], [sflag:$0x2] =	stream.indirect_vreg.gather [hbm4b:s2+s4], $0x80, v44, vm0, $0xb8;
	[tilespmem:$0x12200] =	vst v63  }
0x5f1: {  	_ = 	snop  }
0x5f2: {  	[tilespmem:s29], [sflag:$0x2] =	stream.indirect_vreg.gather [hbm4b:s2+s4], $0x80, v37, vm0, $0xb8;
	[tilespmem:$0x12200] =	vst v63  }
0x5f3: {  	v37 =	vld [tilespmem:s14+$0x190];
	_ =	sdelay $0x4  }
0x5f4: {  	v45 =	vshrl.u32 v37, $0x3  }
0x5f5: {  	v38 =	vmul.u32 $0x7D0, v45  }
0x5f6: {  	v37 =	vand.u32 $0x7, v37  }
0x5f7: {  	v37 =	vor.u32 v37, v38  }
0x5f8: {  	v38 =	vperm.xlane v37, v6;
	_ =	sdelay $0x1  }
0x5f9: {  	v46 =	vperm.xlane v37, v8;
	v38 =	vadd.s32 v7, v38;
	_ =	sdelay $0x1  }
0x5fa: {  	v47 =	vperm.xlane v37, v9;
	v39 =	vadd.s32 v7, v46;
	_ =	sdelay $0x1  }
0x5fb: {  	s3 =	simm.s32 $0xF880;
	v48 =	vperm.xlane v37, v4;
	v40 =	vadd.s32 v7, v47  }
0x5fc: {  	[tilespmem:s3], [sflag:$0x2] =	stream.indirect_vreg.gather [hbm4b:s2+s4], $0x80, v38, vm0, $0xb8;
	[tilespmem:$0x12200] =	vst v63  }
0x5fd: {  	v50 =	vperm.xlane v37, v10;
	v49 =	vadd.s32 v7, v48  }
0x5fe: {  	[tilespmem:s24], [sflag:$0x2] =	stream.indirect_vreg.gather [hbm4b:s2+s4], $0x80, v39, vm0, $0xb8;
	[tilespmem:$0x12200] =	vst v63  }
0x5ff: {  	v52 =	vperm.xlane v37, v22;
	v51 =	vadd.s32 v7, v50  }
0x600: {  	[tilespmem:s23], [sflag:$0x2] =	stream.indirect_vreg.gather [hbm4b:s2+s4], $0x80, v40, vm0, $0xb8;
	[tilespmem:$0x12200] =	vst v63  }
0x601: {  	v54 =	vperm.xlane v37, v24;
	v53 =	vadd.s32 v7, v52  }
0x602: {  	[tilespmem:s22], [sflag:$0x2] =	stream.indirect_vreg.gather [hbm4b:s2+s4], $0x80, v49, vm0, $0xb8;
	[tilespmem:$0x12200] =	vst v63  }
0x603: {  	v56 =	vperm.xlane v37, v5;
	v55 =	vadd.s32 v7, v54;
	s3 =	simm.s32 $0xFA80  }
0x604: {  	[tilespmem:s3], [sflag:$0x2] =	stream.indirect_vreg.gather [hbm4b:s2+s4], $0x80, v51, vm0, $0xb8;
	[tilespmem:$0x12200] =	vst v63  }
0x605: {  	v58 =	vperm.xlane v37, v26;
	v57 =	vadd.s32 v7, v56;
	s3 =	simm.s32 $0xFB00  }
0x606: {  	[tilespmem:s3], [sflag:$0x2] =	stream.indirect_vreg.gather [hbm4b:s2+s4], $0x80, v53, vm0, $0xb8;
	[tilespmem:$0x12200] =	vst v63  }
0x607: {  	v60 =	vperm.xlane v37, v11;
	v59 =	vadd.s32 v7, v58;
	s3 =	simm.s32 $0xFB80  }
0x608: {  	[tilespmem:s3], [sflag:$0x2] =	stream.indirect_vreg.gather [hbm4b:s2+s4], $0x80, v55, vm0, $0xb8;
	[tilespmem:$0x12200] =	vst v63  }
0x609: {  	v62 =	vperm.xlane v37, v12;
	v61 =	vadd.s32 v7, v60;
	s3 =	simm.s32 $0xFC00  }
0x60a: {  	[tilespmem:s3], [sflag:$0x2] =	stream.indirect_vreg.gather [hbm4b:s2+s4], $0x80, v57, vm0, $0xb8;
	[tilespmem:$0x12200] =	vst v63  }
0x60b: {  	v44 =	vperm.xlane v37, v13;
	v63 =	vadd.s32 v7, v62;
	s3 =	simm.s32 $0xFC80  }
0x60c: {  	[tilespmem:s3], [sflag:$0x2] =	stream.indirect_vreg.gather [hbm4b:s2+s4], $0x80, v59, vm0, $0xb8;
	[tilespmem:$0x12200] =	vst v63  }
0x60d: {  	v45 =	vadd.s32 v7, v44;
	v46 =	vperm.xlane v37, v14;
	s3 =	simm.s32 $0xFD00  }
0x60e: {  	[tilespmem:s3], [sflag:$0x2] =	stream.indirect_vreg.gather [hbm4b:s2+s4], $0x80, v61, vm0, $0xb8;
	[tilespmem:$0x12200] =	vst v63  }
0x60f: {  	v48 =	vperm.xlane v37, v16;
	v47 =	vadd.s32 v7, v46;
	s3 =	simm.s32 $0xFD80  }
0x610: {  	[tilespmem:s3], [sflag:$0x2] =	stream.indirect_vreg.gather [hbm4b:s2+s4], $0x80, v63, vm0, $0xb8;
	[tilespmem:$0x12200] =	vst v63  }
0x611: {  	v50 =	vperm.xlane v37, v17;
	v49 =	vadd.s32 v7, v48;
	s3 =	simm.s32 $0xFE00  }
0x612: {  	[tilespmem:s3], [sflag:$0x2] =	stream.indirect_vreg.gather [hbm4b:s2+s4], $0x80, v45, vm0, $0xb8;
	[tilespmem:$0x12200] =	vst v63  }
0x613: {  	v37 =	vperm.xlane v37, v18;
	v51 =	vadd.s32 v7, v50;
	s3 =	simm.s32 $0xFE80  }
0x614: {  	[tilespmem:s3], [sflag:$0x2] =	stream.indirect_vreg.gather [hbm4b:s2+s4], $0x80, v47, vm0, $0xb8;
	[tilespmem:$0x12200] =	vst v63  }
0x615: {  	v37 =	vadd.s32 v7, v37;
	s3 =	simm.s32 $0xFF00  }
0x616: {  	[tilespmem:s3], [sflag:$0x2] =	stream.indirect_vreg.gather [hbm4b:s2+s4], $0x80, v49, vm0, $0xb8;
	[tilespmem:$0x12200] =	vst v63  }
0x617: {  	s3 =	simm.s32 $0xFF80  }
0x618: {  	[tilespmem:s3], [sflag:$0x2] =	stream.indirect_vreg.gather [hbm4b:s2+s4], $0x80, v51, vm0, $0xb8;
	[tilespmem:$0x12200] =	vst v63  }
0x619: {  	s3 =	simm.s32 $0x10000  }
0x61a: {  	[tilespmem:s3], [sflag:$0x2] =	stream.indirect_vreg.gather [hbm4b:s2+s4], $0x80, v37, vm0, $0xb8;
	[tilespmem:$0x12200] =	vst v63  }
0x61b: {  	_ =	swait.ge [sflag:s9], $0x1000  }
0x61c: {  	[sflag:s9] =	ssyncset.done $0x0  }
0x61d: {  	[sflag:s9] =	ssyncadd.s32 $0xFFFFF000  }
0x61e: {  	_ =	swait.ge [sflag:s9], $0x1000  }
0x61f: {  	[sflag:s9] =	ssyncset.done $0x0  }
0x620: {  	[sflag:s9] =	ssyncadd.s32 $0xFFFFF000  }
0x621: {  	_ =	swait.ge [sflag:s9], $0x1000  }
0x622: {  	[sflag:s9] =	ssyncset.done $0x0  }
0x623: {  	[sflag:s9] =	ssyncadd.s32 $0xFFFFF000  }
0x624: {  	_ =	swait.ge [sflag:s9], $0x1000  }
0x625: {  	[sflag:s9] =	ssyncset.done $0x0  }
0x626: {  	[sflag:s9] =	ssyncadd.s32 $0xFFFFF000  }
0x627: {  	_ =	swait.ge [sflag:s9], $0x1000  }
0x628: {  	[sflag:s9] =	ssyncset.done $0x0  }
0x629: {  	[sflag:s9] =	ssyncadd.s32 $0xFFFFF000  }
0x62a: {  	_ =	swait.ge [sflag:s9], $0x1000  }
0x62b: {  	[sflag:s9] =	ssyncset.done $0x0  }
0x62c: {  	[sflag:s9] =	ssyncadd.s32 $0xFFFFF000  }
0x62d: {  	_ =	swait.ge [sflag:s9], $0x1000  }
0x62e: {  	[sflag:s9] =	ssyncset.done $0x0  }
0x62f: {  	[sflag:s9] =	ssyncadd.s32 $0xFFFFF000  }
0x630: {  	_ =	swait.ge [sflag:s9], $0x1000  }
0x631: {  	(v2sf) =	vpush v36, $0x0;
	_ =	sdelay $0xe  }
0x632: {  	s3 =	spop (v2sf)  }
0x633: {  	s2 =	sand.u32 $0x7F, s3  }
0x634: {  	v52 =	vor.u32 s2, v15;
	_ =	sdelay $0x2  }
0x635: {  	[sflag:s9] =	ssyncset.done $0x0;
	(v2sf) =	vpush v36, $0x1  }
0x636: {  	[sflag:s9] =	ssyncadd.s32 $0xFFFFF000  }
0x637: {  	v37 =	vld.idx.msk [tilespmem:v52+s10+$0x0], $0xffff;
	_ =	sdelay $0x1  }
0x638: {  	v53 =	vld [tilespmem:$0x10080];
	_ =	sdelay $0x2  }
0x639: {  	v54 =	vor.u32 s2, v19;
	v37 =	vmax.f32 v37, $-3.000000000e+01  }
0x63a: {  	v37 =	vmin.f32 v37, $3.000000000e+01  }
0x63b: {  	v37 =	vadd.f32 v37, v53;
	_ =	sdelay $0x1  }
0x63c: {  	[tilespmem:$0x10080] =	vst v37  }
0x63d: {  	v55 =	vld.idx.msk [tilespmem:v54+s10+$0x0], $0xffff;
	_ =	sdelay $0x1  }
0x63e: {  	v56 =	vld [tilespmem:$0x10090]  }
0x63f: {  	s3 =	spop (v2sf)  }
0x640: {  	s2 =	sand.u32 $0x7F, s3  }
0x641: {  	v57 =	vor.u32 s2, v20;
	v38 =	vmax.f32 v55, $-3.000000000e+01  }
0x642: {  	v38 =	vmin.f32 v38, $3.000000000e+01  }
0x643: {  	v38 =	vadd.f32 v38, v56  }
0x644: {  	(v2sf) =	vpush v36, $0x2  }
0x645: {  	[tilespmem:$0x10090] =	vst v38  }
0x646: {  	v58 =	vld.idx.msk [tilespmem:v57+s10+$0x0], $0xffff;
	_ =	sdelay $0x4  }
0x647: {  	v59 =	vor.u32 s2, v21;
	v39 =	vmax.f32 v58, $-3.000000000e+01  }
0x648: {  	v39 =	vmin.f32 v39, $3.000000000e+01  }
0x649: {  	v37 =	vadd.f32 v39, v37;
	_ =	sdelay $0x1  }
0x64a: {  	[tilespmem:$0x10080] =	vst v37  }
0x64b: {  	v60 =	vld.idx.msk [tilespmem:v59+s10+$0x0], $0xffff;
	_ =	sdelay $0x2  }
0x64c: {  	s3 =	spop (v2sf)  }
0x64d: {  	s2 =	sand.u32 $0x7F, s3  }
0x64e: {  	v61 =	vor.u32 s2, v23;
	v39 =	vmax.f32 v60, $-3.000000000e+01  }
0x64f: {  	v39 =	vmin.f32 v39, $3.000000000e+01  }
0x650: {  	v38 =	vadd.f32 v39, v38  }
0x651: {  	(v2sf) =	vpush v36, $0x3  }
0x652: {  	[tilespmem:$0x10090] =	vst v38  }
0x653: {  	v62 =	vld.idx.msk [tilespmem:v61+s10+$0x0], $0xffff;
	_ =	sdelay $0x4  }
0x654: {  	v63 =	vor.u32 s2, v25;
	v39 =	vmax.f32 v62, $-3.000000000e+01  }
0x655: {  	v39 =	vmin.f32 v39, $3.000000000e+01  }
0x656: {  	v37 =	vadd.f32 v39, v37;
	_ =	sdelay $0x1  }
0x657: {  	[tilespmem:$0x10080] =	vst v37  }
0x658: {  	v44 =	vld.idx.msk [tilespmem:v63+s10+$0x0], $0xffff;
	_ =	sdelay $0x2  }
0x659: {  	s3 =	spop (v2sf)  }
0x65a: {  	s2 =	sand.u32 $0x7F, s3  }
0x65b: {  	v45 =	vor.u32 s2, v27;
	v39 =	vmax.f32 v44, $-3.000000000e+01  }
0x65c: {  	v39 =	vmin.f32 v39, $3.000000000e+01  }
0x65d: {  	v38 =	vadd.f32 v39, v38  }
0x65e: {  	(v2sf) =	vpush v36, $0x4  }
0x65f: {  	[tilespmem:$0x10090] =	vst v38  }
0x660: {  	v46 =	vld.idx.msk [tilespmem:v45+s10+$0x0], $0xffff;
	_ =	sdelay $0x4  }
0x661: {  	v47 =	vor.u32 s2, v28;
	v39 =	vmax.f32 v46, $-3.000000000e+01  }
0x662: {  	v39 =	vmin.f32 v39, $3.000000000e+01  }
0x663: {  	v37 =	vadd.f32 v39, v37;
	_ =	sdelay $0x1  }
0x664: {  	[tilespmem:$0x10080] =	vst v37  }
0x665: {  	v48 =	vld.idx.msk [tilespmem:v47+s10+$0x0], $0xffff;
	_ =	sdelay $0x2  }
0x666: {  	s3 =	spop (v2sf)  }
0x667: {  	s2 =	sand.u32 $0x7F, s3  }
0x668: {  	v49 =	vor.u32 s2, v29;
	v39 =	vmax.f32 v48, $-3.000000000e+01  }
0x669: {  	v39 =	vmin.f32 v39, $3.000000000e+01  }
0x66a: {  	v38 =	vadd.f32 v39, v38  }
0x66b: {  	(v2sf) =	vpush v36, $0x5  }
0x66c: {  	[tilespmem:$0x10090] =	vst v38  }
0x66d: {  	v50 =	vld.idx.msk [tilespmem:v49+s10+$0x0], $0xffff;
	_ =	sdelay $0x4  }
0x66e: {  	v51 =	vor.u32 s2, v30;
	v39 =	vmax.f32 v50, $-3.000000000e+01  }
0x66f: {  	v39 =	vmin.f32 v39, $3.000000000e+01  }
0x670: {  	v37 =	vadd.f32 v39, v37;
	_ =	sdelay $0x1  }
0x671: {  	[tilespmem:$0x10080] =	vst v37  }
0x672: {  	v52 =	vld.idx.msk [tilespmem:v51+s10+$0x0], $0xffff;
	_ =	sdelay $0x2  }
0x673: {  	s3 =	spop (v2sf)  }
0x674: {  	s2 =	sand.u32 $0x7F, s3  }
0x675: {  	v53 =	vor.u32 s2, v31;
	v39 =	vmax.f32 v52, $-3.000000000e+01  }
0x676: {  	v39 =	vmin.f32 v39, $3.000000000e+01  }
0x677: {  	v38 =	vadd.f32 v39, v38  }
0x678: {  	(v2sf) =	vpush v36, $0x6  }
0x679: {  	[tilespmem:$0x10090] =	vst v38  }
0x67a: {  	v54 =	vld.idx.msk [tilespmem:v53+s10+$0x0], $0xffff;
	_ =	sdelay $0x3  }
0x67b: {  	v55 =	vor.u32 $0x5800, v15  }
0x67c: {  	v40 =	vor.u32 s2, v55;
	v39 =	vmax.f32 v54, $-3.000000000e+01  }
0x67d: {  	v39 =	vmin.f32 v39, $3.000000000e+01  }
0x67e: {  	v37 =	vadd.f32 v39, v37;
	_ =	sdelay $0x1  }
0x67f: {  	[tilespmem:$0x10080] =	vst v37  }
0x680: {  	v56 =	vld.idx.msk [tilespmem:v40+s10+$0x0], $0xffff;
	_ =	sdelay $0x2  }
0x681: {  	s3 =	spop (v2sf)  }
0x682: {  	v57 =	vor.u32 $0x6000, v15;
	s2 =	sand.u32 $0x7F, s3  }
0x683: {  	v40 =	vor.u32 s2, v57;
	v39 =	vmax.f32 v56, $-3.000000000e+01  }
0x684: {  	v39 =	vmin.f32 v39, $3.000000000e+01  }
0x685: {  	v38 =	vadd.f32 v39, v38  }
0x686: {  	(v2sf) =	vpush v36, $0x7  }
0x687: {  	[tilespmem:$0x10090] =	vst v38  }
0x688: {  	v58 =	vld.idx.msk [tilespmem:v40+s10+$0x0], $0xffff;
	_ =	sdelay $0x3  }
0x689: {  	v59 =	vor.u32 $0x6800, v15  }
0x68a: {  	v39 =	vor.u32 s2, v59;
	v36 =	vmax.f32 v58, $-3.000000000e+01  }
0x68b: {  	v36 =	vmin.f32 v36, $3.000000000e+01  }
0x68c: {  	v36 =	vadd.f32 v36, v37;
	_ =	sdelay $0x1  }
0x68d: {  	[tilespmem:$0x10080] =	vst v36  }
0x68e: {  	v60 =	vld.idx.msk [tilespmem:v39+s10+$0x0], $0xffff;
	_ =	sdelay $0x2  }
0x68f: {  	s3 =	spop (v2sf)  }
0x690: {  	v61 =	vor.u32 $0x7000, v15;
	s2 =	sand.u32 $0x7F, s3  }
0x691: {  	v39 =	vor.u32 s2, v61;
	v37 =	vmax.f32 v60, $-3.000000000e+01  }
0x692: {  	v37 =	vmin.f32 v37, $3.000000000e+01  }
0x693: {  	v37 =	vadd.f32 v37, v38;
	_ =	sdelay $0x1  }
0x694: {  	[tilespmem:$0x10090] =	vst v37  }
0x695: {  	v62 =	vld.idx.msk [tilespmem:v39+s10+$0x0], $0xffff;
	_ =	sdelay $0x3  }
0x696: {  	v63 =	vor.u32 $0x7800, v15  }
0x697: {  	v39 =	vor.u32 s2, v63;
	v38 =	vmax.f32 v62, $-3.000000000e+01  }
0x698: {  	v38 =	vmin.f32 v38, $3.000000000e+01  }
0x699: {  	v36 =	vadd.f32 v38, v36;
	_ =	sdelay $0x1  }
0x69a: {  	[tilespmem:$0x10080] =	vst v36  }
0x69b: {  	v36 =	vld.idx.msk [tilespmem:v39+s10+$0x0], $0xffff;
	_ =	sdelay $0x3  }
0x69c: {  	p1 =	seq.s32 s13, $0xC0  }
.Ltmp5:
0x69d: {  	v36 =	vmax.f32 v36, $-3.000000000e+01;
	(pc) =	sbr.rel @p1 .LBB2_6-.Ltmp5, $3  }
0x69e: {  	v36 =	vmin.f32 v36, $3.000000000e+01  }
0x69f: {  	v36 =	vadd.f32 v36, v37;
	_ =	sdelay $0x1  }
0x6a0: {  	[tilespmem:$0x10090] =	vst v36  }
0x6a1: {  	v36 =	vld [tilespmem:s0+$0x10];
	_ =	sdelay $0x4  }
0x6a2: {  	(v2sf) =	vpush v36, $0x0;
	_ =	sdelay $0x1  }
0x6a3: {  	v37 =	vld [tilespmem:s14+$0x200];
	_ =	sdelay $0x4  }
0x6a4: {  	v38 =	vshrl.u32 v37, $0x3  }
0x6a5: {  	v38 =	vmul.u32 $0x7D0, v38  }
0x6a6: {  	v37 =	vand.u32 $0x7, v37  }
0x6a7: {  	v37 =	vor.u32 v37, v38  }
0x6a8: {  	v38 =	vperm.xlane v37, v6;
	_ =	sdelay $0x1  }
0x6a9: {  	v39 =	vperm.xlane v37, v8;
	v38 =	vadd.s32 v7, v38;
	_ =	sdelay $0x1  }
0x6aa: {  	v40 =	vperm.xlane v37, v9;
	v39 =	vadd.s32 v7, v39;
	s2 =	spop (v2sf)  }
0x6ab: {  	s0 =	sand.u32 $0xFFFFF80, s2  }
0x6ac: {  	v41 =	vperm.xlane v37, v4;
	v40 =	vadd.s32 v7, v40;
	s0 =	sadd.s32 s1, s0  }
0x6ad: {  	[tilespmem:s10], [sflag:$0x1] =	stream.indirect_vreg.gather [hbm4b:s0+s4], $0x80, v38, vm0, $0xb8;
	[tilespmem:$0x12200] =	vst v63  }
0x6ae: {  	v62 =	vperm.xlane v37, v10;
	v61 =	vadd.s32 v7, v41;
	s2 =	simm.s32 $0x100  }
0x6af: {  	[tilespmem:s2], [sflag:$0x1] =	stream.indirect_vreg.gather [hbm4b:s0+s4], $0x80, v39, vm0, $0xb8;
	[tilespmem:$0x12200] =	vst v63  }
0x6b0: {  	s3 =	simm.s32 $0x180;
	v44 =	vperm.xlane v37, v22;
	v63 =	vadd.s32 v7, v62  }
0x6b1: {  	[tilespmem:s3], [sflag:$0x1] =	stream.indirect_vreg.gather [hbm4b:s0+s4], $0x80, v40, vm0, $0xb8;
	[tilespmem:$0x12200] =	vst v63  }
0x6b2: {  	v46 =	vperm.xlane v37, v24;
	v45 =	vadd.s32 v7, v44;
	s3 =	simm.s32 $0x200  }
0x6b3: {  	[tilespmem:s3], [sflag:$0x1] =	stream.indirect_vreg.gather [hbm4b:s0+s4], $0x80, v61, vm0, $0xb8;
	[tilespmem:$0x12200] =	vst v63  }
0x6b4: {  	v48 =	vperm.xlane v37, v5;
	v47 =	vadd.s32 v7, v46;
	s3 =	simm.s32 $0x280  }
0x6b5: {  	[tilespmem:s3], [sflag:$0x1] =	stream.indirect_vreg.gather [hbm4b:s0+s4], $0x80, v63, vm0, $0xb8;
	[tilespmem:$0x12200] =	vst v63  }
0x6b6: {  	v50 =	vperm.xlane v37, v26;
	v49 =	vadd.s32 v7, v48;
	s3 =	simm.s32 $0x300  }
0x6b7: {  	[tilespmem:s3], [sflag:$0x1] =	stream.indirect_vreg.gather [hbm4b:s0+s4], $0x80, v45, vm0, $0xb8;
	[tilespmem:$0x12200] =	vst v63  }
0x6b8: {  	v52 =	vperm.xlane v37, v11;
	v51 =	vadd.s32 v7, v50;
	s3 =	simm.s32 $0x380  }
0x6b9: {  	[tilespmem:s3], [sflag:$0x1] =	stream.indirect_vreg.gather [hbm4b:s0+s4], $0x80, v47, vm0, $0xb8;
	[tilespmem:$0x12200] =	vst v63  }
0x6ba: {  	v54 =	vperm.xlane v37, v12;
	v53 =	vadd.s32 v7, v52;
	s3 =	simm.s32 $0x400  }
0x6bb: {  	[tilespmem:s3], [sflag:$0x1] =	stream.indirect_vreg.gather [hbm4b:s0+s4], $0x80, v49, vm0, $0xb8;
	[tilespmem:$0x12200] =	vst v63  }
0x6bc: {  	v56 =	vperm.xlane v37, v13;
	v55 =	vadd.s32 v7, v54;
	s3 =	simm.s32 $0x480  }
0x6bd: {  	[tilespmem:s3], [sflag:$0x1] =	stream.indirect_vreg.gather [hbm4b:s0+s4], $0x80, v51, vm0, $0xb8;
	[tilespmem:$0x12200] =	vst v63  }
0x6be: {  	v58 =	vperm.xlane v37, v14;
	v57 =	vadd.s32 v7, v56;
	s3 =	simm.s32 $0x500  }
0x6bf: {  	[tilespmem:s3], [sflag:$0x1] =	stream.indirect_vreg.gather [hbm4b:s0+s4], $0x80, v53, vm0, $0xb8;
	[tilespmem:$0x12200] =	vst v63  }
0x6c0: {  	v60 =	vperm.xlane v37, v16;
	v59 =	vadd.s32 v7, v58;
	s3 =	simm.s32 $0x580  }
0x6c1: {  	[tilespmem:s3], [sflag:$0x1] =	stream.indirect_vreg.gather [hbm4b:s0+s4], $0x80, v55, vm0, $0xb8;
	[tilespmem:$0x12200] =	vst v63  }
0x6c2: {  	v62 =	vperm.xlane v37, v17;
	v61 =	vadd.s32 v7, v60;
	s3 =	simm.s32 $0x600  }
0x6c3: {  	[tilespmem:s3], [sflag:$0x1] =	stream.indirect_vreg.gather [hbm4b:s0+s4], $0x80, v57, vm0, $0xb8;
	[tilespmem:$0x12200] =	vst v63  }
0x6c4: {  	v37 =	vperm.xlane v37, v18;
	v63 =	vadd.s32 v7, v62;
	s3 =	simm.s32 $0x680  }
0x6c5: {  	[tilespmem:s3], [sflag:$0x1] =	stream.indirect_vreg.gather [hbm4b:s0+s4], $0x80, v59, vm0, $0xb8;
	[tilespmem:$0x12200] =	vst v63  }
0x6c6: {  	v37 =	vadd.s32 v7, v37;
	s3 =	simm.s32 $0x700  }
0x6c7: {  	[tilespmem:s3], [sflag:$0x1] =	stream.indirect_vreg.gather [hbm4b:s0+s4], $0x80, v61, vm0, $0xb8;
	[tilespmem:$0x12200] =	vst v63  }
0x6c8: {  	s3 =	simm.s32 $0x780  }
0x6c9: {  	[tilespmem:s3], [sflag:$0x1] =	stream.indirect_vreg.gather [hbm4b:s0+s4], $0x80, v63, vm0, $0xb8;
	[tilespmem:$0x12200] =	vst v63  }
0x6ca: {  	s3 =	simm.s32 $0x800  }
0x6cb: {  	[tilespmem:s3], [sflag:$0x1] =	stream.indirect_vreg.gather [hbm4b:s0+s4], $0x80, v37, vm0, $0xb8;
	[tilespmem:$0x12200] =	vst v63  }
0x6cc: {  	v37 =	vld [tilespmem:s14+$0x210];
	_ =	sdelay $0x4  }
0x6cd: {  	v43 =	vshrl.u32 v37, $0x3  }
0x6ce: {  	v38 =	vmul.u32 $0x7D0, v43  }
0x6cf: {  	v37 =	vand.u32 $0x7, v37  }
0x6d0: {  	v37 =	vor.u32 v37, v38  }
0x6d1: {  	v38 =	vperm.xlane v37, v6;
	_ =	sdelay $0x1  }
0x6d2: {  	v44 =	vperm.xlane v37, v8;
	v38 =	vadd.s32 v7, v38;
	_ =	sdelay $0x1  }
0x6d3: {  	v45 =	vperm.xlane v37, v9;
	v39 =	vadd.s32 v7, v44;
	_ =	sdelay $0x1  }
0x6d4: {  	s3 =	simm.s32 $0x880;
	v46 =	vperm.xlane v37, v4;
	v40 =	vadd.s32 v7, v45  }
0x6d5: {  	[tilespmem:s3], [sflag:$0x1] =	stream.indirect_vreg.gather [hbm4b:s0+s4], $0x80, v38, vm0, $0xb8;
	[tilespmem:$0x12200] =	vst v63  }
0x6d6: {  	v48 =	vperm.xlane v37, v10;
	v47 =	vadd.s32 v7, v46;
	s3 =	simm.s32 $0x900  }
0x6d7: {  	[tilespmem:s3], [sflag:$0x1] =	stream.indirect_vreg.gather [hbm4b:s0+s4], $0x80, v39, vm0, $0xb8;
	[tilespmem:$0x12200] =	vst v63  }
0x6d8: {  	v50 =	vperm.xlane v37, v22;
	v49 =	vadd.s32 v7, v48;
	s3 =	simm.s32 $0x980  }
0x6d9: {  	[tilespmem:s3], [sflag:$0x1] =	stream.indirect_vreg.gather [hbm4b:s0+s4], $0x80, v40, vm0, $0xb8;
	[tilespmem:$0x12200] =	vst v63  }
0x6da: {  	v52 =	vperm.xlane v37, v24;
	v51 =	vadd.s32 v7, v50;
	s3 =	simm.s32 $0xA00  }
0x6db: {  	[tilespmem:s3], [sflag:$0x1] =	stream.indirect_vreg.gather [hbm4b:s0+s4], $0x80, v47, vm0, $0xb8;
	[tilespmem:$0x12200] =	vst v63  }
0x6dc: {  	v54 =	vperm.xlane v37, v5;
	v53 =	vadd.s32 v7, v52;
	s3 =	simm.s32 $0xA80  }
0x6dd: {  	[tilespmem:s3], [sflag:$0x1] =	stream.indirect_vreg.gather [hbm4b:s0+s4], $0x80, v49, vm0, $0xb8;
	[tilespmem:$0x12200] =	vst v63  }
0x6de: {  	v56 =	vperm.xlane v37, v26;
	v55 =	vadd.s32 v7, v54;
	s3 =	simm.s32 $0xB00  }
0x6df: {  	[tilespmem:s3], [sflag:$0x1] =	stream.indirect_vreg.gather [hbm4b:s0+s4], $0x80, v51, vm0, $0xb8;
	[tilespmem:$0x12200] =	vst v63  }
0x6e0: {  	v58 =	vperm.xlane v37, v11;
	v57 =	vadd.s32 v7, v56;
	s3 =	simm.s32 $0xB80  }
0x6e1: {  	[tilespmem:s3], [sflag:$0x1] =	stream.indirect_vreg.gather [hbm4b:s0+s4], $0x80, v53, vm0, $0xb8;
	[tilespmem:$0x12200] =	vst v63  }
0x6e2: {  	v60 =	vperm.xlane v37, v12;
	v59 =	vadd.s32 v7, v58;
	s3 =	simm.s32 $0xC00  }
0x6e3: {  	[tilespmem:s3], [sflag:$0x1] =	stream.indirect_vreg.gather [hbm4b:s0+s4], $0x80, v55, vm0, $0xb8;
	[tilespmem:$0x12200] =	vst v63  }
0x6e4: {  	v62 =	vperm.xlane v37, v13;
	v61 =	vadd.s32 v7, v60;
	s3 =	simm.s32 $0xC80  }
0x6e5: {  	[tilespmem:s3], [sflag:$0x1] =	stream.indirect_vreg.gather [hbm4b:s0+s4], $0x80, v57, vm0, $0xb8;
	[tilespmem:$0x12200] =	vst v63  }
0x6e6: {  	v63 =	vadd.s32 v7, v62;
	v44 =	vperm.xlane v37, v14;
	s3 =	simm.s32 $0xD00  }
0x6e7: {  	[tilespmem:s3], [sflag:$0x1] =	stream.indirect_vreg.gather [hbm4b:s0+s4], $0x80, v59, vm0, $0xb8;
	[tilespmem:$0x12200] =	vst v63  }
0x6e8: {  	v46 =	vperm.xlane v37, v16;
	v45 =	vadd.s32 v7, v44;
	s3 =	simm.s32 $0xD80  }
0x6e9: {  	[tilespmem:s3], [sflag:$0x1] =	stream.indirect_vreg.gather [hbm4b:s0+s4], $0x80, v61, vm0, $0xb8;
	[tilespmem:$0x12200] =	vst v63  }
0x6ea: {  	v48 =	vperm.xlane v37, v17;
	v47 =	vadd.s32 v7, v46;
	s3 =	simm.s32 $0xE00  }
0x6eb: {  	[tilespmem:s3], [sflag:$0x1] =	stream.indirect_vreg.gather [hbm4b:s0+s4], $0x80, v63, vm0, $0xb8;
	[tilespmem:$0x12200] =	vst v63  }
0x6ec: {  	v37 =	vperm.xlane v37, v18;
	v49 =	vadd.s32 v7, v48;
	s3 =	simm.s32 $0xE80  }
0x6ed: {  	[tilespmem:s3], [sflag:$0x1] =	stream.indirect_vreg.gather [hbm4b:s0+s4], $0x80, v45, vm0, $0xb8;
	[tilespmem:$0x12200] =	vst v63  }
0x6ee: {  	v37 =	vadd.s32 v7, v37;
	s3 =	simm.s32 $0xF00  }
0x6ef: {  	[tilespmem:s3], [sflag:$0x1] =	stream.indirect_vreg.gather [hbm4b:s0+s4], $0x80, v47, vm0, $0xb8;
	[tilespmem:$0x12200] =	vst v63  }
0x6f0: {  	s3 =	simm.s32 $0xF80  }
0x6f1: {  	[tilespmem:s3], [sflag:$0x1] =	stream.indirect_vreg.gather [hbm4b:s0+s4], $0x80, v49, vm0, $0xb8;
	[tilespmem:$0x12200] =	vst v63  }
0x6f2: {  	(v2sf) =	vpush v36, $0x1;
	s3 =	simm.s32 $0x1000  }
0x6f3: {  	[tilespmem:s3], [sflag:$0x1] =	stream.indirect_vreg.gather [hbm4b:s0+s4], $0x80, v37, vm0, $0xb8;
	[tilespmem:$0x12200] =	vst v63  }
0x6f4: {  	v37 =	vld [tilespmem:s14+$0x280];
	_ =	sdelay $0x4  }
0x6f5: {  	v50 =	vshrl.u32 v37, $0x3  }
0x6f6: {  	v38 =	vmul.u32 $0x7D0, v50  }
0x6f7: {  	v37 =	vand.u32 $0x7, v37  }
0x6f8: {  	v37 =	vor.u32 v37, v38  }
0x6f9: {  	v38 =	vperm.xlane v37, v6;
	_ =	sdelay $0x1  }
0x6fa: {  	v51 =	vperm.xlane v37, v8;
	v38 =	vadd.s32 v7, v38;
	_ =	sdelay $0x1  }
0x6fb: {  	s2 =	spop (v2sf);
	v52 =	vperm.xlane v37, v9;
	v39 =	vadd.s32 v7, v51  }
0x6fc: {  	s0 =	sand.u32 $0xFFFFF80, s2  }
0x6fd: {  	s3 =	simm.s32 $0x1080;
	s0 =	sadd.s32 s1, s0;
	v53 =	vperm.xlane v37, v4;
	v40 =	vadd.s32 v7, v52  }
0x6fe: {  	[tilespmem:s3], [sflag:$0x1] =	stream.indirect_vreg.gather [hbm4b:s0+s4], $0x80, v38, vm0, $0xb8;
	[tilespmem:$0x12200] =	vst v63  }
0x6ff: {  	v55 =	vperm.xlane v37, v10;
	v54 =	vadd.s32 v7, v53;
	s3 =	simm.s32 $0x1100  }
0x700: {  	[tilespmem:s3], [sflag:$0x1] =	stream.indirect_vreg.gather [hbm4b:s0+s4], $0x80, v39, vm0, $0xb8;
	[tilespmem:$0x12200] =	vst v63  }
0x701: {  	v57 =	vperm.xlane v37, v22;
	v56 =	vadd.s32 v7, v55;
	s3 =	simm.s32 $0x1180  }
0x702: {  	[tilespmem:s3], [sflag:$0x1] =	stream.indirect_vreg.gather [hbm4b:s0+s4], $0x80, v40, vm0, $0xb8;
	[tilespmem:$0x12200] =	vst v63  }
0x703: {  	v59 =	vperm.xlane v37, v24;
	v58 =	vadd.s32 v7, v57;
	s3 =	simm.s32 $0x1200  }
0x704: {  	[tilespmem:s3], [sflag:$0x1] =	stream.indirect_vreg.gather [hbm4b:s0+s4], $0x80, v54, vm0, $0xb8;
	[tilespmem:$0x12200] =	vst v63  }
0x705: {  	v61 =	vperm.xlane v37, v5;
	v60 =	vadd.s32 v7, v59;
	s3 =	simm.s32 $0x1280  }
0x706: {  	[tilespmem:s3], [sflag:$0x1] =	stream.indirect_vreg.gather [hbm4b:s0+s4], $0x80, v56, vm0, $0xb8;
	[tilespmem:$0x12200] =	vst v63  }
0x707: {  	v63 =	vperm.xlane v37, v26;
	v62 =	vadd.s32 v7, v61;
	s3 =	simm.s32 $0x1300  }
0x708: {  	[tilespmem:s3], [sflag:$0x1] =	stream.indirect_vreg.gather [hbm4b:s0+s4], $0x80, v58, vm0, $0xb8;
	[tilespmem:$0x12200] =	vst v63  }
0x709: {  	v45 =	vperm.xlane v37, v11;
	v44 =	vadd.s32 v7, v63;
	s3 =	simm.s32 $0x1380  }
0x70a: {  	[tilespmem:s3], [sflag:$0x1] =	stream.indirect_vreg.gather [hbm4b:s0+s4], $0x80, v60, vm0, $0xb8;
	[tilespmem:$0x12200] =	vst v63  }
0x70b: {  	v47 =	vperm.xlane v37, v12;
	v46 =	vadd.s32 v7, v45;
	s3 =	simm.s32 $0x1400  }
0x70c: {  	[tilespmem:s3], [sflag:$0x1] =	stream.indirect_vreg.gather [hbm4b:s0+s4], $0x80, v62, vm0, $0xb8;
	[tilespmem:$0x12200] =	vst v63  }
0x70d: {  	v49 =	vperm.xlane v37, v13;
	v48 =	vadd.s32 v7, v47;
	s3 =	simm.s32 $0x1480  }
0x70e: {  	[tilespmem:s3], [sflag:$0x1] =	stream.indirect_vreg.gather [hbm4b:s0+s4], $0x80, v44, vm0, $0xb8;
	[tilespmem:$0x12200] =	vst v63  }
0x70f: {  	v50 =	vadd.s32 v7, v49;
	v51 =	vperm.xlane v37, v14;
	s3 =	simm.s32 $0x1500  }
0x710: {  	[tilespmem:s3], [sflag:$0x1] =	stream.indirect_vreg.gather [hbm4b:s0+s4], $0x80, v46, vm0, $0xb8;
	[tilespmem:$0x12200] =	vst v63  }
0x711: {  	v53 =	vperm.xlane v37, v16;
	v52 =	vadd.s32 v7, v51;
	s3 =	simm.s32 $0x1580  }
0x712: {  	[tilespmem:s3], [sflag:$0x1] =	stream.indirect_vreg.gather [hbm4b:s0+s4], $0x80, v48, vm0, $0xb8;
	[tilespmem:$0x12200] =	vst v63  }
0x713: {  	v55 =	vperm.xlane v37, v17;
	v54 =	vadd.s32 v7, v53;
	s3 =	simm.s32 $0x1600  }
0x714: {  	[tilespmem:s3], [sflag:$0x1] =	stream.indirect_vreg.gather [hbm4b:s0+s4], $0x80, v50, vm0, $0xb8;
	[tilespmem:$0x12200] =	vst v63  }
0x715: {  	v37 =	vperm.xlane v37, v18;
	v56 =	vadd.s32 v7, v55;
	s3 =	simm.s32 $0x1680  }
0x716: {  	[tilespmem:s3], [sflag:$0x1] =	stream.indirect_vreg.gather [hbm4b:s0+s4], $0x80, v52, vm0, $0xb8;
	[tilespmem:$0x12200] =	vst v63  }
0x717: {  	v37 =	vadd.s32 v7, v37;
	s3 =	simm.s32 $0x1700  }
0x718: {  	[tilespmem:s3], [sflag:$0x1] =	stream.indirect_vreg.gather [hbm4b:s0+s4], $0x80, v54, vm0, $0xb8;
	[tilespmem:$0x12200] =	vst v63  }
0x719: {  	s3 =	simm.s32 $0x1780  }
0x71a: {  	[tilespmem:s3], [sflag:$0x1] =	stream.indirect_vreg.gather [hbm4b:s0+s4], $0x80, v56, vm0, $0xb8;
	[tilespmem:$0x12200] =	vst v63  }
0x71b: {  	s3 =	simm.s32 $0x1800  }
0x71c: {  	[tilespmem:s3], [sflag:$0x1] =	stream.indirect_vreg.gather [hbm4b:s0+s4], $0x80, v37, vm0, $0xb8;
	[tilespmem:$0x12200] =	vst v63  }
0x71d: {  	v37 =	vld [tilespmem:s14+$0x290];
	_ =	sdelay $0x4  }
0x71e: {  	v57 =	vshrl.u32 v37, $0x3  }
0x71f: {  	v38 =	vmul.u32 $0x7D0, v57  }
0x720: {  	v37 =	vand.u32 $0x7, v37  }
0x721: {  	v37 =	vor.u32 v37, v38  }
0x722: {  	v38 =	vperm.xlane v37, v6;
	_ =	sdelay $0x1  }
0x723: {  	v58 =	vperm.xlane v37, v8;
	v38 =	vadd.s32 v7, v38;
	_ =	sdelay $0x1  }
0x724: {  	v59 =	vperm.xlane v37, v9;
	v39 =	vadd.s32 v7, v58;
	_ =	sdelay $0x1  }
0x725: {  	s3 =	simm.s32 $0x1880;
	v60 =	vperm.xlane v37, v4;
	v40 =	vadd.s32 v7, v59  }
0x726: {  	[tilespmem:s3], [sflag:$0x1] =	stream.indirect_vreg.gather [hbm4b:s0+s4], $0x80, v38, vm0, $0xb8;
	[tilespmem:$0x12200] =	vst v63  }
0x727: {  	v62 =	vperm.xlane v37, v10;
	v61 =	vadd.s32 v7, v60;
	s3 =	simm.s32 $0x1900  }
0x728: {  	[tilespmem:s3], [sflag:$0x1] =	stream.indirect_vreg.gather [hbm4b:s0+s4], $0x80, v39, vm0, $0xb8;
	[tilespmem:$0x12200] =	vst v63  }
0x729: {  	v44 =	vperm.xlane v37, v22;
	v63 =	vadd.s32 v7, v62;
	s3 =	simm.s32 $0x1980  }
0x72a: {  	[tilespmem:s3], [sflag:$0x1] =	stream.indirect_vreg.gather [hbm4b:s0+s4], $0x80, v40, vm0, $0xb8;
	[tilespmem:$0x12200] =	vst v63  }
0x72b: {  	v46 =	vperm.xlane v37, v24;
	v45 =	vadd.s32 v7, v44;
	s3 =	simm.s32 $0x1A00  }
0x72c: {  	[tilespmem:s3], [sflag:$0x1] =	stream.indirect_vreg.gather [hbm4b:s0+s4], $0x80, v61, vm0, $0xb8;
	[tilespmem:$0x12200] =	vst v63  }
0x72d: {  	v48 =	vperm.xlane v37, v5;
	v47 =	vadd.s32 v7, v46;
	s3 =	simm.s32 $0x1A80  }
0x72e: {  	[tilespmem:s3], [sflag:$0x1] =	stream.indirect_vreg.gather [hbm4b:s0+s4], $0x80, v63, vm0, $0xb8;
	[tilespmem:$0x12200] =	vst v63  }
0x72f: {  	v50 =	vperm.xlane v37, v26;
	v49 =	vadd.s32 v7, v48;
	s3 =	simm.s32 $0x1B00  }
0x730: {  	[tilespmem:s3], [sflag:$0x1] =	stream.indirect_vreg.gather [hbm4b:s0+s4], $0x80, v45, vm0, $0xb8;
	[tilespmem:$0x12200] =	vst v63  }
0x731: {  	v52 =	vperm.xlane v37, v11;
	v51 =	vadd.s32 v7, v50;
	s3 =	simm.s32 $0x1B80  }
0x732: {  	[tilespmem:s3], [sflag:$0x1] =	stream.indirect_vreg.gather [hbm4b:s0+s4], $0x80, v47, vm0, $0xb8;
	[tilespmem:$0x12200] =	vst v63  }
0x733: {  	v54 =	vperm.xlane v37, v12;
	v53 =	vadd.s32 v7, v52;
	s3 =	simm.s32 $0x1C00  }
0x734: {  	[tilespmem:s3], [sflag:$0x1] =	stream.indirect_vreg.gather [hbm4b:s0+s4], $0x80, v49, vm0, $0xb8;
	[tilespmem:$0x12200] =	vst v63  }
0x735: {  	v56 =	vperm.xlane v37, v13;
	v55 =	vadd.s32 v7, v54;
	s3 =	simm.s32 $0x1C80  }
0x736: {  	[tilespmem:s3], [sflag:$0x1] =	stream.indirect_vreg.gather [hbm4b:s0+s4], $0x80, v51, vm0, $0xb8;
	[tilespmem:$0x12200] =	vst v63  }
0x737: {  	v57 =	vadd.s32 v7, v56;
	v58 =	vperm.xlane v37, v14;
	s3 =	simm.s32 $0x1D00  }
0x738: {  	[tilespmem:s3], [sflag:$0x1] =	stream.indirect_vreg.gather [hbm4b:s0+s4], $0x80, v53, vm0, $0xb8;
	[tilespmem:$0x12200] =	vst v63  }
0x739: {  	v60 =	vperm.xlane v37, v16;
	v59 =	vadd.s32 v7, v58;
	s3 =	simm.s32 $0x1D80  }
0x73a: {  	[tilespmem:s3], [sflag:$0x1] =	stream.indirect_vreg.gather [hbm4b:s0+s4], $0x80, v55, vm0, $0xb8;
	[tilespmem:$0x12200] =	vst v63  }
0x73b: {  	v62 =	vperm.xlane v37, v17;
	v61 =	vadd.s32 v7, v60;
	s3 =	simm.s32 $0x1E00  }
0x73c: {  	[tilespmem:s3], [sflag:$0x1] =	stream.indirect_vreg.gather [hbm4b:s0+s4], $0x80, v57, vm0, $0xb8;
	[tilespmem:$0x12200] =	vst v63  }
0x73d: {  	v37 =	vperm.xlane v37, v18;
	v63 =	vadd.s32 v7, v62;
	s3 =	simm.s32 $0x1E80  }
0x73e: {  	[tilespmem:s3], [sflag:$0x1] =	stream.indirect_vreg.gather [hbm4b:s0+s4], $0x80, v59, vm0, $0xb8;
	[tilespmem:$0x12200] =	vst v63  }
0x73f: {  	v37 =	vadd.s32 v7, v37;
	s3 =	simm.s32 $0x1F00  }
0x740: {  	[tilespmem:s3], [sflag:$0x1] =	stream.indirect_vreg.gather [hbm4b:s0+s4], $0x80, v61, vm0, $0xb8;
	[tilespmem:$0x12200] =	vst v63  }
0x741: {  	s3 =	simm.s32 $0x1F80  }
0x742: {  	[tilespmem:s3], [sflag:$0x1] =	stream.indirect_vreg.gather [hbm4b:s0+s4], $0x80, v63, vm0, $0xb8;
	[tilespmem:$0x12200] =	vst v63  }
0x743: {  	(v2sf) =	vpush v36, $0x2;
	s3 =	simm.s32 $0x2000  }
0x744: {  	[tilespmem:s3], [sflag:$0x1] =	stream.indirect_vreg.gather [hbm4b:s0+s4], $0x80, v37, vm0, $0xb8;
	[tilespmem:$0x12200] =	vst v63  }
0x745: {  	v37 =	vld [tilespmem:s14+$0x300];
	_ =	sdelay $0x4  }
0x746: {  	v43 =	vshrl.u32 v37, $0x3  }
0x747: {  	v38 =	vmul.u32 $0x7D0, v43  }
0x748: {  	v37 =	vand.u32 $0x7, v37  }
0x749: {  	v37 =	vor.u32 v37, v38  }
0x74a: {  	v38 =	vperm.xlane v37, v6;
	_ =	sdelay $0x1  }
0x74b: {  	v44 =	vperm.xlane v37, v8;
	v38 =	vadd.s32 v7, v38;
	_ =	sdelay $0x1  }
0x74c: {  	s2 =	spop (v2sf);
	v45 =	vperm.xlane v37, v9;
	v39 =	vadd.s32 v7, v44  }
0x74d: {  	s0 =	sand.u32 $0xFFFFF80, s2  }
0x74e: {  	s3 =	simm.s32 $0x2080;
	s0 =	sadd.s32 s1, s0;
	v46 =	vperm.xlane v37, v4;
	v40 =	vadd.s32 v7, v45  }
0x74f: {  	[tilespmem:s3], [sflag:$0x1] =	stream.indirect_vreg.gather [hbm4b:s0+s4], $0x80, v38, vm0, $0xb8;
	[tilespmem:$0x12200] =	vst v63  }
0x750: {  	v48 =	vperm.xlane v37, v10;
	v47 =	vadd.s32 v7, v46;
	s3 =	simm.s32 $0x2100  }
0x751: {  	[tilespmem:s3], [sflag:$0x1] =	stream.indirect_vreg.gather [hbm4b:s0+s4], $0x80, v39, vm0, $0xb8;
	[tilespmem:$0x12200] =	vst v63  }
0x752: {  	v50 =	vperm.xlane v37, v22;
	v49 =	vadd.s32 v7, v48;
	s3 =	simm.s32 $0x2180  }
0x753: {  	[tilespmem:s3], [sflag:$0x1] =	stream.indirect_vreg.gather [hbm4b:s0+s4], $0x80, v40, vm0, $0xb8;
	[tilespmem:$0x12200] =	vst v63  }
0x754: {  	v52 =	vperm.xlane v37, v24;
	v51 =	vadd.s32 v7, v50;
	s3 =	simm.s32 $0x2200  }
0x755: {  	[tilespmem:s3], [sflag:$0x1] =	stream.indirect_vreg.gather [hbm4b:s0+s4], $0x80, v47, vm0, $0xb8;
	[tilespmem:$0x12200] =	vst v63  }
0x756: {  	v54 =	vperm.xlane v37, v5;
	v53 =	vadd.s32 v7, v52;
	s3 =	simm.s32 $0x2280  }
0x757: {  	[tilespmem:s3], [sflag:$0x1] =	stream.indirect_vreg.gather [hbm4b:s0+s4], $0x80, v49, vm0, $0xb8;
	[tilespmem:$0x12200] =	vst v63  }
0x758: {  	v56 =	vperm.xlane v37, v26;
	v55 =	vadd.s32 v7, v54;
	s3 =	simm.s32 $0x2300  }
0x759: {  	[tilespmem:s3], [sflag:$0x1] =	stream.indirect_vreg.gather [hbm4b:s0+s4], $0x80, v51, vm0, $0xb8;
	[tilespmem:$0x12200] =	vst v63  }
0x75a: {  	v58 =	vperm.xlane v37, v11;
	v57 =	vadd.s32 v7, v56;
	s3 =	simm.s32 $0x2380  }
0x75b: {  	[tilespmem:s3], [sflag:$0x1] =	stream.indirect_vreg.gather [hbm4b:s0+s4], $0x80, v53, vm0, $0xb8;
	[tilespmem:$0x12200] =	vst v63  }
0x75c: {  	v60 =	vperm.xlane v37, v12;
	v59 =	vadd.s32 v7, v58;
	s3 =	simm.s32 $0x2400  }
0x75d: {  	[tilespmem:s3], [sflag:$0x1] =	stream.indirect_vreg.gather [hbm4b:s0+s4], $0x80, v55, vm0, $0xb8;
	[tilespmem:$0x12200] =	vst v63  }
0x75e: {  	v62 =	vperm.xlane v37, v13;
	v61 =	vadd.s32 v7, v60;
	s3 =	simm.s32 $0x2480  }
0x75f: {  	[tilespmem:s3], [sflag:$0x1] =	stream.indirect_vreg.gather [hbm4b:s0+s4], $0x80, v57, vm0, $0xb8;
	[tilespmem:$0x12200] =	vst v63  }
0x760: {  	v63 =	vadd.s32 v7, v62;
	v44 =	vperm.xlane v37, v14;
	s3 =	simm.s32 $0x2500  }
0x761: {  	[tilespmem:s3], [sflag:$0x1] =	stream.indirect_vreg.gather [hbm4b:s0+s4], $0x80, v59, vm0, $0xb8;
	[tilespmem:$0x12200] =	vst v63  }
0x762: {  	v46 =	vperm.xlane v37, v16;
	v45 =	vadd.s32 v7, v44;
	s3 =	simm.s32 $0x2580  }
0x763: {  	[tilespmem:s3], [sflag:$0x1] =	stream.indirect_vreg.gather [hbm4b:s0+s4], $0x80, v61, vm0, $0xb8;
	[tilespmem:$0x12200] =	vst v63  }
0x764: {  	v48 =	vperm.xlane v37, v17;
	v47 =	vadd.s32 v7, v46;
	s3 =	simm.s32 $0x2600  }
0x765: {  	[tilespmem:s3], [sflag:$0x1] =	stream.indirect_vreg.gather [hbm4b:s0+s4], $0x80, v63, vm0, $0xb8;
	[tilespmem:$0x12200] =	vst v63  }
0x766: {  	v37 =	vperm.xlane v37, v18;
	v49 =	vadd.s32 v7, v48;
	s3 =	simm.s32 $0x2680  }
0x767: {  	[tilespmem:s3], [sflag:$0x1] =	stream.indirect_vreg.gather [hbm4b:s0+s4], $0x80, v45, vm0, $0xb8;
	[tilespmem:$0x12200] =	vst v63  }
0x768: {  	v37 =	vadd.s32 v7, v37;
	s3 =	simm.s32 $0x2700  }
0x769: {  	[tilespmem:s3], [sflag:$0x1] =	stream.indirect_vreg.gather [hbm4b:s0+s4], $0x80, v47, vm0, $0xb8;
	[tilespmem:$0x12200] =	vst v63  }
0x76a: {  	s3 =	simm.s32 $0x2780  }
0x76b: {  	[tilespmem:s3], [sflag:$0x1] =	stream.indirect_vreg.gather [hbm4b:s0+s4], $0x80, v49, vm0, $0xb8;
	[tilespmem:$0x12200] =	vst v63  }
0x76c: {  	s3 =	simm.s32 $0x2800  }
0x76d: {  	[tilespmem:s3], [sflag:$0x1] =	stream.indirect_vreg.gather [hbm4b:s0+s4], $0x80, v37, vm0, $0xb8;
	[tilespmem:$0x12200] =	vst v63  }
0x76e: {  	v37 =	vld [tilespmem:s14+$0x310];
	_ =	sdelay $0x4  }
0x76f: {  	v50 =	vshrl.u32 v37, $0x3  }
0x770: {  	v38 =	vmul.u32 $0x7D0, v50  }
0x771: {  	v37 =	vand.u32 $0x7, v37  }
0x772: {  	v37 =	vor.u32 v37, v38  }
0x773: {  	v38 =	vperm.xlane v37, v6;
	_ =	sdelay $0x1  }
0x774: {  	v51 =	vperm.xlane v37, v8;
	v38 =	vadd.s32 v7, v38;
	_ =	sdelay $0x1  }
0x775: {  	v52 =	vperm.xlane v37, v9;
	v39 =	vadd.s32 v7, v51;
	_ =	sdelay $0x1  }
0x776: {  	s3 =	simm.s32 $0x2880;
	v53 =	vperm.xlane v37, v4;
	v40 =	vadd.s32 v7, v52  }
0x777: {  	[tilespmem:s3], [sflag:$0x1] =	stream.indirect_vreg.gather [hbm4b:s0+s4], $0x80, v38, vm0, $0xb8;
	[tilespmem:$0x12200] =	vst v63  }
0x778: {  	v55 =	vperm.xlane v37, v10;
	v54 =	vadd.s32 v7, v53;
	s3 =	simm.s32 $0x2900  }
0x779: {  	[tilespmem:s3], [sflag:$0x1] =	stream.indirect_vreg.gather [hbm4b:s0+s4], $0x80, v39, vm0, $0xb8;
	[tilespmem:$0x12200] =	vst v63  }
0x77a: {  	v57 =	vperm.xlane v37, v22;
	v56 =	vadd.s32 v7, v55;
	s3 =	simm.s32 $0x2980  }
0x77b: {  	[tilespmem:s3], [sflag:$0x1] =	stream.indirect_vreg.gather [hbm4b:s0+s4], $0x80, v40, vm0, $0xb8;
	[tilespmem:$0x12200] =	vst v63  }
0x77c: {  	v59 =	vperm.xlane v37, v24;
	v58 =	vadd.s32 v7, v57;
	s3 =	simm.s32 $0x2A00  }
0x77d: {  	[tilespmem:s3], [sflag:$0x1] =	stream.indirect_vreg.gather [hbm4b:s0+s4], $0x80, v54, vm0, $0xb8;
	[tilespmem:$0x12200] =	vst v63  }
0x77e: {  	v61 =	vperm.xlane v37, v5;
	v60 =	vadd.s32 v7, v59;
	s3 =	simm.s32 $0x2A80  }
0x77f: {  	[tilespmem:s3], [sflag:$0x1] =	stream.indirect_vreg.gather [hbm4b:s0+s4], $0x80, v56, vm0, $0xb8;
	[tilespmem:$0x12200] =	vst v63  }
0x780: {  	v63 =	vperm.xlane v37, v26;
	v62 =	vadd.s32 v7, v61;
	s3 =	simm.s32 $0x2B00  }
0x781: {  	[tilespmem:s3], [sflag:$0x1] =	stream.indirect_vreg.gather [hbm4b:s0+s4], $0x80, v58, vm0, $0xb8;
	[tilespmem:$0x12200] =	vst v63  }
0x782: {  	v45 =	vperm.xlane v37, v11;
	v44 =	vadd.s32 v7, v63;
	s3 =	simm.s32 $0x2B80  }
0x783: {  	[tilespmem:s3], [sflag:$0x1] =	stream.indirect_vreg.gather [hbm4b:s0+s4], $0x80, v60, vm0, $0xb8;
	[tilespmem:$0x12200] =	vst v63  }
0x784: {  	v47 =	vperm.xlane v37, v12;
	v46 =	vadd.s32 v7, v45;
	s3 =	simm.s32 $0x2C00  }
0x785: {  	[tilespmem:s3], [sflag:$0x1] =	stream.indirect_vreg.gather [hbm4b:s0+s4], $0x80, v62, vm0, $0xb8;
	[tilespmem:$0x12200] =	vst v63  }
0x786: {  	v49 =	vperm.xlane v37, v13;
	v48 =	vadd.s32 v7, v47;
	s3 =	simm.s32 $0x2C80  }
0x787: {  	[tilespmem:s3], [sflag:$0x1] =	stream.indirect_vreg.gather [hbm4b:s0+s4], $0x80, v44, vm0, $0xb8;
	[tilespmem:$0x12200] =	vst v63  }
0x788: {  	v50 =	vadd.s32 v7, v49;
	v51 =	vperm.xlane v37, v14;
	s3 =	simm.s32 $0x2D00  }
0x789: {  	[tilespmem:s3], [sflag:$0x1] =	stream.indirect_vreg.gather [hbm4b:s0+s4], $0x80, v46, vm0, $0xb8;
	[tilespmem:$0x12200] =	vst v63  }
0x78a: {  	v53 =	vperm.xlane v37, v16;
	v52 =	vadd.s32 v7, v51;
	s3 =	simm.s32 $0x2D80  }
0x78b: {  	[tilespmem:s3], [sflag:$0x1] =	stream.indirect_vreg.gather [hbm4b:s0+s4], $0x80, v48, vm0, $0xb8;
	[tilespmem:$0x12200] =	vst v63  }
0x78c: {  	v55 =	vperm.xlane v37, v17;
	v54 =	vadd.s32 v7, v53;
	s3 =	simm.s32 $0x2E00  }
0x78d: {  	[tilespmem:s3], [sflag:$0x1] =	stream.indirect_vreg.gather [hbm4b:s0+s4], $0x80, v50, vm0, $0xb8;
	[tilespmem:$0x12200] =	vst v63  }
0x78e: {  	v37 =	vperm.xlane v37, v18;
	v56 =	vadd.s32 v7, v55;
	s3 =	simm.s32 $0x2E80  }
0x78f: {  	[tilespmem:s3], [sflag:$0x1] =	stream.indirect_vreg.gather [hbm4b:s0+s4], $0x80, v52, vm0, $0xb8;
	[tilespmem:$0x12200] =	vst v63  }
0x790: {  	v37 =	vadd.s32 v7, v37;
	s3 =	simm.s32 $0x2F00  }
0x791: {  	[tilespmem:s3], [sflag:$0x1] =	stream.indirect_vreg.gather [hbm4b:s0+s4], $0x80, v54, vm0, $0xb8;
	[tilespmem:$0x12200] =	vst v63  }
0x792: {  	s3 =	simm.s32 $0x2F80  }
0x793: {  	[tilespmem:s3], [sflag:$0x1] =	stream.indirect_vreg.gather [hbm4b:s0+s4], $0x80, v56, vm0, $0xb8;
	[tilespmem:$0x12200] =	vst v63  }
0x794: {  	(v2sf) =	vpush v36, $0x3;
	s3 =	simm.s32 $0x3000  }
0x795: {  	[tilespmem:s3], [sflag:$0x1] =	stream.indirect_vreg.gather [hbm4b:s0+s4], $0x80, v37, vm0, $0xb8;
	[tilespmem:$0x12200] =	vst v63  }
0x796: {  	v37 =	vld [tilespmem:s14+$0x380];
	_ =	sdelay $0x4  }
0x797: {  	v57 =	vshrl.u32 v37, $0x3  }
0x798: {  	v38 =	vmul.u32 $0x7D0, v57  }
0x799: {  	v37 =	vand.u32 $0x7, v37  }
0x79a: {  	v37 =	vor.u32 v37, v38  }
0x79b: {  	v38 =	vperm.xlane v37, v6;
	_ =	sdelay $0x1  }
0x79c: {  	v58 =	vperm.xlane v37, v8;
	v38 =	vadd.s32 v7, v38;
	_ =	sdelay $0x1  }
0x79d: {  	s2 =	spop (v2sf);
	v59 =	vperm.xlane v37, v9;
	v39 =	vadd.s32 v7, v58  }
0x79e: {  	s0 =	sand.u32 $0xFFFFF80, s2  }
0x79f: {  	s3 =	simm.s32 $0x3080;
	s0 =	sadd.s32 s1, s0;
	v60 =	vperm.xlane v37, v4;
	v40 =	vadd.s32 v7, v59  }
0x7a0: {  	[tilespmem:s3], [sflag:$0x1] =	stream.indirect_vreg.gather [hbm4b:s0+s4], $0x80, v38, vm0, $0xb8;
	[tilespmem:$0x12200] =	vst v63  }
0x7a1: {  	v62 =	vperm.xlane v37, v10;
	v61 =	vadd.s32 v7, v60;
	s3 =	simm.s32 $0x3100  }
0x7a2: {  	[tilespmem:s3], [sflag:$0x1] =	stream.indirect_vreg.gather [hbm4b:s0+s4], $0x80, v39, vm0, $0xb8;
	[tilespmem:$0x12200] =	vst v63  }
0x7a3: {  	v44 =	vperm.xlane v37, v22;
	v63 =	vadd.s32 v7, v62;
	s3 =	simm.s32 $0x3180  }
0x7a4: {  	[tilespmem:s3], [sflag:$0x1] =	stream.indirect_vreg.gather [hbm4b:s0+s4], $0x80, v40, vm0, $0xb8;
	[tilespmem:$0x12200] =	vst v63  }
0x7a5: {  	v46 =	vperm.xlane v37, v24;
	v45 =	vadd.s32 v7, v44;
	s3 =	simm.s32 $0x3200  }
0x7a6: {  	[tilespmem:s3], [sflag:$0x1] =	stream.indirect_vreg.gather [hbm4b:s0+s4], $0x80, v61, vm0, $0xb8;
	[tilespmem:$0x12200] =	vst v63  }
0x7a7: {  	v48 =	vperm.xlane v37, v5;
	v47 =	vadd.s32 v7, v46;
	s3 =	simm.s32 $0x3280  }
0x7a8: {  	[tilespmem:s3], [sflag:$0x1] =	stream.indirect_vreg.gather [hbm4b:s0+s4], $0x80, v63, vm0, $0xb8;
	[tilespmem:$0x12200] =	vst v63  }
0x7a9: {  	v50 =	vperm.xlane v37, v26;
	v49 =	vadd.s32 v7, v48;
	s3 =	simm.s32 $0x3300  }
0x7aa: {  	[tilespmem:s3], [sflag:$0x1] =	stream.indirect_vreg.gather [hbm4b:s0+s4], $0x80, v45, vm0, $0xb8;
	[tilespmem:$0x12200] =	vst v63  }
0x7ab: {  	v52 =	vperm.xlane v37, v11;
	v51 =	vadd.s32 v7, v50;
	s3 =	simm.s32 $0x3380  }
0x7ac: {  	[tilespmem:s3], [sflag:$0x1] =	stream.indirect_vreg.gather [hbm4b:s0+s4], $0x80, v47, vm0, $0xb8;
	[tilespmem:$0x12200] =	vst v63  }
0x7ad: {  	v54 =	vperm.xlane v37, v12;
	v53 =	vadd.s32 v7, v52;
	s3 =	simm.s32 $0x3400  }
0x7ae: {  	[tilespmem:s3], [sflag:$0x1] =	stream.indirect_vreg.gather [hbm4b:s0+s4], $0x80, v49, vm0, $0xb8;
	[tilespmem:$0x12200] =	vst v63  }
0x7af: {  	v56 =	vperm.xlane v37, v13;
	v55 =	vadd.s32 v7, v54;
	s3 =	simm.s32 $0x3480  }
0x7b0: {  	[tilespmem:s3], [sflag:$0x1] =	stream.indirect_vreg.gather [hbm4b:s0+s4], $0x80, v51, vm0, $0xb8;
	[tilespmem:$0x12200] =	vst v63  }
0x7b1: {  	v57 =	vadd.s32 v7, v56;
	v58 =	vperm.xlane v37, v14;
	s3 =	simm.s32 $0x3500  }
0x7b2: {  	[tilespmem:s3], [sflag:$0x1] =	stream.indirect_vreg.gather [hbm4b:s0+s4], $0x80, v53, vm0, $0xb8;
	[tilespmem:$0x12200] =	vst v63  }
0x7b3: {  	v60 =	vperm.xlane v37, v16;
	v59 =	vadd.s32 v7, v58;
	s3 =	simm.s32 $0x3580  }
0x7b4: {  	[tilespmem:s3], [sflag:$0x1] =	stream.indirect_vreg.gather [hbm4b:s0+s4], $0x80, v55, vm0, $0xb8;
	[tilespmem:$0x12200] =	vst v63  }
0x7b5: {  	v62 =	vperm.xlane v37, v17;
	v61 =	vadd.s32 v7, v60;
	s3 =	simm.s32 $0x3600  }
0x7b6: {  	[tilespmem:s3], [sflag:$0x1] =	stream.indirect_vreg.gather [hbm4b:s0+s4], $0x80, v57, vm0, $0xb8;
	[tilespmem:$0x12200] =	vst v63  }
0x7b7: {  	v37 =	vperm.xlane v37, v18;
	v63 =	vadd.s32 v7, v62;
	s3 =	simm.s32 $0x3680  }
0x7b8: {  	[tilespmem:s3], [sflag:$0x1] =	stream.indirect_vreg.gather [hbm4b:s0+s4], $0x80, v59, vm0, $0xb8;
	[tilespmem:$0x12200] =	vst v63  }
0x7b9: {  	v37 =	vadd.s32 v7, v37;
	s3 =	simm.s32 $0x3700  }
0x7ba: {  	[tilespmem:s3], [sflag:$0x1] =	stream.indirect_vreg.gather [hbm4b:s0+s4], $0x80, v61, vm0, $0xb8;
	[tilespmem:$0x12200] =	vst v63  }
0x7bb: {  	s3 =	simm.s32 $0x3780  }
0x7bc: {  	[tilespmem:s3], [sflag:$0x1] =	stream.indirect_vreg.gather [hbm4b:s0+s4], $0x80, v63, vm0, $0xb8;
	[tilespmem:$0x12200] =	vst v63  }
0x7bd: {  	s3 =	simm.s32 $0x3800  }
0x7be: {  	[tilespmem:s3], [sflag:$0x1] =	stream.indirect_vreg.gather [hbm4b:s0+s4], $0x80, v37, vm0, $0xb8;
	[tilespmem:$0x12200] =	vst v63  }
0x7bf: {  	v37 =	vld [tilespmem:s14+$0x390];
	_ =	sdelay $0x4  }
0x7c0: {  	v43 =	vshrl.u32 v37, $0x3  }
0x7c1: {  	v38 =	vmul.u32 $0x7D0, v43  }
0x7c2: {  	v37 =	vand.u32 $0x7, v37  }
0x7c3: {  	v37 =	vor.u32 v37, v38  }
0x7c4: {  	v38 =	vperm.xlane v37, v6;
	_ =	sdelay $0x1  }
0x7c5: {  	v44 =	vperm.xlane v37, v8;
	v38 =	vadd.s32 v7, v38;
	_ =	sdelay $0x1  }
0x7c6: {  	v45 =	vperm.xlane v37, v9;
	v39 =	vadd.s32 v7, v44;
	_ =	sdelay $0x1  }
0x7c7: {  	s3 =	simm.s32 $0x3880;
	v46 =	vperm.xlane v37, v4;
	v40 =	vadd.s32 v7, v45  }
0x7c8: {  	[tilespmem:s3], [sflag:$0x1] =	stream.indirect_vreg.gather [hbm4b:s0+s4], $0x80, v38, vm0, $0xb8;
	[tilespmem:$0x12200] =	vst v63  }
0x7c9: {  	v48 =	vperm.xlane v37, v10;
	v47 =	vadd.s32 v7, v46;
	s3 =	simm.s32 $0x3900  }
0x7ca: {  	[tilespmem:s3], [sflag:$0x1] =	stream.indirect_vreg.gather [hbm4b:s0+s4], $0x80, v39, vm0, $0xb8;
	[tilespmem:$0x12200] =	vst v63  }
0x7cb: {  	v50 =	vperm.xlane v37, v22;
	v49 =	vadd.s32 v7, v48;
	s3 =	simm.s32 $0x3980  }
0x7cc: {  	[tilespmem:s3], [sflag:$0x1] =	stream.indirect_vreg.gather [hbm4b:s0+s4], $0x80, v40, vm0, $0xb8;
	[tilespmem:$0x12200] =	vst v63  }
0x7cd: {  	v52 =	vperm.xlane v37, v24;
	v51 =	vadd.s32 v7, v50;
	s3 =	simm.s32 $0x3A00  }
0x7ce: {  	[tilespmem:s3], [sflag:$0x1] =	stream.indirect_vreg.gather [hbm4b:s0+s4], $0x80, v47, vm0, $0xb8;
	[tilespmem:$0x12200] =	vst v63  }
0x7cf: {  	v54 =	vperm.xlane v37, v5;
	v53 =	vadd.s32 v7, v52;
	s3 =	simm.s32 $0x3A80  }
0x7d0: {  	[tilespmem:s3], [sflag:$0x1] =	stream.indirect_vreg.gather [hbm4b:s0+s4], $0x80, v49, vm0, $0xb8;
	[tilespmem:$0x12200] =	vst v63  }
0x7d1: {  	v56 =	vperm.xlane v37, v26;
	v55 =	vadd.s32 v7, v54;
	s3 =	simm.s32 $0x3B00  }
0x7d2: {  	[tilespmem:s3], [sflag:$0x1] =	stream.indirect_vreg.gather [hbm4b:s0+s4], $0x80, v51, vm0, $0xb8;
	[tilespmem:$0x12200] =	vst v63  }
0x7d3: {  	v58 =	vperm.xlane v37, v11;
	v57 =	vadd.s32 v7, v56;
	s3 =	simm.s32 $0x3B80  }
0x7d4: {  	[tilespmem:s3], [sflag:$0x1] =	stream.indirect_vreg.gather [hbm4b:s0+s4], $0x80, v53, vm0, $0xb8;
	[tilespmem:$0x12200] =	vst v63  }
0x7d5: {  	v60 =	vperm.xlane v37, v12;
	v59 =	vadd.s32 v7, v58;
	s3 =	simm.s32 $0x3C00  }
0x7d6: {  	[tilespmem:s3], [sflag:$0x1] =	stream.indirect_vreg.gather [hbm4b:s0+s4], $0x80, v55, vm0, $0xb8;
	[tilespmem:$0x12200] =	vst v63  }
0x7d7: {  	v62 =	vperm.xlane v37, v13;
	v61 =	vadd.s32 v7, v60;
	s3 =	simm.s32 $0x3C80  }
0x7d8: {  	[tilespmem:s3], [sflag:$0x1] =	stream.indirect_vreg.gather [hbm4b:s0+s4], $0x80, v57, vm0, $0xb8;
	[tilespmem:$0x12200] =	vst v63  }
0x7d9: {  	v63 =	vadd.s32 v7, v62;
	v44 =	vperm.xlane v37, v14;
	s3 =	simm.s32 $0x3D00  }
0x7da: {  	[tilespmem:s3], [sflag:$0x1] =	stream.indirect_vreg.gather [hbm4b:s0+s4], $0x80, v59, vm0, $0xb8;
	[tilespmem:$0x12200] =	vst v63  }
0x7db: {  	v46 =	vperm.xlane v37, v16;
	v45 =	vadd.s32 v7, v44;
	s3 =	simm.s32 $0x3D80  }
0x7dc: {  	[tilespmem:s3], [sflag:$0x1] =	stream.indirect_vreg.gather [hbm4b:s0+s4], $0x80, v61, vm0, $0xb8;
	[tilespmem:$0x12200] =	vst v63  }
0x7dd: {  	v48 =	vperm.xlane v37, v17;
	v47 =	vadd.s32 v7, v46;
	s3 =	simm.s32 $0x3E00  }
0x7de: {  	[tilespmem:s3], [sflag:$0x1] =	stream.indirect_vreg.gather [hbm4b:s0+s4], $0x80, v63, vm0, $0xb8;
	[tilespmem:$0x12200] =	vst v63  }
0x7df: {  	v37 =	vperm.xlane v37, v18;
	v49 =	vadd.s32 v7, v48;
	s3 =	simm.s32 $0x3E80  }
0x7e0: {  	[tilespmem:s3], [sflag:$0x1] =	stream.indirect_vreg.gather [hbm4b:s0+s4], $0x80, v45, vm0, $0xb8;
	[tilespmem:$0x12200] =	vst v63  }
0x7e1: {  	v37 =	vadd.s32 v7, v37;
	s3 =	simm.s32 $0x3F00  }
0x7e2: {  	[tilespmem:s3], [sflag:$0x1] =	stream.indirect_vreg.gather [hbm4b:s0+s4], $0x80, v47, vm0, $0xb8;
	[tilespmem:$0x12200] =	vst v63  }
0x7e3: {  	s3 =	simm.s32 $0x3F80  }
0x7e4: {  	[tilespmem:s3], [sflag:$0x1] =	stream.indirect_vreg.gather [hbm4b:s0+s4], $0x80, v49, vm0, $0xb8;
	[tilespmem:$0x12200] =	vst v63  }
0x7e5: {  	(v2sf) =	vpush v36, $0x4;
	s3 =	simm.s32 $0x4000  }
0x7e6: {  	[tilespmem:s3], [sflag:$0x1] =	stream.indirect_vreg.gather [hbm4b:s0+s4], $0x80, v37, vm0, $0xb8;
	[tilespmem:$0x12200] =	vst v63  }
0x7e7: {  	v37 =	vld [tilespmem:s14+$0x400];
	_ =	sdelay $0x4  }
0x7e8: {  	v50 =	vshrl.u32 v37, $0x3  }
0x7e9: {  	v38 =	vmul.u32 $0x7D0, v50  }
0x7ea: {  	v37 =	vand.u32 $0x7, v37  }
0x7eb: {  	v37 =	vor.u32 v37, v38  }
0x7ec: {  	v38 =	vperm.xlane v37, v6;
	_ =	sdelay $0x1  }
0x7ed: {  	v51 =	vperm.xlane v37, v8;
	v38 =	vadd.s32 v7, v38;
	_ =	sdelay $0x1  }
0x7ee: {  	s2 =	spop (v2sf);
	v52 =	vperm.xlane v37, v9;
	v39 =	vadd.s32 v7, v51  }
0x7ef: {  	s0 =	sand.u32 $0xFFFFF80, s2  }
0x7f0: {  	s3 =	simm.s32 $0x4080;
	s0 =	sadd.s32 s1, s0;
	v53 =	vperm.xlane v37, v4;
	v40 =	vadd.s32 v7, v52  }
0x7f1: {  	[tilespmem:s3], [sflag:$0x1] =	stream.indirect_vreg.gather [hbm4b:s0+s4], $0x80, v38, vm0, $0xb8;
	[tilespmem:$0x12200] =	vst v63  }
0x7f2: {  	v55 =	vperm.xlane v37, v10;
	v54 =	vadd.s32 v7, v53;
	s3 =	simm.s32 $0x4100  }
0x7f3: {  	[tilespmem:s3], [sflag:$0x1] =	stream.indirect_vreg.gather [hbm4b:s0+s4], $0x80, v39, vm0, $0xb8;
	[tilespmem:$0x12200] =	vst v63  }
0x7f4: {  	v57 =	vperm.xlane v37, v22;
	v56 =	vadd.s32 v7, v55;
	s3 =	simm.s32 $0x4180  }
0x7f5: {  	[tilespmem:s3], [sflag:$0x1] =	stream.indirect_vreg.gather [hbm4b:s0+s4], $0x80, v40, vm0, $0xb8;
	[tilespmem:$0x12200] =	vst v63  }
0x7f6: {  	v59 =	vperm.xlane v37, v24;
	v58 =	vadd.s32 v7, v57;
	s3 =	simm.s32 $0x4200  }
0x7f7: {  	[tilespmem:s3], [sflag:$0x1] =	stream.indirect_vreg.gather [hbm4b:s0+s4], $0x80, v54, vm0, $0xb8;
	[tilespmem:$0x12200] =	vst v63  }
0x7f8: {  	v61 =	vperm.xlane v37, v5;
	v60 =	vadd.s32 v7, v59;
	s3 =	simm.s32 $0x4280  }
0x7f9: {  	[tilespmem:s3], [sflag:$0x1] =	stream.indirect_vreg.gather [hbm4b:s0+s4], $0x80, v56, vm0, $0xb8;
	[tilespmem:$0x12200] =	vst v63  }
0x7fa: {  	v63 =	vperm.xlane v37, v26;
	v62 =	vadd.s32 v7, v61;
	s3 =	simm.s32 $0x4300  }
0x7fb: {  	[tilespmem:s3], [sflag:$0x1] =	stream.indirect_vreg.gather [hbm4b:s0+s4], $0x80, v58, vm0, $0xb8;
	[tilespmem:$0x12200] =	vst v63  }
0x7fc: {  	v45 =	vperm.xlane v37, v11;
	v44 =	vadd.s32 v7, v63;
	s3 =	simm.s32 $0x4380  }
0x7fd: {  	[tilespmem:s3], [sflag:$0x1] =	stream.indirect_vreg.gather [hbm4b:s0+s4], $0x80, v60, vm0, $0xb8;
	[tilespmem:$0x12200] =	vst v63  }
0x7fe: {  	v47 =	vperm.xlane v37, v12;
	v46 =	vadd.s32 v7, v45;
	s3 =	simm.s32 $0x4400  }
0x7ff: {  	[tilespmem:s3], [sflag:$0x1] =	stream.indirect_vreg.gather [hbm4b:s0+s4], $0x80, v62, vm0, $0xb8;
	[tilespmem:$0x12200] =	vst v63  }
0x800: {  	v49 =	vperm.xlane v37, v13;
	v48 =	vadd.s32 v7, v47;
	s3 =	simm.s32 $0x4480  }
0x801: {  	[tilespmem:s3], [sflag:$0x1] =	stream.indirect_vreg.gather [hbm4b:s0+s4], $0x80, v44, vm0, $0xb8;
	[tilespmem:$0x12200] =	vst v63  }
0x802: {  	v50 =	vadd.s32 v7, v49;
	v51 =	vperm.xlane v37, v14;
	s3 =	simm.s32 $0x4500  }
0x803: {  	[tilespmem:s3], [sflag:$0x1] =	stream.indirect_vreg.gather [hbm4b:s0+s4], $0x80, v46, vm0, $0xb8;
	[tilespmem:$0x12200] =	vst v63  }
0x804: {  	v53 =	vperm.xlane v37, v16;
	v52 =	vadd.s32 v7, v51;
	s3 =	simm.s32 $0x4580  }
0x805: {  	[tilespmem:s3], [sflag:$0x1] =	stream.indirect_vreg.gather [hbm4b:s0+s4], $0x80, v48, vm0, $0xb8;
	[tilespmem:$0x12200] =	vst v63  }
0x806: {  	v55 =	vperm.xlane v37, v17;
	v54 =	vadd.s32 v7, v53;
	s3 =	simm.s32 $0x4600  }
0x807: {  	[tilespmem:s3], [sflag:$0x1] =	stream.indirect_vreg.gather [hbm4b:s0+s4], $0x80, v50, vm0, $0xb8;
	[tilespmem:$0x12200] =	vst v63  }
0x808: {  	v37 =	vperm.xlane v37, v18;
	v56 =	vadd.s32 v7, v55;
	s3 =	simm.s32 $0x4680  }
0x809: {  	[tilespmem:s3], [sflag:$0x1] =	stream.indirect_vreg.gather [hbm4b:s0+s4], $0x80, v52, vm0, $0xb8;
	[tilespmem:$0x12200] =	vst v63  }
0x80a: {  	v37 =	vadd.s32 v7, v37;
	s3 =	simm.s32 $0x4700  }
0x80b: {  	[tilespmem:s3], [sflag:$0x1] =	stream.indirect_vreg.gather [hbm4b:s0+s4], $0x80, v54, vm0, $0xb8;
	[tilespmem:$0x12200] =	vst v63  }
0x80c: {  	s3 =	simm.s32 $0x4780  }
0x80d: {  	[tilespmem:s3], [sflag:$0x1] =	stream.indirect_vreg.gather [hbm4b:s0+s4], $0x80, v56, vm0, $0xb8;
	[tilespmem:$0x12200] =	vst v63  }
0x80e: {  	s3 =	simm.s32 $0x4800  }
0x80f: {  	[tilespmem:s3], [sflag:$0x1] =	stream.indirect_vreg.gather [hbm4b:s0+s4], $0x80, v37, vm0, $0xb8;
	[tilespmem:$0x12200] =	vst v63  }
0x810: {  	v37 =	vld [tilespmem:s14+$0x410];
	_ =	sdelay $0x4  }
0x811: {  	v57 =	vshrl.u32 v37, $0x3  }
0x812: {  	v38 =	vmul.u32 $0x7D0, v57  }
0x813: {  	v37 =	vand.u32 $0x7, v37  }
0x814: {  	v37 =	vor.u32 v37, v38  }
0x815: {  	v38 =	vperm.xlane v37, v6;
	_ =	sdelay $0x1  }
0x816: {  	v58 =	vperm.xlane v37, v8;
	v38 =	vadd.s32 v7, v38;
	_ =	sdelay $0x1  }
0x817: {  	v59 =	vperm.xlane v37, v9;
	v39 =	vadd.s32 v7, v58;
	_ =	sdelay $0x1  }
0x818: {  	s3 =	simm.s32 $0x4880;
	v60 =	vperm.xlane v37, v4;
	v40 =	vadd.s32 v7, v59  }
0x819: {  	[tilespmem:s3], [sflag:$0x1] =	stream.indirect_vreg.gather [hbm4b:s0+s4], $0x80, v38, vm0, $0xb8;
	[tilespmem:$0x12200] =	vst v63  }
0x81a: {  	v62 =	vperm.xlane v37, v10;
	v61 =	vadd.s32 v7, v60;
	s3 =	simm.s32 $0x4900  }
0x81b: {  	[tilespmem:s3], [sflag:$0x1] =	stream.indirect_vreg.gather [hbm4b:s0+s4], $0x80, v39, vm0, $0xb8;
	[tilespmem:$0x12200] =	vst v63  }
0x81c: {  	v44 =	vperm.xlane v37, v22;
	v63 =	vadd.s32 v7, v62;
	s3 =	simm.s32 $0x4980  }
0x81d: {  	[tilespmem:s3], [sflag:$0x1] =	stream.indirect_vreg.gather [hbm4b:s0+s4], $0x80, v40, vm0, $0xb8;
	[tilespmem:$0x12200] =	vst v63  }
0x81e: {  	v46 =	vperm.xlane v37, v24;
	v45 =	vadd.s32 v7, v44;
	s3 =	simm.s32 $0x4A00  }
0x81f: {  	[tilespmem:s3], [sflag:$0x1] =	stream.indirect_vreg.gather [hbm4b:s0+s4], $0x80, v61, vm0, $0xb8;
	[tilespmem:$0x12200] =	vst v63  }
0x820: {  	v48 =	vperm.xlane v37, v5;
	v47 =	vadd.s32 v7, v46;
	s3 =	simm.s32 $0x4A80  }
0x821: {  	[tilespmem:s3], [sflag:$0x1] =	stream.indirect_vreg.gather [hbm4b:s0+s4], $0x80, v63, vm0, $0xb8;
	[tilespmem:$0x12200] =	vst v63  }
0x822: {  	v50 =	vperm.xlane v37, v26;
	v49 =	vadd.s32 v7, v48;
	s3 =	simm.s32 $0x4B00  }
0x823: {  	[tilespmem:s3], [sflag:$0x1] =	stream.indirect_vreg.gather [hbm4b:s0+s4], $0x80, v45, vm0, $0xb8;
	[tilespmem:$0x12200] =	vst v63  }
0x824: {  	v52 =	vperm.xlane v37, v11;
	v51 =	vadd.s32 v7, v50;
	s3 =	simm.s32 $0x4B80  }
0x825: {  	[tilespmem:s3], [sflag:$0x1] =	stream.indirect_vreg.gather [hbm4b:s0+s4], $0x80, v47, vm0, $0xb8;
	[tilespmem:$0x12200] =	vst v63  }
0x826: {  	v54 =	vperm.xlane v37, v12;
	v53 =	vadd.s32 v7, v52;
	s3 =	simm.s32 $0x4C00  }
0x827: {  	[tilespmem:s3], [sflag:$0x1] =	stream.indirect_vreg.gather [hbm4b:s0+s4], $0x80, v49, vm0, $0xb8;
	[tilespmem:$0x12200] =	vst v63  }
0x828: {  	v56 =	vperm.xlane v37, v13;
	v55 =	vadd.s32 v7, v54;
	s3 =	simm.s32 $0x4C80  }
0x829: {  	[tilespmem:s3], [sflag:$0x1] =	stream.indirect_vreg.gather [hbm4b:s0+s4], $0x80, v51, vm0, $0xb8;
	[tilespmem:$0x12200] =	vst v63  }
0x82a: {  	v57 =	vadd.s32 v7, v56;
	v58 =	vperm.xlane v37, v14;
	s3 =	simm.s32 $0x4D00  }
0x82b: {  	[tilespmem:s3], [sflag:$0x1] =	stream.indirect_vreg.gather [hbm4b:s0+s4], $0x80, v53, vm0, $0xb8;
	[tilespmem:$0x12200] =	vst v63  }
0x82c: {  	v60 =	vperm.xlane v37, v16;
	v59 =	vadd.s32 v7, v58;
	s3 =	simm.s32 $0x4D80  }
0x82d: {  	[tilespmem:s3], [sflag:$0x1] =	stream.indirect_vreg.gather [hbm4b:s0+s4], $0x80, v55, vm0, $0xb8;
	[tilespmem:$0x12200] =	vst v63  }
0x82e: {  	v62 =	vperm.xlane v37, v17;
	v61 =	vadd.s32 v7, v60;
	s3 =	simm.s32 $0x4E00  }
0x82f: {  	[tilespmem:s3], [sflag:$0x1] =	stream.indirect_vreg.gather [hbm4b:s0+s4], $0x80, v57, vm0, $0xb8;
	[tilespmem:$0x12200] =	vst v63  }
0x830: {  	v37 =	vperm.xlane v37, v18;
	v63 =	vadd.s32 v7, v62;
	s3 =	simm.s32 $0x4E80  }
0x831: {  	[tilespmem:s3], [sflag:$0x1] =	stream.indirect_vreg.gather [hbm4b:s0+s4], $0x80, v59, vm0, $0xb8;
	[tilespmem:$0x12200] =	vst v63  }
0x832: {  	v37 =	vadd.s32 v7, v37;
	s3 =	simm.s32 $0x4F00  }
0x833: {  	[tilespmem:s3], [sflag:$0x1] =	stream.indirect_vreg.gather [hbm4b:s0+s4], $0x80, v61, vm0, $0xb8;
	[tilespmem:$0x12200] =	vst v63  }
0x834: {  	s3 =	simm.s32 $0x4F80  }
0x835: {  	[tilespmem:s3], [sflag:$0x1] =	stream.indirect_vreg.gather [hbm4b:s0+s4], $0x80, v63, vm0, $0xb8;
	[tilespmem:$0x12200] =	vst v63  }
0x836: {  	(v2sf) =	vpush v36, $0x5;
	s3 =	simm.s32 $0x5000  }
0x837: {  	[tilespmem:s3], [sflag:$0x1] =	stream.indirect_vreg.gather [hbm4b:s0+s4], $0x80, v37, vm0, $0xb8;
	[tilespmem:$0x12200] =	vst v63  }
0x838: {  	v37 =	vld [tilespmem:s14+$0x480];
	_ =	sdelay $0x4  }
0x839: {  	v43 =	vshrl.u32 v37, $0x3  }
0x83a: {  	v38 =	vmul.u32 $0x7D0, v43  }
0x83b: {  	v37 =	vand.u32 $0x7, v37  }
0x83c: {  	v37 =	vor.u32 v37, v38  }
0x83d: {  	v38 =	vperm.xlane v37, v6;
	_ =	sdelay $0x1  }
0x83e: {  	v44 =	vperm.xlane v37, v8;
	v38 =	vadd.s32 v7, v38;
	_ =	sdelay $0x1  }
0x83f: {  	s2 =	spop (v2sf);
	v45 =	vperm.xlane v37, v9;
	v39 =	vadd.s32 v7, v44  }
0x840: {  	s0 =	sand.u32 $0xFFFFF80, s2  }
0x841: {  	s3 =	simm.s32 $0x5080;
	s0 =	sadd.s32 s1, s0;
	v46 =	vperm.xlane v37, v4;
	v40 =	vadd.s32 v7, v45  }
0x842: {  	[tilespmem:s3], [sflag:$0x1] =	stream.indirect_vreg.gather [hbm4b:s0+s4], $0x80, v38, vm0, $0xb8;
	[tilespmem:$0x12200] =	vst v63  }
0x843: {  	v48 =	vperm.xlane v37, v10;
	v47 =	vadd.s32 v7, v46;
	s3 =	simm.s32 $0x5100  }
0x844: {  	[tilespmem:s3], [sflag:$0x1] =	stream.indirect_vreg.gather [hbm4b:s0+s4], $0x80, v39, vm0, $0xb8;
	[tilespmem:$0x12200] =	vst v63  }
0x845: {  	v50 =	vperm.xlane v37, v22;
	v49 =	vadd.s32 v7, v48;
	s3 =	simm.s32 $0x5180  }
0x846: {  	[tilespmem:s3], [sflag:$0x1] =	stream.indirect_vreg.gather [hbm4b:s0+s4], $0x80, v40, vm0, $0xb8;
	[tilespmem:$0x12200] =	vst v63  }
0x847: {  	v52 =	vperm.xlane v37, v24;
	v51 =	vadd.s32 v7, v50;
	s3 =	simm.s32 $0x5200  }
0x848: {  	[tilespmem:s3], [sflag:$0x1] =	stream.indirect_vreg.gather [hbm4b:s0+s4], $0x80, v47, vm0, $0xb8;
	[tilespmem:$0x12200] =	vst v63  }
0x849: {  	v54 =	vperm.xlane v37, v5;
	v53 =	vadd.s32 v7, v52;
	s3 =	simm.s32 $0x5280  }
0x84a: {  	[tilespmem:s3], [sflag:$0x1] =	stream.indirect_vreg.gather [hbm4b:s0+s4], $0x80, v49, vm0, $0xb8;
	[tilespmem:$0x12200] =	vst v63  }
0x84b: {  	v56 =	vperm.xlane v37, v26;
	v55 =	vadd.s32 v7, v54;
	s3 =	simm.s32 $0x5300  }
0x84c: {  	[tilespmem:s3], [sflag:$0x1] =	stream.indirect_vreg.gather [hbm4b:s0+s4], $0x80, v51, vm0, $0xb8;
	[tilespmem:$0x12200] =	vst v63  }
0x84d: {  	v58 =	vperm.xlane v37, v11;
	v57 =	vadd.s32 v7, v56;
	s3 =	simm.s32 $0x5380  }
0x84e: {  	[tilespmem:s3], [sflag:$0x1] =	stream.indirect_vreg.gather [hbm4b:s0+s4], $0x80, v53, vm0, $0xb8;
	[tilespmem:$0x12200] =	vst v63  }
0x84f: {  	v60 =	vperm.xlane v37, v12;
	v59 =	vadd.s32 v7, v58;
	s3 =	simm.s32 $0x5400  }
0x850: {  	[tilespmem:s3], [sflag:$0x1] =	stream.indirect_vreg.gather [hbm4b:s0+s4], $0x80, v55, vm0, $0xb8;
	[tilespmem:$0x12200] =	vst v63  }
0x851: {  	v62 =	vperm.xlane v37, v13;
	v61 =	vadd.s32 v7, v60;
	s3 =	simm.s32 $0x5480  }
0x852: {  	[tilespmem:s3], [sflag:$0x1] =	stream.indirect_vreg.gather [hbm4b:s0+s4], $0x80, v57, vm0, $0xb8;
	[tilespmem:$0x12200] =	vst v63  }
0x853: {  	v63 =	vadd.s32 v7, v62;
	v44 =	vperm.xlane v37, v14;
	s3 =	simm.s32 $0x5500  }
0x854: {  	[tilespmem:s3], [sflag:$0x1] =	stream.indirect_vreg.gather [hbm4b:s0+s4], $0x80, v59, vm0, $0xb8;
	[tilespmem:$0x12200] =	vst v63  }
0x855: {  	v46 =	vperm.xlane v37, v16;
	v45 =	vadd.s32 v7, v44;
	s3 =	simm.s32 $0x5580  }
0x856: {  	[tilespmem:s3], [sflag:$0x1] =	stream.indirect_vreg.gather [hbm4b:s0+s4], $0x80, v61, vm0, $0xb8;
	[tilespmem:$0x12200] =	vst v63  }
0x857: {  	v48 =	vperm.xlane v37, v17;
	v47 =	vadd.s32 v7, v46;
	s3 =	simm.s32 $0x5600  }
0x858: {  	[tilespmem:s3], [sflag:$0x1] =	stream.indirect_vreg.gather [hbm4b:s0+s4], $0x80, v63, vm0, $0xb8;
	[tilespmem:$0x12200] =	vst v63  }
0x859: {  	v37 =	vperm.xlane v37, v18;
	v49 =	vadd.s32 v7, v48;
	s3 =	simm.s32 $0x5680  }
0x85a: {  	[tilespmem:s3], [sflag:$0x1] =	stream.indirect_vreg.gather [hbm4b:s0+s4], $0x80, v45, vm0, $0xb8;
	[tilespmem:$0x12200] =	vst v63  }
0x85b: {  	v37 =	vadd.s32 v7, v37;
	s3 =	simm.s32 $0x5700  }
0x85c: {  	[tilespmem:s3], [sflag:$0x1] =	stream.indirect_vreg.gather [hbm4b:s0+s4], $0x80, v47, vm0, $0xb8;
	[tilespmem:$0x12200] =	vst v63  }
0x85d: {  	s3 =	simm.s32 $0x5780  }
0x85e: {  	[tilespmem:s3], [sflag:$0x1] =	stream.indirect_vreg.gather [hbm4b:s0+s4], $0x80, v49, vm0, $0xb8;
	[tilespmem:$0x12200] =	vst v63  }
0x85f: {  	s3 =	simm.s32 $0x5800  }
0x860: {  	[tilespmem:s3], [sflag:$0x1] =	stream.indirect_vreg.gather [hbm4b:s0+s4], $0x80, v37, vm0, $0xb8;
	[tilespmem:$0x12200] =	vst v63  }
0x861: {  	v37 =	vld [tilespmem:s14+$0x490];
	_ =	sdelay $0x4  }
0x862: {  	v50 =	vshrl.u32 v37, $0x3  }
0x863: {  	v38 =	vmul.u32 $0x7D0, v50  }
0x864: {  	v37 =	vand.u32 $0x7, v37  }
0x865: {  	v37 =	vor.u32 v37, v38  }
0x866: {  	v38 =	vperm.xlane v37, v6;
	_ =	sdelay $0x1  }
0x867: {  	v51 =	vperm.xlane v37, v8;
	v38 =	vadd.s32 v7, v38;
	_ =	sdelay $0x1  }
0x868: {  	v52 =	vperm.xlane v37, v9;
	v39 =	vadd.s32 v7, v51;
	_ =	sdelay $0x1  }
0x869: {  	s3 =	simm.s32 $0x5880;
	v53 =	vperm.xlane v37, v4;
	v40 =	vadd.s32 v7, v52  }
0x86a: {  	[tilespmem:s3], [sflag:$0x1] =	stream.indirect_vreg.gather [hbm4b:s0+s4], $0x80, v38, vm0, $0xb8;
	[tilespmem:$0x12200] =	vst v63  }
0x86b: {  	v55 =	vperm.xlane v37, v10;
	v54 =	vadd.s32 v7, v53;
	s3 =	simm.s32 $0x5900  }
0x86c: {  	[tilespmem:s3], [sflag:$0x1] =	stream.indirect_vreg.gather [hbm4b:s0+s4], $0x80, v39, vm0, $0xb8;
	[tilespmem:$0x12200] =	vst v63  }
0x86d: {  	v57 =	vperm.xlane v37, v22;
	v56 =	vadd.s32 v7, v55;
	s3 =	simm.s32 $0x5980  }
0x86e: {  	[tilespmem:s3], [sflag:$0x1] =	stream.indirect_vreg.gather [hbm4b:s0+s4], $0x80, v40, vm0, $0xb8;
	[tilespmem:$0x12200] =	vst v63  }
0x86f: {  	v59 =	vperm.xlane v37, v24;
	v58 =	vadd.s32 v7, v57;
	s3 =	simm.s32 $0x5A00  }
0x870: {  	[tilespmem:s3], [sflag:$0x1] =	stream.indirect_vreg.gather [hbm4b:s0+s4], $0x80, v54, vm0, $0xb8;
	[tilespmem:$0x12200] =	vst v63  }
0x871: {  	v61 =	vperm.xlane v37, v5;
	v60 =	vadd.s32 v7, v59;
	s3 =	simm.s32 $0x5A80  }
0x872: {  	[tilespmem:s3], [sflag:$0x1] =	stream.indirect_vreg.gather [hbm4b:s0+s4], $0x80, v56, vm0, $0xb8;
	[tilespmem:$0x12200] =	vst v63  }
0x873: {  	v63 =	vperm.xlane v37, v26;
	v62 =	vadd.s32 v7, v61;
	s3 =	simm.s32 $0x5B00  }
0x874: {  	[tilespmem:s3], [sflag:$0x1] =	stream.indirect_vreg.gather [hbm4b:s0+s4], $0x80, v58, vm0, $0xb8;
	[tilespmem:$0x12200] =	vst v63  }
0x875: {  	v45 =	vperm.xlane v37, v11;
	v44 =	vadd.s32 v7, v63;
	s3 =	simm.s32 $0x5B80  }
0x876: {  	[tilespmem:s3], [sflag:$0x1] =	stream.indirect_vreg.gather [hbm4b:s0+s4], $0x80, v60, vm0, $0xb8;
	[tilespmem:$0x12200] =	vst v63  }
0x877: {  	v47 =	vperm.xlane v37, v12;
	v46 =	vadd.s32 v7, v45;
	s3 =	simm.s32 $0x5C00  }
0x878: {  	[tilespmem:s3], [sflag:$0x1] =	stream.indirect_vreg.gather [hbm4b:s0+s4], $0x80, v62, vm0, $0xb8;
	[tilespmem:$0x12200] =	vst v63  }
0x879: {  	v49 =	vperm.xlane v37, v13;
	v48 =	vadd.s32 v7, v47;
	s3 =	simm.s32 $0x5C80  }
0x87a: {  	[tilespmem:s3], [sflag:$0x1] =	stream.indirect_vreg.gather [hbm4b:s0+s4], $0x80, v44, vm0, $0xb8;
	[tilespmem:$0x12200] =	vst v63  }
0x87b: {  	v50 =	vadd.s32 v7, v49;
	v51 =	vperm.xlane v37, v14;
	s3 =	simm.s32 $0x5D00  }
0x87c: {  	[tilespmem:s3], [sflag:$0x1] =	stream.indirect_vreg.gather [hbm4b:s0+s4], $0x80, v46, vm0, $0xb8;
	[tilespmem:$0x12200] =	vst v63  }
0x87d: {  	v53 =	vperm.xlane v37, v16;
	v52 =	vadd.s32 v7, v51;
	s3 =	simm.s32 $0x5D80  }
0x87e: {  	[tilespmem:s3], [sflag:$0x1] =	stream.indirect_vreg.gather [hbm4b:s0+s4], $0x80, v48, vm0, $0xb8;
	[tilespmem:$0x12200] =	vst v63  }
0x87f: {  	v55 =	vperm.xlane v37, v17;
	v54 =	vadd.s32 v7, v53;
	s3 =	simm.s32 $0x5E00  }
0x880: {  	[tilespmem:s3], [sflag:$0x1] =	stream.indirect_vreg.gather [hbm4b:s0+s4], $0x80, v50, vm0, $0xb8;
	[tilespmem:$0x12200] =	vst v63  }
0x881: {  	v37 =	vperm.xlane v37, v18;
	v56 =	vadd.s32 v7, v55;
	s3 =	simm.s32 $0x5E80  }
0x882: {  	[tilespmem:s3], [sflag:$0x1] =	stream.indirect_vreg.gather [hbm4b:s0+s4], $0x80, v52, vm0, $0xb8;
	[tilespmem:$0x12200] =	vst v63  }
0x883: {  	v37 =	vadd.s32 v7, v37;
	s3 =	simm.s32 $0x5F00  }
0x884: {  	[tilespmem:s3], [sflag:$0x1] =	stream.indirect_vreg.gather [hbm4b:s0+s4], $0x80, v54, vm0, $0xb8;
	[tilespmem:$0x12200] =	vst v63  }
0x885: {  	s3 =	simm.s32 $0x5F80  }
0x886: {  	[tilespmem:s3], [sflag:$0x1] =	stream.indirect_vreg.gather [hbm4b:s0+s4], $0x80, v56, vm0, $0xb8;
	[tilespmem:$0x12200] =	vst v63  }
0x887: {  	(v2sf) =	vpush v36, $0x6;
	s3 =	simm.s32 $0x6000  }
0x888: {  	[tilespmem:s3], [sflag:$0x1] =	stream.indirect_vreg.gather [hbm4b:s0+s4], $0x80, v37, vm0, $0xb8;
	[tilespmem:$0x12200] =	vst v63  }
0x889: {  	v37 =	vld [tilespmem:s14+$0x500];
	_ =	sdelay $0x4  }
0x88a: {  	v57 =	vshrl.u32 v37, $0x3  }
0x88b: {  	v38 =	vmul.u32 $0x7D0, v57  }
0x88c: {  	v37 =	vand.u32 $0x7, v37  }
0x88d: {  	v37 =	vor.u32 v37, v38  }
0x88e: {  	v38 =	vperm.xlane v37, v6;
	_ =	sdelay $0x1  }
0x88f: {  	v58 =	vperm.xlane v37, v8;
	v38 =	vadd.s32 v7, v38;
	_ =	sdelay $0x1  }
0x890: {  	s2 =	spop (v2sf);
	v59 =	vperm.xlane v37, v9;
	v39 =	vadd.s32 v7, v58  }
0x891: {  	s0 =	sand.u32 $0xFFFFF80, s2  }
0x892: {  	s3 =	simm.s32 $0x6080;
	s0 =	sadd.s32 s1, s0;
	v60 =	vperm.xlane v37, v4;
	v40 =	vadd.s32 v7, v59  }
0x893: {  	[tilespmem:s3], [sflag:$0x1] =	stream.indirect_vreg.gather [hbm4b:s0+s4], $0x80, v38, vm0, $0xb8;
	[tilespmem:$0x12200] =	vst v63  }
0x894: {  	v62 =	vperm.xlane v37, v10;
	v61 =	vadd.s32 v7, v60;
	s3 =	simm.s32 $0x6100  }
0x895: {  	[tilespmem:s3], [sflag:$0x1] =	stream.indirect_vreg.gather [hbm4b:s0+s4], $0x80, v39, vm0, $0xb8;
	[tilespmem:$0x12200] =	vst v63  }
0x896: {  	v44 =	vperm.xlane v37, v22;
	v63 =	vadd.s32 v7, v62;
	s3 =	simm.s32 $0x6180  }
0x897: {  	[tilespmem:s3], [sflag:$0x1] =	stream.indirect_vreg.gather [hbm4b:s0+s4], $0x80, v40, vm0, $0xb8;
	[tilespmem:$0x12200] =	vst v63  }
0x898: {  	v46 =	vperm.xlane v37, v24;
	v45 =	vadd.s32 v7, v44;
	s3 =	simm.s32 $0x6200  }
0x899: {  	[tilespmem:s3], [sflag:$0x1] =	stream.indirect_vreg.gather [hbm4b:s0+s4], $0x80, v61, vm0, $0xb8;
	[tilespmem:$0x12200] =	vst v63  }
0x89a: {  	v48 =	vperm.xlane v37, v5;
	v47 =	vadd.s32 v7, v46;
	s3 =	simm.s32 $0x6280  }
0x89b: {  	[tilespmem:s3], [sflag:$0x1] =	stream.indirect_vreg.gather [hbm4b:s0+s4], $0x80, v63, vm0, $0xb8;
	[tilespmem:$0x12200] =	vst v63  }
0x89c: {  	v50 =	vperm.xlane v37, v26;
	v49 =	vadd.s32 v7, v48;
	s3 =	simm.s32 $0x6300  }
0x89d: {  	[tilespmem:s3], [sflag:$0x1] =	stream.indirect_vreg.gather [hbm4b:s0+s4], $0x80, v45, vm0, $0xb8;
	[tilespmem:$0x12200] =	vst v63  }
0x89e: {  	v52 =	vperm.xlane v37, v11;
	v51 =	vadd.s32 v7, v50;
	s3 =	simm.s32 $0x6380  }
0x89f: {  	[tilespmem:s3], [sflag:$0x1] =	stream.indirect_vreg.gather [hbm4b:s0+s4], $0x80, v47, vm0, $0xb8;
	[tilespmem:$0x12200] =	vst v63  }
0x8a0: {  	v54 =	vperm.xlane v37, v12;
	v53 =	vadd.s32 v7, v52;
	s3 =	simm.s32 $0x6400  }
0x8a1: {  	[tilespmem:s3], [sflag:$0x1] =	stream.indirect_vreg.gather [hbm4b:s0+s4], $0x80, v49, vm0, $0xb8;
	[tilespmem:$0x12200] =	vst v63  }
0x8a2: {  	v56 =	vperm.xlane v37, v13;
	v55 =	vadd.s32 v7, v54;
	s3 =	simm.s32 $0x6480  }
0x8a3: {  	[tilespmem:s3], [sflag:$0x1] =	stream.indirect_vreg.gather [hbm4b:s0+s4], $0x80, v51, vm0, $0xb8;
	[tilespmem:$0x12200] =	vst v63  }
0x8a4: {  	v57 =	vadd.s32 v7, v56;
	v58 =	vperm.xlane v37, v14;
	s3 =	simm.s32 $0x6500  }
0x8a5: {  	[tilespmem:s3], [sflag:$0x1] =	stream.indirect_vreg.gather [hbm4b:s0+s4], $0x80, v53, vm0, $0xb8;
	[tilespmem:$0x12200] =	vst v63  }
0x8a6: {  	v60 =	vperm.xlane v37, v16;
	v59 =	vadd.s32 v7, v58;
	s3 =	simm.s32 $0x6580  }
0x8a7: {  	[tilespmem:s3], [sflag:$0x1] =	stream.indirect_vreg.gather [hbm4b:s0+s4], $0x80, v55, vm0, $0xb8;
	[tilespmem:$0x12200] =	vst v63  }
0x8a8: {  	v62 =	vperm.xlane v37, v17;
	v61 =	vadd.s32 v7, v60;
	s3 =	simm.s32 $0x6600  }
0x8a9: {  	[tilespmem:s3], [sflag:$0x1] =	stream.indirect_vreg.gather [hbm4b:s0+s4], $0x80, v57, vm0, $0xb8;
	[tilespmem:$0x12200] =	vst v63  }
0x8aa: {  	v37 =	vperm.xlane v37, v18;
	v63 =	vadd.s32 v7, v62;
	s3 =	simm.s32 $0x6680  }
0x8ab: {  	[tilespmem:s3], [sflag:$0x1] =	stream.indirect_vreg.gather [hbm4b:s0+s4], $0x80, v59, vm0, $0xb8;
	[tilespmem:$0x12200] =	vst v63  }
0x8ac: {  	v37 =	vadd.s32 v7, v37;
	s3 =	simm.s32 $0x6700  }
0x8ad: {  	[tilespmem:s3], [sflag:$0x1] =	stream.indirect_vreg.gather [hbm4b:s0+s4], $0x80, v61, vm0, $0xb8;
	[tilespmem:$0x12200] =	vst v63  }
0x8ae: {  	s3 =	simm.s32 $0x6780  }
0x8af: {  	[tilespmem:s3], [sflag:$0x1] =	stream.indirect_vreg.gather [hbm4b:s0+s4], $0x80, v63, vm0, $0xb8;
	[tilespmem:$0x12200] =	vst v63  }
0x8b0: {  	s3 =	simm.s32 $0x6800  }
0x8b1: {  	[tilespmem:s3], [sflag:$0x1] =	stream.indirect_vreg.gather [hbm4b:s0+s4], $0x80, v37, vm0, $0xb8;
	[tilespmem:$0x12200] =	vst v63  }
0x8b2: {  	v37 =	vld [tilespmem:s14+$0x510];
	_ =	sdelay $0x4  }
0x8b3: {  	v42 =	vshrl.u32 v37, $0x3  }
0x8b4: {  	v38 =	vmul.u32 $0x7D0, v42  }
0x8b5: {  	v37 =	vand.u32 $0x7, v37  }
0x8b6: {  	v37 =	vor.u32 v37, v38  }
0x8b7: {  	v38 =	vperm.xlane v37, v6;
	_ =	sdelay $0x1  }
0x8b8: {  	v43 =	vperm.xlane v37, v8;
	v38 =	vadd.s32 v7, v38;
	_ =	sdelay $0x1  }
0x8b9: {  	v44 =	vperm.xlane v37, v9;
	v39 =	vadd.s32 v7, v43;
	_ =	sdelay $0x1  }
0x8ba: {  	s3 =	simm.s32 $0x6880;
	v45 =	vperm.xlane v37, v4;
	v40 =	vadd.s32 v7, v44  }
0x8bb: {  	[tilespmem:s3], [sflag:$0x1] =	stream.indirect_vreg.gather [hbm4b:s0+s4], $0x80, v38, vm0, $0xb8;
	[tilespmem:$0x12200] =	vst v63  }
0x8bc: {  	v47 =	vperm.xlane v37, v10;
	v46 =	vadd.s32 v7, v45;
	s3 =	simm.s32 $0x6900  }
0x8bd: {  	[tilespmem:s3], [sflag:$0x1] =	stream.indirect_vreg.gather [hbm4b:s0+s4], $0x80, v39, vm0, $0xb8;
	[tilespmem:$0x12200] =	vst v63  }
0x8be: {  	v49 =	vperm.xlane v37, v22;
	v48 =	vadd.s32 v7, v47;
	s3 =	simm.s32 $0x6980  }
0x8bf: {  	[tilespmem:s3], [sflag:$0x1] =	stream.indirect_vreg.gather [hbm4b:s0+s4], $0x80, v40, vm0, $0xb8;
	[tilespmem:$0x12200] =	vst v63  }
0x8c0: {  	v51 =	vperm.xlane v37, v24;
	v50 =	vadd.s32 v7, v49;
	s3 =	simm.s32 $0x6A00  }
0x8c1: {  	[tilespmem:s3], [sflag:$0x1] =	stream.indirect_vreg.gather [hbm4b:s0+s4], $0x80, v46, vm0, $0xb8;
	[tilespmem:$0x12200] =	vst v63  }
0x8c2: {  	v53 =	vperm.xlane v37, v5;
	v52 =	vadd.s32 v7, v51;
	s3 =	simm.s32 $0x6A80  }
0x8c3: {  	[tilespmem:s3], [sflag:$0x1] =	stream.indirect_vreg.gather [hbm4b:s0+s4], $0x80, v48, vm0, $0xb8;
	[tilespmem:$0x12200] =	vst v63  }
0x8c4: {  	v55 =	vperm.xlane v37, v26;
	v54 =	vadd.s32 v7, v53;
	s3 =	simm.s32 $0x6B00  }
0x8c5: {  	[tilespmem:s3], [sflag:$0x1] =	stream.indirect_vreg.gather [hbm4b:s0+s4], $0x80, v50, vm0, $0xb8;
	[tilespmem:$0x12200] =	vst v63  }
0x8c6: {  	v57 =	vperm.xlane v37, v11;
	v56 =	vadd.s32 v7, v55;
	s3 =	simm.s32 $0x6B80  }
0x8c7: {  	[tilespmem:s3], [sflag:$0x1] =	stream.indirect_vreg.gather [hbm4b:s0+s4], $0x80, v52, vm0, $0xb8;
	[tilespmem:$0x12200] =	vst v63  }
0x8c8: {  	v59 =	vperm.xlane v37, v12;
	v58 =	vadd.s32 v7, v57;
	s3 =	simm.s32 $0x6C00  }
0x8c9: {  	[tilespmem:s3], [sflag:$0x1] =	stream.indirect_vreg.gather [hbm4b:s0+s4], $0x80, v54, vm0, $0xb8;
	[tilespmem:$0x12200] =	vst v63  }
0x8ca: {  	v61 =	vperm.xlane v37, v13;
	v60 =	vadd.s32 v7, v59;
	s3 =	simm.s32 $0x6C80  }
0x8cb: {  	[tilespmem:s3], [sflag:$0x1] =	stream.indirect_vreg.gather [hbm4b:s0+s4], $0x80, v56, vm0, $0xb8;
	[tilespmem:$0x12200] =	vst v63  }
0x8cc: {  	v63 =	vperm.xlane v37, v14;
	v62 =	vadd.s32 v7, v61;
	s3 =	simm.s32 $0x6D00  }
0x8cd: {  	[tilespmem:s3], [sflag:$0x1] =	stream.indirect_vreg.gather [hbm4b:s0+s4], $0x80, v58, vm0, $0xb8;
	[tilespmem:$0x12200] =	vst v63  }
0x8ce: {  	v44 =	vadd.s32 v7, v63;
	v45 =	vperm.xlane v37, v16;
	s3 =	simm.s32 $0x6D80  }
0x8cf: {  	[tilespmem:s3], [sflag:$0x1] =	stream.indirect_vreg.gather [hbm4b:s0+s4], $0x80, v60, vm0, $0xb8;
	[tilespmem:$0x12200] =	vst v63  }
0x8d0: {  	v47 =	vperm.xlane v37, v17;
	v46 =	vadd.s32 v7, v45;
	s3 =	simm.s32 $0x6E00  }
0x8d1: {  	[tilespmem:s3], [sflag:$0x1] =	stream.indirect_vreg.gather [hbm4b:s0+s4], $0x80, v62, vm0, $0xb8;
	[tilespmem:$0x12200] =	vst v63  }
0x8d2: {  	v37 =	vperm.xlane v37, v18;
	v48 =	vadd.s32 v7, v47;
	s3 =	simm.s32 $0x6E80  }
0x8d3: {  	[tilespmem:s3], [sflag:$0x1] =	stream.indirect_vreg.gather [hbm4b:s0+s4], $0x80, v44, vm0, $0xb8;
	[tilespmem:$0x12200] =	vst v63  }
0x8d4: {  	v37 =	vadd.s32 v7, v37;
	s3 =	simm.s32 $0x6F00  }
0x8d5: {  	[tilespmem:s3], [sflag:$0x1] =	stream.indirect_vreg.gather [hbm4b:s0+s4], $0x80, v46, vm0, $0xb8;
	[tilespmem:$0x12200] =	vst v63  }
0x8d6: {  	s3 =	simm.s32 $0x6F80  }
0x8d7: {  	[tilespmem:s3], [sflag:$0x1] =	stream.indirect_vreg.gather [hbm4b:s0+s4], $0x80, v48, vm0, $0xb8;
	[tilespmem:$0x12200] =	vst v63  }
0x8d8: {  	(v2sf) =	vpush v36, $0x7;
	s3 =	simm.s32 $0x7000  }
0x8d9: {  	[tilespmem:s3], [sflag:$0x1] =	stream.indirect_vreg.gather [hbm4b:s0+s4], $0x80, v37, vm0, $0xb8;
	[tilespmem:$0x12200] =	vst v63  }
0x8da: {  	v49 =	vld [tilespmem:s14+$0x580];
	_ =	sdelay $0x4  }
0x8db: {  	v50 =	vshrl.u32 v49, $0x3  }
0x8dc: {  	v37 =	vmul.u32 $0x7D0, v50  }
0x8dd: {  	v36 =	vand.u32 $0x7, v49  }
0x8de: {  	v36 =	vor.u32 v36, v37  }
0x8df: {  	v37 =	vperm.xlane v36, v6;
	_ =	sdelay $0x1  }
0x8e0: {  	v51 =	vperm.xlane v36, v8;
	v37 =	vadd.s32 v7, v37;
	_ =	sdelay $0x1  }
0x8e1: {  	s2 =	spop (v2sf);
	v52 =	vperm.xlane v36, v9;
	v38 =	vadd.s32 v7, v51  }
0x8e2: {  	s0 =	sand.u32 $0xFFFFF80, s2  }
0x8e3: {  	s3 =	simm.s32 $0x7080;
	s0 =	sadd.s32 s1, s0;
	v53 =	vperm.xlane v36, v4;
	v39 =	vadd.s32 v7, v52  }
0x8e4: {  	[tilespmem:s3], [sflag:$0x1] =	stream.indirect_vreg.gather [hbm4b:s0+s4], $0x80, v37, vm0, $0xb8;
	[tilespmem:$0x12200] =	vst v63  }
0x8e5: {  	v55 =	vperm.xlane v36, v10;
	v54 =	vadd.s32 v7, v53;
	s3 =	simm.s32 $0x7100  }
0x8e6: {  	[tilespmem:s3], [sflag:$0x1] =	stream.indirect_vreg.gather [hbm4b:s0+s4], $0x80, v38, vm0, $0xb8;
	[tilespmem:$0x12200] =	vst v63  }
0x8e7: {  	v57 =	vperm.xlane v36, v22;
	v56 =	vadd.s32 v7, v55;
	s3 =	simm.s32 $0x7180  }
0x8e8: {  	[tilespmem:s3], [sflag:$0x1] =	stream.indirect_vreg.gather [hbm4b:s0+s4], $0x80, v39, vm0, $0xb8;
	[tilespmem:$0x12200] =	vst v63  }
0x8e9: {  	v59 =	vperm.xlane v36, v24;
	v58 =	vadd.s32 v7, v57;
	s3 =	simm.s32 $0x7200  }
0x8ea: {  	[tilespmem:s3], [sflag:$0x1] =	stream.indirect_vreg.gather [hbm4b:s0+s4], $0x80, v54, vm0, $0xb8;
	[tilespmem:$0x12200] =	vst v63  }
0x8eb: {  	v61 =	vperm.xlane v36, v5;
	v60 =	vadd.s32 v7, v59;
	s3 =	simm.s32 $0x7280  }
0x8ec: {  	[tilespmem:s3], [sflag:$0x1] =	stream.indirect_vreg.gather [hbm4b:s0+s4], $0x80, v56, vm0, $0xb8;
	[tilespmem:$0x12200] =	vst v63  }
0x8ed: {  	v63 =	vperm.xlane v36, v26;
	v62 =	vadd.s32 v7, v61;
	s3 =	simm.s32 $0x7300  }
0x8ee: {  	[tilespmem:s3], [sflag:$0x1] =	stream.indirect_vreg.gather [hbm4b:s0+s4], $0x80, v58, vm0, $0xb8;
	[tilespmem:$0x12200] =	vst v63  }
0x8ef: {  	v45 =	vperm.xlane v36, v11;
	v44 =	vadd.s32 v7, v63;
	s3 =	simm.s32 $0x7380  }
0x8f0: {  	[tilespmem:s3], [sflag:$0x1] =	stream.indirect_vreg.gather [hbm4b:s0+s4], $0x80, v60, vm0, $0xb8;
	[tilespmem:$0x12200] =	vst v63  }
0x8f1: {  	v47 =	vperm.xlane v36, v12;
	v46 =	vadd.s32 v7, v45;
	s3 =	simm.s32 $0x7400  }
0x8f2: {  	[tilespmem:s3], [sflag:$0x1] =	stream.indirect_vreg.gather [hbm4b:s0+s4], $0x80, v62, vm0, $0xb8;
	[tilespmem:$0x12200] =	vst v63  }
0x8f3: {  	v49 =	vperm.xlane v36, v13;
	v48 =	vadd.s32 v7, v47;
	s3 =	simm.s32 $0x7480  }
0x8f4: {  	[tilespmem:s3], [sflag:$0x1] =	stream.indirect_vreg.gather [hbm4b:s0+s4], $0x80, v44, vm0, $0xb8;
	[tilespmem:$0x12200] =	vst v63  }
0x8f5: {  	v50 =	vadd.s32 v7, v49;
	v51 =	vperm.xlane v36, v14;
	s3 =	simm.s32 $0x7500  }
0x8f6: {  	[tilespmem:s3], [sflag:$0x1] =	stream.indirect_vreg.gather [hbm4b:s0+s4], $0x80, v46, vm0, $0xb8;
	[tilespmem:$0x12200] =	vst v63  }
0x8f7: {  	v53 =	vperm.xlane v36, v16;
	v52 =	vadd.s32 v7, v51;
	s3 =	simm.s32 $0x7580  }
0x8f8: {  	[tilespmem:s3], [sflag:$0x1] =	stream.indirect_vreg.gather [hbm4b:s0+s4], $0x80, v48, vm0, $0xb8;
	[tilespmem:$0x12200] =	vst v63  }
0x8f9: {  	v55 =	vperm.xlane v36, v17;
	v54 =	vadd.s32 v7, v53;
	s3 =	simm.s32 $0x7600  }
0x8fa: {  	[tilespmem:s3], [sflag:$0x1] =	stream.indirect_vreg.gather [hbm4b:s0+s4], $0x80, v50, vm0, $0xb8;
	[tilespmem:$0x12200] =	vst v63  }
0x8fb: {  	v36 =	vperm.xlane v36, v18;
	v56 =	vadd.s32 v7, v55;
	s3 =	simm.s32 $0x7680  }
0x8fc: {  	[tilespmem:s3], [sflag:$0x1] =	stream.indirect_vreg.gather [hbm4b:s0+s4], $0x80, v52, vm0, $0xb8;
	[tilespmem:$0x12200] =	vst v63  }
0x8fd: {  	v36 =	vadd.s32 v7, v36;
	s3 =	simm.s32 $0x7700  }
0x8fe: {  	[tilespmem:s3], [sflag:$0x1] =	stream.indirect_vreg.gather [hbm4b:s0+s4], $0x80, v54, vm0, $0xb8;
	[tilespmem:$0x12200] =	vst v63  }
0x8ff: {  	s3 =	simm.s32 $0x7780  }
0x900: {  	[tilespmem:s3], [sflag:$0x1] =	stream.indirect_vreg.gather [hbm4b:s0+s4], $0x80, v56, vm0, $0xb8;
	[tilespmem:$0x12200] =	vst v63  }
0x901: {  	s3 =	simm.s32 $0x7800  }
0x902: {  	[tilespmem:s3], [sflag:$0x1] =	stream.indirect_vreg.gather [hbm4b:s0+s4], $0x80, v36, vm0, $0xb8;
	[tilespmem:$0x12200] =	vst v63  }
0x903: {  	v36 =	vld [tilespmem:s14+$0x590];
	_ =	sdelay $0x4  }
0x904: {  	v57 =	vshrl.u32 v36, $0x3  }
0x905: {  	v37 =	vmul.u32 $0x7D0, v57  }
0x906: {  	v36 =	vand.u32 $0x7, v36  }
0x907: {  	v36 =	vor.u32 v36, v37  }
0x908: {  	v37 =	vperm.xlane v36, v6;
	_ =	sdelay $0x1  }
0x909: {  	v58 =	vperm.xlane v36, v8;
	v37 =	vadd.s32 v7, v37;
	_ =	sdelay $0x1  }
0x90a: {  	v59 =	vperm.xlane v36, v9;
	v38 =	vadd.s32 v7, v58;
	_ =	sdelay $0x1  }
0x90b: {  	s3 =	simm.s32 $0x7880;
	v60 =	vperm.xlane v36, v4;
	v39 =	vadd.s32 v7, v59  }
0x90c: {  	[tilespmem:s3], [sflag:$0x1] =	stream.indirect_vreg.gather [hbm4b:s0+s4], $0x80, v37, vm0, $0xb8;
	[tilespmem:$0x12200] =	vst v63  }
0x90d: {  	v62 =	vperm.xlane v36, v10;
	v61 =	vadd.s32 v7, v60;
	s3 =	simm.s32 $0x7900  }
0x90e: {  	[tilespmem:s3], [sflag:$0x1] =	stream.indirect_vreg.gather [hbm4b:s0+s4], $0x80, v38, vm0, $0xb8;
	[tilespmem:$0x12200] =	vst v63  }
0x90f: {  	v44 =	vperm.xlane v36, v22;
	v63 =	vadd.s32 v7, v62;
	s3 =	simm.s32 $0x7980  }
0x910: {  	[tilespmem:s3], [sflag:$0x1] =	stream.indirect_vreg.gather [hbm4b:s0+s4], $0x80, v39, vm0, $0xb8;
	[tilespmem:$0x12200] =	vst v63  }
0x911: {  	v46 =	vperm.xlane v36, v24;
	v45 =	vadd.s32 v7, v44;
	s3 =	simm.s32 $0x7A00  }
0x912: {  	[tilespmem:s3], [sflag:$0x1] =	stream.indirect_vreg.gather [hbm4b:s0+s4], $0x80, v61, vm0, $0xb8;
	[tilespmem:$0x12200] =	vst v63  }
0x913: {  	v48 =	vperm.xlane v36, v5;
	v47 =	vadd.s32 v7, v46;
	s3 =	simm.s32 $0x7A80  }
0x914: {  	[tilespmem:s3], [sflag:$0x1] =	stream.indirect_vreg.gather [hbm4b:s0+s4], $0x80, v63, vm0, $0xb8;
	[tilespmem:$0x12200] =	vst v63  }
0x915: {  	v50 =	vperm.xlane v36, v26;
	v49 =	vadd.s32 v7, v48;
	s3 =	simm.s32 $0x7B00  }
0x916: {  	[tilespmem:s3], [sflag:$0x1] =	stream.indirect_vreg.gather [hbm4b:s0+s4], $0x80, v45, vm0, $0xb8;
	[tilespmem:$0x12200] =	vst v63  }
0x917: {  	v52 =	vperm.xlane v36, v11;
	v51 =	vadd.s32 v7, v50;
	s3 =	simm.s32 $0x7B80  }
0x918: {  	[tilespmem:s3], [sflag:$0x1] =	stream.indirect_vreg.gather [hbm4b:s0+s4], $0x80, v47, vm0, $0xb8;
	[tilespmem:$0x12200] =	vst v63  }
0x919: {  	v54 =	vperm.xlane v36, v12;
	v53 =	vadd.s32 v7, v52;
	s3 =	simm.s32 $0x7C00  }
0x91a: {  	[tilespmem:s3], [sflag:$0x1] =	stream.indirect_vreg.gather [hbm4b:s0+s4], $0x80, v49, vm0, $0xb8;
	[tilespmem:$0x12200] =	vst v63  }
0x91b: {  	v56 =	vperm.xlane v36, v13;
	v55 =	vadd.s32 v7, v54;
	s3 =	simm.s32 $0x7C80  }
0x91c: {  	[tilespmem:s3], [sflag:$0x1] =	stream.indirect_vreg.gather [hbm4b:s0+s4], $0x80, v51, vm0, $0xb8;
	[tilespmem:$0x12200] =	vst v63  }
0x91d: {  	v57 =	vadd.s32 v7, v56;
	v58 =	vperm.xlane v36, v14;
	s3 =	simm.s32 $0x7D00  }
0x91e: {  	[tilespmem:s3], [sflag:$0x1] =	stream.indirect_vreg.gather [hbm4b:s0+s4], $0x80, v53, vm0, $0xb8;
	[tilespmem:$0x12200] =	vst v63  }
0x91f: {  	v60 =	vperm.xlane v36, v16;
	v59 =	vadd.s32 v7, v58;
	s3 =	simm.s32 $0x7D80  }
0x920: {  	[tilespmem:s3], [sflag:$0x1] =	stream.indirect_vreg.gather [hbm4b:s0+s4], $0x80, v55, vm0, $0xb8;
	[tilespmem:$0x12200] =	vst v63  }
0x921: {  	v61 =	vadd.s32 v7, v60;
	s3 =	simm.s32 $0x7E00  }
0x922: {  	v62 =	vperm.xlane v36, v17;
	[tilespmem:s3], [sflag:$0x1] =	stream.indirect_vreg.gather [hbm4b:s0+s4], $0x80, v57, vm0, $0xb8;
	[tilespmem:$0x12200] =	vst v63  }
0x923: {  	s3 =	simm.s32 $0x7E80  }
0x924: {  	v36 =	vperm.xlane v36, v18;
	v63 =	vadd.s32 v7, v62;
	[tilespmem:s3], [sflag:$0x1] =	stream.indirect_vreg.gather [hbm4b:s0+s4], $0x80, v59, vm0, $0xb8;
	[tilespmem:$0x12200] =	vst v63  }
0x925: {  	s3 =	simm.s32 $0x7F00  }
0x926: {  	v36 =	vadd.s32 v7, v36;
	[tilespmem:s3], [sflag:$0x1] =	stream.indirect_vreg.gather [hbm4b:s0+s4], $0x80, v61, vm0, $0xb8;
	[tilespmem:$0x12200] =	vst v63  }
.Ltmp6:
0x927: {  	_ = 	snop;
	(pc) =	sbr.rel .LBB2_6-.Ltmp6, $4  }
0x928: {  	s3 =	simm.s32 $0x7F80  }
0x929: {  	[tilespmem:s3], [sflag:$0x1] =	stream.indirect_vreg.gather [hbm4b:s0+s4], $0x80, v63, vm0, $0xb8;
	[tilespmem:$0x12200] =	vst v63  }
0x92a: {  	s3 =	simm.s32 $0x8000  }
0x92b: {  	[tilespmem:s3], [sflag:$0x1] =	stream.indirect_vreg.gather [hbm4b:s0+s4], $0x80, v36, vm0, $0xb8;
	[tilespmem:$0x12200] =	vst v63  }
.LBB2_8:
0x92c: {  	_ =	sfence.sel $0x180000  }
0x92d: {  	[bflag:$0x0] =	sbarrier.arrive $0xFFFF  }
0x92e: {  	_ =	strace $0x90000047  }
0x92f: {  	s0 =	stileid.u32;
	[bflag:$0x2] =	sbarrier.arrive $0xFFFF  }
0x930: {  	p0 =	sne.s32 s0, $0x0;
	s0 =	rddreg [dreg:$0x4]  }
0x931: {  	s0 =	sadd.s32 @!p0 $0x100000, s0  }
0x932: {  	[sflag:s0] =	ssyncadd.tile.s32 @!p0 $0x1;
	_ =	shalt  }
.Lfunc_end2:
_tile_overlayer_lowered:
.L_overlay_start_2:
0x933: {  	(tag) =	ssettag $0x2  }
0x934: {  	s0 =	rddreg [dreg:$0x0];
	s2 =	stileid.u32  }
0x935: {  	s1 =	rddreg [dreg:$0x1];
	p0 =	sne.s32 s2, $0x0  }
0x936: {  	s3 =	rddreg [dreg:$0x2];
	[bflag:$0x3] =	sbarrier.arrive $0xFFFF;
	s2 =	simm.s32 @!p0 $0x1C03  }
0x937: {  	[timem:s3], [sflag:s2] =	dma.local @!p0 [hbm:s0], s1  }
0x938: {  	s0 =	simm.s32 @!p0 $0x3  }
0x939: {  	_ =	swait.ge @!p0 [sflag:s0], s1  }
0x93a: {  	s1 =	ssub.s32 @!p0 $0x0, s1;
	[sflag:s0] =	ssyncset.done @!p0 $0x0  }
0x93b: {  	[sflag:s0] =	ssyncadd.s32 @!p0 s1  }
0x93c: {  	[bflag:$0x3] =	sbarrier.arrive $0xFFFF  }
0x93d: {  	_ =	shalt  }

</sc_bundles>
